<compile_context>
chip_gen: v7x
topology: tpu7x:2x2x1
jax: 0.10.2.dev20260603
libtpu: 0.0.44.dev20260713+nightly
codegen_flags: <defaults>
</compile_context>

<pallas_src>
import jax
import jax.numpy as jnp
from jax import lax
from jax.experimental import pallas as pl
from jax.experimental.pallas import tpu as pltpu
from jax.experimental.pallas import tpu_sc as plsc

B = 16384
FACTOR = 32
ENV_NUM = 4
NC = 2
NS = 16
L = 16
NW = NC * NS
CHUNK = B // NW
NBLK = CHUNK // L
GCH = 128
NG = CHUNK // GCH

_LC0 = -0.76336156
_LC1 = 0.9123227
_LC2 = -0.09557938


def _sc_body(users_hbm, items_hbm, envs_hbm,
             uinv_hbm, iinv_hbm, uenv_hbm, ienv_hbm,
             env_hbm, w_hbm, b_hbm,
             inv_hbm, envsc_hbm, lsm_hbm,
             uidx_v, iidx_v, envs_v,
             uinv_v, iinv_v, uenv_v, ienv_v,
             envt_v, w_v, b_v,
             inv_v, envsc_v, lsm_v, sem):
    wid = lax.axis_index("s") * NC + lax.axis_index("c")
    base = wid * CHUNK
    row4 = wid * NG

    for j in range(NG):
        pltpu.sync_copy(users_hbm.at[row4 + j], uidx_v.at[pl.ds(j * GCH, GCH)])
        pltpu.sync_copy(items_hbm.at[row4 + j], iidx_v.at[pl.ds(j * GCH, GCH)])
    pltpu.sync_copy(envs_hbm.at[pl.ds(base, CHUNK)], envs_v)
    pltpu.sync_copy(env_hbm, envt_v)
    pltpu.sync_copy(w_hbm, w_v)
    pltpu.sync_copy(b_hbm, b_v)

    def gather_grp(g, carry):
        o = g * L
        uraw = uidx_v[pl.ds(o, L)]
        iraw = iidx_v[pl.ds(o, L)]
        uvec = (((uraw >> LB_SHIFT) << (LB_SHIFT + 5))
                + ((uraw & QMASK) << 7)
                + (((uraw >> QK_SHIFT) & 3) << 5))
        ivec = (((iraw >> LB_SHIFT) << (LB_SHIFT + 5))
                + ((iraw & QMASK) << 7)
                + (((iraw >> QK_SHIFT) & 3) << 5))
        copies = []
        for j in range(L):
            ur = pl.multiple_of(uvec[j], 8)
            ir = pl.multiple_of(ivec[j], 8)
            dst = pl.ds(pl.multiple_of((o + j) * FACTOR, 8), FACTOR)
            copies.append(pltpu.async_copy(
                uinv_hbm.at[pl.ds(ur, FACTOR)], uinv_v.at[dst], sem))
            copies.append(pltpu.async_copy(
                iinv_hbm.at[pl.ds(ir, FACTOR)], iinv_v.at[dst], sem))
            copies.append(pltpu.async_copy(
                uenv_hbm.at[pl.ds(ur, FACTOR)], uenv_v.at[dst], sem))
            copies.append(pltpu.async_copy(
                ienv_hbm.at[pl.ds(ir, FACTOR)], ienv_v.at[dst], sem))
        for c in copies:
            c.wait()
        return carry

    lax.fori_loop(0, NBLK, gather_grp, 0)

    wrows = [w_v[pl.ds(16 * r, L)] for r in range(2 * ENV_NUM)]
    bvec = b_v[pl.ds(0, L)]

    def blk_body(blk, carry):
        o = blk * L
        rows = o + lax.iota(jnp.int32, L)
        env16 = envs_v[pl.ds(o, L)]
        zero = jnp.zeros((L,), jnp.float32)
        acc_i = zero
        acc_e = zero
        l0 = zero
        l1 = zero
        l2 = zero
        l3 = zero
        rowbase = rows * FACTOR
        envbase = env16 * FACTOR
        for f in range(FACTOR):
            fr = rowbase + f
            u = plsc.load_gather(uinv_v, [fr])
            it = plsc.load_gather(iinv_v, [fr])
            p = u * it
            acc_i = acc_i + p
            ue = plsc.load_gather(uenv_v, [fr])
            ie = plsc.load_gather(ienv_v, [fr])
            ee = plsc.load_gather(envt_v, [envbase + f])
            acc_e = acc_e + ue * ie * ee
            h, lane = divmod(f, L)
            l0 = l0 + p * wrows[0 + h][lane]
            l1 = l1 + p * wrows[2 + h][lane]
            l2 = l2 + p * wrows[4 + h][lane]
            l3 = l3 + p * wrows[6 + h][lane]
        inv_v[pl.ds(o, L)] = acc_i
        envsc_v[pl.ds(o, L)] = acc_i + acc_e
        l0 = l0 + bvec[0]
        l1 = l1 + bvec[1]
        l2 = l2 + bvec[2]
        l3 = l3 + bvec[3]
        m = jnp.maximum(jnp.maximum(l0, l1), jnp.maximum(l2, l3))
        t0 = jnp.exp(l0 - m)
        t1 = jnp.exp(l1 - m)
        t2 = jnp.exp(l2 - m)
        t3 = jnp.exp(l3 - m)
        s = t0 + t1 + t2 + t3
        y = _LC0 + s * (_LC1 + _LC2 * s)
        y = y + s * jnp.exp(-y) - 1.0
        y = y + s * jnp.exp(-y) - 1.0
        shift = m + y
        lsmbase = rows * ENV_NUM
        plsc.store_scatter(lsm_v, [lsmbase], l0 - shift)
        plsc.store_scatter(lsm_v, [lsmbase + 1], l1 - shift)
        plsc.store_scatter(lsm_v, [lsmbase + 2], l2 - shift)
        plsc.store_scatter(lsm_v, [lsmbase + 3], l3 - shift)
        return carry

    lax.fori_loop(0, NBLK, blk_body, 0)

    pltpu.sync_copy(inv_v, inv_hbm.at[pl.ds(base, CHUNK)])
    pltpu.sync_copy(envsc_v, envsc_hbm.at[pl.ds(base, CHUNK)])
    pltpu.sync_copy(lsm_v, lsm_hbm.at[pl.ds(base * ENV_NUM, CHUNK * ENV_NUM)])



LANE_BLK = 8192
FLAT_BLK = FACTOR * LANE_BLK
LB_SHIFT = LANE_BLK.bit_length() - 1
QK_SHIFT = LB_SHIFT - 2
QMASK = (LANE_BLK // 4) - 1


def _tc_relayout_body(u_in, i_in, ue_in, ie_in,
                      u_out, i_out, ue_out, ie_out):
    eye = jnp.eye(FACTOR, dtype=jnp.float32)
    quarter = LANE_BLK // 4
    for src, dst in ((u_in, u_out), (i_in, i_out),
                     (ue_in, ue_out), (ie_in, ie_out)):
        xt = src[...].T
        dst[...] = jnp.concatenate(
            [xt[c * quarter:(c + 1) * quarter, :] for c in range(4)], axis=1)


def _make_tc_relayout(n_rows):
    nstep = -(-n_rows // LANE_BLK)
    out2d = jax.ShapeDtypeStruct((nstep * LANE_BLK // 4, 128), jnp.float32)
    return pl.pallas_call(
        _tc_relayout_body,
        grid=(nstep,),
        in_specs=[pl.BlockSpec((FACTOR, LANE_BLK), lambda k: (0, k))] * 4,
        out_specs=[pl.BlockSpec((LANE_BLK // 4, 128),
                                lambda k: (k, 0))] * 4,
        out_shape=[out2d] * 4,
    )


_sc_call = pl.kernel(
    _sc_body,
    out_type=(
        jax.ShapeDtypeStruct((B,), jnp.float32),
        jax.ShapeDtypeStruct((B,), jnp.float32),
        jax.ShapeDtypeStruct((B * ENV_NUM,), jnp.float32),
    ),
    mesh=plsc.VectorSubcoreMesh(core_axis_name="c", subcore_axis_name="s"),
    scratch_types=[
        pltpu.VMEM((CHUNK,), jnp.int32),
        pltpu.VMEM((CHUNK,), jnp.int32),
        pltpu.VMEM((CHUNK,), jnp.int32),
        pltpu.VMEM((CHUNK * FACTOR,), jnp.float32),
        pltpu.VMEM((CHUNK * FACTOR,), jnp.float32),
        pltpu.VMEM((CHUNK * FACTOR,), jnp.float32),
        pltpu.VMEM((CHUNK * FACTOR,), jnp.float32),
        pltpu.VMEM((ENV_NUM * FACTOR,), jnp.float32),
        pltpu.VMEM((ENV_NUM * FACTOR,), jnp.float32),
        pltpu.VMEM((L,), jnp.float32),
        pltpu.VMEM((CHUNK,), jnp.float32),
        pltpu.VMEM((CHUNK,), jnp.float32),
        pltpu.VMEM((CHUNK * ENV_NUM,), jnp.float32),
        pltpu.SemaphoreType.DMA,
    ],
    compiler_params=pltpu.CompilerParams(
        use_tc_tiling_on_sc=False, needs_layout_passes=False),
)


def kernel(users_id, items_id, envs_id, alpha, emb_user_inv, emb_item_inv,
           emb_user_env, emb_item_env, emb_env, W, b):
    del alpha
    users2 = users_id.reshape(NW * NG, GCH)
    items2 = items_id.reshape(NW * NG, GCH)
    w_flat = W.reshape(ENV_NUM * FACTOR)
    b_pad = jnp.pad(b, (0, L - ENV_NUM))
    env_flat = emb_env.reshape(ENV_NUM * FACTOR)
    uinv_f, iinv_f, uenv_f, ienv_f = (
        t.reshape(t.shape[0] * 128)
        for t in _make_tc_relayout(emb_user_inv.shape[0])(
            emb_user_inv.T, emb_item_inv.T, emb_user_env.T, emb_item_env.T))
    inv_score, env_score, env_outputs = _sc_call(
        users2, items2, envs_id,
        uinv_f, iinv_f, uenv_f, ienv_f,
        env_flat, w_flat, b_pad)
    return inv_score, env_score, env_outputs.reshape(B, ENV_NUM)

# --- scband reference (transcript-rebuilt; emitter-appended) ---
"""Pipeline reference for scband-inv-pref-explicit-33732673143238 (READ-ONLY COPY).

The authoritative reference and input builder live on the scoring server;
editing this copy changes nothing except your own understanding.
"""

import jax, jax.numpy as jnp
import numpy as np

USER_NUM = 1000000
ITEM_NUM = 1000000
ENV_NUM = 4
FACTOR = 32
B = 16384


def setup_inputs(seed: int = 0) -> dict:
    key = jax.random.key(seed)
    ks = jax.random.split(key, 10)
    users_id = jax.random.randint(ks[0], (B,), 0, USER_NUM, dtype=jnp.int32)
    items_id = jax.random.randint(ks[1], (B,), 0, ITEM_NUM, dtype=jnp.int32)
    envs_id = jax.random.randint(ks[2], (B,), 0, ENV_NUM, dtype=jnp.int32)
    emb_user_inv = jax.random.normal(ks[3], (USER_NUM, FACTOR), jnp.float32) * 0.01
    emb_item_inv = jax.random.normal(ks[4], (ITEM_NUM, FACTOR), jnp.float32) * 0.01
    emb_user_env = jax.random.normal(ks[5], (USER_NUM, FACTOR), jnp.float32) * 0.01
    emb_item_env = jax.random.normal(ks[6], (ITEM_NUM, FACTOR), jnp.float32) * 0.01
    emb_env = jax.random.normal(ks[7], (ENV_NUM, FACTOR), jnp.float32) * 0.01
    # classifier: xavier_uniform weight, default linear bias init
    limit_w = float(np.sqrt(6.0 / (FACTOR + ENV_NUM)))
    W = jax.random.uniform(ks[8], (ENV_NUM, FACTOR), jnp.float32, -limit_w, limit_w)
    limit_b = float(1.0 / np.sqrt(FACTOR))
    b = jax.random.uniform(ks[9], (ENV_NUM,), jnp.float32, -limit_b, limit_b)
    return {
        "users_id": users_id,
        "items_id": items_id,
        "envs_id": envs_id,
        "alpha": 1.0,
        "emb_user_inv": emb_user_inv,
        "emb_item_inv": emb_item_inv,
        "emb_user_env": emb_user_env,
        "emb_item_env": emb_item_env,
        "emb_env": emb_env,
        "W": W,
        "b": b,
    }


def reference(users_id, items_id, envs_id, alpha, emb_user_inv, emb_item_inv,
              emb_user_env, emb_item_env, emb_env, W, b):
    users_embed_invariant = jnp.take(emb_user_inv, users_id, axis=0)
    items_embed_invariant = jnp.take(emb_item_inv, items_id, axis=0)
    users_embed_env_aware = jnp.take(emb_user_env, users_id, axis=0)
    items_embed_env_aware = jnp.take(emb_item_env, items_id, axis=0)
    envs_embed = jnp.take(emb_env, envs_id, axis=0)

    invariant_preferences = users_embed_invariant * items_embed_invariant
    env_aware_preferences = users_embed_env_aware * items_embed_env_aware * envs_embed

    invariant_score = jnp.sum(invariant_preferences, axis=1)
    env_aware_mid_score = jnp.sum(env_aware_preferences, axis=1)
    env_aware_score = invariant_score + env_aware_mid_score

    # ReverseLayerF is identity in the forward pass
    reverse_invariant_preferences = invariant_preferences

    logits = reverse_invariant_preferences @ W.T + b
    env_outputs = jax.nn.log_softmax(logits, axis=1)

    return (invariant_score.reshape(-1),
            env_aware_score.reshape(-1),
            env_outputs.reshape(-1, ENV_NUM))

if __name__ == "__main__":
    import jax
    _d = setup_inputs()
    print(jax.jit(kernel)(*tuple(_d.values())))

</pallas_src>

<mosaic_0001>
#map = affine_map<(d0, d1) -> (0, 0)>
#map1 = affine_map<(d0, d1) -> (0)>
module attributes {stable_mosaic.version = 14 : i64} {
  func.func @_sc_body(%arg0: i32, %arg1: i32, %arg2: memref<128x128xi32, #tpu.memory_space<hbm>>, %arg3: memref<128x128xi32, #tpu.memory_space<hbm>>, %arg4: memref<16384xi32, #tpu.memory_space<hbm>>, %arg5: memref<32243712xf32, #tpu.memory_space<hbm>>, %arg6: memref<32243712xf32, #tpu.memory_space<hbm>>, %arg7: memref<32243712xf32, #tpu.memory_space<hbm>>, %arg8: memref<32243712xf32, #tpu.memory_space<hbm>>, %arg9: memref<128xf32, #tpu.memory_space<hbm>>, %arg10: memref<128xf32, #tpu.memory_space<hbm>>, %arg11: memref<16xf32, #tpu.memory_space<hbm>>, %arg12: memref<16384xf32, #tpu.memory_space<hbm>>, %arg13: memref<16384xf32, #tpu.memory_space<hbm>>, %arg14: memref<65536xf32, #tpu.memory_space<hbm>>, %arg15: memref<512xi32, #tpu.memory_space<vmem>>, %arg16: memref<512xi32, #tpu.memory_space<vmem>>, %arg17: memref<512xi32, #tpu.memory_space<vmem>>, %arg18: memref<16384xf32, #tpu.memory_space<vmem>>, %arg19: memref<16384xf32, #tpu.memory_space<vmem>>, %arg20: memref<16384xf32, #tpu.memory_space<vmem>>, %arg21: memref<16384xf32, #tpu.memory_space<vmem>>, %arg22: memref<128xf32, #tpu.memory_space<vmem>>, %arg23: memref<128xf32, #tpu.memory_space<vmem>>, %arg24: memref<16xf32, #tpu.memory_space<vmem>>, %arg25: memref<512xf32, #tpu.memory_space<vmem>>, %arg26: memref<512xf32, #tpu.memory_space<vmem>>, %arg27: memref<2048xf32, #tpu.memory_space<vmem>>, %arg28: memref<!tpu.dma_semaphore, #tpu.memory_space<semaphore_mem>>) attributes {dimension_semantics = [#tpu.dimension_semantics<core_parallel>, #tpu.dimension_semantics<subcore_parallel>], iteration_bounds = array<i64: 2, 16>, scalar_prefetch = 0 : i64, scratch_operands = 14 : i64, tpu.core_type = #tpu.core_type<sc_vector_subcore>, window_params = [{transform_indices = #map}, {transform_indices = #map}, {transform_indices = #map1}, {transform_indices = #map1}, {transform_indices = #map1}, {transform_indices = #map1}, {transform_indices = #map1}, {transform_indices = #map1}, {transform_indices = #map1}, {transform_indices = #map1}, {transform_indices = #map1}, {transform_indices = #map1}, {transform_indices = #map1}]} {
    %mul3A = arith.constant 2 : i32
    %mul3A_0 = arith.muli %arg1, %mul3A : i32
    %add3A = arith.addi %mul3A_0, %arg0 : i32
    %mul3A_1 = arith.constant 512 : i32
    %mul3A_2 = arith.muli %add3A, %mul3A_1 : i32
    %mul3A_3 = arith.constant 4 : i32
    %mul3A_4 = arith.muli %add3A, %mul3A_3 : i32
    %add3A_5 = arith.constant 0 : i32
    %add3A_6 = arith.addi %mul3A_4, %add3A_5 : i32
    "tpu.region"() ({
      %run_scoped3A = tpu.sem_alloc : memref<!tpu.dma_semaphore, #tpu.memory_space<semaphore_mem>>
      %dma_start3A = arith.constant 0 : i32
      %dma_start3A_51 = tpu.memref_slice %arg15[%dma_start3A] : memref<512xi32, #tpu.memory_space<vmem>> -> memref<128xi32, #tpu.memory_space<vmem>>
      %dma_start3A_52 = arith.constant 0 : i32
      %dma_start3A_53 = tpu.memref_slice %arg2[%add3A_6, %dma_start3A_52] : memref<128x128xi32, #tpu.memory_space<hbm>> -> memref<1x128xi32, #tpu.memory_space<hbm>>
      %dma_start3A_54 = tpu.memref_squeeze %dma_start3A_53 : memref<1x128xi32, #tpu.memory_space<hbm>> -> memref<128xi32, #tpu.memory_space<hbm>>
      %dma_start3A_55 = arith.constant 0 : i32
      %dma_start3A_56 = tpu.memref_slice %arg15[%dma_start3A_55] : memref<512xi32, #tpu.memory_space<vmem>> -> memref<128xi32, #tpu.memory_space<vmem>>
      %dma_start3A_57 = arith.constant 0 : i32
      %dma_start3A_58 = tpu.memref_slice %arg2[%add3A_6, %dma_start3A_57] : memref<128x128xi32, #tpu.memory_space<hbm>> -> memref<1x128xi32, #tpu.memory_space<hbm>>
      %dma_start3A_59 = tpu.memref_squeeze %dma_start3A_58 : memref<1x128xi32, #tpu.memory_space<hbm>> -> memref<128xi32, #tpu.memory_space<hbm>>
      tpu.enqueue_dma source(%dma_start3A_59 : memref<128xi32, #tpu.memory_space<hbm>>) target(%dma_start3A_56 : memref<128xi32, #tpu.memory_space<vmem>>) target_semaphore(%run_scoped3A : memref<!tpu.dma_semaphore, #tpu.memory_space<semaphore_mem>>)
      %dma_wait3A = arith.constant 0 : i32
      %dma_wait3A_60 = tpu.memref_slice %arg15[%dma_wait3A] : memref<512xi32, #tpu.memory_space<vmem>> -> memref<128xi32, #tpu.memory_space<vmem>>
      %dma_wait3A_61 = arith.constant 0 : i32
      %dma_wait3A_62 = tpu.memref_slice %arg2[%add3A_6, %dma_wait3A_61] : memref<128x128xi32, #tpu.memory_space<hbm>> -> memref<1x128xi32, #tpu.memory_space<hbm>>
      %dma_wait3A_63 = tpu.memref_squeeze %dma_wait3A_62 : memref<1x128xi32, #tpu.memory_space<hbm>> -> memref<128xi32, #tpu.memory_space<hbm>>
      %dma_wait3A_64 = arith.constant 0 : i32
      %dma_wait3A_65 = tpu.memref_slice %arg15[%dma_wait3A_64] : memref<512xi32, #tpu.memory_space<vmem>> -> memref<128xi32, #tpu.memory_space<vmem>>
      %dma_wait3A_66 = arith.constant 0 : i32
      %dma_wait3A_67 = tpu.memref_slice %arg2[%add3A_6, %dma_wait3A_66] : memref<128x128xi32, #tpu.memory_space<hbm>> -> memref<1x128xi32, #tpu.memory_space<hbm>>
      %dma_wait3A_68 = tpu.memref_squeeze %dma_wait3A_67 : memref<1x128xi32, #tpu.memory_space<hbm>> -> memref<128xi32, #tpu.memory_space<hbm>>
      tpu.wait_dma2 semaphore(%run_scoped3A : memref<!tpu.dma_semaphore, #tpu.memory_space<semaphore_mem>>) src(%dma_wait3A_68 : memref<128xi32, #tpu.memory_space<hbm>>) dst(%dma_wait3A_65 : memref<128xi32, #tpu.memory_space<vmem>>)
      tpu.yield
    }) : () -> ()
    %add3A_7 = arith.constant 0 : i32
    %add3A_8 = arith.addi %mul3A_4, %add3A_7 : i32
    "tpu.region"() ({
      %run_scoped3A = tpu.sem_alloc : memref<!tpu.dma_semaphore, #tpu.memory_space<semaphore_mem>>
      %dma_start3A = arith.constant 0 : i32
      %dma_start3A_51 = tpu.memref_slice %arg16[%dma_start3A] : memref<512xi32, #tpu.memory_space<vmem>> -> memref<128xi32, #tpu.memory_space<vmem>>
      %dma_start3A_52 = arith.constant 0 : i32
      %dma_start3A_53 = tpu.memref_slice %arg3[%add3A_8, %dma_start3A_52] : memref<128x128xi32, #tpu.memory_space<hbm>> -> memref<1x128xi32, #tpu.memory_space<hbm>>
      %dma_start3A_54 = tpu.memref_squeeze %dma_start3A_53 : memref<1x128xi32, #tpu.memory_space<hbm>> -> memref<128xi32, #tpu.memory_space<hbm>>
      %dma_start3A_55 = arith.constant 0 : i32
      %dma_start3A_56 = tpu.memref_slice %arg16[%dma_start3A_55] : memref<512xi32, #tpu.memory_space<vmem>> -> memref<128xi32, #tpu.memory_space<vmem>>
      %dma_start3A_57 = arith.constant 0 : i32
      %dma_start3A_58 = tpu.memref_slice %arg3[%add3A_8, %dma_start3A_57] : memref<128x128xi32, #tpu.memory_space<hbm>> -> memref<1x128xi32, #tpu.memory_space<hbm>>
      %dma_start3A_59 = tpu.memref_squeeze %dma_start3A_58 : memref<1x128xi32, #tpu.memory_space<hbm>> -> memref<128xi32, #tpu.memory_space<hbm>>
      tpu.enqueue_dma source(%dma_start3A_59 : memref<128xi32, #tpu.memory_space<hbm>>) target(%dma_start3A_56 : memref<128xi32, #tpu.memory_space<vmem>>) target_semaphore(%run_scoped3A : memref<!tpu.dma_semaphore, #tpu.memory_space<semaphore_mem>>)
      %dma_wait3A = arith.constant 0 : i32
      %dma_wait3A_60 = tpu.memref_slice %arg16[%dma_wait3A] : memref<512xi32, #tpu.memory_space<vmem>> -> memref<128xi32, #tpu.memory_space<vmem>>
      %dma_wait3A_61 = arith.constant 0 : i32
      %dma_wait3A_62 = tpu.memref_slice %arg3[%add3A_8, %dma_wait3A_61] : memref<128x128xi32, #tpu.memory_space<hbm>> -> memref<1x128xi32, #tpu.memory_space<hbm>>
      %dma_wait3A_63 = tpu.memref_squeeze %dma_wait3A_62 : memref<1x128xi32, #tpu.memory_space<hbm>> -> memref<128xi32, #tpu.memory_space<hbm>>
      %dma_wait3A_64 = arith.constant 0 : i32
      %dma_wait3A_65 = tpu.memref_slice %arg16[%dma_wait3A_64] : memref<512xi32, #tpu.memory_space<vmem>> -> memref<128xi32, #tpu.memory_space<vmem>>
      %dma_wait3A_66 = arith.constant 0 : i32
      %dma_wait3A_67 = tpu.memref_slice %arg3[%add3A_8, %dma_wait3A_66] : memref<128x128xi32, #tpu.memory_space<hbm>> -> memref<1x128xi32, #tpu.memory_space<hbm>>
      %dma_wait3A_68 = tpu.memref_squeeze %dma_wait3A_67 : memref<1x128xi32, #tpu.memory_space<hbm>> -> memref<128xi32, #tpu.memory_space<hbm>>
      tpu.wait_dma2 semaphore(%run_scoped3A : memref<!tpu.dma_semaphore, #tpu.memory_space<semaphore_mem>>) src(%dma_wait3A_68 : memref<128xi32, #tpu.memory_space<hbm>>) dst(%dma_wait3A_65 : memref<128xi32, #tpu.memory_space<vmem>>)
      tpu.yield
    }) : () -> ()
    %add3A_9 = arith.constant 1 : i32
    %add3A_10 = arith.addi %mul3A_4, %add3A_9 : i32
    "tpu.region"() ({
      %run_scoped3A = tpu.sem_alloc : memref<!tpu.dma_semaphore, #tpu.memory_space<semaphore_mem>>
      %dma_start3A = arith.constant 128 : i32
      %dma_start3A_51 = tpu.memref_slice %arg15[%dma_start3A] : memref<512xi32, #tpu.memory_space<vmem>> -> memref<128xi32, #tpu.memory_space<vmem>>
      %dma_start3A_52 = arith.constant 0 : i32
      %dma_start3A_53 = tpu.memref_slice %arg2[%add3A_10, %dma_start3A_52] : memref<128x128xi32, #tpu.memory_space<hbm>> -> memref<1x128xi32, #tpu.memory_space<hbm>>
      %dma_start3A_54 = tpu.memref_squeeze %dma_start3A_53 : memref<1x128xi32, #tpu.memory_space<hbm>> -> memref<128xi32, #tpu.memory_space<hbm>>
      %dma_start3A_55 = arith.constant 128 : i32
      %dma_start3A_56 = tpu.memref_slice %arg15[%dma_start3A_55] : memref<512xi32, #tpu.memory_space<vmem>> -> memref<128xi32, #tpu.memory_space<vmem>>
      %dma_start3A_57 = arith.constant 0 : i32
      %dma_start3A_58 = tpu.memref_slice %arg2[%add3A_10, %dma_start3A_57] : memref<128x128xi32, #tpu.memory_space<hbm>> -> memref<1x128xi32, #tpu.memory_space<hbm>>
      %dma_start3A_59 = tpu.memref_squeeze %dma_start3A_58 : memref<1x128xi32, #tpu.memory_space<hbm>> -> memref<128xi32, #tpu.memory_space<hbm>>
      tpu.enqueue_dma source(%dma_start3A_59 : memref<128xi32, #tpu.memory_space<hbm>>) target(%dma_start3A_56 : memref<128xi32, #tpu.memory_space<vmem>>) target_semaphore(%run_scoped3A : memref<!tpu.dma_semaphore, #tpu.memory_space<semaphore_mem>>)
      %dma_wait3A = arith.constant 128 : i32
      %dma_wait3A_60 = tpu.memref_slice %arg15[%dma_wait3A] : memref<512xi32, #tpu.memory_space<vmem>> -> memref<128xi32, #tpu.memory_space<vmem>>
      %dma_wait3A_61 = arith.constant 0 : i32
      %dma_wait3A_62 = tpu.memref_slice %arg2[%add3A_10, %dma_wait3A_61] : memref<128x128xi32, #tpu.memory_space<hbm>> -> memref<1x128xi32, #tpu.memory_space<hbm>>
      %dma_wait3A_63 = tpu.memref_squeeze %dma_wait3A_62 : memref<1x128xi32, #tpu.memory_space<hbm>> -> memref<128xi32, #tpu.memory_space<hbm>>
      %dma_wait3A_64 = arith.constant 128 : i32
      %dma_wait3A_65 = tpu.memref_slice %arg15[%dma_wait3A_64] : memref<512xi32, #tpu.memory_space<vmem>> -> memref<128xi32, #tpu.memory_space<vmem>>
      %dma_wait3A_66 = arith.constant 0 : i32
      %dma_wait3A_67 = tpu.memref_slice %arg2[%add3A_10, %dma_wait3A_66] : memref<128x128xi32, #tpu.memory_space<hbm>> -> memref<1x128xi32, #tpu.memory_space<hbm>>
      %dma_wait3A_68 = tpu.memref_squeeze %dma_wait3A_67 : memref<1x128xi32, #tpu.memory_space<hbm>> -> memref<128xi32, #tpu.memory_space<hbm>>
      tpu.wait_dma2 semaphore(%run_scoped3A : memref<!tpu.dma_semaphore, #tpu.memory_space<semaphore_mem>>) src(%dma_wait3A_68 : memref<128xi32, #tpu.memory_space<hbm>>) dst(%dma_wait3A_65 : memref<128xi32, #tpu.memory_space<vmem>>)
      tpu.yield
    }) : () -> ()
    %add3A_11 = arith.constant 1 : i32
    %add3A_12 = arith.addi %mul3A_4, %add3A_11 : i32
    "tpu.region"() ({
      %run_scoped3A = tpu.sem_alloc : memref<!tpu.dma_semaphore, #tpu.memory_space<semaphore_mem>>
      %dma_start3A = arith.constant 128 : i32
      %dma_start3A_51 = tpu.memref_slice %arg16[%dma_start3A] : memref<512xi32, #tpu.memory_space<vmem>> -> memref<128xi32, #tpu.memory_space<vmem>>
      %dma_start3A_52 = arith.constant 0 : i32
      %dma_start3A_53 = tpu.memref_slice %arg3[%add3A_12, %dma_start3A_52] : memref<128x128xi32, #tpu.memory_space<hbm>> -> memref<1x128xi32, #tpu.memory_space<hbm>>
      %dma_start3A_54 = tpu.memref_squeeze %dma_start3A_53 : memref<1x128xi32, #tpu.memory_space<hbm>> -> memref<128xi32, #tpu.memory_space<hbm>>
      %dma_start3A_55 = arith.constant 128 : i32
      %dma_start3A_56 = tpu.memref_slice %arg16[%dma_start3A_55] : memref<512xi32, #tpu.memory_space<vmem>> -> memref<128xi32, #tpu.memory_space<vmem>>
      %dma_start3A_57 = arith.constant 0 : i32
      %dma_start3A_58 = tpu.memref_slice %arg3[%add3A_12, %dma_start3A_57] : memref<128x128xi32, #tpu.memory_space<hbm>> -> memref<1x128xi32, #tpu.memory_space<hbm>>
      %dma_start3A_59 = tpu.memref_squeeze %dma_start3A_58 : memref<1x128xi32, #tpu.memory_space<hbm>> -> memref<128xi32, #tpu.memory_space<hbm>>
      tpu.enqueue_dma source(%dma_start3A_59 : memref<128xi32, #tpu.memory_space<hbm>>) target(%dma_start3A_56 : memref<128xi32, #tpu.memory_space<vmem>>) target_semaphore(%run_scoped3A : memref<!tpu.dma_semaphore, #tpu.memory_space<semaphore_mem>>)
      %dma_wait3A = arith.constant 128 : i32
      %dma_wait3A_60 = tpu.memref_slice %arg16[%dma_wait3A] : memref<512xi32, #tpu.memory_space<vmem>> -> memref<128xi32, #tpu.memory_space<vmem>>
      %dma_wait3A_61 = arith.constant 0 : i32
      %dma_wait3A_62 = tpu.memref_slice %arg3[%add3A_12, %dma_wait3A_61] : memref<128x128xi32, #tpu.memory_space<hbm>> -> memref<1x128xi32, #tpu.memory_space<hbm>>
      %dma_wait3A_63 = tpu.memref_squeeze %dma_wait3A_62 : memref<1x128xi32, #tpu.memory_space<hbm>> -> memref<128xi32, #tpu.memory_space<hbm>>
      %dma_wait3A_64 = arith.constant 128 : i32
      %dma_wait3A_65 = tpu.memref_slice %arg16[%dma_wait3A_64] : memref<512xi32, #tpu.memory_space<vmem>> -> memref<128xi32, #tpu.memory_space<vmem>>
      %dma_wait3A_66 = arith.constant 0 : i32
      %dma_wait3A_67 = tpu.memref_slice %arg3[%add3A_12, %dma_wait3A_66] : memref<128x128xi32, #tpu.memory_space<hbm>> -> memref<1x128xi32, #tpu.memory_space<hbm>>
      %dma_wait3A_68 = tpu.memref_squeeze %dma_wait3A_67 : memref<1x128xi32, #tpu.memory_space<hbm>> -> memref<128xi32, #tpu.memory_space<hbm>>
      tpu.wait_dma2 semaphore(%run_scoped3A : memref<!tpu.dma_semaphore, #tpu.memory_space<semaphore_mem>>) src(%dma_wait3A_68 : memref<128xi32, #tpu.memory_space<hbm>>) dst(%dma_wait3A_65 : memref<128xi32, #tpu.memory_space<vmem>>)
      tpu.yield
    }) : () -> ()
    %add3A_13 = arith.constant 2 : i32
    %add3A_14 = arith.addi %mul3A_4, %add3A_13 : i32
    "tpu.region"() ({
      %run_scoped3A = tpu.sem_alloc : memref<!tpu.dma_semaphore, #tpu.memory_space<semaphore_mem>>
      %dma_start3A = arith.constant 256 : i32
      %dma_start3A_51 = tpu.memref_slice %arg15[%dma_start3A] : memref<512xi32, #tpu.memory_space<vmem>> -> memref<128xi32, #tpu.memory_space<vmem>>
      %dma_start3A_52 = arith.constant 0 : i32
      %dma_start3A_53 = tpu.memref_slice %arg2[%add3A_14, %dma_start3A_52] : memref<128x128xi32, #tpu.memory_space<hbm>> -> memref<1x128xi32, #tpu.memory_space<hbm>>
      %dma_start3A_54 = tpu.memref_squeeze %dma_start3A_53 : memref<1x128xi32, #tpu.memory_space<hbm>> -> memref<128xi32, #tpu.memory_space<hbm>>
      %dma_start3A_55 = arith.constant 256 : i32
      %dma_start3A_56 = tpu.memref_slice %arg15[%dma_start3A_55] : memref<512xi32, #tpu.memory_space<vmem>> -> memref<128xi32, #tpu.memory_space<vmem>>
      %dma_start3A_57 = arith.constant 0 : i32
      %dma_start3A_58 = tpu.memref_slice %arg2[%add3A_14, %dma_start3A_57] : memref<128x128xi32, #tpu.memory_space<hbm>> -> memref<1x128xi32, #tpu.memory_space<hbm>>
      %dma_start3A_59 = tpu.memref_squeeze %dma_start3A_58 : memref<1x128xi32, #tpu.memory_space<hbm>> -> memref<128xi32, #tpu.memory_space<hbm>>
      tpu.enqueue_dma source(%dma_start3A_59 : memref<128xi32, #tpu.memory_space<hbm>>) target(%dma_start3A_56 : memref<128xi32, #tpu.memory_space<vmem>>) target_semaphore(%run_scoped3A : memref<!tpu.dma_semaphore, #tpu.memory_space<semaphore_mem>>)
      %dma_wait3A = arith.constant 256 : i32
      %dma_wait3A_60 = tpu.memref_slice %arg15[%dma_wait3A] : memref<512xi32, #tpu.memory_space<vmem>> -> memref<128xi32, #tpu.memory_space<vmem>>
      %dma_wait3A_61 = arith.constant 0 : i32
      %dma_wait3A_62 = tpu.memref_slice %arg2[%add3A_14, %dma_wait3A_61] : memref<128x128xi32, #tpu.memory_space<hbm>> -> memref<1x128xi32, #tpu.memory_space<hbm>>
      %dma_wait3A_63 = tpu.memref_squeeze %dma_wait3A_62 : memref<1x128xi32, #tpu.memory_space<hbm>> -> memref<128xi32, #tpu.memory_space<hbm>>
      %dma_wait3A_64 = arith.constant 256 : i32
      %dma_wait3A_65 = tpu.memref_slice %arg15[%dma_wait3A_64] : memref<512xi32, #tpu.memory_space<vmem>> -> memref<128xi32, #tpu.memory_space<vmem>>
      %dma_wait3A_66 = arith.constant 0 : i32
      %dma_wait3A_67 = tpu.memref_slice %arg2[%add3A_14, %dma_wait3A_66] : memref<128x128xi32, #tpu.memory_space<hbm>> -> memref<1x128xi32, #tpu.memory_space<hbm>>
      %dma_wait3A_68 = tpu.memref_squeeze %dma_wait3A_67 : memref<1x128xi32, #tpu.memory_space<hbm>> -> memref<128xi32, #tpu.memory_space<hbm>>
      tpu.wait_dma2 semaphore(%run_scoped3A : memref<!tpu.dma_semaphore, #tpu.memory_space<semaphore_mem>>) src(%dma_wait3A_68 : memref<128xi32, #tpu.memory_space<hbm>>) dst(%dma_wait3A_65 : memref<128xi32, #tpu.memory_space<vmem>>)
      tpu.yield
    }) : () -> ()
    %add3A_15 = arith.constant 2 : i32
    %add3A_16 = arith.addi %mul3A_4, %add3A_15 : i32
    "tpu.region"() ({
      %run_scoped3A = tpu.sem_alloc : memref<!tpu.dma_semaphore, #tpu.memory_space<semaphore_mem>>
      %dma_start3A = arith.constant 256 : i32
      %dma_start3A_51 = tpu.memref_slice %arg16[%dma_start3A] : memref<512xi32, #tpu.memory_space<vmem>> -> memref<128xi32, #tpu.memory_space<vmem>>
      %dma_start3A_52 = arith.constant 0 : i32
      %dma_start3A_53 = tpu.memref_slice %arg3[%add3A_16, %dma_start3A_52] : memref<128x128xi32, #tpu.memory_space<hbm>> -> memref<1x128xi32, #tpu.memory_space<hbm>>
      %dma_start3A_54 = tpu.memref_squeeze %dma_start3A_53 : memref<1x128xi32, #tpu.memory_space<hbm>> -> memref<128xi32, #tpu.memory_space<hbm>>
      %dma_start3A_55 = arith.constant 256 : i32
      %dma_start3A_56 = tpu.memref_slice %arg16[%dma_start3A_55] : memref<512xi32, #tpu.memory_space<vmem>> -> memref<128xi32, #tpu.memory_space<vmem>>
      %dma_start3A_57 = arith.constant 0 : i32
      %dma_start3A_58 = tpu.memref_slice %arg3[%add3A_16, %dma_start3A_57] : memref<128x128xi32, #tpu.memory_space<hbm>> -> memref<1x128xi32, #tpu.memory_space<hbm>>
      %dma_start3A_59 = tpu.memref_squeeze %dma_start3A_58 : memref<1x128xi32, #tpu.memory_space<hbm>> -> memref<128xi32, #tpu.memory_space<hbm>>
      tpu.enqueue_dma source(%dma_start3A_59 : memref<128xi32, #tpu.memory_space<hbm>>) target(%dma_start3A_56 : memref<128xi32, #tpu.memory_space<vmem>>) target_semaphore(%run_scoped3A : memref<!tpu.dma_semaphore, #tpu.memory_space<semaphore_mem>>)
      %dma_wait3A = arith.constant 256 : i32
      %dma_wait3A_60 = tpu.memref_slice %arg16[%dma_wait3A] : memref<512xi32, #tpu.memory_space<vmem>> -> memref<128xi32, #tpu.memory_space<vmem>>
      %dma_wait3A_61 = arith.constant 0 : i32
      %dma_wait3A_62 = tpu.memref_slice %arg3[%add3A_16, %dma_wait3A_61] : memref<128x128xi32, #tpu.memory_space<hbm>> -> memref<1x128xi32, #tpu.memory_space<hbm>>
      %dma_wait3A_63 = tpu.memref_squeeze %dma_wait3A_62 : memref<1x128xi32, #tpu.memory_space<hbm>> -> memref<128xi32, #tpu.memory_space<hbm>>
      %dma_wait3A_64 = arith.constant 256 : i32
      %dma_wait3A_65 = tpu.memref_slice %arg16[%dma_wait3A_64] : memref<512xi32, #tpu.memory_space<vmem>> -> memref<128xi32, #tpu.memory_space<vmem>>
      %dma_wait3A_66 = arith.constant 0 : i32
      %dma_wait3A_67 = tpu.memref_slice %arg3[%add3A_16, %dma_wait3A_66] : memref<128x128xi32, #tpu.memory_space<hbm>> -> memref<1x128xi32, #tpu.memory_space<hbm>>
      %dma_wait3A_68 = tpu.memref_squeeze %dma_wait3A_67 : memref<1x128xi32, #tpu.memory_space<hbm>> -> memref<128xi32, #tpu.memory_space<hbm>>
      tpu.wait_dma2 semaphore(%run_scoped3A : memref<!tpu.dma_semaphore, #tpu.memory_space<semaphore_mem>>) src(%dma_wait3A_68 : memref<128xi32, #tpu.memory_space<hbm>>) dst(%dma_wait3A_65 : memref<128xi32, #tpu.memory_space<vmem>>)
      tpu.yield
    }) : () -> ()
    %add3A_17 = arith.constant 3 : i32
    %add3A_18 = arith.addi %mul3A_4, %add3A_17 : i32
    "tpu.region"() ({
      %run_scoped3A = tpu.sem_alloc : memref<!tpu.dma_semaphore, #tpu.memory_space<semaphore_mem>>
      %dma_start3A = arith.constant 384 : i32
      %dma_start3A_51 = tpu.memref_slice %arg15[%dma_start3A] : memref<512xi32, #tpu.memory_space<vmem>> -> memref<128xi32, #tpu.memory_space<vmem>>
      %dma_start3A_52 = arith.constant 0 : i32
      %dma_start3A_53 = tpu.memref_slice %arg2[%add3A_18, %dma_start3A_52] : memref<128x128xi32, #tpu.memory_space<hbm>> -> memref<1x128xi32, #tpu.memory_space<hbm>>
      %dma_start3A_54 = tpu.memref_squeeze %dma_start3A_53 : memref<1x128xi32, #tpu.memory_space<hbm>> -> memref<128xi32, #tpu.memory_space<hbm>>
      %dma_start3A_55 = arith.constant 384 : i32
      %dma_start3A_56 = tpu.memref_slice %arg15[%dma_start3A_55] : memref<512xi32, #tpu.memory_space<vmem>> -> memref<128xi32, #tpu.memory_space<vmem>>
      %dma_start3A_57 = arith.constant 0 : i32
      %dma_start3A_58 = tpu.memref_slice %arg2[%add3A_18, %dma_start3A_57] : memref<128x128xi32, #tpu.memory_space<hbm>> -> memref<1x128xi32, #tpu.memory_space<hbm>>
      %dma_start3A_59 = tpu.memref_squeeze %dma_start3A_58 : memref<1x128xi32, #tpu.memory_space<hbm>> -> memref<128xi32, #tpu.memory_space<hbm>>
      tpu.enqueue_dma source(%dma_start3A_59 : memref<128xi32, #tpu.memory_space<hbm>>) target(%dma_start3A_56 : memref<128xi32, #tpu.memory_space<vmem>>) target_semaphore(%run_scoped3A : memref<!tpu.dma_semaphore, #tpu.memory_space<semaphore_mem>>)
      %dma_wait3A = arith.constant 384 : i32
      %dma_wait3A_60 = tpu.memref_slice %arg15[%dma_wait3A] : memref<512xi32, #tpu.memory_space<vmem>> -> memref<128xi32, #tpu.memory_space<vmem>>
      %dma_wait3A_61 = arith.constant 0 : i32
      %dma_wait3A_62 = tpu.memref_slice %arg2[%add3A_18, %dma_wait3A_61] : memref<128x128xi32, #tpu.memory_space<hbm>> -> memref<1x128xi32, #tpu.memory_space<hbm>>
      %dma_wait3A_63 = tpu.memref_squeeze %dma_wait3A_62 : memref<1x128xi32, #tpu.memory_space<hbm>> -> memref<128xi32, #tpu.memory_space<hbm>>
      %dma_wait3A_64 = arith.constant 384 : i32
      %dma_wait3A_65 = tpu.memref_slice %arg15[%dma_wait3A_64] : memref<512xi32, #tpu.memory_space<vmem>> -> memref<128xi32, #tpu.memory_space<vmem>>
      %dma_wait3A_66 = arith.constant 0 : i32
      %dma_wait3A_67 = tpu.memref_slice %arg2[%add3A_18, %dma_wait3A_66] : memref<128x128xi32, #tpu.memory_space<hbm>> -> memref<1x128xi32, #tpu.memory_space<hbm>>
      %dma_wait3A_68 = tpu.memref_squeeze %dma_wait3A_67 : memref<1x128xi32, #tpu.memory_space<hbm>> -> memref<128xi32, #tpu.memory_space<hbm>>
      tpu.wait_dma2 semaphore(%run_scoped3A : memref<!tpu.dma_semaphore, #tpu.memory_space<semaphore_mem>>) src(%dma_wait3A_68 : memref<128xi32, #tpu.memory_space<hbm>>) dst(%dma_wait3A_65 : memref<128xi32, #tpu.memory_space<vmem>>)
      tpu.yield
    }) : () -> ()
    %add3A_19 = arith.constant 3 : i32
    %add3A_20 = arith.addi %mul3A_4, %add3A_19 : i32
    "tpu.region"() ({
      %run_scoped3A = tpu.sem_alloc : memref<!tpu.dma_semaphore, #tpu.memory_space<semaphore_mem>>
      %dma_start3A = arith.constant 384 : i32
      %dma_start3A_51 = tpu.memref_slice %arg16[%dma_start3A] : memref<512xi32, #tpu.memory_space<vmem>> -> memref<128xi32, #tpu.memory_space<vmem>>
      %dma_start3A_52 = arith.constant 0 : i32
      %dma_start3A_53 = tpu.memref_slice %arg3[%add3A_20, %dma_start3A_52] : memref<128x128xi32, #tpu.memory_space<hbm>> -> memref<1x128xi32, #tpu.memory_space<hbm>>
      %dma_start3A_54 = tpu.memref_squeeze %dma_start3A_53 : memref<1x128xi32, #tpu.memory_space<hbm>> -> memref<128xi32, #tpu.memory_space<hbm>>
      %dma_start3A_55 = arith.constant 384 : i32
      %dma_start3A_56 = tpu.memref_slice %arg16[%dma_start3A_55] : memref<512xi32, #tpu.memory_space<vmem>> -> memref<128xi32, #tpu.memory_space<vmem>>
      %dma_start3A_57 = arith.constant 0 : i32
      %dma_start3A_58 = tpu.memref_slice %arg3[%add3A_20, %dma_start3A_57] : memref<128x128xi32, #tpu.memory_space<hbm>> -> memref<1x128xi32, #tpu.memory_space<hbm>>
      %dma_start3A_59 = tpu.memref_squeeze %dma_start3A_58 : memref<1x128xi32, #tpu.memory_space<hbm>> -> memref<128xi32, #tpu.memory_space<hbm>>
      tpu.enqueue_dma source(%dma_start3A_59 : memref<128xi32, #tpu.memory_space<hbm>>) target(%dma_start3A_56 : memref<128xi32, #tpu.memory_space<vmem>>) target_semaphore(%run_scoped3A : memref<!tpu.dma_semaphore, #tpu.memory_space<semaphore_mem>>)
      %dma_wait3A = arith.constant 384 : i32
      %dma_wait3A_60 = tpu.memref_slice %arg16[%dma_wait3A] : memref<512xi32, #tpu.memory_space<vmem>> -> memref<128xi32, #tpu.memory_space<vmem>>
      %dma_wait3A_61 = arith.constant 0 : i32
      %dma_wait3A_62 = tpu.memref_slice %arg3[%add3A_20, %dma_wait3A_61] : memref<128x128xi32, #tpu.memory_space<hbm>> -> memref<1x128xi32, #tpu.memory_space<hbm>>
      %dma_wait3A_63 = tpu.memref_squeeze %dma_wait3A_62 : memref<1x128xi32, #tpu.memory_space<hbm>> -> memref<128xi32, #tpu.memory_space<hbm>>
      %dma_wait3A_64 = arith.constant 384 : i32
      %dma_wait3A_65 = tpu.memref_slice %arg16[%dma_wait3A_64] : memref<512xi32, #tpu.memory_space<vmem>> -> memref<128xi32, #tpu.memory_space<vmem>>
      %dma_wait3A_66 = arith.constant 0 : i32
      %dma_wait3A_67 = tpu.memref_slice %arg3[%add3A_20, %dma_wait3A_66] : memref<128x128xi32, #tpu.memory_space<hbm>> -> memref<1x128xi32, #tpu.memory_space<hbm>>
      %dma_wait3A_68 = tpu.memref_squeeze %dma_wait3A_67 : memref<1x128xi32, #tpu.memory_space<hbm>> -> memref<128xi32, #tpu.memory_space<hbm>>
      tpu.wait_dma2 semaphore(%run_scoped3A : memref<!tpu.dma_semaphore, #tpu.memory_space<semaphore_mem>>) src(%dma_wait3A_68 : memref<128xi32, #tpu.memory_space<hbm>>) dst(%dma_wait3A_65 : memref<128xi32, #tpu.memory_space<vmem>>)
      tpu.yield
    }) : () -> ()
    "tpu.region"() ({
      %run_scoped3A = tpu.sem_alloc : memref<!tpu.dma_semaphore, #tpu.memory_space<semaphore_mem>>
      %dma_start3A = tpu.memref_slice %arg4[%mul3A_2] : memref<16384xi32, #tpu.memory_space<hbm>> -> memref<512xi32, #tpu.memory_space<hbm>>
      %dma_start3A_51 = tpu.memref_slice %arg4[%mul3A_2] : memref<16384xi32, #tpu.memory_space<hbm>> -> memref<512xi32, #tpu.memory_space<hbm>>
      tpu.enqueue_dma source(%dma_start3A_51 : memref<512xi32, #tpu.memory_space<hbm>>) target(%arg17 : memref<512xi32, #tpu.memory_space<vmem>>) target_semaphore(%run_scoped3A : memref<!tpu.dma_semaphore, #tpu.memory_space<semaphore_mem>>)
      %dma_wait3A = tpu.memref_slice %arg4[%mul3A_2] : memref<16384xi32, #tpu.memory_space<hbm>> -> memref<512xi32, #tpu.memory_space<hbm>>
      %dma_wait3A_52 = tpu.memref_slice %arg4[%mul3A_2] : memref<16384xi32, #tpu.memory_space<hbm>> -> memref<512xi32, #tpu.memory_space<hbm>>
      tpu.wait_dma2 semaphore(%run_scoped3A : memref<!tpu.dma_semaphore, #tpu.memory_space<semaphore_mem>>) src(%dma_wait3A_52 : memref<512xi32, #tpu.memory_space<hbm>>) dst(%arg17 : memref<512xi32, #tpu.memory_space<vmem>>)
      tpu.yield
    }) : () -> ()
    "tpu.region"() ({
      %run_scoped3A = tpu.sem_alloc : memref<!tpu.dma_semaphore, #tpu.memory_space<semaphore_mem>>
      tpu.enqueue_dma source(%arg9 : memref<128xf32, #tpu.memory_space<hbm>>) target(%arg22 : memref<128xf32, #tpu.memory_space<vmem>>) target_semaphore(%run_scoped3A : memref<!tpu.dma_semaphore, #tpu.memory_space<semaphore_mem>>)
      tpu.wait_dma2 semaphore(%run_scoped3A : memref<!tpu.dma_semaphore, #tpu.memory_space<semaphore_mem>>) src(%arg9 : memref<128xf32, #tpu.memory_space<hbm>>) dst(%arg22 : memref<128xf32, #tpu.memory_space<vmem>>)
      tpu.yield
    }) : () -> ()
    "tpu.region"() ({
      %run_scoped3A = tpu.sem_alloc : memref<!tpu.dma_semaphore, #tpu.memory_space<semaphore_mem>>
      tpu.enqueue_dma source(%arg10 : memref<128xf32, #tpu.memory_space<hbm>>) target(%arg23 : memref<128xf32, #tpu.memory_space<vmem>>) target_semaphore(%run_scoped3A : memref<!tpu.dma_semaphore, #tpu.memory_space<semaphore_mem>>)
      tpu.wait_dma2 semaphore(%run_scoped3A : memref<!tpu.dma_semaphore, #tpu.memory_space<semaphore_mem>>) src(%arg10 : memref<128xf32, #tpu.memory_space<hbm>>) dst(%arg23 : memref<128xf32, #tpu.memory_space<vmem>>)
      tpu.yield
    }) : () -> ()
    "tpu.region"() ({
      %run_scoped3A = tpu.sem_alloc : memref<!tpu.dma_semaphore, #tpu.memory_space<semaphore_mem>>
      tpu.enqueue_dma source(%arg11 : memref<16xf32, #tpu.memory_space<hbm>>) target(%arg24 : memref<16xf32, #tpu.memory_space<vmem>>) target_semaphore(%run_scoped3A : memref<!tpu.dma_semaphore, #tpu.memory_space<semaphore_mem>>)
      tpu.wait_dma2 semaphore(%run_scoped3A : memref<!tpu.dma_semaphore, #tpu.memory_space<semaphore_mem>>) src(%arg11 : memref<16xf32, #tpu.memory_space<hbm>>) dst(%arg24 : memref<16xf32, #tpu.memory_space<vmem>>)
      tpu.yield
    }) : () -> ()
    %scan3A = arith.constant 0 : i32
    %scan3A_21 = arith.constant 0 : i32
    %scan3A_22 = arith.constant 32 : i32
    %scan3A_23 = arith.addi %scan3A_21, %scan3A_22 : i32
    %scan3A_24 = arith.constant 1 : i32
    scf.for %scan3A_51 = %scan3A_21 to %scan3A_23 step %scan3A_24  : i32 {
      %mul3A_52 = arith.constant 16 : i32
      %mul3A_53 = arith.muli %scan3A_51, %mul3A_52 : i32
      %get3A_54 = arith.index_cast %mul3A_53 : i32 to index
      %get3A_55 = tpu.vector_load %arg15[%get3A_54] {strides = array<i32>} : memref<512xi32, #tpu.memory_space<vmem>>, vector<16xi32>,
      %get3A_56 = arith.index_cast %mul3A_53 : i32 to index
      %get3A_57 = tpu.vector_load %arg16[%get3A_56] {strides = array<i32>} : memref<512xi32, #tpu.memory_space<vmem>>, vector<16xi32>,
      %shift_right_arithmetic3A = arith.constant 13 : i32
      %shift_right_arithmetic3A_58 = vector.broadcast %shift_right_arithmetic3A : i32 to vector<16xi32>
      %shift_right_arithmetic3A_59 = arith.shrsi %get3A_55, %shift_right_arithmetic3A_58 : vector<16xi32>
      %shift_left3A = arith.constant 18 : i32
      %shift_left3A_60 = vector.broadcast %shift_left3A : i32 to vector<16xi32>
      %shift_left3A_61 = arith.shli %shift_right_arithmetic3A_59, %shift_left3A_60 : vector<16xi32>
      %and3A = arith.constant 2047 : i32
      %and3A_62 = vector.broadcast %and3A : i32 to vector<16xi32>
      %and3A_63 = arith.andi %get3A_55, %and3A_62 : vector<16xi32>
      %shift_left3A_64 = arith.constant 7 : i32
      %shift_left3A_65 = vector.broadcast %shift_left3A_64 : i32 to vector<16xi32>
      %shift_left3A_66 = arith.shli %and3A_63, %shift_left3A_65 : vector<16xi32>
      %add3A_67 = arith.addi %shift_left3A_61, %shift_left3A_66 : vector<16xi32>
      %shift_right_arithmetic3A_68 = arith.constant 11 : i32
      %shift_right_arithmetic3A_69 = vector.broadcast %shift_right_arithmetic3A_68 : i32 to vector<16xi32>
      %shift_right_arithmetic3A_70 = arith.shrsi %get3A_55, %shift_right_arithmetic3A_69 : vector<16xi32>
      %and3A_71 = arith.constant 3 : i32
      %and3A_72 = vector.broadcast %and3A_71 : i32 to vector<16xi32>
      %and3A_73 = arith.andi %shift_right_arithmetic3A_70, %and3A_72 : vector<16xi32>
      %shift_left3A_74 = arith.constant 5 : i32
      %shift_left3A_75 = vector.broadcast %shift_left3A_74 : i32 to vector<16xi32>
      %shift_left3A_76 = arith.shli %and3A_73, %shift_left3A_75 : vector<16xi32>
      %add3A_77 = arith.addi %add3A_67, %shift_left3A_76 : vector<16xi32>
      %shift_right_arithmetic3A_78 = arith.constant 13 : i32
      %shift_right_arithmetic3A_79 = vector.broadcast %shift_right_arithmetic3A_78 : i32 to vector<16xi32>
      %shift_right_arithmetic3A_80 = arith.shrsi %get3A_57, %shift_right_arithmetic3A_79 : vector<16xi32>
      %shift_left3A_81 = arith.constant 18 : i32
      %shift_left3A_82 = vector.broadcast %shift_left3A_81 : i32 to vector<16xi32>
      %shift_left3A_83 = arith.shli %shift_right_arithmetic3A_80, %shift_left3A_82 : vector<16xi32>
      %and3A_84 = arith.constant 2047 : i32
      %and3A_85 = vector.broadcast %and3A_84 : i32 to vector<16xi32>
      %and3A_86 = arith.andi %get3A_57, %and3A_85 : vector<16xi32>
      %shift_left3A_87 = arith.constant 7 : i32
      %shift_left3A_88 = vector.broadcast %shift_left3A_87 : i32 to vector<16xi32>
      %shift_left3A_89 = arith.shli %and3A_86, %shift_left3A_88 : vector<16xi32>
      %add3A_90 = arith.addi %shift_left3A_83, %shift_left3A_89 : vector<16xi32>
      %shift_right_arithmetic3A_91 = arith.constant 11 : i32
      %shift_right_arithmetic3A_92 = vector.broadcast %shift_right_arithmetic3A_91 : i32 to vector<16xi32>
      %shift_right_arithmetic3A_93 = arith.shrsi %get3A_57, %shift_right_arithmetic3A_92 : vector<16xi32>
      %and3A_94 = arith.constant 3 : i32
      %and3A_95 = vector.broadcast %and3A_94 : i32 to vector<16xi32>
      %and3A_96 = arith.andi %shift_right_arithmetic3A_93, %and3A_95 : vector<16xi32>
      %shift_left3A_97 = arith.constant 5 : i32
      %shift_left3A_98 = vector.broadcast %shift_left3A_97 : i32 to vector<16xi32>
      %shift_left3A_99 = arith.shli %and3A_96, %shift_left3A_98 : vector<16xi32>
      %add3A_100 = arith.addi %add3A_90, %shift_left3A_99 : vector<16xi32>
      %slice3A = vector.extract_strided_slice %add3A_77 {offsets = [0], sizes = [1], strides = [1]} : vector<16xi32> to vector<1xi32>
      %squeeze3A = vector.extract %slice3A[0] : i32 from vector<1xi32>
      %multiple_of3A = tpu.assume_multiple %squeeze3A, 8 : i32
      %slice3A_101 = vector.extract_strided_slice %add3A_100 {offsets = [0], sizes = [1], strides = [1]} : vector<16xi32> to vector<1xi32>
      %squeeze3A_102 = vector.extract %slice3A_101[0] : i32 from vector<1xi32>
      %multiple_of3A_103 = tpu.assume_multiple %squeeze3A_102, 8 : i32
      %add3A_104 = arith.constant 0 : i32
      %add3A_105 = arith.addi %mul3A_53, %add3A_104 : i32
      %mul3A_106 = arith.constant 32 : i32
      %mul3A_107 = arith.muli %add3A_105, %mul3A_106 : i32
      %multiple_of3A_108 = tpu.assume_multiple %mul3A_107, 8 : i32
      %dma_start3A = tpu.memref_slice %arg18[%multiple_of3A_108] : memref<16384xf32, #tpu.memory_space<vmem>> -> memref<32xf32, #tpu.memory_space<vmem>>
      %dma_start3A_109 = tpu.memref_slice %arg5[%multiple_of3A] : memref<32243712xf32, #tpu.memory_space<hbm>> -> memref<32xf32, #tpu.memory_space<hbm>>
      %dma_start3A_110 = tpu.memref_slice %arg18[%multiple_of3A_108] : memref<16384xf32, #tpu.memory_space<vmem>> -> memref<32xf32, #tpu.memory_space<vmem>>
      %dma_start3A_111 = tpu.memref_slice %arg5[%multiple_of3A] : memref<32243712xf32, #tpu.memory_space<hbm>> -> memref<32xf32, #tpu.memory_space<hbm>>
      tpu.enqueue_dma source(%dma_start3A_111 : memref<32xf32, #tpu.memory_space<hbm>>) target(%dma_start3A_110 : memref<32xf32, #tpu.memory_space<vmem>>) target_semaphore(%arg28 : memref<!tpu.dma_semaphore, #tpu.memory_space<semaphore_mem>>)
      %dma_start3A_112 = tpu.memref_slice %arg19[%multiple_of3A_108] : memref<16384xf32, #tpu.memory_space<vmem>> -> memref<32xf32, #tpu.memory_space<vmem>>
      %dma_start3A_113 = tpu.memref_slice %arg6[%multiple_of3A_103] : memref<32243712xf32, #tpu.memory_space<hbm>> -> memref<32xf32, #tpu.memory_space<hbm>>
      %dma_start3A_114 = tpu.memref_slice %arg19[%multiple_of3A_108] : memref<16384xf32, #tpu.memory_space<vmem>> -> memref<32xf32, #tpu.memory_space<vmem>>
      %dma_start3A_115 = tpu.memref_slice %arg6[%multiple_of3A_103] : memref<32243712xf32, #tpu.memory_space<hbm>> -> memref<32xf32, #tpu.memory_space<hbm>>
      tpu.enqueue_dma source(%dma_start3A_115 : memref<32xf32, #tpu.memory_space<hbm>>) target(%dma_start3A_114 : memref<32xf32, #tpu.memory_space<vmem>>) target_semaphore(%arg28 : memref<!tpu.dma_semaphore, #tpu.memory_space<semaphore_mem>>)
      %dma_start3A_116 = tpu.memref_slice %arg20[%multiple_of3A_108] : memref<16384xf32, #tpu.memory_space<vmem>> -> memref<32xf32, #tpu.memory_space<vmem>>
      %dma_start3A_117 = tpu.memref_slice %arg7[%multiple_of3A] : memref<32243712xf32, #tpu.memory_space<hbm>> -> memref<32xf32, #tpu.memory_space<hbm>>
      %dma_start3A_118 = tpu.memref_slice %arg20[%multiple_of3A_108] : memref<16384xf32, #tpu.memory_space<vmem>> -> memref<32xf32, #tpu.memory_space<vmem>>
      %dma_start3A_119 = tpu.memref_slice %arg7[%multiple_of3A] : memref<32243712xf32, #tpu.memory_space<hbm>> -> memref<32xf32, #tpu.memory_space<hbm>>
      tpu.enqueue_dma source(%dma_start3A_119 : memref<32xf32, #tpu.memory_space<hbm>>) target(%dma_start3A_118 : memref<32xf32, #tpu.memory_space<vmem>>) target_semaphore(%arg28 : memref<!tpu.dma_semaphore, #tpu.memory_space<semaphore_mem>>)
      %dma_start3A_120 = tpu.memref_slice %arg21[%multiple_of3A_108] : memref<16384xf32, #tpu.memory_space<vmem>> -> memref<32xf32, #tpu.memory_space<vmem>>
      %dma_start3A_121 = tpu.memref_slice %arg8[%multiple_of3A_103] : memref<32243712xf32, #tpu.memory_space<hbm>> -> memref<32xf32, #tpu.memory_space<hbm>>
      %dma_start3A_122 = tpu.memref_slice %arg21[%multiple_of3A_108] : memref<16384xf32, #tpu.memory_space<vmem>> -> memref<32xf32, #tpu.memory_space<vmem>>
      %dma_start3A_123 = tpu.memref_slice %arg8[%multiple_of3A_103] : memref<32243712xf32, #tpu.memory_space<hbm>> -> memref<32xf32, #tpu.memory_space<hbm>>
      tpu.enqueue_dma source(%dma_start3A_123 : memref<32xf32, #tpu.memory_space<hbm>>) target(%dma_start3A_122 : memref<32xf32, #tpu.memory_space<vmem>>) target_semaphore(%arg28 : memref<!tpu.dma_semaphore, #tpu.memory_space<semaphore_mem>>)
      %slice3A_124 = vector.extract_strided_slice %add3A_77 {offsets = [1], sizes = [1], strides = [1]} : vector<16xi32> to vector<1xi32>
      %squeeze3A_125 = vector.extract %slice3A_124[0] : i32 from vector<1xi32>
      %multiple_of3A_126 = tpu.assume_multiple %squeeze3A_125, 8 : i32
      %slice3A_127 = vector.extract_strided_slice %add3A_100 {offsets = [1], sizes = [1], strides = [1]} : vector<16xi32> to vector<1xi32>
      %squeeze3A_128 = vector.extract %slice3A_127[0] : i32 from vector<1xi32>
      %multiple_of3A_129 = tpu.assume_multiple %squeeze3A_128, 8 : i32
      %add3A_130 = arith.constant 1 : i32
      %add3A_131 = arith.addi %mul3A_53, %add3A_130 : i32
      %mul3A_132 = arith.constant 32 : i32
      %mul3A_133 = arith.muli %add3A_131, %mul3A_132 : i32
      %multiple_of3A_134 = tpu.assume_multiple %mul3A_133, 8 : i32
      %dma_start3A_135 = tpu.memref_slice %arg18[%multiple_of3A_134] : memref<16384xf32, #tpu.memory_space<vmem>> -> memref<32xf32, #tpu.memory_space<vmem>>
      %dma_start3A_136 = tpu.memref_slice %arg5[%multiple_of3A_126] : memref<32243712xf32, #tpu.memory_space<hbm>> -> memref<32xf32, #tpu.memory_space<hbm>>
      %dma_start3A_137 = tpu.memref_slice %arg18[%multiple_of3A_134] : memref<16384xf32, #tpu.memory_space<vmem>> -> memref<32xf32, #tpu.memory_space<vmem>>
      %dma_start3A_138 = tpu.memref_slice %arg5[%multiple_of3A_126] : memref<32243712xf32, #tpu.memory_space<hbm>> -> memref<32xf32, #tpu.memory_space<hbm>>
      tpu.enqueue_dma source(%dma_start3A_138 : memref<32xf32, #tpu.memory_space<hbm>>) target(%dma_start3A_137 : memref<32xf32, #tpu.memory_space<vmem>>) target_semaphore(%arg28 : memref<!tpu.dma_semaphore, #tpu.memory_space<semaphore_mem>>)
      %dma_start3A_139 = tpu.memref_slice %arg19[%multiple_of3A_134] : memref<16384xf32, #tpu.memory_space<vmem>> -> memref<32xf32, #tpu.memory_space<vmem>>
      %dma_start3A_140 = tpu.memref_slice %arg6[%multiple_of3A_129] : memref<32243712xf32, #tpu.memory_space<hbm>> -> memref<32xf32, #tpu.memory_space<hbm>>
      %dma_start3A_141 = tpu.memref_slice %arg19[%multiple_of3A_134] : memref<16384xf32, #tpu.memory_space<vmem>> -> memref<32xf32, #tpu.memory_space<vmem>>
      %dma_start3A_142 = tpu.memref_slice %arg6[%multiple_of3A_129] : memref<32243712xf32, #tpu.memory_space<hbm>> -> memref<32xf32, #tpu.memory_space<hbm>>
      tpu.enqueue_dma source(%dma_start3A_142 : memref<32xf32, #tpu.memory_space<hbm>>) target(%dma_start3A_141 : memref<32xf32, #tpu.memory_space<vmem>>) target_semaphore(%arg28 : memref<!tpu.dma_semaphore, #tpu.memory_space<semaphore_mem>>)
      %dma_start3A_143 = tpu.memref_slice %arg20[%multiple_of3A_134] : memref<16384xf32, #tpu.memory_space<vmem>> -> memref<32xf32, #tpu.memory_space<vmem>>
      %dma_start3A_144 = tpu.memref_slice %arg7[%multiple_of3A_126] : memref<32243712xf32, #tpu.memory_space<hbm>> -> memref<32xf32, #tpu.memory_space<hbm>>
      %dma_start3A_145 = tpu.memref_slice %arg20[%multiple_of3A_134] : memref<16384xf32, #tpu.memory_space<vmem>> -> memref<32xf32, #tpu.memory_space<vmem>>
      %dma_start3A_146 = tpu.memref_slice %arg7[%multiple_of3A_126] : memref<32243712xf32, #tpu.memory_space<hbm>> -> memref<32xf32, #tpu.memory_space<hbm>>
      tpu.enqueue_dma source(%dma_start3A_146 : memref<32xf32, #tpu.memory_space<hbm>>) target(%dma_start3A_145 : memref<32xf32, #tpu.memory_space<vmem>>) target_semaphore(%arg28 : memref<!tpu.dma_semaphore, #tpu.memory_space<semaphore_mem>>)
      %dma_start3A_147 = tpu.memref_slice %arg21[%multiple_of3A_134] : memref<16384xf32, #tpu.memory_space<vmem>> -> memref<32xf32, #tpu.memory_space<vmem>>
      %dma_start3A_148 = tpu.memref_slice %arg8[%multiple_of3A_129] : memref<32243712xf32, #tpu.memory_space<hbm>> -> memref<32xf32, #tpu.memory_space<hbm>>
      %dma_start3A_149 = tpu.memref_slice %arg21[%multiple_of3A_134] : memref<16384xf32, #tpu.memory_space<vmem>> -> memref<32xf32, #tpu.memory_space<vmem>>
      %dma_start3A_150 = tpu.memref_slice %arg8[%multiple_of3A_129] : memref<32243712xf32, #tpu.memory_space<hbm>> -> memref<32xf32, #tpu.memory_space<hbm>>
      tpu.enqueue_dma source(%dma_start3A_150 : memref<32xf32, #tpu.memory_space<hbm>>) target(%dma_start3A_149 : memref<32xf32, #tpu.memory_space<vmem>>) target_semaphore(%arg28 : memref<!tpu.dma_semaphore, #tpu.memory_space<semaphore_mem>>)
      %slice3A_151 = vector.extract_strided_slice %add3A_77 {offsets = [2], sizes = [1], strides = [1]} : vector<16xi32> to vector<1xi32>
      %squeeze3A_152 = vector.extract %slice3A_151[0] : i32 from vector<1xi32>
      %multiple_of3A_153 = tpu.assume_multiple %squeeze3A_152, 8 : i32
      %slice3A_154 = vector.extract_strided_slice %add3A_100 {offsets = [2], sizes = [1], strides = [1]} : vector<16xi32> to vector<1xi32>
      %squeeze3A_155 = vector.extract %slice3A_154[0] : i32 from vector<1xi32>
      %multiple_of3A_156 = tpu.assume_multiple %squeeze3A_155, 8 : i32
      %add3A_157 = arith.constant 2 : i32
      %add3A_158 = arith.addi %mul3A_53, %add3A_157 : i32
      %mul3A_159 = arith.constant 32 : i32
      %mul3A_160 = arith.muli %add3A_158, %mul3A_159 : i32
      %multiple_of3A_161 = tpu.assume_multiple %mul3A_160, 8 : i32
      %dma_start3A_162 = tpu.memref_slice %arg18[%multiple_of3A_161] : memref<16384xf32, #tpu.memory_space<vmem>> -> memref<32xf32, #tpu.memory_space<vmem>>
      %dma_start3A_163 = tpu.memref_slice %arg5[%multiple_of3A_153] : memref<32243712xf32, #tpu.memory_space<hbm>> -> memref<32xf32, #tpu.memory_space<hbm>>
      %dma_start3A_164 = tpu.memref_slice %arg18[%multiple_of3A_161] : memref<16384xf32, #tpu.memory_space<vmem>> -> memref<32xf32, #tpu.memory_space<vmem>>
      %dma_start3A_165 = tpu.memref_slice %arg5[%multiple_of3A_153] : memref<32243712xf32, #tpu.memory_space<hbm>> -> memref<32xf32, #tpu.memory_space<hbm>>
      tpu.enqueue_dma source(%dma_start3A_165 : memref<32xf32, #tpu.memory_space<hbm>>) target(%dma_start3A_164 : memref<32xf32, #tpu.memory_space<vmem>>) target_semaphore(%arg28 : memref<!tpu.dma_semaphore, #tpu.memory_space<semaphore_mem>>)
      %dma_start3A_166 = tpu.memref_slice %arg19[%multiple_of3A_161] : memref<16384xf32, #tpu.memory_space<vmem>> -> memref<32xf32, #tpu.memory_space<vmem>>
      %dma_start3A_167 = tpu.memref_slice %arg6[%multiple_of3A_156] : memref<32243712xf32, #tpu.memory_space<hbm>> -> memref<32xf32, #tpu.memory_space<hbm>>
      %dma_start3A_168 = tpu.memref_slice %arg19[%multiple_of3A_161] : memref<16384xf32, #tpu.memory_space<vmem>> -> memref<32xf32, #tpu.memory_space<vmem>>
      %dma_start3A_169 = tpu.memref_slice %arg6[%multiple_of3A_156] : memref<32243712xf32, #tpu.memory_space<hbm>> -> memref<32xf32, #tpu.memory_space<hbm>>
      tpu.enqueue_dma source(%dma_start3A_169 : memref<32xf32, #tpu.memory_space<hbm>>) target(%dma_start3A_168 : memref<32xf32, #tpu.memory_space<vmem>>) target_semaphore(%arg28 : memref<!tpu.dma_semaphore, #tpu.memory_space<semaphore_mem>>)
      %dma_start3A_170 = tpu.memref_slice %arg20[%multiple_of3A_161] : memref<16384xf32, #tpu.memory_space<vmem>> -> memref<32xf32, #tpu.memory_space<vmem>>
      %dma_start3A_171 = tpu.memref_slice %arg7[%multiple_of3A_153] : memref<32243712xf32, #tpu.memory_space<hbm>> -> memref<32xf32, #tpu.memory_space<hbm>>
      %dma_start3A_172 = tpu.memref_slice %arg20[%multiple_of3A_161] : memref<16384xf32, #tpu.memory_space<vmem>> -> memref<32xf32, #tpu.memory_space<vmem>>
      %dma_start3A_173 = tpu.memref_slice %arg7[%multiple_of3A_153] : memref<32243712xf32, #tpu.memory_space<hbm>> -> memref<32xf32, #tpu.memory_space<hbm>>
      tpu.enqueue_dma source(%dma_start3A_173 : memref<32xf32, #tpu.memory_space<hbm>>) target(%dma_start3A_172 : memref<32xf32, #tpu.memory_space<vmem>>) target_semaphore(%arg28 : memref<!tpu.dma_semaphore, #tpu.memory_space<semaphore_mem>>)
      %dma_start3A_174 = tpu.memref_slice %arg21[%multiple_of3A_161] : memref<16384xf32, #tpu.memory_space<vmem>> -> memref<32xf32, #tpu.memory_space<vmem>>
      %dma_start3A_175 = tpu.memref_slice %arg8[%multiple_of3A_156] : memref<32243712xf32, #tpu.memory_space<hbm>> -> memref<32xf32, #tpu.memory_space<hbm>>
      %dma_start3A_176 = tpu.memref_slice %arg21[%multiple_of3A_161] : memref<16384xf32, #tpu.memory_space<vmem>> -> memref<32xf32, #tpu.memory_space<vmem>>
      %dma_start3A_177 = tpu.memref_slice %arg8[%multiple_of3A_156] : memref<32243712xf32, #tpu.memory_space<hbm>> -> memref<32xf32, #tpu.memory_space<hbm>>
      tpu.enqueue_dma source(%dma_start3A_177 : memref<32xf32, #tpu.memory_space<hbm>>) target(%dma_start3A_176 : memref<32xf32, #tpu.memory_space<vmem>>) target_semaphore(%arg28 : memref<!tpu.dma_semaphore, #tpu.memory_space<semaphore_mem>>)
      %slice3A_178 = vector.extract_strided_slice %add3A_77 {offsets = [3], sizes = [1], strides = [1]} : vector<16xi32> to vector<1xi32>
      %squeeze3A_179 = vector.extract %slice3A_178[0] : i32 from vector<1xi32>
      %multiple_of3A_180 = tpu.assume_multiple %squeeze3A_179, 8 : i32
      %slice3A_181 = vector.extract_strided_slice %add3A_100 {offsets = [3], sizes = [1], strides = [1]} : vector<16xi32> to vector<1xi32>
      %squeeze3A_182 = vector.extract %slice3A_181[0] : i32 from vector<1xi32>
      %multiple_of3A_183 = tpu.assume_multiple %squeeze3A_182, 8 : i32
      %add3A_184 = arith.constant 3 : i32
      %add3A_185 = arith.addi %mul3A_53, %add3A_184 : i32
      %mul3A_186 = arith.constant 32 : i32
      %mul3A_187 = arith.muli %add3A_185, %mul3A_186 : i32
      %multiple_of3A_188 = tpu.assume_multiple %mul3A_187, 8 : i32
      %dma_start3A_189 = tpu.memref_slice %arg18[%multiple_of3A_188] : memref<16384xf32, #tpu.memory_space<vmem>> -> memref<32xf32, #tpu.memory_space<vmem>>
      %dma_start3A_190 = tpu.memref_slice %arg5[%multiple_of3A_180] : memref<32243712xf32, #tpu.memory_space<hbm>> -> memref<32xf32, #tpu.memory_space<hbm>>
      %dma_start3A_191 = tpu.memref_slice %arg18[%multiple_of3A_188] : memref<16384xf32, #tpu.memory_space<vmem>> -> memref<32xf32, #tpu.memory_space<vmem>>
      %dma_start3A_192 = tpu.memref_slice %arg5[%multiple_of3A_180] : memref<32243712xf32, #tpu.memory_space<hbm>> -> memref<32xf32, #tpu.memory_space<hbm>>
      tpu.enqueue_dma source(%dma_start3A_192 : memref<32xf32, #tpu.memory_space<hbm>>) target(%dma_start3A_191 : memref<32xf32, #tpu.memory_space<vmem>>) target_semaphore(%arg28 : memref<!tpu.dma_semaphore, #tpu.memory_space<semaphore_mem>>)
      %dma_start3A_193 = tpu.memref_slice %arg19[%multiple_of3A_188] : memref<16384xf32, #tpu.memory_space<vmem>> -> memref<32xf32, #tpu.memory_space<vmem>>
      %dma_start3A_194 = tpu.memref_slice %arg6[%multiple_of3A_183] : memref<32243712xf32, #tpu.memory_space<hbm>> -> memref<32xf32, #tpu.memory_space<hbm>>
      %dma_start3A_195 = tpu.memref_slice %arg19[%multiple_of3A_188] : memref<16384xf32, #tpu.memory_space<vmem>> -> memref<32xf32, #tpu.memory_space<vmem>>
      %dma_start3A_196 = tpu.memref_slice %arg6[%multiple_of3A_183] : memref<32243712xf32, #tpu.memory_space<hbm>> -> memref<32xf32, #tpu.memory_space<hbm>>
      tpu.enqueue_dma source(%dma_start3A_196 : memref<32xf32, #tpu.memory_space<hbm>>) target(%dma_start3A_195 : memref<32xf32, #tpu.memory_space<vmem>>) target_semaphore(%arg28 : memref<!tpu.dma_semaphore, #tpu.memory_space<semaphore_mem>>)
      %dma_start3A_197 = tpu.memref_slice %arg20[%multiple_of3A_188] : memref<16384xf32, #tpu.memory_space<vmem>> -> memref<32xf32, #tpu.memory_space<vmem>>
      %dma_start3A_198 = tpu.memref_slice %arg7[%multiple_of3A_180] : memref<32243712xf32, #tpu.memory_space<hbm>> -> memref<32xf32, #tpu.memory_space<hbm>>
      %dma_start3A_199 = tpu.memref_slice %arg20[%multiple_of3A_188] : memref<16384xf32, #tpu.memory_space<vmem>> -> memref<32xf32, #tpu.memory_space<vmem>>
      %dma_start3A_200 = tpu.memref_slice %arg7[%multiple_of3A_180] : memref<32243712xf32, #tpu.memory_space<hbm>> -> memref<32xf32, #tpu.memory_space<hbm>>
      tpu.enqueue_dma source(%dma_start3A_200 : memref<32xf32, #tpu.memory_space<hbm>>) target(%dma_start3A_199 : memref<32xf32, #tpu.memory_space<vmem>>) target_semaphore(%arg28 : memref<!tpu.dma_semaphore, #tpu.memory_space<semaphore_mem>>)
      %dma_start3A_201 = tpu.memref_slice %arg21[%multiple_of3A_188] : memref<16384xf32, #tpu.memory_space<vmem>> -> memref<32xf32, #tpu.memory_space<vmem>>
      %dma_start3A_202 = tpu.memref_slice %arg8[%multiple_of3A_183] : memref<32243712xf32, #tpu.memory_space<hbm>> -> memref<32xf32, #tpu.memory_space<hbm>>
      %dma_start3A_203 = tpu.memref_slice %arg21[%multiple_of3A_188] : memref<16384xf32, #tpu.memory_space<vmem>> -> memref<32xf32, #tpu.memory_space<vmem>>
      %dma_start3A_204 = tpu.memref_slice %arg8[%multiple_of3A_183] : memref<32243712xf32, #tpu.memory_space<hbm>> -> memref<32xf32, #tpu.memory_space<hbm>>
      tpu.enqueue_dma source(%dma_start3A_204 : memref<32xf32, #tpu.memory_space<hbm>>) target(%dma_start3A_203 : memref<32xf32, #tpu.memory_space<vmem>>) target_semaphore(%arg28 : memref<!tpu.dma_semaphore, #tpu.memory_space<semaphore_mem>>)
      %slice3A_205 = vector.extract_strided_slice %add3A_77 {offsets = [4], sizes = [1], strides = [1]} : vector<16xi32> to vector<1xi32>
      %squeeze3A_206 = vector.extract %slice3A_205[0] : i32 from vector<1xi32>
      %multiple_of3A_207 = tpu.assume_multiple %squeeze3A_206, 8 : i32
      %slice3A_208 = vector.extract_strided_slice %add3A_100 {offsets = [4], sizes = [1], strides = [1]} : vector<16xi32> to vector<1xi32>
      %squeeze3A_209 = vector.extract %slice3A_208[0] : i32 from vector<1xi32>
      %multiple_of3A_210 = tpu.assume_multiple %squeeze3A_209, 8 : i32
      %add3A_211 = arith.constant 4 : i32
      %add3A_212 = arith.addi %mul3A_53, %add3A_211 : i32
      %mul3A_213 = arith.constant 32 : i32
      %mul3A_214 = arith.muli %add3A_212, %mul3A_213 : i32
      %multiple_of3A_215 = tpu.assume_multiple %mul3A_214, 8 : i32
      %dma_start3A_216 = tpu.memref_slice %arg18[%multiple_of3A_215] : memref<16384xf32, #tpu.memory_space<vmem>> -> memref<32xf32, #tpu.memory_space<vmem>>
      %dma_start3A_217 = tpu.memref_slice %arg5[%multiple_of3A_207] : memref<32243712xf32, #tpu.memory_space<hbm>> -> memref<32xf32, #tpu.memory_space<hbm>>
      %dma_start3A_218 = tpu.memref_slice %arg18[%multiple_of3A_215] : memref<16384xf32, #tpu.memory_space<vmem>> -> memref<32xf32, #tpu.memory_space<vmem>>
      %dma_start3A_219 = tpu.memref_slice %arg5[%multiple_of3A_207] : memref<32243712xf32, #tpu.memory_space<hbm>> -> memref<32xf32, #tpu.memory_space<hbm>>
      tpu.enqueue_dma source(%dma_start3A_219 : memref<32xf32, #tpu.memory_space<hbm>>) target(%dma_start3A_218 : memref<32xf32, #tpu.memory_space<vmem>>) target_semaphore(%arg28 : memref<!tpu.dma_semaphore, #tpu.memory_space<semaphore_mem>>)
      %dma_start3A_220 = tpu.memref_slice %arg19[%multiple_of3A_215] : memref<16384xf32, #tpu.memory_space<vmem>> -> memref<32xf32, #tpu.memory_space<vmem>>
      %dma_start3A_221 = tpu.memref_slice %arg6[%multiple_of3A_210] : memref<32243712xf32, #tpu.memory_space<hbm>> -> memref<32xf32, #tpu.memory_space<hbm>>
      %dma_start3A_222 = tpu.memref_slice %arg19[%multiple_of3A_215] : memref<16384xf32, #tpu.memory_space<vmem>> -> memref<32xf32, #tpu.memory_space<vmem>>
      %dma_start3A_223 = tpu.memref_slice %arg6[%multiple_of3A_210] : memref<32243712xf32, #tpu.memory_space<hbm>> -> memref<32xf32, #tpu.memory_space<hbm>>
      tpu.enqueue_dma source(%dma_start3A_223 : memref<32xf32, #tpu.memory_space<hbm>>) target(%dma_start3A_222 : memref<32xf32, #tpu.memory_space<vmem>>) target_semaphore(%arg28 : memref<!tpu.dma_semaphore, #tpu.memory_space<semaphore_mem>>)
      %dma_start3A_224 = tpu.memref_slice %arg20[%multiple_of3A_215] : memref<16384xf32, #tpu.memory_space<vmem>> -> memref<32xf32, #tpu.memory_space<vmem>>
      %dma_start3A_225 = tpu.memref_slice %arg7[%multiple_of3A_207] : memref<32243712xf32, #tpu.memory_space<hbm>> -> memref<32xf32, #tpu.memory_space<hbm>>
      %dma_start3A_226 = tpu.memref_slice %arg20[%multiple_of3A_215] : memref<16384xf32, #tpu.memory_space<vmem>> -> memref<32xf32, #tpu.memory_space<vmem>>
      %dma_start3A_227 = tpu.memref_slice %arg7[%multiple_of3A_207] : memref<32243712xf32, #tpu.memory_space<hbm>> -> memref<32xf32, #tpu.memory_space<hbm>>
      tpu.enqueue_dma source(%dma_start3A_227 : memref<32xf32, #tpu.memory_space<hbm>>) target(%dma_start3A_226 : memref<32xf32, #tpu.memory_space<vmem>>) target_semaphore(%arg28 : memref<!tpu.dma_semaphore, #tpu.memory_space<semaphore_mem>>)
      %dma_start3A_228 = tpu.memref_slice %arg21[%multiple_of3A_215] : memref<16384xf32, #tpu.memory_space<vmem>> -> memref<32xf32, #tpu.memory_space<vmem>>
      %dma_start3A_229 = tpu.memref_slice %arg8[%multiple_of3A_210] : memref<32243712xf32, #tpu.memory_space<hbm>> -> memref<32xf32, #tpu.memory_space<hbm>>
      %dma_start3A_230 = tpu.memref_slice %arg21[%multiple_of3A_215] : memref<16384xf32, #tpu.memory_space<vmem>> -> memref<32xf32, #tpu.memory_space<vmem>>
      %dma_start3A_231 = tpu.memref_slice %arg8[%multiple_of3A_210] : memref<32243712xf32, #tpu.memory_space<hbm>> -> memref<32xf32, #tpu.memory_space<hbm>>
      tpu.enqueue_dma source(%dma_start3A_231 : memref<32xf32, #tpu.memory_space<hbm>>) target(%dma_start3A_230 : memref<32xf32, #tpu.memory_space<vmem>>) target_semaphore(%arg28 : memref<!tpu.dma_semaphore, #tpu.memory_space<semaphore_mem>>)
      %slice3A_232 = vector.extract_strided_slice %add3A_77 {offsets = [5], sizes = [1], strides = [1]} : vector<16xi32> to vector<1xi32>
      %squeeze3A_233 = vector.extract %slice3A_232[0] : i32 from vector<1xi32>
      %multiple_of3A_234 = tpu.assume_multiple %squeeze3A_233, 8 : i32
      %slice3A_235 = vector.extract_strided_slice %add3A_100 {offsets = [5], sizes = [1], strides = [1]} : vector<16xi32> to vector<1xi32>
      %squeeze3A_236 = vector.extract %slice3A_235[0] : i32 from vector<1xi32>
      %multiple_of3A_237 = tpu.assume_multiple %squeeze3A_236, 8 : i32
      %add3A_238 = arith.constant 5 : i32
      %add3A_239 = arith.addi %mul3A_53, %add3A_238 : i32
      %mul3A_240 = arith.constant 32 : i32
      %mul3A_241 = arith.muli %add3A_239, %mul3A_240 : i32
      %multiple_of3A_242 = tpu.assume_multiple %mul3A_241, 8 : i32
      %dma_start3A_243 = tpu.memref_slice %arg18[%multiple_of3A_242] : memref<16384xf32, #tpu.memory_space<vmem>> -> memref<32xf32, #tpu.memory_space<vmem>>
      %dma_start3A_244 = tpu.memref_slice %arg5[%multiple_of3A_234] : memref<32243712xf32, #tpu.memory_space<hbm>> -> memref<32xf32, #tpu.memory_space<hbm>>
      %dma_start3A_245 = tpu.memref_slice %arg18[%multiple_of3A_242] : memref<16384xf32, #tpu.memory_space<vmem>> -> memref<32xf32, #tpu.memory_space<vmem>>
      %dma_start3A_246 = tpu.memref_slice %arg5[%multiple_of3A_234] : memref<32243712xf32, #tpu.memory_space<hbm>> -> memref<32xf32, #tpu.memory_space<hbm>>
      tpu.enqueue_dma source(%dma_start3A_246 : memref<32xf32, #tpu.memory_space<hbm>>) target(%dma_start3A_245 : memref<32xf32, #tpu.memory_space<vmem>>) target_semaphore(%arg28 : memref<!tpu.dma_semaphore, #tpu.memory_space<semaphore_mem>>)
      %dma_start3A_247 = tpu.memref_slice %arg19[%multiple_of3A_242] : memref<16384xf32, #tpu.memory_space<vmem>> -> memref<32xf32, #tpu.memory_space<vmem>>
      %dma_start3A_248 = tpu.memref_slice %arg6[%multiple_of3A_237] : memref<32243712xf32, #tpu.memory_space<hbm>> -> memref<32xf32, #tpu.memory_space<hbm>>
      %dma_start3A_249 = tpu.memref_slice %arg19[%multiple_of3A_242] : memref<16384xf32, #tpu.memory_space<vmem>> -> memref<32xf32, #tpu.memory_space<vmem>>
      %dma_start3A_250 = tpu.memref_slice %arg6[%multiple_of3A_237] : memref<32243712xf32, #tpu.memory_space<hbm>> -> memref<32xf32, #tpu.memory_space<hbm>>
      tpu.enqueue_dma source(%dma_start3A_250 : memref<32xf32, #tpu.memory_space<hbm>>) target(%dma_start3A_249 : memref<32xf32, #tpu.memory_space<vmem>>) target_semaphore(%arg28 : memref<!tpu.dma_semaphore, #tpu.memory_space<semaphore_mem>>)
      %dma_start3A_251 = tpu.memref_slice %arg20[%multiple_of3A_242] : memref<16384xf32, #tpu.memory_space<vmem>> -> memref<32xf32, #tpu.memory_space<vmem>>
      %dma_start3A_252 = tpu.memref_slice %arg7[%multiple_of3A_234] : memref<32243712xf32, #tpu.memory_space<hbm>> -> memref<32xf32, #tpu.memory_space<hbm>>
      %dma_start3A_253 = tpu.memref_slice %arg20[%multiple_of3A_242] : memref<16384xf32, #tpu.memory_space<vmem>> -> memref<32xf32, #tpu.memory_space<vmem>>
      %dma_start3A_254 = tpu.memref_slice %arg7[%multiple_of3A_234] : memref<32243712xf32, #tpu.memory_space<hbm>> -> memref<32xf32, #tpu.memory_space<hbm>>
      tpu.enqueue_dma source(%dma_start3A_254 : memref<32xf32, #tpu.memory_space<hbm>>) target(%dma_start3A_253 : memref<32xf32, #tpu.memory_space<vmem>>) target_semaphore(%arg28 : memref<!tpu.dma_semaphore, #tpu.memory_space<semaphore_mem>>)
      %dma_start3A_255 = tpu.memref_slice %arg21[%multiple_of3A_242] : memref<16384xf32, #tpu.memory_space<vmem>> -> memref<32xf32, #tpu.memory_space<vmem>>
      %dma_start3A_256 = tpu.memref_slice %arg8[%multiple_of3A_237] : memref<32243712xf32, #tpu.memory_space<hbm>> -> memref<32xf32, #tpu.memory_space<hbm>>
      %dma_start3A_257 = tpu.memref_slice %arg21[%multiple_of3A_242] : memref<16384xf32, #tpu.memory_space<vmem>> -> memref<32xf32, #tpu.memory_space<vmem>>
      %dma_start3A_258 = tpu.memref_slice %arg8[%multiple_of3A_237] : memref<32243712xf32, #tpu.memory_space<hbm>> -> memref<32xf32, #tpu.memory_space<hbm>>
      tpu.enqueue_dma source(%dma_start3A_258 : memref<32xf32, #tpu.memory_space<hbm>>) target(%dma_start3A_257 : memref<32xf32, #tpu.memory_space<vmem>>) target_semaphore(%arg28 : memref<!tpu.dma_semaphore, #tpu.memory_space<semaphore_mem>>)
      %slice3A_259 = vector.extract_strided_slice %add3A_77 {offsets = [6], sizes = [1], strides = [1]} : vector<16xi32> to vector<1xi32>
      %squeeze3A_260 = vector.extract %slice3A_259[0] : i32 from vector<1xi32>
      %multiple_of3A_261 = tpu.assume_multiple %squeeze3A_260, 8 : i32
      %slice3A_262 = vector.extract_strided_slice %add3A_100 {offsets = [6], sizes = [1], strides = [1]} : vector<16xi32> to vector<1xi32>
      %squeeze3A_263 = vector.extract %slice3A_262[0] : i32 from vector<1xi32>
      %multiple_of3A_264 = tpu.assume_multiple %squeeze3A_263, 8 : i32
      %add3A_265 = arith.constant 6 : i32
      %add3A_266 = arith.addi %mul3A_53, %add3A_265 : i32
      %mul3A_267 = arith.constant 32 : i32
      %mul3A_268 = arith.muli %add3A_266, %mul3A_267 : i32
      %multiple_of3A_269 = tpu.assume_multiple %mul3A_268, 8 : i32
      %dma_start3A_270 = tpu.memref_slice %arg18[%multiple_of3A_269] : memref<16384xf32, #tpu.memory_space<vmem>> -> memref<32xf32, #tpu.memory_space<vmem>>
      %dma_start3A_271 = tpu.memref_slice %arg5[%multiple_of3A_261] : memref<32243712xf32, #tpu.memory_space<hbm>> -> memref<32xf32, #tpu.memory_space<hbm>>
      %dma_start3A_272 = tpu.memref_slice %arg18[%multiple_of3A_269] : memref<16384xf32, #tpu.memory_space<vmem>> -> memref<32xf32, #tpu.memory_space<vmem>>
      %dma_start3A_273 = tpu.memref_slice %arg5[%multiple_of3A_261] : memref<32243712xf32, #tpu.memory_space<hbm>> -> memref<32xf32, #tpu.memory_space<hbm>>
      tpu.enqueue_dma source(%dma_start3A_273 : memref<32xf32, #tpu.memory_space<hbm>>) target(%dma_start3A_272 : memref<32xf32, #tpu.memory_space<vmem>>) target_semaphore(%arg28 : memref<!tpu.dma_semaphore, #tpu.memory_space<semaphore_mem>>)
      %dma_start3A_274 = tpu.memref_slice %arg19[%multiple_of3A_269] : memref<16384xf32, #tpu.memory_space<vmem>> -> memref<32xf32, #tpu.memory_space<vmem>>
      %dma_start3A_275 = tpu.memref_slice %arg6[%multiple_of3A_264] : memref<32243712xf32, #tpu.memory_space<hbm>> -> memref<32xf32, #tpu.memory_space<hbm>>
      %dma_start3A_276 = tpu.memref_slice %arg19[%multiple_of3A_269] : memref<16384xf32, #tpu.memory_space<vmem>> -> memref<32xf32, #tpu.memory_space<vmem>>
      %dma_start3A_277 = tpu.memref_slice %arg6[%multiple_of3A_264] : memref<32243712xf32, #tpu.memory_space<hbm>> -> memref<32xf32, #tpu.memory_space<hbm>>
      tpu.enqueue_dma source(%dma_start3A_277 : memref<32xf32, #tpu.memory_space<hbm>>) target(%dma_start3A_276 : memref<32xf32, #tpu.memory_space<vmem>>) target_semaphore(%arg28 : memref<!tpu.dma_semaphore, #tpu.memory_space<semaphore_mem>>)
      %dma_start3A_278 = tpu.memref_slice %arg20[%multiple_of3A_269] : memref<16384xf32, #tpu.memory_space<vmem>> -> memref<32xf32, #tpu.memory_space<vmem>>
      %dma_start3A_279 = tpu.memref_slice %arg7[%multiple_of3A_261] : memref<32243712xf32, #tpu.memory_space<hbm>> -> memref<32xf32, #tpu.memory_space<hbm>>
      %dma_start3A_280 = tpu.memref_slice %arg20[%multiple_of3A_269] : memref<16384xf32, #tpu.memory_space<vmem>> -> memref<32xf32, #tpu.memory_space<vmem>>
      %dma_start3A_281 = tpu.memref_slice %arg7[%multiple_of3A_261] : memref<32243712xf32, #tpu.memory_space<hbm>> -> memref<32xf32, #tpu.memory_space<hbm>>
      tpu.enqueue_dma source(%dma_start3A_281 : memref<32xf32, #tpu.memory_space<hbm>>) target(%dma_start3A_280 : memref<32xf32, #tpu.memory_space<vmem>>) target_semaphore(%arg28 : memref<!tpu.dma_semaphore, #tpu.memory_space<semaphore_mem>>)
      %dma_start3A_282 = tpu.memref_slice %arg21[%multiple_of3A_269] : memref<16384xf32, #tpu.memory_space<vmem>> -> memref<32xf32, #tpu.memory_space<vmem>>
      %dma_start3A_283 = tpu.memref_slice %arg8[%multiple_of3A_264] : memref<32243712xf32, #tpu.memory_space<hbm>> -> memref<32xf32, #tpu.memory_space<hbm>>
      %dma_start3A_284 = tpu.memref_slice %arg21[%multiple_of3A_269] : memref<16384xf32, #tpu.memory_space<vmem>> -> memref<32xf32, #tpu.memory_space<vmem>>
      %dma_start3A_285 = tpu.memref_slice %arg8[%multiple_of3A_264] : memref<32243712xf32, #tpu.memory_space<hbm>> -> memref<32xf32, #tpu.memory_space<hbm>>
      tpu.enqueue_dma source(%dma_start3A_285 : memref<32xf32, #tpu.memory_space<hbm>>) target(%dma_start3A_284 : memref<32xf32, #tpu.memory_space<vmem>>) target_semaphore(%arg28 : memref<!tpu.dma_semaphore, #tpu.memory_space<semaphore_mem>>)
      %slice3A_286 = vector.extract_strided_slice %add3A_77 {offsets = [7], sizes = [1], strides = [1]} : vector<16xi32> to vector<1xi32>
      %squeeze3A_287 = vector.extract %slice3A_286[0] : i32 from vector<1xi32>
      %multiple_of3A_288 = tpu.assume_multiple %squeeze3A_287, 8 : i32
      %slice3A_289 = vector.extract_strided_slice %add3A_100 {offsets = [7], sizes = [1], strides = [1]} : vector<16xi32> to vector<1xi32>
      %squeeze3A_290 = vector.extract %slice3A_289[0] : i32 from vector<1xi32>
      %multiple_of3A_291 = tpu.assume_multiple %squeeze3A_290, 8 : i32
      %add3A_292 = arith.constant 7 : i32
      %add3A_293 = arith.addi %mul3A_53, %add3A_292 : i32
      %mul3A_294 = arith.constant 32 : i32
      %mul3A_295 = arith.muli %add3A_293, %mul3A_294 : i32
      %multiple_of3A_296 = tpu.assume_multiple %mul3A_295, 8 : i32
      %dma_start3A_297 = tpu.memref_slice %arg18[%multiple_of3A_296] : memref<16384xf32, #tpu.memory_space<vmem>> -> memref<32xf32, #tpu.memory_space<vmem>>
      %dma_start3A_298 = tpu.memref_slice %arg5[%multiple_of3A_288] : memref<32243712xf32, #tpu.memory_space<hbm>> -> memref<32xf32, #tpu.memory_space<hbm>>
      %dma_start3A_299 = tpu.memref_slice %arg18[%multiple_of3A_296] : memref<16384xf32, #tpu.memory_space<vmem>> -> memref<32xf32, #tpu.memory_space<vmem>>
      %dma_start3A_300 = tpu.memref_slice %arg5[%multiple_of3A_288] : memref<32243712xf32, #tpu.memory_space<hbm>> -> memref<32xf32, #tpu.memory_space<hbm>>
      tpu.enqueue_dma source(%dma_start3A_300 : memref<32xf32, #tpu.memory_space<hbm>>) target(%dma_start3A_299 : memref<32xf32, #tpu.memory_space<vmem>>) target_semaphore(%arg28 : memref<!tpu.dma_semaphore, #tpu.memory_space<semaphore_mem>>)
      %dma_start3A_301 = tpu.memref_slice %arg19[%multiple_of3A_296] : memref<16384xf32, #tpu.memory_space<vmem>> -> memref<32xf32, #tpu.memory_space<vmem>>
      %dma_start3A_302 = tpu.memref_slice %arg6[%multiple_of3A_291] : memref<32243712xf32, #tpu.memory_space<hbm>> -> memref<32xf32, #tpu.memory_space<hbm>>
      %dma_start3A_303 = tpu.memref_slice %arg19[%multiple_of3A_296] : memref<16384xf32, #tpu.memory_space<vmem>> -> memref<32xf32, #tpu.memory_space<vmem>>
      %dma_start3A_304 = tpu.memref_slice %arg6[%multiple_of3A_291] : memref<32243712xf32, #tpu.memory_space<hbm>> -> memref<32xf32, #tpu.memory_space<hbm>>
      tpu.enqueue_dma source(%dma_start3A_304 : memref<32xf32, #tpu.memory_space<hbm>>) target(%dma_start3A_303 : memref<32xf32, #tpu.memory_space<vmem>>) target_semaphore(%arg28 : memref<!tpu.dma_semaphore, #tpu.memory_space<semaphore_mem>>)
      %dma_start3A_305 = tpu.memref_slice %arg20[%multiple_of3A_296] : memref<16384xf32, #tpu.memory_space<vmem>> -> memref<32xf32, #tpu.memory_space<vmem>>
      %dma_start3A_306 = tpu.memref_slice %arg7[%multiple_of3A_288] : memref<32243712xf32, #tpu.memory_space<hbm>> -> memref<32xf32, #tpu.memory_space<hbm>>
      %dma_start3A_307 = tpu.memref_slice %arg20[%multiple_of3A_296] : memref<16384xf32, #tpu.memory_space<vmem>> -> memref<32xf32, #tpu.memory_space<vmem>>
      %dma_start3A_308 = tpu.memref_slice %arg7[%multiple_of3A_288] : memref<32243712xf32, #tpu.memory_space<hbm>> -> memref<32xf32, #tpu.memory_space<hbm>>
      tpu.enqueue_dma source(%dma_start3A_308 : memref<32xf32, #tpu.memory_space<hbm>>) target(%dma_start3A_307 : memref<32xf32, #tpu.memory_space<vmem>>) target_semaphore(%arg28 : memref<!tpu.dma_semaphore, #tpu.memory_space<semaphore_mem>>)
      %dma_start3A_309 = tpu.memref_slice %arg21[%multiple_of3A_296] : memref<16384xf32, #tpu.memory_space<vmem>> -> memref<32xf32, #tpu.memory_space<vmem>>
      %dma_start3A_310 = tpu.memref_slice %arg8[%multiple_of3A_291] : memref<32243712xf32, #tpu.memory_space<hbm>> -> memref<32xf32, #tpu.memory_space<hbm>>
      %dma_start3A_311 = tpu.memref_slice %arg21[%multiple_of3A_296] : memref<16384xf32, #tpu.memory_space<vmem>> -> memref<32xf32, #tpu.memory_space<vmem>>
      %dma_start3A_312 = tpu.memref_slice %arg8[%multiple_of3A_291] : memref<32243712xf32, #tpu.memory_space<hbm>> -> memref<32xf32, #tpu.memory_space<hbm>>
      tpu.enqueue_dma source(%dma_start3A_312 : memref<32xf32, #tpu.memory_space<hbm>>) target(%dma_start3A_311 : memref<32xf32, #tpu.memory_space<vmem>>) target_semaphore(%arg28 : memref<!tpu.dma_semaphore, #tpu.memory_space<semaphore_mem>>)
      %slice3A_313 = vector.extract_strided_slice %add3A_77 {offsets = [8], sizes = [1], strides = [1]} : vector<16xi32> to vector<1xi32>
      %squeeze3A_314 = vector.extract %slice3A_313[0] : i32 from vector<1xi32>
      %multiple_of3A_315 = tpu.assume_multiple %squeeze3A_314, 8 : i32
      %slice3A_316 = vector.extract_strided_slice %add3A_100 {offsets = [8], sizes = [1], strides = [1]} : vector<16xi32> to vector<1xi32>
      %squeeze3A_317 = vector.extract %slice3A_316[0] : i32 from vector<1xi32>
      %multiple_of3A_318 = tpu.assume_multiple %squeeze3A_317, 8 : i32
      %add3A_319 = arith.constant 8 : i32
      %add3A_320 = arith.addi %mul3A_53, %add3A_319 : i32
      %mul3A_321 = arith.constant 32 : i32
      %mul3A_322 = arith.muli %add3A_320, %mul3A_321 : i32
      %multiple_of3A_323 = tpu.assume_multiple %mul3A_322, 8 : i32
      %dma_start3A_324 = tpu.memref_slice %arg18[%multiple_of3A_323] : memref<16384xf32, #tpu.memory_space<vmem>> -> memref<32xf32, #tpu.memory_space<vmem>>
      %dma_start3A_325 = tpu.memref_slice %arg5[%multiple_of3A_315] : memref<32243712xf32, #tpu.memory_space<hbm>> -> memref<32xf32, #tpu.memory_space<hbm>>
      %dma_start3A_326 = tpu.memref_slice %arg18[%multiple_of3A_323] : memref<16384xf32, #tpu.memory_space<vmem>> -> memref<32xf32, #tpu.memory_space<vmem>>
      %dma_start3A_327 = tpu.memref_slice %arg5[%multiple_of3A_315] : memref<32243712xf32, #tpu.memory_space<hbm>> -> memref<32xf32, #tpu.memory_space<hbm>>
      tpu.enqueue_dma source(%dma_start3A_327 : memref<32xf32, #tpu.memory_space<hbm>>) target(%dma_start3A_326 : memref<32xf32, #tpu.memory_space<vmem>>) target_semaphore(%arg28 : memref<!tpu.dma_semaphore, #tpu.memory_space<semaphore_mem>>)
      %dma_start3A_328 = tpu.memref_slice %arg19[%multiple_of3A_323] : memref<16384xf32, #tpu.memory_space<vmem>> -> memref<32xf32, #tpu.memory_space<vmem>>
      %dma_start3A_329 = tpu.memref_slice %arg6[%multiple_of3A_318] : memref<32243712xf32, #tpu.memory_space<hbm>> -> memref<32xf32, #tpu.memory_space<hbm>>
      %dma_start3A_330 = tpu.memref_slice %arg19[%multiple_of3A_323] : memref<16384xf32, #tpu.memory_space<vmem>> -> memref<32xf32, #tpu.memory_space<vmem>>
      %dma_start3A_331 = tpu.memref_slice %arg6[%multiple_of3A_318] : memref<32243712xf32, #tpu.memory_space<hbm>> -> memref<32xf32, #tpu.memory_space<hbm>>
      tpu.enqueue_dma source(%dma_start3A_331 : memref<32xf32, #tpu.memory_space<hbm>>) target(%dma_start3A_330 : memref<32xf32, #tpu.memory_space<vmem>>) target_semaphore(%arg28 : memref<!tpu.dma_semaphore, #tpu.memory_space<semaphore_mem>>)
      %dma_start3A_332 = tpu.memref_slice %arg20[%multiple_of3A_323] : memref<16384xf32, #tpu.memory_space<vmem>> -> memref<32xf32, #tpu.memory_space<vmem>>
      %dma_start3A_333 = tpu.memref_slice %arg7[%multiple_of3A_315] : memref<32243712xf32, #tpu.memory_space<hbm>> -> memref<32xf32, #tpu.memory_space<hbm>>
      %dma_start3A_334 = tpu.memref_slice %arg20[%multiple_of3A_323] : memref<16384xf32, #tpu.memory_space<vmem>> -> memref<32xf32, #tpu.memory_space<vmem>>
      %dma_start3A_335 = tpu.memref_slice %arg7[%multiple_of3A_315] : memref<32243712xf32, #tpu.memory_space<hbm>> -> memref<32xf32, #tpu.memory_space<hbm>>
      tpu.enqueue_dma source(%dma_start3A_335 : memref<32xf32, #tpu.memory_space<hbm>>) target(%dma_start3A_334 : memref<32xf32, #tpu.memory_space<vmem>>) target_semaphore(%arg28 : memref<!tpu.dma_semaphore, #tpu.memory_space<semaphore_mem>>)
      %dma_start3A_336 = tpu.memref_slice %arg21[%multiple_of3A_323] : memref<16384xf32, #tpu.memory_space<vmem>> -> memref<32xf32, #tpu.memory_space<vmem>>
      %dma_start3A_337 = tpu.memref_slice %arg8[%multiple_of3A_318] : memref<32243712xf32, #tpu.memory_space<hbm>> -> memref<32xf32, #tpu.memory_space<hbm>>
      %dma_start3A_338 = tpu.memref_slice %arg21[%multiple_of3A_323] : memref<16384xf32, #tpu.memory_space<vmem>> -> memref<32xf32, #tpu.memory_space<vmem>>
      %dma_start3A_339 = tpu.memref_slice %arg8[%multiple_of3A_318] : memref<32243712xf32, #tpu.memory_space<hbm>> -> memref<32xf32, #tpu.memory_space<hbm>>
      tpu.enqueue_dma source(%dma_start3A_339 : memref<32xf32, #tpu.memory_space<hbm>>) target(%dma_start3A_338 : memref<32xf32, #tpu.memory_space<vmem>>) target_semaphore(%arg28 : memref<!tpu.dma_semaphore, #tpu.memory_space<semaphore_mem>>)
      %slice3A_340 = vector.extract_strided_slice %add3A_77 {offsets = [9], sizes = [1], strides = [1]} : vector<16xi32> to vector<1xi32>
      %squeeze3A_341 = vector.extract %slice3A_340[0] : i32 from vector<1xi32>
      %multiple_of3A_342 = tpu.assume_multiple %squeeze3A_341, 8 : i32
      %slice3A_343 = vector.extract_strided_slice %add3A_100 {offsets = [9], sizes = [1], strides = [1]} : vector<16xi32> to vector<1xi32>
      %squeeze3A_344 = vector.extract %slice3A_343[0] : i32 from vector<1xi32>
      %multiple_of3A_345 = tpu.assume_multiple %squeeze3A_344, 8 : i32
      %add3A_346 = arith.constant 9 : i32
      %add3A_347 = arith.addi %mul3A_53, %add3A_346 : i32
      %mul3A_348 = arith.constant 32 : i32
      %mul3A_349 = arith.muli %add3A_347, %mul3A_348 : i32
      %multiple_of3A_350 = tpu.assume_multiple %mul3A_349, 8 : i32
      %dma_start3A_351 = tpu.memref_slice %arg18[%multiple_of3A_350] : memref<16384xf32, #tpu.memory_space<vmem>> -> memref<32xf32, #tpu.memory_space<vmem>>
      %dma_start3A_352 = tpu.memref_slice %arg5[%multiple_of3A_342] : memref<32243712xf32, #tpu.memory_space<hbm>> -> memref<32xf32, #tpu.memory_space<hbm>>
      %dma_start3A_353 = tpu.memref_slice %arg18[%multiple_of3A_350] : memref<16384xf32, #tpu.memory_space<vmem>> -> memref<32xf32, #tpu.memory_space<vmem>>
      %dma_start3A_354 = tpu.memref_slice %arg5[%multiple_of3A_342] : memref<32243712xf32, #tpu.memory_space<hbm>> -> memref<32xf32, #tpu.memory_space<hbm>>
      tpu.enqueue_dma source(%dma_start3A_354 : memref<32xf32, #tpu.memory_space<hbm>>) target(%dma_start3A_353 : memref<32xf32, #tpu.memory_space<vmem>>) target_semaphore(%arg28 : memref<!tpu.dma_semaphore, #tpu.memory_space<semaphore_mem>>)
      %dma_start3A_355 = tpu.memref_slice %arg19[%multiple_of3A_350] : memref<16384xf32, #tpu.memory_space<vmem>> -> memref<32xf32, #tpu.memory_space<vmem>>
      %dma_start3A_356 = tpu.memref_slice %arg6[%multiple_of3A_345] : memref<32243712xf32, #tpu.memory_space<hbm>> -> memref<32xf32, #tpu.memory_space<hbm>>
      %dma_start3A_357 = tpu.memref_slice %arg19[%multiple_of3A_350] : memref<16384xf32, #tpu.memory_space<vmem>> -> memref<32xf32, #tpu.memory_space<vmem>>
      %dma_start3A_358 = tpu.memref_slice %arg6[%multiple_of3A_345] : memref<32243712xf32, #tpu.memory_space<hbm>> -> memref<32xf32, #tpu.memory_space<hbm>>
      tpu.enqueue_dma source(%dma_start3A_358 : memref<32xf32, #tpu.memory_space<hbm>>) target(%dma_start3A_357 : memref<32xf32, #tpu.memory_space<vmem>>) target_semaphore(%arg28 : memref<!tpu.dma_semaphore, #tpu.memory_space<semaphore_mem>>)
      %dma_start3A_359 = tpu.memref_slice %arg20[%multiple_of3A_350] : memref<16384xf32, #tpu.memory_space<vmem>> -> memref<32xf32, #tpu.memory_space<vmem>>
      %dma_start3A_360 = tpu.memref_slice %arg7[%multiple_of3A_342] : memref<32243712xf32, #tpu.memory_space<hbm>> -> memref<32xf32, #tpu.memory_space<hbm>>
      %dma_start3A_361 = tpu.memref_slice %arg20[%multiple_of3A_350] : memref<16384xf32, #tpu.memory_space<vmem>> -> memref<32xf32, #tpu.memory_space<vmem>>
      %dma_start3A_362 = tpu.memref_slice %arg7[%multiple_of3A_342] : memref<32243712xf32, #tpu.memory_space<hbm>> -> memref<32xf32, #tpu.memory_space<hbm>>
      tpu.enqueue_dma source(%dma_start3A_362 : memref<32xf32, #tpu.memory_space<hbm>>) target(%dma_start3A_361 : memref<32xf32, #tpu.memory_space<vmem>>) target_semaphore(%arg28 : memref<!tpu.dma_semaphore, #tpu.memory_space<semaphore_mem>>)
      %dma_start3A_363 = tpu.memref_slice %arg21[%multiple_of3A_350] : memref<16384xf32, #tpu.memory_space<vmem>> -> memref<32xf32, #tpu.memory_space<vmem>>
      %dma_start3A_364 = tpu.memref_slice %arg8[%multiple_of3A_345] : memref<32243712xf32, #tpu.memory_space<hbm>> -> memref<32xf32, #tpu.memory_space<hbm>>
      %dma_start3A_365 = tpu.memref_slice %arg21[%multiple_of3A_350] : memref<16384xf32, #tpu.memory_space<vmem>> -> memref<32xf32, #tpu.memory_space<vmem>>
      %dma_start3A_366 = tpu.memref_slice %arg8[%multiple_of3A_345] : memref<32243712xf32, #tpu.memory_space<hbm>> -> memref<32xf32, #tpu.memory_space<hbm>>
      tpu.enqueue_dma source(%dma_start3A_366 : memref<32xf32, #tpu.memory_space<hbm>>) target(%dma_start3A_365 : memref<32xf32, #tpu.memory_space<vmem>>) target_semaphore(%arg28 : memref<!tpu.dma_semaphore, #tpu.memory_space<semaphore_mem>>)
      %slice3A_367 = vector.extract_strided_slice %add3A_77 {offsets = [10], sizes = [1], strides = [1]} : vector<16xi32> to vector<1xi32>
      %squeeze3A_368 = vector.extract %slice3A_367[0] : i32 from vector<1xi32>
      %multiple_of3A_369 = tpu.assume_multiple %squeeze3A_368, 8 : i32
      %slice3A_370 = vector.extract_strided_slice %add3A_100 {offsets = [10], sizes = [1], strides = [1]} : vector<16xi32> to vector<1xi32>
      %squeeze3A_371 = vector.extract %slice3A_370[0] : i32 from vector<1xi32>
      %multiple_of3A_372 = tpu.assume_multiple %squeeze3A_371, 8 : i32
      %add3A_373 = arith.constant 10 : i32
      %add3A_374 = arith.addi %mul3A_53, %add3A_373 : i32
      %mul3A_375 = arith.constant 32 : i32
      %mul3A_376 = arith.muli %add3A_374, %mul3A_375 : i32
      %multiple_of3A_377 = tpu.assume_multiple %mul3A_376, 8 : i32
      %dma_start3A_378 = tpu.memref_slice %arg18[%multiple_of3A_377] : memref<16384xf32, #tpu.memory_space<vmem>> -> memref<32xf32, #tpu.memory_space<vmem>>
      %dma_start3A_379 = tpu.memref_slice %arg5[%multiple_of3A_369] : memref<32243712xf32, #tpu.memory_space<hbm>> -> memref<32xf32, #tpu.memory_space<hbm>>
      %dma_start3A_380 = tpu.memref_slice %arg18[%multiple_of3A_377] : memref<16384xf32, #tpu.memory_space<vmem>> -> memref<32xf32, #tpu.memory_space<vmem>>
      %dma_start3A_381 = tpu.memref_slice %arg5[%multiple_of3A_369] : memref<32243712xf32, #tpu.memory_space<hbm>> -> memref<32xf32, #tpu.memory_space<hbm>>
      tpu.enqueue_dma source(%dma_start3A_381 : memref<32xf32, #tpu.memory_space<hbm>>) target(%dma_start3A_380 : memref<32xf32, #tpu.memory_space<vmem>>) target_semaphore(%arg28 : memref<!tpu.dma_semaphore, #tpu.memory_space<semaphore_mem>>)
      %dma_start3A_382 = tpu.memref_slice %arg19[%multiple_of3A_377] : memref<16384xf32, #tpu.memory_space<vmem>> -> memref<32xf32, #tpu.memory_space<vmem>>
      %dma_start3A_383 = tpu.memref_slice %arg6[%multiple_of3A_372] : memref<32243712xf32, #tpu.memory_space<hbm>> -> memref<32xf32, #tpu.memory_space<hbm>>
      %dma_start3A_384 = tpu.memref_slice %arg19[%multiple_of3A_377] : memref<16384xf32, #tpu.memory_space<vmem>> -> memref<32xf32, #tpu.memory_space<vmem>>
      %dma_start3A_385 = tpu.memref_slice %arg6[%multiple_of3A_372] : memref<32243712xf32, #tpu.memory_space<hbm>> -> memref<32xf32, #tpu.memory_space<hbm>>
      tpu.enqueue_dma source(%dma_start3A_385 : memref<32xf32, #tpu.memory_space<hbm>>) target(%dma_start3A_384 : memref<32xf32, #tpu.memory_space<vmem>>) target_semaphore(%arg28 : memref<!tpu.dma_semaphore, #tpu.memory_space<semaphore_mem>>)
      %dma_start3A_386 = tpu.memref_slice %arg20[%multiple_of3A_377] : memref<16384xf32, #tpu.memory_space<vmem>> -> memref<32xf32, #tpu.memory_space<vmem>>
      %dma_start3A_387 = tpu.memref_slice %arg7[%multiple_of3A_369] : memref<32243712xf32, #tpu.memory_space<hbm>> -> memref<32xf32, #tpu.memory_space<hbm>>
      %dma_start3A_388 = tpu.memref_slice %arg20[%multiple_of3A_377] : memref<16384xf32, #tpu.memory_space<vmem>> -> memref<32xf32, #tpu.memory_space<vmem>>
      %dma_start3A_389 = tpu.memref_slice %arg7[%multiple_of3A_369] : memref<32243712xf32, #tpu.memory_space<hbm>> -> memref<32xf32, #tpu.memory_space<hbm>>
      tpu.enqueue_dma source(%dma_start3A_389 : memref<32xf32, #tpu.memory_space<hbm>>) target(%dma_start3A_388 : memref<32xf32, #tpu.memory_space<vmem>>) target_semaphore(%arg28 : memref<!tpu.dma_semaphore, #tpu.memory_space<semaphore_mem>>)
      %dma_start3A_390 = tpu.memref_slice %arg21[%multiple_of3A_377] : memref<16384xf32, #tpu.memory_space<vmem>> -> memref<32xf32, #tpu.memory_space<vmem>>
      %dma_start3A_391 = tpu.memref_slice %arg8[%multiple_of3A_372] : memref<32243712xf32, #tpu.memory_space<hbm>> -> memref<32xf32, #tpu.memory_space<hbm>>
      %dma_start3A_392 = tpu.memref_slice %arg21[%multiple_of3A_377] : memref<16384xf32, #tpu.memory_space<vmem>> -> memref<32xf32, #tpu.memory_space<vmem>>
      %dma_start3A_393 = tpu.memref_slice %arg8[%multiple_of3A_372] : memref<32243712xf32, #tpu.memory_space<hbm>> -> memref<32xf32, #tpu.memory_space<hbm>>
      tpu.enqueue_dma source(%dma_start3A_393 : memref<32xf32, #tpu.memory_space<hbm>>) target(%dma_start3A_392 : memref<32xf32, #tpu.memory_space<vmem>>) target_semaphore(%arg28 : memref<!tpu.dma_semaphore, #tpu.memory_space<semaphore_mem>>)
      %slice3A_394 = vector.extract_strided_slice %add3A_77 {offsets = [11], sizes = [1], strides = [1]} : vector<16xi32> to vector<1xi32>
      %squeeze3A_395 = vector.extract %slice3A_394[0] : i32 from vector<1xi32>
      %multiple_of3A_396 = tpu.assume_multiple %squeeze3A_395, 8 : i32
      %slice3A_397 = vector.extract_strided_slice %add3A_100 {offsets = [11], sizes = [1], strides = [1]} : vector<16xi32> to vector<1xi32>
      %squeeze3A_398 = vector.extract %slice3A_397[0] : i32 from vector<1xi32>
      %multiple_of3A_399 = tpu.assume_multiple %squeeze3A_398, 8 : i32
      %add3A_400 = arith.constant 11 : i32
      %add3A_401 = arith.addi %mul3A_53, %add3A_400 : i32
      %mul3A_402 = arith.constant 32 : i32
      %mul3A_403 = arith.muli %add3A_401, %mul3A_402 : i32
      %multiple_of3A_404 = tpu.assume_multiple %mul3A_403, 8 : i32
      %dma_start3A_405 = tpu.memref_slice %arg18[%multiple_of3A_404] : memref<16384xf32, #tpu.memory_space<vmem>> -> memref<32xf32, #tpu.memory_space<vmem>>
      %dma_start3A_406 = tpu.memref_slice %arg5[%multiple_of3A_396] : memref<32243712xf32, #tpu.memory_space<hbm>> -> memref<32xf32, #tpu.memory_space<hbm>>
      %dma_start3A_407 = tpu.memref_slice %arg18[%multiple_of3A_404] : memref<16384xf32, #tpu.memory_space<vmem>> -> memref<32xf32, #tpu.memory_space<vmem>>
      %dma_start3A_408 = tpu.memref_slice %arg5[%multiple_of3A_396] : memref<32243712xf32, #tpu.memory_space<hbm>> -> memref<32xf32, #tpu.memory_space<hbm>>
      tpu.enqueue_dma source(%dma_start3A_408 : memref<32xf32, #tpu.memory_space<hbm>>) target(%dma_start3A_407 : memref<32xf32, #tpu.memory_space<vmem>>) target_semaphore(%arg28 : memref<!tpu.dma_semaphore, #tpu.memory_space<semaphore_mem>>)
      %dma_start3A_409 = tpu.memref_slice %arg19[%multiple_of3A_404] : memref<16384xf32, #tpu.memory_space<vmem>> -> memref<32xf32, #tpu.memory_space<vmem>>
      %dma_start3A_410 = tpu.memref_slice %arg6[%multiple_of3A_399] : memref<32243712xf32, #tpu.memory_space<hbm>> -> memref<32xf32, #tpu.memory_space<hbm>>
      %dma_start3A_411 = tpu.memref_slice %arg19[%multiple_of3A_404] : memref<16384xf32, #tpu.memory_space<vmem>> -> memref<32xf32, #tpu.memory_space<vmem>>
      %dma_start3A_412 = tpu.memref_slice %arg6[%multiple_of3A_399] : memref<32243712xf32, #tpu.memory_space<hbm>> -> memref<32xf32, #tpu.memory_space<hbm>>
      tpu.enqueue_dma source(%dma_start3A_412 : memref<32xf32, #tpu.memory_space<hbm>>) target(%dma_start3A_411 : memref<32xf32, #tpu.memory_space<vmem>>) target_semaphore(%arg28 : memref<!tpu.dma_semaphore, #tpu.memory_space<semaphore_mem>>)
      %dma_start3A_413 = tpu.memref_slice %arg20[%multiple_of3A_404] : memref<16384xf32, #tpu.memory_space<vmem>> -> memref<32xf32, #tpu.memory_space<vmem>>
      %dma_start3A_414 = tpu.memref_slice %arg7[%multiple_of3A_396] : memref<32243712xf32, #tpu.memory_space<hbm>> -> memref<32xf32, #tpu.memory_space<hbm>>
      %dma_start3A_415 = tpu.memref_slice %arg20[%multiple_of3A_404] : memref<16384xf32, #tpu.memory_space<vmem>> -> memref<32xf32, #tpu.memory_space<vmem>>
      %dma_start3A_416 = tpu.memref_slice %arg7[%multiple_of3A_396] : memref<32243712xf32, #tpu.memory_space<hbm>> -> memref<32xf32, #tpu.memory_space<hbm>>
      tpu.enqueue_dma source(%dma_start3A_416 : memref<32xf32, #tpu.memory_space<hbm>>) target(%dma_start3A_415 : memref<32xf32, #tpu.memory_space<vmem>>) target_semaphore(%arg28 : memref<!tpu.dma_semaphore, #tpu.memory_space<semaphore_mem>>)
      %dma_start3A_417 = tpu.memref_slice %arg21[%multiple_of3A_404] : memref<16384xf32, #tpu.memory_space<vmem>> -> memref<32xf32, #tpu.memory_space<vmem>>
      %dma_start3A_418 = tpu.memref_slice %arg8[%multiple_of3A_399] : memref<32243712xf32, #tpu.memory_space<hbm>> -> memref<32xf32, #tpu.memory_space<hbm>>
      %dma_start3A_419 = tpu.memref_slice %arg21[%multiple_of3A_404] : memref<16384xf32, #tpu.memory_space<vmem>> -> memref<32xf32, #tpu.memory_space<vmem>>
      %dma_start3A_420 = tpu.memref_slice %arg8[%multiple_of3A_399] : memref<32243712xf32, #tpu.memory_space<hbm>> -> memref<32xf32, #tpu.memory_space<hbm>>
      tpu.enqueue_dma source(%dma_start3A_420 : memref<32xf32, #tpu.memory_space<hbm>>) target(%dma_start3A_419 : memref<32xf32, #tpu.memory_space<vmem>>) target_semaphore(%arg28 : memref<!tpu.dma_semaphore, #tpu.memory_space<semaphore_mem>>)
      %slice3A_421 = vector.extract_strided_slice %add3A_77 {offsets = [12], sizes = [1], strides = [1]} : vector<16xi32> to vector<1xi32>
      %squeeze3A_422 = vector.extract %slice3A_421[0] : i32 from vector<1xi32>
      %multiple_of3A_423 = tpu.assume_multiple %squeeze3A_422, 8 : i32
      %slice3A_424 = vector.extract_strided_slice %add3A_100 {offsets = [12], sizes = [1], strides = [1]} : vector<16xi32> to vector<1xi32>
      %squeeze3A_425 = vector.extract %slice3A_424[0] : i32 from vector<1xi32>
      %multiple_of3A_426 = tpu.assume_multiple %squeeze3A_425, 8 : i32
      %add3A_427 = arith.constant 12 : i32
      %add3A_428 = arith.addi %mul3A_53, %add3A_427 : i32
      %mul3A_429 = arith.constant 32 : i32
      %mul3A_430 = arith.muli %add3A_428, %mul3A_429 : i32
      %multiple_of3A_431 = tpu.assume_multiple %mul3A_430, 8 : i32
      %dma_start3A_432 = tpu.memref_slice %arg18[%multiple_of3A_431] : memref<16384xf32, #tpu.memory_space<vmem>> -> memref<32xf32, #tpu.memory_space<vmem>>
      %dma_start3A_433 = tpu.memref_slice %arg5[%multiple_of3A_423] : memref<32243712xf32, #tpu.memory_space<hbm>> -> memref<32xf32, #tpu.memory_space<hbm>>
      %dma_start3A_434 = tpu.memref_slice %arg18[%multiple_of3A_431] : memref<16384xf32, #tpu.memory_space<vmem>> -> memref<32xf32, #tpu.memory_space<vmem>>
      %dma_start3A_435 = tpu.memref_slice %arg5[%multiple_of3A_423] : memref<32243712xf32, #tpu.memory_space<hbm>> -> memref<32xf32, #tpu.memory_space<hbm>>
      tpu.enqueue_dma source(%dma_start3A_435 : memref<32xf32, #tpu.memory_space<hbm>>) target(%dma_start3A_434 : memref<32xf32, #tpu.memory_space<vmem>>) target_semaphore(%arg28 : memref<!tpu.dma_semaphore, #tpu.memory_space<semaphore_mem>>)
      %dma_start3A_436 = tpu.memref_slice %arg19[%multiple_of3A_431] : memref<16384xf32, #tpu.memory_space<vmem>> -> memref<32xf32, #tpu.memory_space<vmem>>
      %dma_start3A_437 = tpu.memref_slice %arg6[%multiple_of3A_426] : memref<32243712xf32, #tpu.memory_space<hbm>> -> memref<32xf32, #tpu.memory_space<hbm>>
      %dma_start3A_438 = tpu.memref_slice %arg19[%multiple_of3A_431] : memref<16384xf32, #tpu.memory_space<vmem>> -> memref<32xf32, #tpu.memory_space<vmem>>
      %dma_start3A_439 = tpu.memref_slice %arg6[%multiple_of3A_426] : memref<32243712xf32, #tpu.memory_space<hbm>> -> memref<32xf32, #tpu.memory_space<hbm>>
      tpu.enqueue_dma source(%dma_start3A_439 : memref<32xf32, #tpu.memory_space<hbm>>) target(%dma_start3A_438 : memref<32xf32, #tpu.memory_space<vmem>>) target_semaphore(%arg28 : memref<!tpu.dma_semaphore, #tpu.memory_space<semaphore_mem>>)
      %dma_start3A_440 = tpu.memref_slice %arg20[%multiple_of3A_431] : memref<16384xf32, #tpu.memory_space<vmem>> -> memref<32xf32, #tpu.memory_space<vmem>>
      %dma_start3A_441 = tpu.memref_slice %arg7[%multiple_of3A_423] : memref<32243712xf32, #tpu.memory_space<hbm>> -> memref<32xf32, #tpu.memory_space<hbm>>
      %dma_start3A_442 = tpu.memref_slice %arg20[%multiple_of3A_431] : memref<16384xf32, #tpu.memory_space<vmem>> -> memref<32xf32, #tpu.memory_space<vmem>>
      %dma_start3A_443 = tpu.memref_slice %arg7[%multiple_of3A_423] : memref<32243712xf32, #tpu.memory_space<hbm>> -> memref<32xf32, #tpu.memory_space<hbm>>
      tpu.enqueue_dma source(%dma_start3A_443 : memref<32xf32, #tpu.memory_space<hbm>>) target(%dma_start3A_442 : memref<32xf32, #tpu.memory_space<vmem>>) target_semaphore(%arg28 : memref<!tpu.dma_semaphore, #tpu.memory_space<semaphore_mem>>)
      %dma_start3A_444 = tpu.memref_slice %arg21[%multiple_of3A_431] : memref<16384xf32, #tpu.memory_space<vmem>> -> memref<32xf32, #tpu.memory_space<vmem>>
      %dma_start3A_445 = tpu.memref_slice %arg8[%multiple_of3A_426] : memref<32243712xf32, #tpu.memory_space<hbm>> -> memref<32xf32, #tpu.memory_space<hbm>>
      %dma_start3A_446 = tpu.memref_slice %arg21[%multiple_of3A_431] : memref<16384xf32, #tpu.memory_space<vmem>> -> memref<32xf32, #tpu.memory_space<vmem>>
      %dma_start3A_447 = tpu.memref_slice %arg8[%multiple_of3A_426] : memref<32243712xf32, #tpu.memory_space<hbm>> -> memref<32xf32, #tpu.memory_space<hbm>>
      tpu.enqueue_dma source(%dma_start3A_447 : memref<32xf32, #tpu.memory_space<hbm>>) target(%dma_start3A_446 : memref<32xf32, #tpu.memory_space<vmem>>) target_semaphore(%arg28 : memref<!tpu.dma_semaphore, #tpu.memory_space<semaphore_mem>>)
      %slice3A_448 = vector.extract_strided_slice %add3A_77 {offsets = [13], sizes = [1], strides = [1]} : vector<16xi32> to vector<1xi32>
      %squeeze3A_449 = vector.extract %slice3A_448[0] : i32 from vector<1xi32>
      %multiple_of3A_450 = tpu.assume_multiple %squeeze3A_449, 8 : i32
      %slice3A_451 = vector.extract_strided_slice %add3A_100 {offsets = [13], sizes = [1], strides = [1]} : vector<16xi32> to vector<1xi32>
      %squeeze3A_452 = vector.extract %slice3A_451[0] : i32 from vector<1xi32>
      %multiple_of3A_453 = tpu.assume_multiple %squeeze3A_452, 8 : i32
      %add3A_454 = arith.constant 13 : i32
      %add3A_455 = arith.addi %mul3A_53, %add3A_454 : i32
      %mul3A_456 = arith.constant 32 : i32
      %mul3A_457 = arith.muli %add3A_455, %mul3A_456 : i32
      %multiple_of3A_458 = tpu.assume_multiple %mul3A_457, 8 : i32
      %dma_start3A_459 = tpu.memref_slice %arg18[%multiple_of3A_458] : memref<16384xf32, #tpu.memory_space<vmem>> -> memref<32xf32, #tpu.memory_space<vmem>>
      %dma_start3A_460 = tpu.memref_slice %arg5[%multiple_of3A_450] : memref<32243712xf32, #tpu.memory_space<hbm>> -> memref<32xf32, #tpu.memory_space<hbm>>
      %dma_start3A_461 = tpu.memref_slice %arg18[%multiple_of3A_458] : memref<16384xf32, #tpu.memory_space<vmem>> -> memref<32xf32, #tpu.memory_space<vmem>>
      %dma_start3A_462 = tpu.memref_slice %arg5[%multiple_of3A_450] : memref<32243712xf32, #tpu.memory_space<hbm>> -> memref<32xf32, #tpu.memory_space<hbm>>
      tpu.enqueue_dma source(%dma_start3A_462 : memref<32xf32, #tpu.memory_space<hbm>>) target(%dma_start3A_461 : memref<32xf32, #tpu.memory_space<vmem>>) target_semaphore(%arg28 : memref<!tpu.dma_semaphore, #tpu.memory_space<semaphore_mem>>)
      %dma_start3A_463 = tpu.memref_slice %arg19[%multiple_of3A_458] : memref<16384xf32, #tpu.memory_space<vmem>> -> memref<32xf32, #tpu.memory_space<vmem>>
      %dma_start3A_464 = tpu.memref_slice %arg6[%multiple_of3A_453] : memref<32243712xf32, #tpu.memory_space<hbm>> -> memref<32xf32, #tpu.memory_space<hbm>>
      %dma_start3A_465 = tpu.memref_slice %arg19[%multiple_of3A_458] : memref<16384xf32, #tpu.memory_space<vmem>> -> memref<32xf32, #tpu.memory_space<vmem>>
      %dma_start3A_466 = tpu.memref_slice %arg6[%multiple_of3A_453] : memref<32243712xf32, #tpu.memory_space<hbm>> -> memref<32xf32, #tpu.memory_space<hbm>>
      tpu.enqueue_dma source(%dma_start3A_466 : memref<32xf32, #tpu.memory_space<hbm>>) target(%dma_start3A_465 : memref<32xf32, #tpu.memory_space<vmem>>) target_semaphore(%arg28 : memref<!tpu.dma_semaphore, #tpu.memory_space<semaphore_mem>>)
      %dma_start3A_467 = tpu.memref_slice %arg20[%multiple_of3A_458] : memref<16384xf32, #tpu.memory_space<vmem>> -> memref<32xf32, #tpu.memory_space<vmem>>
      %dma_start3A_468 = tpu.memref_slice %arg7[%multiple_of3A_450] : memref<32243712xf32, #tpu.memory_space<hbm>> -> memref<32xf32, #tpu.memory_space<hbm>>
      %dma_start3A_469 = tpu.memref_slice %arg20[%multiple_of3A_458] : memref<16384xf32, #tpu.memory_space<vmem>> -> memref<32xf32, #tpu.memory_space<vmem>>
      %dma_start3A_470 = tpu.memref_slice %arg7[%multiple_of3A_450] : memref<32243712xf32, #tpu.memory_space<hbm>> -> memref<32xf32, #tpu.memory_space<hbm>>
      tpu.enqueue_dma source(%dma_start3A_470 : memref<32xf32, #tpu.memory_space<hbm>>) target(%dma_start3A_469 : memref<32xf32, #tpu.memory_space<vmem>>) target_semaphore(%arg28 : memref<!tpu.dma_semaphore, #tpu.memory_space<semaphore_mem>>)
      %dma_start3A_471 = tpu.memref_slice %arg21[%multiple_of3A_458] : memref<16384xf32, #tpu.memory_space<vmem>> -> memref<32xf32, #tpu.memory_space<vmem>>
      %dma_start3A_472 = tpu.memref_slice %arg8[%multiple_of3A_453] : memref<32243712xf32, #tpu.memory_space<hbm>> -> memref<32xf32, #tpu.memory_space<hbm>>
      %dma_start3A_473 = tpu.memref_slice %arg21[%multiple_of3A_458] : memref<16384xf32, #tpu.memory_space<vmem>> -> memref<32xf32, #tpu.memory_space<vmem>>
      %dma_start3A_474 = tpu.memref_slice %arg8[%multiple_of3A_453] : memref<32243712xf32, #tpu.memory_space<hbm>> -> memref<32xf32, #tpu.memory_space<hbm>>
      tpu.enqueue_dma source(%dma_start3A_474 : memref<32xf32, #tpu.memory_space<hbm>>) target(%dma_start3A_473 : memref<32xf32, #tpu.memory_space<vmem>>) target_semaphore(%arg28 : memref<!tpu.dma_semaphore, #tpu.memory_space<semaphore_mem>>)
      %slice3A_475 = vector.extract_strided_slice %add3A_77 {offsets = [14], sizes = [1], strides = [1]} : vector<16xi32> to vector<1xi32>
      %squeeze3A_476 = vector.extract %slice3A_475[0] : i32 from vector<1xi32>
      %multiple_of3A_477 = tpu.assume_multiple %squeeze3A_476, 8 : i32
      %slice3A_478 = vector.extract_strided_slice %add3A_100 {offsets = [14], sizes = [1], strides = [1]} : vector<16xi32> to vector<1xi32>
      %squeeze3A_479 = vector.extract %slice3A_478[0] : i32 from vector<1xi32>
      %multiple_of3A_480 = tpu.assume_multiple %squeeze3A_479, 8 : i32
      %add3A_481 = arith.constant 14 : i32
      %add3A_482 = arith.addi %mul3A_53, %add3A_481 : i32
      %mul3A_483 = arith.constant 32 : i32
      %mul3A_484 = arith.muli %add3A_482, %mul3A_483 : i32
      %multiple_of3A_485 = tpu.assume_multiple %mul3A_484, 8 : i32
      %dma_start3A_486 = tpu.memref_slice %arg18[%multiple_of3A_485] : memref<16384xf32, #tpu.memory_space<vmem>> -> memref<32xf32, #tpu.memory_space<vmem>>
      %dma_start3A_487 = tpu.memref_slice %arg5[%multiple_of3A_477] : memref<32243712xf32, #tpu.memory_space<hbm>> -> memref<32xf32, #tpu.memory_space<hbm>>
      %dma_start3A_488 = tpu.memref_slice %arg18[%multiple_of3A_485] : memref<16384xf32, #tpu.memory_space<vmem>> -> memref<32xf32, #tpu.memory_space<vmem>>
      %dma_start3A_489 = tpu.memref_slice %arg5[%multiple_of3A_477] : memref<32243712xf32, #tpu.memory_space<hbm>> -> memref<32xf32, #tpu.memory_space<hbm>>
      tpu.enqueue_dma source(%dma_start3A_489 : memref<32xf32, #tpu.memory_space<hbm>>) target(%dma_start3A_488 : memref<32xf32, #tpu.memory_space<vmem>>) target_semaphore(%arg28 : memref<!tpu.dma_semaphore, #tpu.memory_space<semaphore_mem>>)
      %dma_start3A_490 = tpu.memref_slice %arg19[%multiple_of3A_485] : memref<16384xf32, #tpu.memory_space<vmem>> -> memref<32xf32, #tpu.memory_space<vmem>>
      %dma_start3A_491 = tpu.memref_slice %arg6[%multiple_of3A_480] : memref<32243712xf32, #tpu.memory_space<hbm>> -> memref<32xf32, #tpu.memory_space<hbm>>
      %dma_start3A_492 = tpu.memref_slice %arg19[%multiple_of3A_485] : memref<16384xf32, #tpu.memory_space<vmem>> -> memref<32xf32, #tpu.memory_space<vmem>>
      %dma_start3A_493 = tpu.memref_slice %arg6[%multiple_of3A_480] : memref<32243712xf32, #tpu.memory_space<hbm>> -> memref<32xf32, #tpu.memory_space<hbm>>
      tpu.enqueue_dma source(%dma_start3A_493 : memref<32xf32, #tpu.memory_space<hbm>>) target(%dma_start3A_492 : memref<32xf32, #tpu.memory_space<vmem>>) target_semaphore(%arg28 : memref<!tpu.dma_semaphore, #tpu.memory_space<semaphore_mem>>)
      %dma_start3A_494 = tpu.memref_slice %arg20[%multiple_of3A_485] : memref<16384xf32, #tpu.memory_space<vmem>> -> memref<32xf32, #tpu.memory_space<vmem>>
      %dma_start3A_495 = tpu.memref_slice %arg7[%multiple_of3A_477] : memref<32243712xf32, #tpu.memory_space<hbm>> -> memref<32xf32, #tpu.memory_space<hbm>>
      %dma_start3A_496 = tpu.memref_slice %arg20[%multiple_of3A_485] : memref<16384xf32, #tpu.memory_space<vmem>> -> memref<32xf32, #tpu.memory_space<vmem>>
      %dma_start3A_497 = tpu.memref_slice %arg7[%multiple_of3A_477] : memref<32243712xf32, #tpu.memory_space<hbm>> -> memref<32xf32, #tpu.memory_space<hbm>>
      tpu.enqueue_dma source(%dma_start3A_497 : memref<32xf32, #tpu.memory_space<hbm>>) target(%dma_start3A_496 : memref<32xf32, #tpu.memory_space<vmem>>) target_semaphore(%arg28 : memref<!tpu.dma_semaphore, #tpu.memory_space<semaphore_mem>>)
      %dma_start3A_498 = tpu.memref_slice %arg21[%multiple_of3A_485] : memref<16384xf32, #tpu.memory_space<vmem>> -> memref<32xf32, #tpu.memory_space<vmem>>
      %dma_start3A_499 = tpu.memref_slice %arg8[%multiple_of3A_480] : memref<32243712xf32, #tpu.memory_space<hbm>> -> memref<32xf32, #tpu.memory_space<hbm>>
      %dma_start3A_500 = tpu.memref_slice %arg21[%multiple_of3A_485] : memref<16384xf32, #tpu.memory_space<vmem>> -> memref<32xf32, #tpu.memory_space<vmem>>
      %dma_start3A_501 = tpu.memref_slice %arg8[%multiple_of3A_480] : memref<32243712xf32, #tpu.memory_space<hbm>> -> memref<32xf32, #tpu.memory_space<hbm>>
      tpu.enqueue_dma source(%dma_start3A_501 : memref<32xf32, #tpu.memory_space<hbm>>) target(%dma_start3A_500 : memref<32xf32, #tpu.memory_space<vmem>>) target_semaphore(%arg28 : memref<!tpu.dma_semaphore, #tpu.memory_space<semaphore_mem>>)
      %slice3A_502 = vector.extract_strided_slice %add3A_77 {offsets = [15], sizes = [1], strides = [1]} : vector<16xi32> to vector<1xi32>
      %squeeze3A_503 = vector.extract %slice3A_502[0] : i32 from vector<1xi32>
      %multiple_of3A_504 = tpu.assume_multiple %squeeze3A_503, 8 : i32
      %slice3A_505 = vector.extract_strided_slice %add3A_100 {offsets = [15], sizes = [1], strides = [1]} : vector<16xi32> to vector<1xi32>
      %squeeze3A_506 = vector.extract %slice3A_505[0] : i32 from vector<1xi32>
      %multiple_of3A_507 = tpu.assume_multiple %squeeze3A_506, 8 : i32
      %add3A_508 = arith.constant 15 : i32
      %add3A_509 = arith.addi %mul3A_53, %add3A_508 : i32
      %mul3A_510 = arith.constant 32 : i32
      %mul3A_511 = arith.muli %add3A_509, %mul3A_510 : i32
      %multiple_of3A_512 = tpu.assume_multiple %mul3A_511, 8 : i32
      %dma_start3A_513 = tpu.memref_slice %arg18[%multiple_of3A_512] : memref<16384xf32, #tpu.memory_space<vmem>> -> memref<32xf32, #tpu.memory_space<vmem>>
      %dma_start3A_514 = tpu.memref_slice %arg5[%multiple_of3A_504] : memref<32243712xf32, #tpu.memory_space<hbm>> -> memref<32xf32, #tpu.memory_space<hbm>>
      %dma_start3A_515 = tpu.memref_slice %arg18[%multiple_of3A_512] : memref<16384xf32, #tpu.memory_space<vmem>> -> memref<32xf32, #tpu.memory_space<vmem>>
      %dma_start3A_516 = tpu.memref_slice %arg5[%multiple_of3A_504] : memref<32243712xf32, #tpu.memory_space<hbm>> -> memref<32xf32, #tpu.memory_space<hbm>>
      tpu.enqueue_dma source(%dma_start3A_516 : memref<32xf32, #tpu.memory_space<hbm>>) target(%dma_start3A_515 : memref<32xf32, #tpu.memory_space<vmem>>) target_semaphore(%arg28 : memref<!tpu.dma_semaphore, #tpu.memory_space<semaphore_mem>>)
      %dma_start3A_517 = tpu.memref_slice %arg19[%multiple_of3A_512] : memref<16384xf32, #tpu.memory_space<vmem>> -> memref<32xf32, #tpu.memory_space<vmem>>
      %dma_start3A_518 = tpu.memref_slice %arg6[%multiple_of3A_507] : memref<32243712xf32, #tpu.memory_space<hbm>> -> memref<32xf32, #tpu.memory_space<hbm>>
      %dma_start3A_519 = tpu.memref_slice %arg19[%multiple_of3A_512] : memref<16384xf32, #tpu.memory_space<vmem>> -> memref<32xf32, #tpu.memory_space<vmem>>
      %dma_start3A_520 = tpu.memref_slice %arg6[%multiple_of3A_507] : memref<32243712xf32, #tpu.memory_space<hbm>> -> memref<32xf32, #tpu.memory_space<hbm>>
      tpu.enqueue_dma source(%dma_start3A_520 : memref<32xf32, #tpu.memory_space<hbm>>) target(%dma_start3A_519 : memref<32xf32, #tpu.memory_space<vmem>>) target_semaphore(%arg28 : memref<!tpu.dma_semaphore, #tpu.memory_space<semaphore_mem>>)
      %dma_start3A_521 = tpu.memref_slice %arg20[%multiple_of3A_512] : memref<16384xf32, #tpu.memory_space<vmem>> -> memref<32xf32, #tpu.memory_space<vmem>>
      %dma_start3A_522 = tpu.memref_slice %arg7[%multiple_of3A_504] : memref<32243712xf32, #tpu.memory_space<hbm>> -> memref<32xf32, #tpu.memory_space<hbm>>
      %dma_start3A_523 = tpu.memref_slice %arg20[%multiple_of3A_512] : memref<16384xf32, #tpu.memory_space<vmem>> -> memref<32xf32, #tpu.memory_space<vmem>>
      %dma_start3A_524 = tpu.memref_slice %arg7[%multiple_of3A_504] : memref<32243712xf32, #tpu.memory_space<hbm>> -> memref<32xf32, #tpu.memory_space<hbm>>
      tpu.enqueue_dma source(%dma_start3A_524 : memref<32xf32, #tpu.memory_space<hbm>>) target(%dma_start3A_523 : memref<32xf32, #tpu.memory_space<vmem>>) target_semaphore(%arg28 : memref<!tpu.dma_semaphore, #tpu.memory_space<semaphore_mem>>)
      %dma_start3A_525 = tpu.memref_slice %arg21[%multiple_of3A_512] : memref<16384xf32, #tpu.memory_space<vmem>> -> memref<32xf32, #tpu.memory_space<vmem>>
      %dma_start3A_526 = tpu.memref_slice %arg8[%multiple_of3A_507] : memref<32243712xf32, #tpu.memory_space<hbm>> -> memref<32xf32, #tpu.memory_space<hbm>>
      %dma_start3A_527 = tpu.memref_slice %arg21[%multiple_of3A_512] : memref<16384xf32, #tpu.memory_space<vmem>> -> memref<32xf32, #tpu.memory_space<vmem>>
      %dma_start3A_528 = tpu.memref_slice %arg8[%multiple_of3A_507] : memref<32243712xf32, #tpu.memory_space<hbm>> -> memref<32xf32, #tpu.memory_space<hbm>>
      tpu.enqueue_dma source(%dma_start3A_528 : memref<32xf32, #tpu.memory_space<hbm>>) target(%dma_start3A_527 : memref<32xf32, #tpu.memory_space<vmem>>) target_semaphore(%arg28 : memref<!tpu.dma_semaphore, #tpu.memory_space<semaphore_mem>>)
      %dma_wait3A = tpu.memref_slice %arg18[%multiple_of3A_108] : memref<16384xf32, #tpu.memory_space<vmem>> -> memref<32xf32, #tpu.memory_space<vmem>>
      %dma_wait3A_529 = tpu.memref_slice %arg5[%multiple_of3A] : memref<32243712xf32, #tpu.memory_space<hbm>> -> memref<32xf32, #tpu.memory_space<hbm>>
      %dma_wait3A_530 = tpu.memref_slice %arg18[%multiple_of3A_108] : memref<16384xf32, #tpu.memory_space<vmem>> -> memref<32xf32, #tpu.memory_space<vmem>>
      %dma_wait3A_531 = tpu.memref_slice %arg5[%multiple_of3A] : memref<32243712xf32, #tpu.memory_space<hbm>> -> memref<32xf32, #tpu.memory_space<hbm>>
      tpu.wait_dma2 semaphore(%arg28 : memref<!tpu.dma_semaphore, #tpu.memory_space<semaphore_mem>>) src(%dma_wait3A_531 : memref<32xf32, #tpu.memory_space<hbm>>) dst(%dma_wait3A_530 : memref<32xf32, #tpu.memory_space<vmem>>)
      %dma_wait3A_532 = tpu.memref_slice %arg19[%multiple_of3A_108] : memref<16384xf32, #tpu.memory_space<vmem>> -> memref<32xf32, #tpu.memory_space<vmem>>
      %dma_wait3A_533 = tpu.memref_slice %arg6[%multiple_of3A_103] : memref<32243712xf32, #tpu.memory_space<hbm>> -> memref<32xf32, #tpu.memory_space<hbm>>
      %dma_wait3A_534 = tpu.memref_slice %arg19[%multiple_of3A_108] : memref<16384xf32, #tpu.memory_space<vmem>> -> memref<32xf32, #tpu.memory_space<vmem>>
      %dma_wait3A_535 = tpu.memref_slice %arg6[%multiple_of3A_103] : memref<32243712xf32, #tpu.memory_space<hbm>> -> memref<32xf32, #tpu.memory_space<hbm>>
      tpu.wait_dma2 semaphore(%arg28 : memref<!tpu.dma_semaphore, #tpu.memory_space<semaphore_mem>>) src(%dma_wait3A_535 : memref<32xf32, #tpu.memory_space<hbm>>) dst(%dma_wait3A_534 : memref<32xf32, #tpu.memory_space<vmem>>)
      %dma_wait3A_536 = tpu.memref_slice %arg20[%multiple_of3A_108] : memref<16384xf32, #tpu.memory_space<vmem>> -> memref<32xf32, #tpu.memory_space<vmem>>
      %dma_wait3A_537 = tpu.memref_slice %arg7[%multiple_of3A] : memref<32243712xf32, #tpu.memory_space<hbm>> -> memref<32xf32, #tpu.memory_space<hbm>>
      %dma_wait3A_538 = tpu.memref_slice %arg20[%multiple_of3A_108] : memref<16384xf32, #tpu.memory_space<vmem>> -> memref<32xf32, #tpu.memory_space<vmem>>
      %dma_wait3A_539 = tpu.memref_slice %arg7[%multiple_of3A] : memref<32243712xf32, #tpu.memory_space<hbm>> -> memref<32xf32, #tpu.memory_space<hbm>>
      tpu.wait_dma2 semaphore(%arg28 : memref<!tpu.dma_semaphore, #tpu.memory_space<semaphore_mem>>) src(%dma_wait3A_539 : memref<32xf32, #tpu.memory_space<hbm>>) dst(%dma_wait3A_538 : memref<32xf32, #tpu.memory_space<vmem>>)
      %dma_wait3A_540 = tpu.memref_slice %arg21[%multiple_of3A_108] : memref<16384xf32, #tpu.memory_space<vmem>> -> memref<32xf32, #tpu.memory_space<vmem>>
      %dma_wait3A_541 = tpu.memref_slice %arg8[%multiple_of3A_103] : memref<32243712xf32, #tpu.memory_space<hbm>> -> memref<32xf32, #tpu.memory_space<hbm>>
      %dma_wait3A_542 = tpu.memref_slice %arg21[%multiple_of3A_108] : memref<16384xf32, #tpu.memory_space<vmem>> -> memref<32xf32, #tpu.memory_space<vmem>>
      %dma_wait3A_543 = tpu.memref_slice %arg8[%multiple_of3A_103] : memref<32243712xf32, #tpu.memory_space<hbm>> -> memref<32xf32, #tpu.memory_space<hbm>>
      tpu.wait_dma2 semaphore(%arg28 : memref<!tpu.dma_semaphore, #tpu.memory_space<semaphore_mem>>) src(%dma_wait3A_543 : memref<32xf32, #tpu.memory_space<hbm>>) dst(%dma_wait3A_542 : memref<32xf32, #tpu.memory_space<vmem>>)
      %dma_wait3A_544 = tpu.memref_slice %arg18[%multiple_of3A_134] : memref<16384xf32, #tpu.memory_space<vmem>> -> memref<32xf32, #tpu.memory_space<vmem>>
      %dma_wait3A_545 = tpu.memref_slice %arg5[%multiple_of3A_126] : memref<32243712xf32, #tpu.memory_space<hbm>> -> memref<32xf32, #tpu.memory_space<hbm>>
      %dma_wait3A_546 = tpu.memref_slice %arg18[%multiple_of3A_134] : memref<16384xf32, #tpu.memory_space<vmem>> -> memref<32xf32, #tpu.memory_space<vmem>>
      %dma_wait3A_547 = tpu.memref_slice %arg5[%multiple_of3A_126] : memref<32243712xf32, #tpu.memory_space<hbm>> -> memref<32xf32, #tpu.memory_space<hbm>>
      tpu.wait_dma2 semaphore(%arg28 : memref<!tpu.dma_semaphore, #tpu.memory_space<semaphore_mem>>) src(%dma_wait3A_547 : memref<32xf32, #tpu.memory_space<hbm>>) dst(%dma_wait3A_546 : memref<32xf32, #tpu.memory_space<vmem>>)
      %dma_wait3A_548 = tpu.memref_slice %arg19[%multiple_of3A_134] : memref<16384xf32, #tpu.memory_space<vmem>> -> memref<32xf32, #tpu.memory_space<vmem>>
      %dma_wait3A_549 = tpu.memref_slice %arg6[%multiple_of3A_129] : memref<32243712xf32, #tpu.memory_space<hbm>> -> memref<32xf32, #tpu.memory_space<hbm>>
      %dma_wait3A_550 = tpu.memref_slice %arg19[%multiple_of3A_134] : memref<16384xf32, #tpu.memory_space<vmem>> -> memref<32xf32, #tpu.memory_space<vmem>>
      %dma_wait3A_551 = tpu.memref_slice %arg6[%multiple_of3A_129] : memref<32243712xf32, #tpu.memory_space<hbm>> -> memref<32xf32, #tpu.memory_space<hbm>>
      tpu.wait_dma2 semaphore(%arg28 : memref<!tpu.dma_semaphore, #tpu.memory_space<semaphore_mem>>) src(%dma_wait3A_551 : memref<32xf32, #tpu.memory_space<hbm>>) dst(%dma_wait3A_550 : memref<32xf32, #tpu.memory_space<vmem>>)
      %dma_wait3A_552 = tpu.memref_slice %arg20[%multiple_of3A_134] : memref<16384xf32, #tpu.memory_space<vmem>> -> memref<32xf32, #tpu.memory_space<vmem>>
      %dma_wait3A_553 = tpu.memref_slice %arg7[%multiple_of3A_126] : memref<32243712xf32, #tpu.memory_space<hbm>> -> memref<32xf32, #tpu.memory_space<hbm>>
      %dma_wait3A_554 = tpu.memref_slice %arg20[%multiple_of3A_134] : memref<16384xf32, #tpu.memory_space<vmem>> -> memref<32xf32, #tpu.memory_space<vmem>>
      %dma_wait3A_555 = tpu.memref_slice %arg7[%multiple_of3A_126] : memref<32243712xf32, #tpu.memory_space<hbm>> -> memref<32xf32, #tpu.memory_space<hbm>>
      tpu.wait_dma2 semaphore(%arg28 : memref<!tpu.dma_semaphore, #tpu.memory_space<semaphore_mem>>) src(%dma_wait3A_555 : memref<32xf32, #tpu.memory_space<hbm>>) dst(%dma_wait3A_554 : memref<32xf32, #tpu.memory_space<vmem>>)
      %dma_wait3A_556 = tpu.memref_slice %arg21[%multiple_of3A_134] : memref<16384xf32, #tpu.memory_space<vmem>> -> memref<32xf32, #tpu.memory_space<vmem>>
      %dma_wait3A_557 = tpu.memref_slice %arg8[%multiple_of3A_129] : memref<32243712xf32, #tpu.memory_space<hbm>> -> memref<32xf32, #tpu.memory_space<hbm>>
      %dma_wait3A_558 = tpu.memref_slice %arg21[%multiple_of3A_134] : memref<16384xf32, #tpu.memory_space<vmem>> -> memref<32xf32, #tpu.memory_space<vmem>>
      %dma_wait3A_559 = tpu.memref_slice %arg8[%multiple_of3A_129] : memref<32243712xf32, #tpu.memory_space<hbm>> -> memref<32xf32, #tpu.memory_space<hbm>>
      tpu.wait_dma2 semaphore(%arg28 : memref<!tpu.dma_semaphore, #tpu.memory_space<semaphore_mem>>) src(%dma_wait3A_559 : memref<32xf32, #tpu.memory_space<hbm>>) dst(%dma_wait3A_558 : memref<32xf32, #tpu.memory_space<vmem>>)
      %dma_wait3A_560 = tpu.memref_slice %arg18[%multiple_of3A_161] : memref<16384xf32, #tpu.memory_space<vmem>> -> memref<32xf32, #tpu.memory_space<vmem>>
      %dma_wait3A_561 = tpu.memref_slice %arg5[%multiple_of3A_153] : memref<32243712xf32, #tpu.memory_space<hbm>> -> memref<32xf32, #tpu.memory_space<hbm>>
      %dma_wait3A_562 = tpu.memref_slice %arg18[%multiple_of3A_161] : memref<16384xf32, #tpu.memory_space<vmem>> -> memref<32xf32, #tpu.memory_space<vmem>>
      %dma_wait3A_563 = tpu.memref_slice %arg5[%multiple_of3A_153] : memref<32243712xf32, #tpu.memory_space<hbm>> -> memref<32xf32, #tpu.memory_space<hbm>>
      tpu.wait_dma2 semaphore(%arg28 : memref<!tpu.dma_semaphore, #tpu.memory_space<semaphore_mem>>) src(%dma_wait3A_563 : memref<32xf32, #tpu.memory_space<hbm>>) dst(%dma_wait3A_562 : memref<32xf32, #tpu.memory_space<vmem>>)
      %dma_wait3A_564 = tpu.memref_slice %arg19[%multiple_of3A_161] : memref<16384xf32, #tpu.memory_space<vmem>> -> memref<32xf32, #tpu.memory_space<vmem>>
      %dma_wait3A_565 = tpu.memref_slice %arg6[%multiple_of3A_156] : memref<32243712xf32, #tpu.memory_space<hbm>> -> memref<32xf32, #tpu.memory_space<hbm>>
      %dma_wait3A_566 = tpu.memref_slice %arg19[%multiple_of3A_161] : memref<16384xf32, #tpu.memory_space<vmem>> -> memref<32xf32, #tpu.memory_space<vmem>>
      %dma_wait3A_567 = tpu.memref_slice %arg6[%multiple_of3A_156] : memref<32243712xf32, #tpu.memory_space<hbm>> -> memref<32xf32, #tpu.memory_space<hbm>>
      tpu.wait_dma2 semaphore(%arg28 : memref<!tpu.dma_semaphore, #tpu.memory_space<semaphore_mem>>) src(%dma_wait3A_567 : memref<32xf32, #tpu.memory_space<hbm>>) dst(%dma_wait3A_566 : memref<32xf32, #tpu.memory_space<vmem>>)
      %dma_wait3A_568 = tpu.memref_slice %arg20[%multiple_of3A_161] : memref<16384xf32, #tpu.memory_space<vmem>> -> memref<32xf32, #tpu.memory_space<vmem>>
      %dma_wait3A_569 = tpu.memref_slice %arg7[%multiple_of3A_153] : memref<32243712xf32, #tpu.memory_space<hbm>> -> memref<32xf32, #tpu.memory_space<hbm>>
      %dma_wait3A_570 = tpu.memref_slice %arg20[%multiple_of3A_161] : memref<16384xf32, #tpu.memory_space<vmem>> -> memref<32xf32, #tpu.memory_space<vmem>>
      %dma_wait3A_571 = tpu.memref_slice %arg7[%multiple_of3A_153] : memref<32243712xf32, #tpu.memory_space<hbm>> -> memref<32xf32, #tpu.memory_space<hbm>>
      tpu.wait_dma2 semaphore(%arg28 : memref<!tpu.dma_semaphore, #tpu.memory_space<semaphore_mem>>) src(%dma_wait3A_571 : memref<32xf32, #tpu.memory_space<hbm>>) dst(%dma_wait3A_570 : memref<32xf32, #tpu.memory_space<vmem>>)
      %dma_wait3A_572 = tpu.memref_slice %arg21[%multiple_of3A_161] : memref<16384xf32, #tpu.memory_space<vmem>> -> memref<32xf32, #tpu.memory_space<vmem>>
      %dma_wait3A_573 = tpu.memref_slice %arg8[%multiple_of3A_156] : memref<32243712xf32, #tpu.memory_space<hbm>> -> memref<32xf32, #tpu.memory_space<hbm>>
      %dma_wait3A_574 = tpu.memref_slice %arg21[%multiple_of3A_161] : memref<16384xf32, #tpu.memory_space<vmem>> -> memref<32xf32, #tpu.memory_space<vmem>>
      %dma_wait3A_575 = tpu.memref_slice %arg8[%multiple_of3A_156] : memref<32243712xf32, #tpu.memory_space<hbm>> -> memref<32xf32, #tpu.memory_space<hbm>>
      tpu.wait_dma2 semaphore(%arg28 : memref<!tpu.dma_semaphore, #tpu.memory_space<semaphore_mem>>) src(%dma_wait3A_575 : memref<32xf32, #tpu.memory_space<hbm>>) dst(%dma_wait3A_574 : memref<32xf32, #tpu.memory_space<vmem>>)
      %dma_wait3A_576 = tpu.memref_slice %arg18[%multiple_of3A_188] : memref<16384xf32, #tpu.memory_space<vmem>> -> memref<32xf32, #tpu.memory_space<vmem>>
      %dma_wait3A_577 = tpu.memref_slice %arg5[%multiple_of3A_180] : memref<32243712xf32, #tpu.memory_space<hbm>> -> memref<32xf32, #tpu.memory_space<hbm>>
      %dma_wait3A_578 = tpu.memref_slice %arg18[%multiple_of3A_188] : memref<16384xf32, #tpu.memory_space<vmem>> -> memref<32xf32, #tpu.memory_space<vmem>>
      %dma_wait3A_579 = tpu.memref_slice %arg5[%multiple_of3A_180] : memref<32243712xf32, #tpu.memory_space<hbm>> -> memref<32xf32, #tpu.memory_space<hbm>>
      tpu.wait_dma2 semaphore(%arg28 : memref<!tpu.dma_semaphore, #tpu.memory_space<semaphore_mem>>) src(%dma_wait3A_579 : memref<32xf32, #tpu.memory_space<hbm>>) dst(%dma_wait3A_578 : memref<32xf32, #tpu.memory_space<vmem>>)
      %dma_wait3A_580 = tpu.memref_slice %arg19[%multiple_of3A_188] : memref<16384xf32, #tpu.memory_space<vmem>> -> memref<32xf32, #tpu.memory_space<vmem>>
      %dma_wait3A_581 = tpu.memref_slice %arg6[%multiple_of3A_183] : memref<32243712xf32, #tpu.memory_space<hbm>> -> memref<32xf32, #tpu.memory_space<hbm>>
      %dma_wait3A_582 = tpu.memref_slice %arg19[%multiple_of3A_188] : memref<16384xf32, #tpu.memory_space<vmem>> -> memref<32xf32, #tpu.memory_space<vmem>>
      %dma_wait3A_583 = tpu.memref_slice %arg6[%multiple_of3A_183] : memref<32243712xf32, #tpu.memory_space<hbm>> -> memref<32xf32, #tpu.memory_space<hbm>>
      tpu.wait_dma2 semaphore(%arg28 : memref<!tpu.dma_semaphore, #tpu.memory_space<semaphore_mem>>) src(%dma_wait3A_583 : memref<32xf32, #tpu.memory_space<hbm>>) dst(%dma_wait3A_582 : memref<32xf32, #tpu.memory_space<vmem>>)
      %dma_wait3A_584 = tpu.memref_slice %arg20[%multiple_of3A_188] : memref<16384xf32, #tpu.memory_space<vmem>> -> memref<32xf32, #tpu.memory_space<vmem>>
      %dma_wait3A_585 = tpu.memref_slice %arg7[%multiple_of3A_180] : memref<32243712xf32, #tpu.memory_space<hbm>> -> memref<32xf32, #tpu.memory_space<hbm>>
      %dma_wait3A_586 = tpu.memref_slice %arg20[%multiple_of3A_188] : memref<16384xf32, #tpu.memory_space<vmem>> -> memref<32xf32, #tpu.memory_space<vmem>>
      %dma_wait3A_587 = tpu.memref_slice %arg7[%multiple_of3A_180] : memref<32243712xf32, #tpu.memory_space<hbm>> -> memref<32xf32, #tpu.memory_space<hbm>>
      tpu.wait_dma2 semaphore(%arg28 : memref<!tpu.dma_semaphore, #tpu.memory_space<semaphore_mem>>) src(%dma_wait3A_587 : memref<32xf32, #tpu.memory_space<hbm>>) dst(%dma_wait3A_586 : memref<32xf32, #tpu.memory_space<vmem>>)
      %dma_wait3A_588 = tpu.memref_slice %arg21[%multiple_of3A_188] : memref<16384xf32, #tpu.memory_space<vmem>> -> memref<32xf32, #tpu.memory_space<vmem>>
      %dma_wait3A_589 = tpu.memref_slice %arg8[%multiple_of3A_183] : memref<32243712xf32, #tpu.memory_space<hbm>> -> memref<32xf32, #tpu.memory_space<hbm>>
      %dma_wait3A_590 = tpu.memref_slice %arg21[%multiple_of3A_188] : memref<16384xf32, #tpu.memory_space<vmem>> -> memref<32xf32, #tpu.memory_space<vmem>>
      %dma_wait3A_591 = tpu.memref_slice %arg8[%multiple_of3A_183] : memref<32243712xf32, #tpu.memory_space<hbm>> -> memref<32xf32, #tpu.memory_space<hbm>>
      tpu.wait_dma2 semaphore(%arg28 : memref<!tpu.dma_semaphore, #tpu.memory_space<semaphore_mem>>) src(%dma_wait3A_591 : memref<32xf32, #tpu.memory_space<hbm>>) dst(%dma_wait3A_590 : memref<32xf32, #tpu.memory_space<vmem>>)
      %dma_wait3A_592 = tpu.memref_slice %arg18[%multiple_of3A_215] : memref<16384xf32, #tpu.memory_space<vmem>> -> memref<32xf32, #tpu.memory_space<vmem>>
      %dma_wait3A_593 = tpu.memref_slice %arg5[%multiple_of3A_207] : memref<32243712xf32, #tpu.memory_space<hbm>> -> memref<32xf32, #tpu.memory_space<hbm>>
      %dma_wait3A_594 = tpu.memref_slice %arg18[%multiple_of3A_215] : memref<16384xf32, #tpu.memory_space<vmem>> -> memref<32xf32, #tpu.memory_space<vmem>>
      %dma_wait3A_595 = tpu.memref_slice %arg5[%multiple_of3A_207] : memref<32243712xf32, #tpu.memory_space<hbm>> -> memref<32xf32, #tpu.memory_space<hbm>>
      tpu.wait_dma2 semaphore(%arg28 : memref<!tpu.dma_semaphore, #tpu.memory_space<semaphore_mem>>) src(%dma_wait3A_595 : memref<32xf32, #tpu.memory_space<hbm>>) dst(%dma_wait3A_594 : memref<32xf32, #tpu.memory_space<vmem>>)
      %dma_wait3A_596 = tpu.memref_slice %arg19[%multiple_of3A_215] : memref<16384xf32, #tpu.memory_space<vmem>> -> memref<32xf32, #tpu.memory_space<vmem>>
      %dma_wait3A_597 = tpu.memref_slice %arg6[%multiple_of3A_210] : memref<32243712xf32, #tpu.memory_space<hbm>> -> memref<32xf32, #tpu.memory_space<hbm>>
      %dma_wait3A_598 = tpu.memref_slice %arg19[%multiple_of3A_215] : memref<16384xf32, #tpu.memory_space<vmem>> -> memref<32xf32, #tpu.memory_space<vmem>>
      %dma_wait3A_599 = tpu.memref_slice %arg6[%multiple_of3A_210] : memref<32243712xf32, #tpu.memory_space<hbm>> -> memref<32xf32, #tpu.memory_space<hbm>>
      tpu.wait_dma2 semaphore(%arg28 : memref<!tpu.dma_semaphore, #tpu.memory_space<semaphore_mem>>) src(%dma_wait3A_599 : memref<32xf32, #tpu.memory_space<hbm>>) dst(%dma_wait3A_598 : memref<32xf32, #tpu.memory_space<vmem>>)
      %dma_wait3A_600 = tpu.memref_slice %arg20[%multiple_of3A_215] : memref<16384xf32, #tpu.memory_space<vmem>> -> memref<32xf32, #tpu.memory_space<vmem>>
      %dma_wait3A_601 = tpu.memref_slice %arg7[%multiple_of3A_207] : memref<32243712xf32, #tpu.memory_space<hbm>> -> memref<32xf32, #tpu.memory_space<hbm>>
      %dma_wait3A_602 = tpu.memref_slice %arg20[%multiple_of3A_215] : memref<16384xf32, #tpu.memory_space<vmem>> -> memref<32xf32, #tpu.memory_space<vmem>>
      %dma_wait3A_603 = tpu.memref_slice %arg7[%multiple_of3A_207] : memref<32243712xf32, #tpu.memory_space<hbm>> -> memref<32xf32, #tpu.memory_space<hbm>>
      tpu.wait_dma2 semaphore(%arg28 : memref<!tpu.dma_semaphore, #tpu.memory_space<semaphore_mem>>) src(%dma_wait3A_603 : memref<32xf32, #tpu.memory_space<hbm>>) dst(%dma_wait3A_602 : memref<32xf32, #tpu.memory_space<vmem>>)
      %dma_wait3A_604 = tpu.memref_slice %arg21[%multiple_of3A_215] : memref<16384xf32, #tpu.memory_space<vmem>> -> memref<32xf32, #tpu.memory_space<vmem>>
      %dma_wait3A_605 = tpu.memref_slice %arg8[%multiple_of3A_210] : memref<32243712xf32, #tpu.memory_space<hbm>> -> memref<32xf32, #tpu.memory_space<hbm>>
      %dma_wait3A_606 = tpu.memref_slice %arg21[%multiple_of3A_215] : memref<16384xf32, #tpu.memory_space<vmem>> -> memref<32xf32, #tpu.memory_space<vmem>>
      %dma_wait3A_607 = tpu.memref_slice %arg8[%multiple_of3A_210] : memref<32243712xf32, #tpu.memory_space<hbm>> -> memref<32xf32, #tpu.memory_space<hbm>>
      tpu.wait_dma2 semaphore(%arg28 : memref<!tpu.dma_semaphore, #tpu.memory_space<semaphore_mem>>) src(%dma_wait3A_607 : memref<32xf32, #tpu.memory_space<hbm>>) dst(%dma_wait3A_606 : memref<32xf32, #tpu.memory_space<vmem>>)
      %dma_wait3A_608 = tpu.memref_slice %arg18[%multiple_of3A_242] : memref<16384xf32, #tpu.memory_space<vmem>> -> memref<32xf32, #tpu.memory_space<vmem>>
      %dma_wait3A_609 = tpu.memref_slice %arg5[%multiple_of3A_234] : memref<32243712xf32, #tpu.memory_space<hbm>> -> memref<32xf32, #tpu.memory_space<hbm>>
      %dma_wait3A_610 = tpu.memref_slice %arg18[%multiple_of3A_242] : memref<16384xf32, #tpu.memory_space<vmem>> -> memref<32xf32, #tpu.memory_space<vmem>>
      %dma_wait3A_611 = tpu.memref_slice %arg5[%multiple_of3A_234] : memref<32243712xf32, #tpu.memory_space<hbm>> -> memref<32xf32, #tpu.memory_space<hbm>>
      tpu.wait_dma2 semaphore(%arg28 : memref<!tpu.dma_semaphore, #tpu.memory_space<semaphore_mem>>) src(%dma_wait3A_611 : memref<32xf32, #tpu.memory_space<hbm>>) dst(%dma_wait3A_610 : memref<32xf32, #tpu.memory_space<vmem>>)
      %dma_wait3A_612 = tpu.memref_slice %arg19[%multiple_of3A_242] : memref<16384xf32, #tpu.memory_space<vmem>> -> memref<32xf32, #tpu.memory_space<vmem>>
      %dma_wait3A_613 = tpu.memref_slice %arg6[%multiple_of3A_237] : memref<32243712xf32, #tpu.memory_space<hbm>> -> memref<32xf32, #tpu.memory_space<hbm>>
      %dma_wait3A_614 = tpu.memref_slice %arg19[%multiple_of3A_242] : memref<16384xf32, #tpu.memory_space<vmem>> -> memref<32xf32, #tpu.memory_space<vmem>>
      %dma_wait3A_615 = tpu.memref_slice %arg6[%multiple_of3A_237] : memref<32243712xf32, #tpu.memory_space<hbm>> -> memref<32xf32, #tpu.memory_space<hbm>>
      tpu.wait_dma2 semaphore(%arg28 : memref<!tpu.dma_semaphore, #tpu.memory_space<semaphore_mem>>) src(%dma_wait3A_615 : memref<32xf32, #tpu.memory_space<hbm>>) dst(%dma_wait3A_614 : memref<32xf32, #tpu.memory_space<vmem>>)
      %dma_wait3A_616 = tpu.memref_slice %arg20[%multiple_of3A_242] : memref<16384xf32, #tpu.memory_space<vmem>> -> memref<32xf32, #tpu.memory_space<vmem>>
      %dma_wait3A_617 = tpu.memref_slice %arg7[%multiple_of3A_234] : memref<32243712xf32, #tpu.memory_space<hbm>> -> memref<32xf32, #tpu.memory_space<hbm>>
      %dma_wait3A_618 = tpu.memref_slice %arg20[%multiple_of3A_242] : memref<16384xf32, #tpu.memory_space<vmem>> -> memref<32xf32, #tpu.memory_space<vmem>>
      %dma_wait3A_619 = tpu.memref_slice %arg7[%multiple_of3A_234] : memref<32243712xf32, #tpu.memory_space<hbm>> -> memref<32xf32, #tpu.memory_space<hbm>>
      tpu.wait_dma2 semaphore(%arg28 : memref<!tpu.dma_semaphore, #tpu.memory_space<semaphore_mem>>) src(%dma_wait3A_619 : memref<32xf32, #tpu.memory_space<hbm>>) dst(%dma_wait3A_618 : memref<32xf32, #tpu.memory_space<vmem>>)
      %dma_wait3A_620 = tpu.memref_slice %arg21[%multiple_of3A_242] : memref<16384xf32, #tpu.memory_space<vmem>> -> memref<32xf32, #tpu.memory_space<vmem>>
      %dma_wait3A_621 = tpu.memref_slice %arg8[%multiple_of3A_237] : memref<32243712xf32, #tpu.memory_space<hbm>> -> memref<32xf32, #tpu.memory_space<hbm>>
      %dma_wait3A_622 = tpu.memref_slice %arg21[%multiple_of3A_242] : memref<16384xf32, #tpu.memory_space<vmem>> -> memref<32xf32, #tpu.memory_space<vmem>>
      %dma_wait3A_623 = tpu.memref_slice %arg8[%multiple_of3A_237] : memref<32243712xf32, #tpu.memory_space<hbm>> -> memref<32xf32, #tpu.memory_space<hbm>>
      tpu.wait_dma2 semaphore(%arg28 : memref<!tpu.dma_semaphore, #tpu.memory_space<semaphore_mem>>) src(%dma_wait3A_623 : memref<32xf32, #tpu.memory_space<hbm>>) dst(%dma_wait3A_622 : memref<32xf32, #tpu.memory_space<vmem>>)
      %dma_wait3A_624 = tpu.memref_slice %arg18[%multiple_of3A_269] : memref<16384xf32, #tpu.memory_space<vmem>> -> memref<32xf32, #tpu.memory_space<vmem>>
      %dma_wait3A_625 = tpu.memref_slice %arg5[%multiple_of3A_261] : memref<32243712xf32, #tpu.memory_space<hbm>> -> memref<32xf32, #tpu.memory_space<hbm>>
      %dma_wait3A_626 = tpu.memref_slice %arg18[%multiple_of3A_269] : memref<16384xf32, #tpu.memory_space<vmem>> -> memref<32xf32, #tpu.memory_space<vmem>>
      %dma_wait3A_627 = tpu.memref_slice %arg5[%multiple_of3A_261] : memref<32243712xf32, #tpu.memory_space<hbm>> -> memref<32xf32, #tpu.memory_space<hbm>>
      tpu.wait_dma2 semaphore(%arg28 : memref<!tpu.dma_semaphore, #tpu.memory_space<semaphore_mem>>) src(%dma_wait3A_627 : memref<32xf32, #tpu.memory_space<hbm>>) dst(%dma_wait3A_626 : memref<32xf32, #tpu.memory_space<vmem>>)
      %dma_wait3A_628 = tpu.memref_slice %arg19[%multiple_of3A_269] : memref<16384xf32, #tpu.memory_space<vmem>> -> memref<32xf32, #tpu.memory_space<vmem>>
      %dma_wait3A_629 = tpu.memref_slice %arg6[%multiple_of3A_264] : memref<32243712xf32, #tpu.memory_space<hbm>> -> memref<32xf32, #tpu.memory_space<hbm>>
      %dma_wait3A_630 = tpu.memref_slice %arg19[%multiple_of3A_269] : memref<16384xf32, #tpu.memory_space<vmem>> -> memref<32xf32, #tpu.memory_space<vmem>>
      %dma_wait3A_631 = tpu.memref_slice %arg6[%multiple_of3A_264] : memref<32243712xf32, #tpu.memory_space<hbm>> -> memref<32xf32, #tpu.memory_space<hbm>>
      tpu.wait_dma2 semaphore(%arg28 : memref<!tpu.dma_semaphore, #tpu.memory_space<semaphore_mem>>) src(%dma_wait3A_631 : memref<32xf32, #tpu.memory_space<hbm>>) dst(%dma_wait3A_630 : memref<32xf32, #tpu.memory_space<vmem>>)
      %dma_wait3A_632 = tpu.memref_slice %arg20[%multiple_of3A_269] : memref<16384xf32, #tpu.memory_space<vmem>> -> memref<32xf32, #tpu.memory_space<vmem>>
      %dma_wait3A_633 = tpu.memref_slice %arg7[%multiple_of3A_261] : memref<32243712xf32, #tpu.memory_space<hbm>> -> memref<32xf32, #tpu.memory_space<hbm>>
      %dma_wait3A_634 = tpu.memref_slice %arg20[%multiple_of3A_269] : memref<16384xf32, #tpu.memory_space<vmem>> -> memref<32xf32, #tpu.memory_space<vmem>>
      %dma_wait3A_635 = tpu.memref_slice %arg7[%multiple_of3A_261] : memref<32243712xf32, #tpu.memory_space<hbm>> -> memref<32xf32, #tpu.memory_space<hbm>>
      tpu.wait_dma2 semaphore(%arg28 : memref<!tpu.dma_semaphore, #tpu.memory_space<semaphore_mem>>) src(%dma_wait3A_635 : memref<32xf32, #tpu.memory_space<hbm>>) dst(%dma_wait3A_634 : memref<32xf32, #tpu.memory_space<vmem>>)
      %dma_wait3A_636 = tpu.memref_slice %arg21[%multiple_of3A_269] : memref<16384xf32, #tpu.memory_space<vmem>> -> memref<32xf32, #tpu.memory_space<vmem>>
      %dma_wait3A_637 = tpu.memref_slice %arg8[%multiple_of3A_264] : memref<32243712xf32, #tpu.memory_space<hbm>> -> memref<32xf32, #tpu.memory_space<hbm>>
      %dma_wait3A_638 = tpu.memref_slice %arg21[%multiple_of3A_269] : memref<16384xf32, #tpu.memory_space<vmem>> -> memref<32xf32, #tpu.memory_space<vmem>>
      %dma_wait3A_639 = tpu.memref_slice %arg8[%multiple_of3A_264] : memref<32243712xf32, #tpu.memory_space<hbm>> -> memref<32xf32, #tpu.memory_space<hbm>>
      tpu.wait_dma2 semaphore(%arg28 : memref<!tpu.dma_semaphore, #tpu.memory_space<semaphore_mem>>) src(%dma_wait3A_639 : memref<32xf32, #tpu.memory_space<hbm>>) dst(%dma_wait3A_638 : memref<32xf32, #tpu.memory_space<vmem>>)
      %dma_wait3A_640 = tpu.memref_slice %arg18[%multiple_of3A_296] : memref<16384xf32, #tpu.memory_space<vmem>> -> memref<32xf32, #tpu.memory_space<vmem>>
      %dma_wait3A_641 = tpu.memref_slice %arg5[%multiple_of3A_288] : memref<32243712xf32, #tpu.memory_space<hbm>> -> memref<32xf32, #tpu.memory_space<hbm>>
      %dma_wait3A_642 = tpu.memref_slice %arg18[%multiple_of3A_296] : memref<16384xf32, #tpu.memory_space<vmem>> -> memref<32xf32, #tpu.memory_space<vmem>>
      %dma_wait3A_643 = tpu.memref_slice %arg5[%multiple_of3A_288] : memref<32243712xf32, #tpu.memory_space<hbm>> -> memref<32xf32, #tpu.memory_space<hbm>>
      tpu.wait_dma2 semaphore(%arg28 : memref<!tpu.dma_semaphore, #tpu.memory_space<semaphore_mem>>) src(%dma_wait3A_643 : memref<32xf32, #tpu.memory_space<hbm>>) dst(%dma_wait3A_642 : memref<32xf32, #tpu.memory_space<vmem>>)
      %dma_wait3A_644 = tpu.memref_slice %arg19[%multiple_of3A_296] : memref<16384xf32, #tpu.memory_space<vmem>> -> memref<32xf32, #tpu.memory_space<vmem>>
      %dma_wait3A_645 = tpu.memref_slice %arg6[%multiple_of3A_291] : memref<32243712xf32, #tpu.memory_space<hbm>> -> memref<32xf32, #tpu.memory_space<hbm>>
      %dma_wait3A_646 = tpu.memref_slice %arg19[%multiple_of3A_296] : memref<16384xf32, #tpu.memory_space<vmem>> -> memref<32xf32, #tpu.memory_space<vmem>>
      %dma_wait3A_647 = tpu.memref_slice %arg6[%multiple_of3A_291] : memref<32243712xf32, #tpu.memory_space<hbm>> -> memref<32xf32, #tpu.memory_space<hbm>>
      tpu.wait_dma2 semaphore(%arg28 : memref<!tpu.dma_semaphore, #tpu.memory_space<semaphore_mem>>) src(%dma_wait3A_647 : memref<32xf32, #tpu.memory_space<hbm>>) dst(%dma_wait3A_646 : memref<32xf32, #tpu.memory_space<vmem>>)
      %dma_wait3A_648 = tpu.memref_slice %arg20[%multiple_of3A_296] : memref<16384xf32, #tpu.memory_space<vmem>> -> memref<32xf32, #tpu.memory_space<vmem>>
      %dma_wait3A_649 = tpu.memref_slice %arg7[%multiple_of3A_288] : memref<32243712xf32, #tpu.memory_space<hbm>> -> memref<32xf32, #tpu.memory_space<hbm>>
      %dma_wait3A_650 = tpu.memref_slice %arg20[%multiple_of3A_296] : memref<16384xf32, #tpu.memory_space<vmem>> -> memref<32xf32, #tpu.memory_space<vmem>>
      %dma_wait3A_651 = tpu.memref_slice %arg7[%multiple_of3A_288] : memref<32243712xf32, #tpu.memory_space<hbm>> -> memref<32xf32, #tpu.memory_space<hbm>>
      tpu.wait_dma2 semaphore(%arg28 : memref<!tpu.dma_semaphore, #tpu.memory_space<semaphore_mem>>) src(%dma_wait3A_651 : memref<32xf32, #tpu.memory_space<hbm>>) dst(%dma_wait3A_650 : memref<32xf32, #tpu.memory_space<vmem>>)
      %dma_wait3A_652 = tpu.memref_slice %arg21[%multiple_of3A_296] : memref<16384xf32, #tpu.memory_space<vmem>> -> memref<32xf32, #tpu.memory_space<vmem>>
      %dma_wait3A_653 = tpu.memref_slice %arg8[%multiple_of3A_291] : memref<32243712xf32, #tpu.memory_space<hbm>> -> memref<32xf32, #tpu.memory_space<hbm>>
      %dma_wait3A_654 = tpu.memref_slice %arg21[%multiple_of3A_296] : memref<16384xf32, #tpu.memory_space<vmem>> -> memref<32xf32, #tpu.memory_space<vmem>>
      %dma_wait3A_655 = tpu.memref_slice %arg8[%multiple_of3A_291] : memref<32243712xf32, #tpu.memory_space<hbm>> -> memref<32xf32, #tpu.memory_space<hbm>>
      tpu.wait_dma2 semaphore(%arg28 : memref<!tpu.dma_semaphore, #tpu.memory_space<semaphore_mem>>) src(%dma_wait3A_655 : memref<32xf32, #tpu.memory_space<hbm>>) dst(%dma_wait3A_654 : memref<32xf32, #tpu.memory_space<vmem>>)
      %dma_wait3A_656 = tpu.memref_slice %arg18[%multiple_of3A_323] : memref<16384xf32, #tpu.memory_space<vmem>> -> memref<32xf32, #tpu.memory_space<vmem>>
      %dma_wait3A_657 = tpu.memref_slice %arg5[%multiple_of3A_315] : memref<32243712xf32, #tpu.memory_space<hbm>> -> memref<32xf32, #tpu.memory_space<hbm>>
      %dma_wait3A_658 = tpu.memref_slice %arg18[%multiple_of3A_323] : memref<16384xf32, #tpu.memory_space<vmem>> -> memref<32xf32, #tpu.memory_space<vmem>>
      %dma_wait3A_659 = tpu.memref_slice %arg5[%multiple_of3A_315] : memref<32243712xf32, #tpu.memory_space<hbm>> -> memref<32xf32, #tpu.memory_space<hbm>>
      tpu.wait_dma2 semaphore(%arg28 : memref<!tpu.dma_semaphore, #tpu.memory_space<semaphore_mem>>) src(%dma_wait3A_659 : memref<32xf32, #tpu.memory_space<hbm>>) dst(%dma_wait3A_658 : memref<32xf32, #tpu.memory_space<vmem>>)
      %dma_wait3A_660 = tpu.memref_slice %arg19[%multiple_of3A_323] : memref<16384xf32, #tpu.memory_space<vmem>> -> memref<32xf32, #tpu.memory_space<vmem>>
      %dma_wait3A_661 = tpu.memref_slice %arg6[%multiple_of3A_318] : memref<32243712xf32, #tpu.memory_space<hbm>> -> memref<32xf32, #tpu.memory_space<hbm>>
      %dma_wait3A_662 = tpu.memref_slice %arg19[%multiple_of3A_323] : memref<16384xf32, #tpu.memory_space<vmem>> -> memref<32xf32, #tpu.memory_space<vmem>>
      %dma_wait3A_663 = tpu.memref_slice %arg6[%multiple_of3A_318] : memref<32243712xf32, #tpu.memory_space<hbm>> -> memref<32xf32, #tpu.memory_space<hbm>>
      tpu.wait_dma2 semaphore(%arg28 : memref<!tpu.dma_semaphore, #tpu.memory_space<semaphore_mem>>) src(%dma_wait3A_663 : memref<32xf32, #tpu.memory_space<hbm>>) dst(%dma_wait3A_662 : memref<32xf32, #tpu.memory_space<vmem>>)
      %dma_wait3A_664 = tpu.memref_slice %arg20[%multiple_of3A_323] : memref<16384xf32, #tpu.memory_space<vmem>> -> memref<32xf32, #tpu.memory_space<vmem>>
      %dma_wait3A_665 = tpu.memref_slice %arg7[%multiple_of3A_315] : memref<32243712xf32, #tpu.memory_space<hbm>> -> memref<32xf32, #tpu.memory_space<hbm>>
      %dma_wait3A_666 = tpu.memref_slice %arg20[%multiple_of3A_323] : memref<16384xf32, #tpu.memory_space<vmem>> -> memref<32xf32, #tpu.memory_space<vmem>>
      %dma_wait3A_667 = tpu.memref_slice %arg7[%multiple_of3A_315] : memref<32243712xf32, #tpu.memory_space<hbm>> -> memref<32xf32, #tpu.memory_space<hbm>>
      tpu.wait_dma2 semaphore(%arg28 : memref<!tpu.dma_semaphore, #tpu.memory_space<semaphore_mem>>) src(%dma_wait3A_667 : memref<32xf32, #tpu.memory_space<hbm>>) dst(%dma_wait3A_666 : memref<32xf32, #tpu.memory_space<vmem>>)
      %dma_wait3A_668 = tpu.memref_slice %arg21[%multiple_of3A_323] : memref<16384xf32, #tpu.memory_space<vmem>> -> memref<32xf32, #tpu.memory_space<vmem>>
      %dma_wait3A_669 = tpu.memref_slice %arg8[%multiple_of3A_318] : memref<32243712xf32, #tpu.memory_space<hbm>> -> memref<32xf32, #tpu.memory_space<hbm>>
      %dma_wait3A_670 = tpu.memref_slice %arg21[%multiple_of3A_323] : memref<16384xf32, #tpu.memory_space<vmem>> -> memref<32xf32, #tpu.memory_space<vmem>>
      %dma_wait3A_671 = tpu.memref_slice %arg8[%multiple_of3A_318] : memref<32243712xf32, #tpu.memory_space<hbm>> -> memref<32xf32, #tpu.memory_space<hbm>>
      tpu.wait_dma2 semaphore(%arg28 : memref<!tpu.dma_semaphore, #tpu.memory_space<semaphore_mem>>) src(%dma_wait3A_671 : memref<32xf32, #tpu.memory_space<hbm>>) dst(%dma_wait3A_670 : memref<32xf32, #tpu.memory_space<vmem>>)
      %dma_wait3A_672 = tpu.memref_slice %arg18[%multiple_of3A_350] : memref<16384xf32, #tpu.memory_space<vmem>> -> memref<32xf32, #tpu.memory_space<vmem>>
      %dma_wait3A_673 = tpu.memref_slice %arg5[%multiple_of3A_342] : memref<32243712xf32, #tpu.memory_space<hbm>> -> memref<32xf32, #tpu.memory_space<hbm>>
      %dma_wait3A_674 = tpu.memref_slice %arg18[%multiple_of3A_350] : memref<16384xf32, #tpu.memory_space<vmem>> -> memref<32xf32, #tpu.memory_space<vmem>>
      %dma_wait3A_675 = tpu.memref_slice %arg5[%multiple_of3A_342] : memref<32243712xf32, #tpu.memory_space<hbm>> -> memref<32xf32, #tpu.memory_space<hbm>>
      tpu.wait_dma2 semaphore(%arg28 : memref<!tpu.dma_semaphore, #tpu.memory_space<semaphore_mem>>) src(%dma_wait3A_675 : memref<32xf32, #tpu.memory_space<hbm>>) dst(%dma_wait3A_674 : memref<32xf32, #tpu.memory_space<vmem>>)
      %dma_wait3A_676 = tpu.memref_slice %arg19[%multiple_of3A_350] : memref<16384xf32, #tpu.memory_space<vmem>> -> memref<32xf32, #tpu.memory_space<vmem>>
      %dma_wait3A_677 = tpu.memref_slice %arg6[%multiple_of3A_345] : memref<32243712xf32, #tpu.memory_space<hbm>> -> memref<32xf32, #tpu.memory_space<hbm>>
      %dma_wait3A_678 = tpu.memref_slice %arg19[%multiple_of3A_350] : memref<16384xf32, #tpu.memory_space<vmem>> -> memref<32xf32, #tpu.memory_space<vmem>>
      %dma_wait3A_679 = tpu.memref_slice %arg6[%multiple_of3A_345] : memref<32243712xf32, #tpu.memory_space<hbm>> -> memref<32xf32, #tpu.memory_space<hbm>>
      tpu.wait_dma2 semaphore(%arg28 : memref<!tpu.dma_semaphore, #tpu.memory_space<semaphore_mem>>) src(%dma_wait3A_679 : memref<32xf32, #tpu.memory_space<hbm>>) dst(%dma_wait3A_678 : memref<32xf32, #tpu.memory_space<vmem>>)
      %dma_wait3A_680 = tpu.memref_slice %arg20[%multiple_of3A_350] : memref<16384xf32, #tpu.memory_space<vmem>> -> memref<32xf32, #tpu.memory_space<vmem>>
      %dma_wait3A_681 = tpu.memref_slice %arg7[%multiple_of3A_342] : memref<32243712xf32, #tpu.memory_space<hbm>> -> memref<32xf32, #tpu.memory_space<hbm>>
      %dma_wait3A_682 = tpu.memref_slice %arg20[%multiple_of3A_350] : memref<16384xf32, #tpu.memory_space<vmem>> -> memref<32xf32, #tpu.memory_space<vmem>>
      %dma_wait3A_683 = tpu.memref_slice %arg7[%multiple_of3A_342] : memref<32243712xf32, #tpu.memory_space<hbm>> -> memref<32xf32, #tpu.memory_space<hbm>>
      tpu.wait_dma2 semaphore(%arg28 : memref<!tpu.dma_semaphore, #tpu.memory_space<semaphore_mem>>) src(%dma_wait3A_683 : memref<32xf32, #tpu.memory_space<hbm>>) dst(%dma_wait3A_682 : memref<32xf32, #tpu.memory_space<vmem>>)
      %dma_wait3A_684 = tpu.memref_slice %arg21[%multiple_of3A_350] : memref<16384xf32, #tpu.memory_space<vmem>> -> memref<32xf32, #tpu.memory_space<vmem>>
      %dma_wait3A_685 = tpu.memref_slice %arg8[%multiple_of3A_345] : memref<32243712xf32, #tpu.memory_space<hbm>> -> memref<32xf32, #tpu.memory_space<hbm>>
      %dma_wait3A_686 = tpu.memref_slice %arg21[%multiple_of3A_350] : memref<16384xf32, #tpu.memory_space<vmem>> -> memref<32xf32, #tpu.memory_space<vmem>>
      %dma_wait3A_687 = tpu.memref_slice %arg8[%multiple_of3A_345] : memref<32243712xf32, #tpu.memory_space<hbm>> -> memref<32xf32, #tpu.memory_space<hbm>>
      tpu.wait_dma2 semaphore(%arg28 : memref<!tpu.dma_semaphore, #tpu.memory_space<semaphore_mem>>) src(%dma_wait3A_687 : memref<32xf32, #tpu.memory_space<hbm>>) dst(%dma_wait3A_686 : memref<32xf32, #tpu.memory_space<vmem>>)
      %dma_wait3A_688 = tpu.memref_slice %arg18[%multiple_of3A_377] : memref<16384xf32, #tpu.memory_space<vmem>> -> memref<32xf32, #tpu.memory_space<vmem>>
      %dma_wait3A_689 = tpu.memref_slice %arg5[%multiple_of3A_369] : memref<32243712xf32, #tpu.memory_space<hbm>> -> memref<32xf32, #tpu.memory_space<hbm>>
      %dma_wait3A_690 = tpu.memref_slice %arg18[%multiple_of3A_377] : memref<16384xf32, #tpu.memory_space<vmem>> -> memref<32xf32, #tpu.memory_space<vmem>>
      %dma_wait3A_691 = tpu.memref_slice %arg5[%multiple_of3A_369] : memref<32243712xf32, #tpu.memory_space<hbm>> -> memref<32xf32, #tpu.memory_space<hbm>>
      tpu.wait_dma2 semaphore(%arg28 : memref<!tpu.dma_semaphore, #tpu.memory_space<semaphore_mem>>) src(%dma_wait3A_691 : memref<32xf32, #tpu.memory_space<hbm>>) dst(%dma_wait3A_690 : memref<32xf32, #tpu.memory_space<vmem>>)
      %dma_wait3A_692 = tpu.memref_slice %arg19[%multiple_of3A_377] : memref<16384xf32, #tpu.memory_space<vmem>> -> memref<32xf32, #tpu.memory_space<vmem>>
      %dma_wait3A_693 = tpu.memref_slice %arg6[%multiple_of3A_372] : memref<32243712xf32, #tpu.memory_space<hbm>> -> memref<32xf32, #tpu.memory_space<hbm>>
      %dma_wait3A_694 = tpu.memref_slice %arg19[%multiple_of3A_377] : memref<16384xf32, #tpu.memory_space<vmem>> -> memref<32xf32, #tpu.memory_space<vmem>>
      %dma_wait3A_695 = tpu.memref_slice %arg6[%multiple_of3A_372] : memref<32243712xf32, #tpu.memory_space<hbm>> -> memref<32xf32, #tpu.memory_space<hbm>>
      tpu.wait_dma2 semaphore(%arg28 : memref<!tpu.dma_semaphore, #tpu.memory_space<semaphore_mem>>) src(%dma_wait3A_695 : memref<32xf32, #tpu.memory_space<hbm>>) dst(%dma_wait3A_694 : memref<32xf32, #tpu.memory_space<vmem>>)
      %dma_wait3A_696 = tpu.memref_slice %arg20[%multiple_of3A_377] : memref<16384xf32, #tpu.memory_space<vmem>> -> memref<32xf32, #tpu.memory_space<vmem>>
      %dma_wait3A_697 = tpu.memref_slice %arg7[%multiple_of3A_369] : memref<32243712xf32, #tpu.memory_space<hbm>> -> memref<32xf32, #tpu.memory_space<hbm>>
      %dma_wait3A_698 = tpu.memref_slice %arg20[%multiple_of3A_377] : memref<16384xf32, #tpu.memory_space<vmem>> -> memref<32xf32, #tpu.memory_space<vmem>>
      %dma_wait3A_699 = tpu.memref_slice %arg7[%multiple_of3A_369] : memref<32243712xf32, #tpu.memory_space<hbm>> -> memref<32xf32, #tpu.memory_space<hbm>>
      tpu.wait_dma2 semaphore(%arg28 : memref<!tpu.dma_semaphore, #tpu.memory_space<semaphore_mem>>) src(%dma_wait3A_699 : memref<32xf32, #tpu.memory_space<hbm>>) dst(%dma_wait3A_698 : memref<32xf32, #tpu.memory_space<vmem>>)
      %dma_wait3A_700 = tpu.memref_slice %arg21[%multiple_of3A_377] : memref<16384xf32, #tpu.memory_space<vmem>> -> memref<32xf32, #tpu.memory_space<vmem>>
      %dma_wait3A_701 = tpu.memref_slice %arg8[%multiple_of3A_372] : memref<32243712xf32, #tpu.memory_space<hbm>> -> memref<32xf32, #tpu.memory_space<hbm>>
      %dma_wait3A_702 = tpu.memref_slice %arg21[%multiple_of3A_377] : memref<16384xf32, #tpu.memory_space<vmem>> -> memref<32xf32, #tpu.memory_space<vmem>>
      %dma_wait3A_703 = tpu.memref_slice %arg8[%multiple_of3A_372] : memref<32243712xf32, #tpu.memory_space<hbm>> -> memref<32xf32, #tpu.memory_space<hbm>>
      tpu.wait_dma2 semaphore(%arg28 : memref<!tpu.dma_semaphore, #tpu.memory_space<semaphore_mem>>) src(%dma_wait3A_703 : memref<32xf32, #tpu.memory_space<hbm>>) dst(%dma_wait3A_702 : memref<32xf32, #tpu.memory_space<vmem>>)
      %dma_wait3A_704 = tpu.memref_slice %arg18[%multiple_of3A_404] : memref<16384xf32, #tpu.memory_space<vmem>> -> memref<32xf32, #tpu.memory_space<vmem>>
      %dma_wait3A_705 = tpu.memref_slice %arg5[%multiple_of3A_396] : memref<32243712xf32, #tpu.memory_space<hbm>> -> memref<32xf32, #tpu.memory_space<hbm>>
      %dma_wait3A_706 = tpu.memref_slice %arg18[%multiple_of3A_404] : memref<16384xf32, #tpu.memory_space<vmem>> -> memref<32xf32, #tpu.memory_space<vmem>>
      %dma_wait3A_707 = tpu.memref_slice %arg5[%multiple_of3A_396] : memref<32243712xf32, #tpu.memory_space<hbm>> -> memref<32xf32, #tpu.memory_space<hbm>>
      tpu.wait_dma2 semaphore(%arg28 : memref<!tpu.dma_semaphore, #tpu.memory_space<semaphore_mem>>) src(%dma_wait3A_707 : memref<32xf32, #tpu.memory_space<hbm>>) dst(%dma_wait3A_706 : memref<32xf32, #tpu.memory_space<vmem>>)
      %dma_wait3A_708 = tpu.memref_slice %arg19[%multiple_of3A_404] : memref<16384xf32, #tpu.memory_space<vmem>> -> memref<32xf32, #tpu.memory_space<vmem>>
      %dma_wait3A_709 = tpu.memref_slice %arg6[%multiple_of3A_399] : memref<32243712xf32, #tpu.memory_space<hbm>> -> memref<32xf32, #tpu.memory_space<hbm>>
      %dma_wait3A_710 = tpu.memref_slice %arg19[%multiple_of3A_404] : memref<16384xf32, #tpu.memory_space<vmem>> -> memref<32xf32, #tpu.memory_space<vmem>>
      %dma_wait3A_711 = tpu.memref_slice %arg6[%multiple_of3A_399] : memref<32243712xf32, #tpu.memory_space<hbm>> -> memref<32xf32, #tpu.memory_space<hbm>>
      tpu.wait_dma2 semaphore(%arg28 : memref<!tpu.dma_semaphore, #tpu.memory_space<semaphore_mem>>) src(%dma_wait3A_711 : memref<32xf32, #tpu.memory_space<hbm>>) dst(%dma_wait3A_710 : memref<32xf32, #tpu.memory_space<vmem>>)
      %dma_wait3A_712 = tpu.memref_slice %arg20[%multiple_of3A_404] : memref<16384xf32, #tpu.memory_space<vmem>> -> memref<32xf32, #tpu.memory_space<vmem>>
      %dma_wait3A_713 = tpu.memref_slice %arg7[%multiple_of3A_396] : memref<32243712xf32, #tpu.memory_space<hbm>> -> memref<32xf32, #tpu.memory_space<hbm>>
      %dma_wait3A_714 = tpu.memref_slice %arg20[%multiple_of3A_404] : memref<16384xf32, #tpu.memory_space<vmem>> -> memref<32xf32, #tpu.memory_space<vmem>>
      %dma_wait3A_715 = tpu.memref_slice %arg7[%multiple_of3A_396] : memref<32243712xf32, #tpu.memory_space<hbm>> -> memref<32xf32, #tpu.memory_space<hbm>>
      tpu.wait_dma2 semaphore(%arg28 : memref<!tpu.dma_semaphore, #tpu.memory_space<semaphore_mem>>) src(%dma_wait3A_715 : memref<32xf32, #tpu.memory_space<hbm>>) dst(%dma_wait3A_714 : memref<32xf32, #tpu.memory_space<vmem>>)
      %dma_wait3A_716 = tpu.memref_slice %arg21[%multiple_of3A_404] : memref<16384xf32, #tpu.memory_space<vmem>> -> memref<32xf32, #tpu.memory_space<vmem>>
      %dma_wait3A_717 = tpu.memref_slice %arg8[%multiple_of3A_399] : memref<32243712xf32, #tpu.memory_space<hbm>> -> memref<32xf32, #tpu.memory_space<hbm>>
      %dma_wait3A_718 = tpu.memref_slice %arg21[%multiple_of3A_404] : memref<16384xf32, #tpu.memory_space<vmem>> -> memref<32xf32, #tpu.memory_space<vmem>>
      %dma_wait3A_719 = tpu.memref_slice %arg8[%multiple_of3A_399] : memref<32243712xf32, #tpu.memory_space<hbm>> -> memref<32xf32, #tpu.memory_space<hbm>>
      tpu.wait_dma2 semaphore(%arg28 : memref<!tpu.dma_semaphore, #tpu.memory_space<semaphore_mem>>) src(%dma_wait3A_719 : memref<32xf32, #tpu.memory_space<hbm>>) dst(%dma_wait3A_718 : memref<32xf32, #tpu.memory_space<vmem>>)
      %dma_wait3A_720 = tpu.memref_slice %arg18[%multiple_of3A_431] : memref<16384xf32, #tpu.memory_space<vmem>> -> memref<32xf32, #tpu.memory_space<vmem>>
      %dma_wait3A_721 = tpu.memref_slice %arg5[%multiple_of3A_423] : memref<32243712xf32, #tpu.memory_space<hbm>> -> memref<32xf32, #tpu.memory_space<hbm>>
      %dma_wait3A_722 = tpu.memref_slice %arg18[%multiple_of3A_431] : memref<16384xf32, #tpu.memory_space<vmem>> -> memref<32xf32, #tpu.memory_space<vmem>>
      %dma_wait3A_723 = tpu.memref_slice %arg5[%multiple_of3A_423] : memref<32243712xf32, #tpu.memory_space<hbm>> -> memref<32xf32, #tpu.memory_space<hbm>>
      tpu.wait_dma2 semaphore(%arg28 : memref<!tpu.dma_semaphore, #tpu.memory_space<semaphore_mem>>) src(%dma_wait3A_723 : memref<32xf32, #tpu.memory_space<hbm>>) dst(%dma_wait3A_722 : memref<32xf32, #tpu.memory_space<vmem>>)
      %dma_wait3A_724 = tpu.memref_slice %arg19[%multiple_of3A_431] : memref<16384xf32, #tpu.memory_space<vmem>> -> memref<32xf32, #tpu.memory_space<vmem>>
      %dma_wait3A_725 = tpu.memref_slice %arg6[%multiple_of3A_426] : memref<32243712xf32, #tpu.memory_space<hbm>> -> memref<32xf32, #tpu.memory_space<hbm>>
      %dma_wait3A_726 = tpu.memref_slice %arg19[%multiple_of3A_431] : memref<16384xf32, #tpu.memory_space<vmem>> -> memref<32xf32, #tpu.memory_space<vmem>>
      %dma_wait3A_727 = tpu.memref_slice %arg6[%multiple_of3A_426] : memref<32243712xf32, #tpu.memory_space<hbm>> -> memref<32xf32, #tpu.memory_space<hbm>>
      tpu.wait_dma2 semaphore(%arg28 : memref<!tpu.dma_semaphore, #tpu.memory_space<semaphore_mem>>) src(%dma_wait3A_727 : memref<32xf32, #tpu.memory_space<hbm>>) dst(%dma_wait3A_726 : memref<32xf32, #tpu.memory_space<vmem>>)
      %dma_wait3A_728 = tpu.memref_slice %arg20[%multiple_of3A_431] : memref<16384xf32, #tpu.memory_space<vmem>> -> memref<32xf32, #tpu.memory_space<vmem>>
      %dma_wait3A_729 = tpu.memref_slice %arg7[%multiple_of3A_423] : memref<32243712xf32, #tpu.memory_space<hbm>> -> memref<32xf32, #tpu.memory_space<hbm>>
      %dma_wait3A_730 = tpu.memref_slice %arg20[%multiple_of3A_431] : memref<16384xf32, #tpu.memory_space<vmem>> -> memref<32xf32, #tpu.memory_space<vmem>>
      %dma_wait3A_731 = tpu.memref_slice %arg7[%multiple_of3A_423] : memref<32243712xf32, #tpu.memory_space<hbm>> -> memref<32xf32, #tpu.memory_space<hbm>>
      tpu.wait_dma2 semaphore(%arg28 : memref<!tpu.dma_semaphore, #tpu.memory_space<semaphore_mem>>) src(%dma_wait3A_731 : memref<32xf32, #tpu.memory_space<hbm>>) dst(%dma_wait3A_730 : memref<32xf32, #tpu.memory_space<vmem>>)
      %dma_wait3A_732 = tpu.memref_slice %arg21[%multiple_of3A_431] : memref<16384xf32, #tpu.memory_space<vmem>> -> memref<32xf32, #tpu.memory_space<vmem>>
      %dma_wait3A_733 = tpu.memref_slice %arg8[%multiple_of3A_426] : memref<32243712xf32, #tpu.memory_space<hbm>> -> memref<32xf32, #tpu.memory_space<hbm>>
      %dma_wait3A_734 = tpu.memref_slice %arg21[%multiple_of3A_431] : memref<16384xf32, #tpu.memory_space<vmem>> -> memref<32xf32, #tpu.memory_space<vmem>>
      %dma_wait3A_735 = tpu.memref_slice %arg8[%multiple_of3A_426] : memref<32243712xf32, #tpu.memory_space<hbm>> -> memref<32xf32, #tpu.memory_space<hbm>>
      tpu.wait_dma2 semaphore(%arg28 : memref<!tpu.dma_semaphore, #tpu.memory_space<semaphore_mem>>) src(%dma_wait3A_735 : memref<32xf32, #tpu.memory_space<hbm>>) dst(%dma_wait3A_734 : memref<32xf32, #tpu.memory_space<vmem>>)
      %dma_wait3A_736 = tpu.memref_slice %arg18[%multiple_of3A_458] : memref<16384xf32, #tpu.memory_space<vmem>> -> memref<32xf32, #tpu.memory_space<vmem>>
      %dma_wait3A_737 = tpu.memref_slice %arg5[%multiple_of3A_450] : memref<32243712xf32, #tpu.memory_space<hbm>> -> memref<32xf32, #tpu.memory_space<hbm>>
      %dma_wait3A_738 = tpu.memref_slice %arg18[%multiple_of3A_458] : memref<16384xf32, #tpu.memory_space<vmem>> -> memref<32xf32, #tpu.memory_space<vmem>>
      %dma_wait3A_739 = tpu.memref_slice %arg5[%multiple_of3A_450] : memref<32243712xf32, #tpu.memory_space<hbm>> -> memref<32xf32, #tpu.memory_space<hbm>>
      tpu.wait_dma2 semaphore(%arg28 : memref<!tpu.dma_semaphore, #tpu.memory_space<semaphore_mem>>) src(%dma_wait3A_739 : memref<32xf32, #tpu.memory_space<hbm>>) dst(%dma_wait3A_738 : memref<32xf32, #tpu.memory_space<vmem>>)
      %dma_wait3A_740 = tpu.memref_slice %arg19[%multiple_of3A_458] : memref<16384xf32, #tpu.memory_space<vmem>> -> memref<32xf32, #tpu.memory_space<vmem>>
      %dma_wait3A_741 = tpu.memref_slice %arg6[%multiple_of3A_453] : memref<32243712xf32, #tpu.memory_space<hbm>> -> memref<32xf32, #tpu.memory_space<hbm>>
      %dma_wait3A_742 = tpu.memref_slice %arg19[%multiple_of3A_458] : memref<16384xf32, #tpu.memory_space<vmem>> -> memref<32xf32, #tpu.memory_space<vmem>>
      %dma_wait3A_743 = tpu.memref_slice %arg6[%multiple_of3A_453] : memref<32243712xf32, #tpu.memory_space<hbm>> -> memref<32xf32, #tpu.memory_space<hbm>>
      tpu.wait_dma2 semaphore(%arg28 : memref<!tpu.dma_semaphore, #tpu.memory_space<semaphore_mem>>) src(%dma_wait3A_743 : memref<32xf32, #tpu.memory_space<hbm>>) dst(%dma_wait3A_742 : memref<32xf32, #tpu.memory_space<vmem>>)
      %dma_wait3A_744 = tpu.memref_slice %arg20[%multiple_of3A_458] : memref<16384xf32, #tpu.memory_space<vmem>> -> memref<32xf32, #tpu.memory_space<vmem>>
      %dma_wait3A_745 = tpu.memref_slice %arg7[%multiple_of3A_450] : memref<32243712xf32, #tpu.memory_space<hbm>> -> memref<32xf32, #tpu.memory_space<hbm>>
      %dma_wait3A_746 = tpu.memref_slice %arg20[%multiple_of3A_458] : memref<16384xf32, #tpu.memory_space<vmem>> -> memref<32xf32, #tpu.memory_space<vmem>>
      %dma_wait3A_747 = tpu.memref_slice %arg7[%multiple_of3A_450] : memref<32243712xf32, #tpu.memory_space<hbm>> -> memref<32xf32, #tpu.memory_space<hbm>>
      tpu.wait_dma2 semaphore(%arg28 : memref<!tpu.dma_semaphore, #tpu.memory_space<semaphore_mem>>) src(%dma_wait3A_747 : memref<32xf32, #tpu.memory_space<hbm>>) dst(%dma_wait3A_746 : memref<32xf32, #tpu.memory_space<vmem>>)
      %dma_wait3A_748 = tpu.memref_slice %arg21[%multiple_of3A_458] : memref<16384xf32, #tpu.memory_space<vmem>> -> memref<32xf32, #tpu.memory_space<vmem>>
      %dma_wait3A_749 = tpu.memref_slice %arg8[%multiple_of3A_453] : memref<32243712xf32, #tpu.memory_space<hbm>> -> memref<32xf32, #tpu.memory_space<hbm>>
      %dma_wait3A_750 = tpu.memref_slice %arg21[%multiple_of3A_458] : memref<16384xf32, #tpu.memory_space<vmem>> -> memref<32xf32, #tpu.memory_space<vmem>>
      %dma_wait3A_751 = tpu.memref_slice %arg8[%multiple_of3A_453] : memref<32243712xf32, #tpu.memory_space<hbm>> -> memref<32xf32, #tpu.memory_space<hbm>>
      tpu.wait_dma2 semaphore(%arg28 : memref<!tpu.dma_semaphore, #tpu.memory_space<semaphore_mem>>) src(%dma_wait3A_751 : memref<32xf32, #tpu.memory_space<hbm>>) dst(%dma_wait3A_750 : memref<32xf32, #tpu.memory_space<vmem>>)
      %dma_wait3A_752 = tpu.memref_slice %arg18[%multiple_of3A_485] : memref<16384xf32, #tpu.memory_space<vmem>> -> memref<32xf32, #tpu.memory_space<vmem>>
      %dma_wait3A_753 = tpu.memref_slice %arg5[%multiple_of3A_477] : memref<32243712xf32, #tpu.memory_space<hbm>> -> memref<32xf32, #tpu.memory_space<hbm>>
      %dma_wait3A_754 = tpu.memref_slice %arg18[%multiple_of3A_485] : memref<16384xf32, #tpu.memory_space<vmem>> -> memref<32xf32, #tpu.memory_space<vmem>>
      %dma_wait3A_755 = tpu.memref_slice %arg5[%multiple_of3A_477] : memref<32243712xf32, #tpu.memory_space<hbm>> -> memref<32xf32, #tpu.memory_space<hbm>>
      tpu.wait_dma2 semaphore(%arg28 : memref<!tpu.dma_semaphore, #tpu.memory_space<semaphore_mem>>) src(%dma_wait3A_755 : memref<32xf32, #tpu.memory_space<hbm>>) dst(%dma_wait3A_754 : memref<32xf32, #tpu.memory_space<vmem>>)
      %dma_wait3A_756 = tpu.memref_slice %arg19[%multiple_of3A_485] : memref<16384xf32, #tpu.memory_space<vmem>> -> memref<32xf32, #tpu.memory_space<vmem>>
      %dma_wait3A_757 = tpu.memref_slice %arg6[%multiple_of3A_480] : memref<32243712xf32, #tpu.memory_space<hbm>> -> memref<32xf32, #tpu.memory_space<hbm>>
      %dma_wait3A_758 = tpu.memref_slice %arg19[%multiple_of3A_485] : memref<16384xf32, #tpu.memory_space<vmem>> -> memref<32xf32, #tpu.memory_space<vmem>>
      %dma_wait3A_759 = tpu.memref_slice %arg6[%multiple_of3A_480] : memref<32243712xf32, #tpu.memory_space<hbm>> -> memref<32xf32, #tpu.memory_space<hbm>>
      tpu.wait_dma2 semaphore(%arg28 : memref<!tpu.dma_semaphore, #tpu.memory_space<semaphore_mem>>) src(%dma_wait3A_759 : memref<32xf32, #tpu.memory_space<hbm>>) dst(%dma_wait3A_758 : memref<32xf32, #tpu.memory_space<vmem>>)
      %dma_wait3A_760 = tpu.memref_slice %arg20[%multiple_of3A_485] : memref<16384xf32, #tpu.memory_space<vmem>> -> memref<32xf32, #tpu.memory_space<vmem>>
      %dma_wait3A_761 = tpu.memref_slice %arg7[%multiple_of3A_477] : memref<32243712xf32, #tpu.memory_space<hbm>> -> memref<32xf32, #tpu.memory_space<hbm>>
      %dma_wait3A_762 = tpu.memref_slice %arg20[%multiple_of3A_485] : memref<16384xf32, #tpu.memory_space<vmem>> -> memref<32xf32, #tpu.memory_space<vmem>>
      %dma_wait3A_763 = tpu.memref_slice %arg7[%multiple_of3A_477] : memref<32243712xf32, #tpu.memory_space<hbm>> -> memref<32xf32, #tpu.memory_space<hbm>>
      tpu.wait_dma2 semaphore(%arg28 : memref<!tpu.dma_semaphore, #tpu.memory_space<semaphore_mem>>) src(%dma_wait3A_763 : memref<32xf32, #tpu.memory_space<hbm>>) dst(%dma_wait3A_762 : memref<32xf32, #tpu.memory_space<vmem>>)
      %dma_wait3A_764 = tpu.memref_slice %arg21[%multiple_of3A_485] : memref<16384xf32, #tpu.memory_space<vmem>> -> memref<32xf32, #tpu.memory_space<vmem>>
      %dma_wait3A_765 = tpu.memref_slice %arg8[%multiple_of3A_480] : memref<32243712xf32, #tpu.memory_space<hbm>> -> memref<32xf32, #tpu.memory_space<hbm>>
      %dma_wait3A_766 = tpu.memref_slice %arg21[%multiple_of3A_485] : memref<16384xf32, #tpu.memory_space<vmem>> -> memref<32xf32, #tpu.memory_space<vmem>>
      %dma_wait3A_767 = tpu.memref_slice %arg8[%multiple_of3A_480] : memref<32243712xf32, #tpu.memory_space<hbm>> -> memref<32xf32, #tpu.memory_space<hbm>>
      tpu.wait_dma2 semaphore(%arg28 : memref<!tpu.dma_semaphore, #tpu.memory_space<semaphore_mem>>) src(%dma_wait3A_767 : memref<32xf32, #tpu.memory_space<hbm>>) dst(%dma_wait3A_766 : memref<32xf32, #tpu.memory_space<vmem>>)
      %dma_wait3A_768 = tpu.memref_slice %arg18[%multiple_of3A_512] : memref<16384xf32, #tpu.memory_space<vmem>> -> memref<32xf32, #tpu.memory_space<vmem>>
      %dma_wait3A_769 = tpu.memref_slice %arg5[%multiple_of3A_504] : memref<32243712xf32, #tpu.memory_space<hbm>> -> memref<32xf32, #tpu.memory_space<hbm>>
      %dma_wait3A_770 = tpu.memref_slice %arg18[%multiple_of3A_512] : memref<16384xf32, #tpu.memory_space<vmem>> -> memref<32xf32, #tpu.memory_space<vmem>>
      %dma_wait3A_771 = tpu.memref_slice %arg5[%multiple_of3A_504] : memref<32243712xf32, #tpu.memory_space<hbm>> -> memref<32xf32, #tpu.memory_space<hbm>>
      tpu.wait_dma2 semaphore(%arg28 : memref<!tpu.dma_semaphore, #tpu.memory_space<semaphore_mem>>) src(%dma_wait3A_771 : memref<32xf32, #tpu.memory_space<hbm>>) dst(%dma_wait3A_770 : memref<32xf32, #tpu.memory_space<vmem>>)
      %dma_wait3A_772 = tpu.memref_slice %arg19[%multiple_of3A_512] : memref<16384xf32, #tpu.memory_space<vmem>> -> memref<32xf32, #tpu.memory_space<vmem>>
      %dma_wait3A_773 = tpu.memref_slice %arg6[%multiple_of3A_507] : memref<32243712xf32, #tpu.memory_space<hbm>> -> memref<32xf32, #tpu.memory_space<hbm>>
      %dma_wait3A_774 = tpu.memref_slice %arg19[%multiple_of3A_512] : memref<16384xf32, #tpu.memory_space<vmem>> -> memref<32xf32, #tpu.memory_space<vmem>>
      %dma_wait3A_775 = tpu.memref_slice %arg6[%multiple_of3A_507] : memref<32243712xf32, #tpu.memory_space<hbm>> -> memref<32xf32, #tpu.memory_space<hbm>>
      tpu.wait_dma2 semaphore(%arg28 : memref<!tpu.dma_semaphore, #tpu.memory_space<semaphore_mem>>) src(%dma_wait3A_775 : memref<32xf32, #tpu.memory_space<hbm>>) dst(%dma_wait3A_774 : memref<32xf32, #tpu.memory_space<vmem>>)
      %dma_wait3A_776 = tpu.memref_slice %arg20[%multiple_of3A_512] : memref<16384xf32, #tpu.memory_space<vmem>> -> memref<32xf32, #tpu.memory_space<vmem>>
      %dma_wait3A_777 = tpu.memref_slice %arg7[%multiple_of3A_504] : memref<32243712xf32, #tpu.memory_space<hbm>> -> memref<32xf32, #tpu.memory_space<hbm>>
      %dma_wait3A_778 = tpu.memref_slice %arg20[%multiple_of3A_512] : memref<16384xf32, #tpu.memory_space<vmem>> -> memref<32xf32, #tpu.memory_space<vmem>>
      %dma_wait3A_779 = tpu.memref_slice %arg7[%multiple_of3A_504] : memref<32243712xf32, #tpu.memory_space<hbm>> -> memref<32xf32, #tpu.memory_space<hbm>>
      tpu.wait_dma2 semaphore(%arg28 : memref<!tpu.dma_semaphore, #tpu.memory_space<semaphore_mem>>) src(%dma_wait3A_779 : memref<32xf32, #tpu.memory_space<hbm>>) dst(%dma_wait3A_778 : memref<32xf32, #tpu.memory_space<vmem>>)
      %dma_wait3A_780 = tpu.memref_slice %arg21[%multiple_of3A_512] : memref<16384xf32, #tpu.memory_space<vmem>> -> memref<32xf32, #tpu.memory_space<vmem>>
      %dma_wait3A_781 = tpu.memref_slice %arg8[%multiple_of3A_507] : memref<32243712xf32, #tpu.memory_space<hbm>> -> memref<32xf32, #tpu.memory_space<hbm>>
      %dma_wait3A_782 = tpu.memref_slice %arg21[%multiple_of3A_512] : memref<16384xf32, #tpu.memory_space<vmem>> -> memref<32xf32, #tpu.memory_space<vmem>>
      %dma_wait3A_783 = tpu.memref_slice %arg8[%multiple_of3A_507] : memref<32243712xf32, #tpu.memory_space<hbm>> -> memref<32xf32, #tpu.memory_space<hbm>>
      tpu.wait_dma2 semaphore(%arg28 : memref<!tpu.dma_semaphore, #tpu.memory_space<semaphore_mem>>) src(%dma_wait3A_783 : memref<32xf32, #tpu.memory_space<hbm>>) dst(%dma_wait3A_782 : memref<32xf32, #tpu.memory_space<vmem>>)
    }
    %scan3A_25 = arith.constant 32 : i32
    %get3A = arith.constant 0 : index
    %get3A_26 = tpu.vector_load %arg23[%get3A] {strides = array<i32>} : memref<128xf32, #tpu.memory_space<vmem>>, vector<16xf32>,
    %get3A_27 = arith.constant 16 : index
    %get3A_28 = tpu.vector_load %arg23[%get3A_27] {strides = array<i32>} : memref<128xf32, #tpu.memory_space<vmem>>, vector<16xf32>,
    %get3A_29 = arith.constant 32 : index
    %get3A_30 = tpu.vector_load %arg23[%get3A_29] {strides = array<i32>} : memref<128xf32, #tpu.memory_space<vmem>>, vector<16xf32>,
    %get3A_31 = arith.constant 48 : index
    %get3A_32 = tpu.vector_load %arg23[%get3A_31] {strides = array<i32>} : memref<128xf32, #tpu.memory_space<vmem>>, vector<16xf32>,
    %get3A_33 = arith.constant 64 : index
    %get3A_34 = tpu.vector_load %arg23[%get3A_33] {strides = array<i32>} : memref<128xf32, #tpu.memory_space<vmem>>, vector<16xf32>,
    %get3A_35 = arith.constant 80 : index
    %get3A_36 = tpu.vector_load %arg23[%get3A_35] {strides = array<i32>} : memref<128xf32, #tpu.memory_space<vmem>>, vector<16xf32>,
    %get3A_37 = arith.constant 96 : index
    %get3A_38 = tpu.vector_load %arg23[%get3A_37] {strides = array<i32>} : memref<128xf32, #tpu.memory_space<vmem>>, vector<16xf32>,
    %get3A_39 = arith.constant 112 : index
    %get3A_40 = tpu.vector_load %arg23[%get3A_39] {strides = array<i32>} : memref<128xf32, #tpu.memory_space<vmem>>, vector<16xf32>,
    %get3A_41 = arith.constant 0 : index
    %get3A_42 = tpu.vector_load %arg24[%get3A_41] {strides = array<i32>} : memref<16xf32, #tpu.memory_space<vmem>>, vector<16xf32>,
    %scan3A_43 = arith.constant 0 : i32
    %scan3A_44 = arith.constant 0 : i32
    %scan3A_45 = arith.constant 32 : i32
    %scan3A_46 = arith.addi %scan3A_44, %scan3A_45 : i32
    %scan3A_47 = arith.constant 1 : i32
    scf.for %scan3A_51 = %scan3A_44 to %scan3A_46 step %scan3A_47  : i32 {
      %mul3A_52 = arith.constant 16 : i32
      %mul3A_53 = arith.muli %scan3A_51, %mul3A_52 : i32
      %iota3A = tpu.iota {dimensions = array<i32: 0>} : vector<16xi32>
      %add3A_54 = vector.broadcast %mul3A_53 : i32 to vector<16xi32>
      %add3A_55 = arith.addi %add3A_54, %iota3A : vector<16xi32>
      %get3A_56 = arith.index_cast %mul3A_53 : i32 to index
      %get3A_57 = tpu.vector_load %arg17[%get3A_56] {strides = array<i32>} : memref<512xi32, #tpu.memory_space<vmem>>, vector<16xi32>,
      %broadcast_in_dim3A = arith.constant 0.000000e+00 : f32
      %broadcast_in_dim3A_58 = vector.broadcast %broadcast_in_dim3A : f32 to vector<16xf32>
      %mul3A_59 = arith.constant 32 : i32
      %mul3A_60 = vector.broadcast %mul3A_59 : i32 to vector<16xi32>
      %mul3A_61 = arith.muli %add3A_55, %mul3A_60 : vector<16xi32>
      %mul3A_62 = arith.constant 32 : i32
      %mul3A_63 = vector.broadcast %mul3A_62 : i32 to vector<16xi32>
      %mul3A_64 = arith.muli %get3A_57, %mul3A_63 : vector<16xi32>
      %add3A_65 = arith.constant 0 : i32
      %add3A_66 = vector.broadcast %add3A_65 : i32 to vector<16xi32>
      %add3A_67 = arith.addi %mul3A_61, %add3A_66 : vector<16xi32>
      %gather3A = tpu.vector_load_idx %arg18[%add3A_67] : memref<16384xf32, #tpu.memory_space<vmem>>[vector<16xi32>], vector<16xf32>,
      %gather3A_68 = tpu.vector_load_idx %arg19[%add3A_67] : memref<16384xf32, #tpu.memory_space<vmem>>[vector<16xi32>], vector<16xf32>,
      %mul3A_69 = arith.mulf %gather3A, %gather3A_68 : vector<16xf32>
      %add3A_70 = arith.addf %broadcast_in_dim3A_58, %mul3A_69 : vector<16xf32>
      %gather3A_71 = tpu.vector_load_idx %arg20[%add3A_67] : memref<16384xf32, #tpu.memory_space<vmem>>[vector<16xi32>], vector<16xf32>,
      %gather3A_72 = tpu.vector_load_idx %arg21[%add3A_67] : memref<16384xf32, #tpu.memory_space<vmem>>[vector<16xi32>], vector<16xf32>,
      %add3A_73 = arith.constant 0 : i32
      %add3A_74 = vector.broadcast %add3A_73 : i32 to vector<16xi32>
      %add3A_75 = arith.addi %mul3A_64, %add3A_74 : vector<16xi32>
      %gather3A_76 = tpu.vector_load_idx %arg22[%add3A_75] : memref<128xf32, #tpu.memory_space<vmem>>[vector<16xi32>], vector<16xf32>,
      %mul3A_77 = arith.mulf %gather3A_71, %gather3A_72 : vector<16xf32>
      %mul3A_78 = arith.mulf %mul3A_77, %gather3A_76 : vector<16xf32>
      %add3A_79 = arith.addf %broadcast_in_dim3A_58, %mul3A_78 : vector<16xf32>
      %slice3A = vector.extract_strided_slice %get3A_26 {offsets = [0], sizes = [1], strides = [1]} : vector<16xf32> to vector<1xf32>
      %squeeze3A = vector.extract %slice3A[0] : f32 from vector<1xf32>
      %mul3A_80 = vector.broadcast %squeeze3A : f32 to vector<16xf32>
      %mul3A_81 = arith.mulf %mul3A_69, %mul3A_80 : vector<16xf32>
      %add3A_82 = arith.addf %broadcast_in_dim3A_58, %mul3A_81 : vector<16xf32>
      %slice3A_83 = vector.extract_strided_slice %get3A_30 {offsets = [0], sizes = [1], strides = [1]} : vector<16xf32> to vector<1xf32>
      %squeeze3A_84 = vector.extract %slice3A_83[0] : f32 from vector<1xf32>
      %mul3A_85 = vector.broadcast %squeeze3A_84 : f32 to vector<16xf32>
      %mul3A_86 = arith.mulf %mul3A_69, %mul3A_85 : vector<16xf32>
      %add3A_87 = arith.addf %broadcast_in_dim3A_58, %mul3A_86 : vector<16xf32>
      %slice3A_88 = vector.extract_strided_slice %get3A_34 {offsets = [0], sizes = [1], strides = [1]} : vector<16xf32> to vector<1xf32>
      %squeeze3A_89 = vector.extract %slice3A_88[0] : f32 from vector<1xf32>
      %mul3A_90 = vector.broadcast %squeeze3A_89 : f32 to vector<16xf32>
      %mul3A_91 = arith.mulf %mul3A_69, %mul3A_90 : vector<16xf32>
      %add3A_92 = arith.addf %broadcast_in_dim3A_58, %mul3A_91 : vector<16xf32>
      %slice3A_93 = vector.extract_strided_slice %get3A_38 {offsets = [0], sizes = [1], strides = [1]} : vector<16xf32> to vector<1xf32>
      %squeeze3A_94 = vector.extract %slice3A_93[0] : f32 from vector<1xf32>
      %mul3A_95 = vector.broadcast %squeeze3A_94 : f32 to vector<16xf32>
      %mul3A_96 = arith.mulf %mul3A_69, %mul3A_95 : vector<16xf32>
      %add3A_97 = arith.addf %broadcast_in_dim3A_58, %mul3A_96 : vector<16xf32>
      %add3A_98 = arith.constant 1 : i32
      %add3A_99 = vector.broadcast %add3A_98 : i32 to vector<16xi32>
      %add3A_100 = arith.addi %mul3A_61, %add3A_99 : vector<16xi32>
      %gather3A_101 = tpu.vector_load_idx %arg18[%add3A_100] : memref<16384xf32, #tpu.memory_space<vmem>>[vector<16xi32>], vector<16xf32>,
      %gather3A_102 = tpu.vector_load_idx %arg19[%add3A_100] : memref<16384xf32, #tpu.memory_space<vmem>>[vector<16xi32>], vector<16xf32>,
      %mul3A_103 = arith.mulf %gather3A_101, %gather3A_102 : vector<16xf32>
      %add3A_104 = arith.addf %add3A_70, %mul3A_103 : vector<16xf32>
      %gather3A_105 = tpu.vector_load_idx %arg20[%add3A_100] : memref<16384xf32, #tpu.memory_space<vmem>>[vector<16xi32>], vector<16xf32>,
      %gather3A_106 = tpu.vector_load_idx %arg21[%add3A_100] : memref<16384xf32, #tpu.memory_space<vmem>>[vector<16xi32>], vector<16xf32>,
      %add3A_107 = arith.constant 1 : i32
      %add3A_108 = vector.broadcast %add3A_107 : i32 to vector<16xi32>
      %add3A_109 = arith.addi %mul3A_64, %add3A_108 : vector<16xi32>
      %gather3A_110 = tpu.vector_load_idx %arg22[%add3A_109] : memref<128xf32, #tpu.memory_space<vmem>>[vector<16xi32>], vector<16xf32>,
      %mul3A_111 = arith.mulf %gather3A_105, %gather3A_106 : vector<16xf32>
      %mul3A_112 = arith.mulf %mul3A_111, %gather3A_110 : vector<16xf32>
      %add3A_113 = arith.addf %add3A_79, %mul3A_112 : vector<16xf32>
      %slice3A_114 = vector.extract_strided_slice %get3A_26 {offsets = [1], sizes = [1], strides = [1]} : vector<16xf32> to vector<1xf32>
      %squeeze3A_115 = vector.extract %slice3A_114[0] : f32 from vector<1xf32>
      %mul3A_116 = vector.broadcast %squeeze3A_115 : f32 to vector<16xf32>
      %mul3A_117 = arith.mulf %mul3A_103, %mul3A_116 : vector<16xf32>
      %add3A_118 = arith.addf %add3A_82, %mul3A_117 : vector<16xf32>
      %slice3A_119 = vector.extract_strided_slice %get3A_30 {offsets = [1], sizes = [1], strides = [1]} : vector<16xf32> to vector<1xf32>
      %squeeze3A_120 = vector.extract %slice3A_119[0] : f32 from vector<1xf32>
      %mul3A_121 = vector.broadcast %squeeze3A_120 : f32 to vector<16xf32>
      %mul3A_122 = arith.mulf %mul3A_103, %mul3A_121 : vector<16xf32>
      %add3A_123 = arith.addf %add3A_87, %mul3A_122 : vector<16xf32>
      %slice3A_124 = vector.extract_strided_slice %get3A_34 {offsets = [1], sizes = [1], strides = [1]} : vector<16xf32> to vector<1xf32>
      %squeeze3A_125 = vector.extract %slice3A_124[0] : f32 from vector<1xf32>
      %mul3A_126 = vector.broadcast %squeeze3A_125 : f32 to vector<16xf32>
      %mul3A_127 = arith.mulf %mul3A_103, %mul3A_126 : vector<16xf32>
      %add3A_128 = arith.addf %add3A_92, %mul3A_127 : vector<16xf32>
      %slice3A_129 = vector.extract_strided_slice %get3A_38 {offsets = [1], sizes = [1], strides = [1]} : vector<16xf32> to vector<1xf32>
      %squeeze3A_130 = vector.extract %slice3A_129[0] : f32 from vector<1xf32>
      %mul3A_131 = vector.broadcast %squeeze3A_130 : f32 to vector<16xf32>
      %mul3A_132 = arith.mulf %mul3A_103, %mul3A_131 : vector<16xf32>
      %add3A_133 = arith.addf %add3A_97, %mul3A_132 : vector<16xf32>
      %add3A_134 = arith.constant 2 : i32
      %add3A_135 = vector.broadcast %add3A_134 : i32 to vector<16xi32>
      %add3A_136 = arith.addi %mul3A_61, %add3A_135 : vector<16xi32>
      %gather3A_137 = tpu.vector_load_idx %arg18[%add3A_136] : memref<16384xf32, #tpu.memory_space<vmem>>[vector<16xi32>], vector<16xf32>,
      %gather3A_138 = tpu.vector_load_idx %arg19[%add3A_136] : memref<16384xf32, #tpu.memory_space<vmem>>[vector<16xi32>], vector<16xf32>,
      %mul3A_139 = arith.mulf %gather3A_137, %gather3A_138 : vector<16xf32>
      %add3A_140 = arith.addf %add3A_104, %mul3A_139 : vector<16xf32>
      %gather3A_141 = tpu.vector_load_idx %arg20[%add3A_136] : memref<16384xf32, #tpu.memory_space<vmem>>[vector<16xi32>], vector<16xf32>,
      %gather3A_142 = tpu.vector_load_idx %arg21[%add3A_136] : memref<16384xf32, #tpu.memory_space<vmem>>[vector<16xi32>], vector<16xf32>,
      %add3A_143 = arith.constant 2 : i32
      %add3A_144 = vector.broadcast %add3A_143 : i32 to vector<16xi32>
      %add3A_145 = arith.addi %mul3A_64, %add3A_144 : vector<16xi32>
      %gather3A_146 = tpu.vector_load_idx %arg22[%add3A_145] : memref<128xf32, #tpu.memory_space<vmem>>[vector<16xi32>], vector<16xf32>,
      %mul3A_147 = arith.mulf %gather3A_141, %gather3A_142 : vector<16xf32>
      %mul3A_148 = arith.mulf %mul3A_147, %gather3A_146 : vector<16xf32>
      %add3A_149 = arith.addf %add3A_113, %mul3A_148 : vector<16xf32>
      %slice3A_150 = vector.extract_strided_slice %get3A_26 {offsets = [2], sizes = [1], strides = [1]} : vector<16xf32> to vector<1xf32>
      %squeeze3A_151 = vector.extract %slice3A_150[0] : f32 from vector<1xf32>
      %mul3A_152 = vector.broadcast %squeeze3A_151 : f32 to vector<16xf32>
      %mul3A_153 = arith.mulf %mul3A_139, %mul3A_152 : vector<16xf32>
      %add3A_154 = arith.addf %add3A_118, %mul3A_153 : vector<16xf32>
      %slice3A_155 = vector.extract_strided_slice %get3A_30 {offsets = [2], sizes = [1], strides = [1]} : vector<16xf32> to vector<1xf32>
      %squeeze3A_156 = vector.extract %slice3A_155[0] : f32 from vector<1xf32>
      %mul3A_157 = vector.broadcast %squeeze3A_156 : f32 to vector<16xf32>
      %mul3A_158 = arith.mulf %mul3A_139, %mul3A_157 : vector<16xf32>
      %add3A_159 = arith.addf %add3A_123, %mul3A_158 : vector<16xf32>
      %slice3A_160 = vector.extract_strided_slice %get3A_34 {offsets = [2], sizes = [1], strides = [1]} : vector<16xf32> to vector<1xf32>
      %squeeze3A_161 = vector.extract %slice3A_160[0] : f32 from vector<1xf32>
      %mul3A_162 = vector.broadcast %squeeze3A_161 : f32 to vector<16xf32>
      %mul3A_163 = arith.mulf %mul3A_139, %mul3A_162 : vector<16xf32>
      %add3A_164 = arith.addf %add3A_128, %mul3A_163 : vector<16xf32>
      %slice3A_165 = vector.extract_strided_slice %get3A_38 {offsets = [2], sizes = [1], strides = [1]} : vector<16xf32> to vector<1xf32>
      %squeeze3A_166 = vector.extract %slice3A_165[0] : f32 from vector<1xf32>
      %mul3A_167 = vector.broadcast %squeeze3A_166 : f32 to vector<16xf32>
      %mul3A_168 = arith.mulf %mul3A_139, %mul3A_167 : vector<16xf32>
      %add3A_169 = arith.addf %add3A_133, %mul3A_168 : vector<16xf32>
      %add3A_170 = arith.constant 3 : i32
      %add3A_171 = vector.broadcast %add3A_170 : i32 to vector<16xi32>
      %add3A_172 = arith.addi %mul3A_61, %add3A_171 : vector<16xi32>
      %gather3A_173 = tpu.vector_load_idx %arg18[%add3A_172] : memref<16384xf32, #tpu.memory_space<vmem>>[vector<16xi32>], vector<16xf32>,
      %gather3A_174 = tpu.vector_load_idx %arg19[%add3A_172] : memref<16384xf32, #tpu.memory_space<vmem>>[vector<16xi32>], vector<16xf32>,
      %mul3A_175 = arith.mulf %gather3A_173, %gather3A_174 : vector<16xf32>
      %add3A_176 = arith.addf %add3A_140, %mul3A_175 : vector<16xf32>
      %gather3A_177 = tpu.vector_load_idx %arg20[%add3A_172] : memref<16384xf32, #tpu.memory_space<vmem>>[vector<16xi32>], vector<16xf32>,
      %gather3A_178 = tpu.vector_load_idx %arg21[%add3A_172] : memref<16384xf32, #tpu.memory_space<vmem>>[vector<16xi32>], vector<16xf32>,
      %add3A_179 = arith.constant 3 : i32
      %add3A_180 = vector.broadcast %add3A_179 : i32 to vector<16xi32>
      %add3A_181 = arith.addi %mul3A_64, %add3A_180 : vector<16xi32>
      %gather3A_182 = tpu.vector_load_idx %arg22[%add3A_181] : memref<128xf32, #tpu.memory_space<vmem>>[vector<16xi32>], vector<16xf32>,
      %mul3A_183 = arith.mulf %gather3A_177, %gather3A_178 : vector<16xf32>
      %mul3A_184 = arith.mulf %mul3A_183, %gather3A_182 : vector<16xf32>
      %add3A_185 = arith.addf %add3A_149, %mul3A_184 : vector<16xf32>
      %slice3A_186 = vector.extract_strided_slice %get3A_26 {offsets = [3], sizes = [1], strides = [1]} : vector<16xf32> to vector<1xf32>
      %squeeze3A_187 = vector.extract %slice3A_186[0] : f32 from vector<1xf32>
      %mul3A_188 = vector.broadcast %squeeze3A_187 : f32 to vector<16xf32>
      %mul3A_189 = arith.mulf %mul3A_175, %mul3A_188 : vector<16xf32>
      %add3A_190 = arith.addf %add3A_154, %mul3A_189 : vector<16xf32>
      %slice3A_191 = vector.extract_strided_slice %get3A_30 {offsets = [3], sizes = [1], strides = [1]} : vector<16xf32> to vector<1xf32>
      %squeeze3A_192 = vector.extract %slice3A_191[0] : f32 from vector<1xf32>
      %mul3A_193 = vector.broadcast %squeeze3A_192 : f32 to vector<16xf32>
      %mul3A_194 = arith.mulf %mul3A_175, %mul3A_193 : vector<16xf32>
      %add3A_195 = arith.addf %add3A_159, %mul3A_194 : vector<16xf32>
      %slice3A_196 = vector.extract_strided_slice %get3A_34 {offsets = [3], sizes = [1], strides = [1]} : vector<16xf32> to vector<1xf32>
      %squeeze3A_197 = vector.extract %slice3A_196[0] : f32 from vector<1xf32>
      %mul3A_198 = vector.broadcast %squeeze3A_197 : f32 to vector<16xf32>
      %mul3A_199 = arith.mulf %mul3A_175, %mul3A_198 : vector<16xf32>
      %add3A_200 = arith.addf %add3A_164, %mul3A_199 : vector<16xf32>
      %slice3A_201 = vector.extract_strided_slice %get3A_38 {offsets = [3], sizes = [1], strides = [1]} : vector<16xf32> to vector<1xf32>
      %squeeze3A_202 = vector.extract %slice3A_201[0] : f32 from vector<1xf32>
      %mul3A_203 = vector.broadcast %squeeze3A_202 : f32 to vector<16xf32>
      %mul3A_204 = arith.mulf %mul3A_175, %mul3A_203 : vector<16xf32>
      %add3A_205 = arith.addf %add3A_169, %mul3A_204 : vector<16xf32>
      %add3A_206 = arith.constant 4 : i32
      %add3A_207 = vector.broadcast %add3A_206 : i32 to vector<16xi32>
      %add3A_208 = arith.addi %mul3A_61, %add3A_207 : vector<16xi32>
      %gather3A_209 = tpu.vector_load_idx %arg18[%add3A_208] : memref<16384xf32, #tpu.memory_space<vmem>>[vector<16xi32>], vector<16xf32>,
      %gather3A_210 = tpu.vector_load_idx %arg19[%add3A_208] : memref<16384xf32, #tpu.memory_space<vmem>>[vector<16xi32>], vector<16xf32>,
      %mul3A_211 = arith.mulf %gather3A_209, %gather3A_210 : vector<16xf32>
      %add3A_212 = arith.addf %add3A_176, %mul3A_211 : vector<16xf32>
      %gather3A_213 = tpu.vector_load_idx %arg20[%add3A_208] : memref<16384xf32, #tpu.memory_space<vmem>>[vector<16xi32>], vector<16xf32>,
      %gather3A_214 = tpu.vector_load_idx %arg21[%add3A_208] : memref<16384xf32, #tpu.memory_space<vmem>>[vector<16xi32>], vector<16xf32>,
      %add3A_215 = arith.constant 4 : i32
      %add3A_216 = vector.broadcast %add3A_215 : i32 to vector<16xi32>
      %add3A_217 = arith.addi %mul3A_64, %add3A_216 : vector<16xi32>
      %gather3A_218 = tpu.vector_load_idx %arg22[%add3A_217] : memref<128xf32, #tpu.memory_space<vmem>>[vector<16xi32>], vector<16xf32>,
      %mul3A_219 = arith.mulf %gather3A_213, %gather3A_214 : vector<16xf32>
      %mul3A_220 = arith.mulf %mul3A_219, %gather3A_218 : vector<16xf32>
      %add3A_221 = arith.addf %add3A_185, %mul3A_220 : vector<16xf32>
      %slice3A_222 = vector.extract_strided_slice %get3A_26 {offsets = [4], sizes = [1], strides = [1]} : vector<16xf32> to vector<1xf32>
      %squeeze3A_223 = vector.extract %slice3A_222[0] : f32 from vector<1xf32>
      %mul3A_224 = vector.broadcast %squeeze3A_223 : f32 to vector<16xf32>
      %mul3A_225 = arith.mulf %mul3A_211, %mul3A_224 : vector<16xf32>
      %add3A_226 = arith.addf %add3A_190, %mul3A_225 : vector<16xf32>
      %slice3A_227 = vector.extract_strided_slice %get3A_30 {offsets = [4], sizes = [1], strides = [1]} : vector<16xf32> to vector<1xf32>
      %squeeze3A_228 = vector.extract %slice3A_227[0] : f32 from vector<1xf32>
      %mul3A_229 = vector.broadcast %squeeze3A_228 : f32 to vector<16xf32>
      %mul3A_230 = arith.mulf %mul3A_211, %mul3A_229 : vector<16xf32>
      %add3A_231 = arith.addf %add3A_195, %mul3A_230 : vector<16xf32>
      %slice3A_232 = vector.extract_strided_slice %get3A_34 {offsets = [4], sizes = [1], strides = [1]} : vector<16xf32> to vector<1xf32>
      %squeeze3A_233 = vector.extract %slice3A_232[0] : f32 from vector<1xf32>
      %mul3A_234 = vector.broadcast %squeeze3A_233 : f32 to vector<16xf32>
      %mul3A_235 = arith.mulf %mul3A_211, %mul3A_234 : vector<16xf32>
      %add3A_236 = arith.addf %add3A_200, %mul3A_235 : vector<16xf32>
      %slice3A_237 = vector.extract_strided_slice %get3A_38 {offsets = [4], sizes = [1], strides = [1]} : vector<16xf32> to vector<1xf32>
      %squeeze3A_238 = vector.extract %slice3A_237[0] : f32 from vector<1xf32>
      %mul3A_239 = vector.broadcast %squeeze3A_238 : f32 to vector<16xf32>
      %mul3A_240 = arith.mulf %mul3A_211, %mul3A_239 : vector<16xf32>
      %add3A_241 = arith.addf %add3A_205, %mul3A_240 : vector<16xf32>
      %add3A_242 = arith.constant 5 : i32
      %add3A_243 = vector.broadcast %add3A_242 : i32 to vector<16xi32>
      %add3A_244 = arith.addi %mul3A_61, %add3A_243 : vector<16xi32>
      %gather3A_245 = tpu.vector_load_idx %arg18[%add3A_244] : memref<16384xf32, #tpu.memory_space<vmem>>[vector<16xi32>], vector<16xf32>,
      %gather3A_246 = tpu.vector_load_idx %arg19[%add3A_244] : memref<16384xf32, #tpu.memory_space<vmem>>[vector<16xi32>], vector<16xf32>,
      %mul3A_247 = arith.mulf %gather3A_245, %gather3A_246 : vector<16xf32>
      %add3A_248 = arith.addf %add3A_212, %mul3A_247 : vector<16xf32>
      %gather3A_249 = tpu.vector_load_idx %arg20[%add3A_244] : memref<16384xf32, #tpu.memory_space<vmem>>[vector<16xi32>], vector<16xf32>,
      %gather3A_250 = tpu.vector_load_idx %arg21[%add3A_244] : memref<16384xf32, #tpu.memory_space<vmem>>[vector<16xi32>], vector<16xf32>,
      %add3A_251 = arith.constant 5 : i32
      %add3A_252 = vector.broadcast %add3A_251 : i32 to vector<16xi32>
      %add3A_253 = arith.addi %mul3A_64, %add3A_252 : vector<16xi32>
      %gather3A_254 = tpu.vector_load_idx %arg22[%add3A_253] : memref<128xf32, #tpu.memory_space<vmem>>[vector<16xi32>], vector<16xf32>,
      %mul3A_255 = arith.mulf %gather3A_249, %gather3A_250 : vector<16xf32>
      %mul3A_256 = arith.mulf %mul3A_255, %gather3A_254 : vector<16xf32>
      %add3A_257 = arith.addf %add3A_221, %mul3A_256 : vector<16xf32>
      %slice3A_258 = vector.extract_strided_slice %get3A_26 {offsets = [5], sizes = [1], strides = [1]} : vector<16xf32> to vector<1xf32>
      %squeeze3A_259 = vector.extract %slice3A_258[0] : f32 from vector<1xf32>
      %mul3A_260 = vector.broadcast %squeeze3A_259 : f32 to vector<16xf32>
      %mul3A_261 = arith.mulf %mul3A_247, %mul3A_260 : vector<16xf32>
      %add3A_262 = arith.addf %add3A_226, %mul3A_261 : vector<16xf32>
      %slice3A_263 = vector.extract_strided_slice %get3A_30 {offsets = [5], sizes = [1], strides = [1]} : vector<16xf32> to vector<1xf32>
      %squeeze3A_264 = vector.extract %slice3A_263[0] : f32 from vector<1xf32>
      %mul3A_265 = vector.broadcast %squeeze3A_264 : f32 to vector<16xf32>
      %mul3A_266 = arith.mulf %mul3A_247, %mul3A_265 : vector<16xf32>
      %add3A_267 = arith.addf %add3A_231, %mul3A_266 : vector<16xf32>
      %slice3A_268 = vector.extract_strided_slice %get3A_34 {offsets = [5], sizes = [1], strides = [1]} : vector<16xf32> to vector<1xf32>
      %squeeze3A_269 = vector.extract %slice3A_268[0] : f32 from vector<1xf32>
      %mul3A_270 = vector.broadcast %squeeze3A_269 : f32 to vector<16xf32>
      %mul3A_271 = arith.mulf %mul3A_247, %mul3A_270 : vector<16xf32>
      %add3A_272 = arith.addf %add3A_236, %mul3A_271 : vector<16xf32>
      %slice3A_273 = vector.extract_strided_slice %get3A_38 {offsets = [5], sizes = [1], strides = [1]} : vector<16xf32> to vector<1xf32>
      %squeeze3A_274 = vector.extract %slice3A_273[0] : f32 from vector<1xf32>
      %mul3A_275 = vector.broadcast %squeeze3A_274 : f32 to vector<16xf32>
      %mul3A_276 = arith.mulf %mul3A_247, %mul3A_275 : vector<16xf32>
      %add3A_277 = arith.addf %add3A_241, %mul3A_276 : vector<16xf32>
      %add3A_278 = arith.constant 6 : i32
      %add3A_279 = vector.broadcast %add3A_278 : i32 to vector<16xi32>
      %add3A_280 = arith.addi %mul3A_61, %add3A_279 : vector<16xi32>
      %gather3A_281 = tpu.vector_load_idx %arg18[%add3A_280] : memref<16384xf32, #tpu.memory_space<vmem>>[vector<16xi32>], vector<16xf32>,
      %gather3A_282 = tpu.vector_load_idx %arg19[%add3A_280] : memref<16384xf32, #tpu.memory_space<vmem>>[vector<16xi32>], vector<16xf32>,
      %mul3A_283 = arith.mulf %gather3A_281, %gather3A_282 : vector<16xf32>
      %add3A_284 = arith.addf %add3A_248, %mul3A_283 : vector<16xf32>
      %gather3A_285 = tpu.vector_load_idx %arg20[%add3A_280] : memref<16384xf32, #tpu.memory_space<vmem>>[vector<16xi32>], vector<16xf32>,
      %gather3A_286 = tpu.vector_load_idx %arg21[%add3A_280] : memref<16384xf32, #tpu.memory_space<vmem>>[vector<16xi32>], vector<16xf32>,
      %add3A_287 = arith.constant 6 : i32
      %add3A_288 = vector.broadcast %add3A_287 : i32 to vector<16xi32>
      %add3A_289 = arith.addi %mul3A_64, %add3A_288 : vector<16xi32>
      %gather3A_290 = tpu.vector_load_idx %arg22[%add3A_289] : memref<128xf32, #tpu.memory_space<vmem>>[vector<16xi32>], vector<16xf32>,
      %mul3A_291 = arith.mulf %gather3A_285, %gather3A_286 : vector<16xf32>
      %mul3A_292 = arith.mulf %mul3A_291, %gather3A_290 : vector<16xf32>
      %add3A_293 = arith.addf %add3A_257, %mul3A_292 : vector<16xf32>
      %slice3A_294 = vector.extract_strided_slice %get3A_26 {offsets = [6], sizes = [1], strides = [1]} : vector<16xf32> to vector<1xf32>
      %squeeze3A_295 = vector.extract %slice3A_294[0] : f32 from vector<1xf32>
      %mul3A_296 = vector.broadcast %squeeze3A_295 : f32 to vector<16xf32>
      %mul3A_297 = arith.mulf %mul3A_283, %mul3A_296 : vector<16xf32>
      %add3A_298 = arith.addf %add3A_262, %mul3A_297 : vector<16xf32>
      %slice3A_299 = vector.extract_strided_slice %get3A_30 {offsets = [6], sizes = [1], strides = [1]} : vector<16xf32> to vector<1xf32>
      %squeeze3A_300 = vector.extract %slice3A_299[0] : f32 from vector<1xf32>
      %mul3A_301 = vector.broadcast %squeeze3A_300 : f32 to vector<16xf32>
      %mul3A_302 = arith.mulf %mul3A_283, %mul3A_301 : vector<16xf32>
      %add3A_303 = arith.addf %add3A_267, %mul3A_302 : vector<16xf32>
      %slice3A_304 = vector.extract_strided_slice %get3A_34 {offsets = [6], sizes = [1], strides = [1]} : vector<16xf32> to vector<1xf32>
      %squeeze3A_305 = vector.extract %slice3A_304[0] : f32 from vector<1xf32>
      %mul3A_306 = vector.broadcast %squeeze3A_305 : f32 to vector<16xf32>
      %mul3A_307 = arith.mulf %mul3A_283, %mul3A_306 : vector<16xf32>
      %add3A_308 = arith.addf %add3A_272, %mul3A_307 : vector<16xf32>
      %slice3A_309 = vector.extract_strided_slice %get3A_38 {offsets = [6], sizes = [1], strides = [1]} : vector<16xf32> to vector<1xf32>
      %squeeze3A_310 = vector.extract %slice3A_309[0] : f32 from vector<1xf32>
      %mul3A_311 = vector.broadcast %squeeze3A_310 : f32 to vector<16xf32>
      %mul3A_312 = arith.mulf %mul3A_283, %mul3A_311 : vector<16xf32>
      %add3A_313 = arith.addf %add3A_277, %mul3A_312 : vector<16xf32>
      %add3A_314 = arith.constant 7 : i32
      %add3A_315 = vector.broadcast %add3A_314 : i32 to vector<16xi32>
      %add3A_316 = arith.addi %mul3A_61, %add3A_315 : vector<16xi32>
      %gather3A_317 = tpu.vector_load_idx %arg18[%add3A_316] : memref<16384xf32, #tpu.memory_space<vmem>>[vector<16xi32>], vector<16xf32>,
      %gather3A_318 = tpu.vector_load_idx %arg19[%add3A_316] : memref<16384xf32, #tpu.memory_space<vmem>>[vector<16xi32>], vector<16xf32>,
      %mul3A_319 = arith.mulf %gather3A_317, %gather3A_318 : vector<16xf32>
      %add3A_320 = arith.addf %add3A_284, %mul3A_319 : vector<16xf32>
      %gather3A_321 = tpu.vector_load_idx %arg20[%add3A_316] : memref<16384xf32, #tpu.memory_space<vmem>>[vector<16xi32>], vector<16xf32>,
      %gather3A_322 = tpu.vector_load_idx %arg21[%add3A_316] : memref<16384xf32, #tpu.memory_space<vmem>>[vector<16xi32>], vector<16xf32>,
      %add3A_323 = arith.constant 7 : i32
      %add3A_324 = vector.broadcast %add3A_323 : i32 to vector<16xi32>
      %add3A_325 = arith.addi %mul3A_64, %add3A_324 : vector<16xi32>
      %gather3A_326 = tpu.vector_load_idx %arg22[%add3A_325] : memref<128xf32, #tpu.memory_space<vmem>>[vector<16xi32>], vector<16xf32>,
      %mul3A_327 = arith.mulf %gather3A_321, %gather3A_322 : vector<16xf32>
      %mul3A_328 = arith.mulf %mul3A_327, %gather3A_326 : vector<16xf32>
      %add3A_329 = arith.addf %add3A_293, %mul3A_328 : vector<16xf32>
      %slice3A_330 = vector.extract_strided_slice %get3A_26 {offsets = [7], sizes = [1], strides = [1]} : vector<16xf32> to vector<1xf32>
      %squeeze3A_331 = vector.extract %slice3A_330[0] : f32 from vector<1xf32>
      %mul3A_332 = vector.broadcast %squeeze3A_331 : f32 to vector<16xf32>
      %mul3A_333 = arith.mulf %mul3A_319, %mul3A_332 : vector<16xf32>
      %add3A_334 = arith.addf %add3A_298, %mul3A_333 : vector<16xf32>
      %slice3A_335 = vector.extract_strided_slice %get3A_30 {offsets = [7], sizes = [1], strides = [1]} : vector<16xf32> to vector<1xf32>
      %squeeze3A_336 = vector.extract %slice3A_335[0] : f32 from vector<1xf32>
      %mul3A_337 = vector.broadcast %squeeze3A_336 : f32 to vector<16xf32>
      %mul3A_338 = arith.mulf %mul3A_319, %mul3A_337 : vector<16xf32>
      %add3A_339 = arith.addf %add3A_303, %mul3A_338 : vector<16xf32>
      %slice3A_340 = vector.extract_strided_slice %get3A_34 {offsets = [7], sizes = [1], strides = [1]} : vector<16xf32> to vector<1xf32>
      %squeeze3A_341 = vector.extract %slice3A_340[0] : f32 from vector<1xf32>
      %mul3A_342 = vector.broadcast %squeeze3A_341 : f32 to vector<16xf32>
      %mul3A_343 = arith.mulf %mul3A_319, %mul3A_342 : vector<16xf32>
      %add3A_344 = arith.addf %add3A_308, %mul3A_343 : vector<16xf32>
      %slice3A_345 = vector.extract_strided_slice %get3A_38 {offsets = [7], sizes = [1], strides = [1]} : vector<16xf32> to vector<1xf32>
      %squeeze3A_346 = vector.extract %slice3A_345[0] : f32 from vector<1xf32>
      %mul3A_347 = vector.broadcast %squeeze3A_346 : f32 to vector<16xf32>
      %mul3A_348 = arith.mulf %mul3A_319, %mul3A_347 : vector<16xf32>
      %add3A_349 = arith.addf %add3A_313, %mul3A_348 : vector<16xf32>
      %add3A_350 = arith.constant 8 : i32
      %add3A_351 = vector.broadcast %add3A_350 : i32 to vector<16xi32>
      %add3A_352 = arith.addi %mul3A_61, %add3A_351 : vector<16xi32>
      %gather3A_353 = tpu.vector_load_idx %arg18[%add3A_352] : memref<16384xf32, #tpu.memory_space<vmem>>[vector<16xi32>], vector<16xf32>,
      %gather3A_354 = tpu.vector_load_idx %arg19[%add3A_352] : memref<16384xf32, #tpu.memory_space<vmem>>[vector<16xi32>], vector<16xf32>,
      %mul3A_355 = arith.mulf %gather3A_353, %gather3A_354 : vector<16xf32>
      %add3A_356 = arith.addf %add3A_320, %mul3A_355 : vector<16xf32>
      %gather3A_357 = tpu.vector_load_idx %arg20[%add3A_352] : memref<16384xf32, #tpu.memory_space<vmem>>[vector<16xi32>], vector<16xf32>,
      %gather3A_358 = tpu.vector_load_idx %arg21[%add3A_352] : memref<16384xf32, #tpu.memory_space<vmem>>[vector<16xi32>], vector<16xf32>,
      %add3A_359 = arith.constant 8 : i32
      %add3A_360 = vector.broadcast %add3A_359 : i32 to vector<16xi32>
      %add3A_361 = arith.addi %mul3A_64, %add3A_360 : vector<16xi32>
      %gather3A_362 = tpu.vector_load_idx %arg22[%add3A_361] : memref<128xf32, #tpu.memory_space<vmem>>[vector<16xi32>], vector<16xf32>,
      %mul3A_363 = arith.mulf %gather3A_357, %gather3A_358 : vector<16xf32>
      %mul3A_364 = arith.mulf %mul3A_363, %gather3A_362 : vector<16xf32>
      %add3A_365 = arith.addf %add3A_329, %mul3A_364 : vector<16xf32>
      %slice3A_366 = vector.extract_strided_slice %get3A_26 {offsets = [8], sizes = [1], strides = [1]} : vector<16xf32> to vector<1xf32>
      %squeeze3A_367 = vector.extract %slice3A_366[0] : f32 from vector<1xf32>
      %mul3A_368 = vector.broadcast %squeeze3A_367 : f32 to vector<16xf32>
      %mul3A_369 = arith.mulf %mul3A_355, %mul3A_368 : vector<16xf32>
      %add3A_370 = arith.addf %add3A_334, %mul3A_369 : vector<16xf32>
      %slice3A_371 = vector.extract_strided_slice %get3A_30 {offsets = [8], sizes = [1], strides = [1]} : vector<16xf32> to vector<1xf32>
      %squeeze3A_372 = vector.extract %slice3A_371[0] : f32 from vector<1xf32>
      %mul3A_373 = vector.broadcast %squeeze3A_372 : f32 to vector<16xf32>
      %mul3A_374 = arith.mulf %mul3A_355, %mul3A_373 : vector<16xf32>
      %add3A_375 = arith.addf %add3A_339, %mul3A_374 : vector<16xf32>
      %slice3A_376 = vector.extract_strided_slice %get3A_34 {offsets = [8], sizes = [1], strides = [1]} : vector<16xf32> to vector<1xf32>
      %squeeze3A_377 = vector.extract %slice3A_376[0] : f32 from vector<1xf32>
      %mul3A_378 = vector.broadcast %squeeze3A_377 : f32 to vector<16xf32>
      %mul3A_379 = arith.mulf %mul3A_355, %mul3A_378 : vector<16xf32>
      %add3A_380 = arith.addf %add3A_344, %mul3A_379 : vector<16xf32>
      %slice3A_381 = vector.extract_strided_slice %get3A_38 {offsets = [8], sizes = [1], strides = [1]} : vector<16xf32> to vector<1xf32>
      %squeeze3A_382 = vector.extract %slice3A_381[0] : f32 from vector<1xf32>
      %mul3A_383 = vector.broadcast %squeeze3A_382 : f32 to vector<16xf32>
      %mul3A_384 = arith.mulf %mul3A_355, %mul3A_383 : vector<16xf32>
      %add3A_385 = arith.addf %add3A_349, %mul3A_384 : vector<16xf32>
      %add3A_386 = arith.constant 9 : i32
      %add3A_387 = vector.broadcast %add3A_386 : i32 to vector<16xi32>
      %add3A_388 = arith.addi %mul3A_61, %add3A_387 : vector<16xi32>
      %gather3A_389 = tpu.vector_load_idx %arg18[%add3A_388] : memref<16384xf32, #tpu.memory_space<vmem>>[vector<16xi32>], vector<16xf32>,
      %gather3A_390 = tpu.vector_load_idx %arg19[%add3A_388] : memref<16384xf32, #tpu.memory_space<vmem>>[vector<16xi32>], vector<16xf32>,
      %mul3A_391 = arith.mulf %gather3A_389, %gather3A_390 : vector<16xf32>
      %add3A_392 = arith.addf %add3A_356, %mul3A_391 : vector<16xf32>
      %gather3A_393 = tpu.vector_load_idx %arg20[%add3A_388] : memref<16384xf32, #tpu.memory_space<vmem>>[vector<16xi32>], vector<16xf32>,
      %gather3A_394 = tpu.vector_load_idx %arg21[%add3A_388] : memref<16384xf32, #tpu.memory_space<vmem>>[vector<16xi32>], vector<16xf32>,
      %add3A_395 = arith.constant 9 : i32
      %add3A_396 = vector.broadcast %add3A_395 : i32 to vector<16xi32>
      %add3A_397 = arith.addi %mul3A_64, %add3A_396 : vector<16xi32>
      %gather3A_398 = tpu.vector_load_idx %arg22[%add3A_397] : memref<128xf32, #tpu.memory_space<vmem>>[vector<16xi32>], vector<16xf32>,
      %mul3A_399 = arith.mulf %gather3A_393, %gather3A_394 : vector<16xf32>
      %mul3A_400 = arith.mulf %mul3A_399, %gather3A_398 : vector<16xf32>
      %add3A_401 = arith.addf %add3A_365, %mul3A_400 : vector<16xf32>
      %slice3A_402 = vector.extract_strided_slice %get3A_26 {offsets = [9], sizes = [1], strides = [1]} : vector<16xf32> to vector<1xf32>
      %squeeze3A_403 = vector.extract %slice3A_402[0] : f32 from vector<1xf32>
      %mul3A_404 = vector.broadcast %squeeze3A_403 : f32 to vector<16xf32>
      %mul3A_405 = arith.mulf %mul3A_391, %mul3A_404 : vector<16xf32>
      %add3A_406 = arith.addf %add3A_370, %mul3A_405 : vector<16xf32>
      %slice3A_407 = vector.extract_strided_slice %get3A_30 {offsets = [9], sizes = [1], strides = [1]} : vector<16xf32> to vector<1xf32>
      %squeeze3A_408 = vector.extract %slice3A_407[0] : f32 from vector<1xf32>
      %mul3A_409 = vector.broadcast %squeeze3A_408 : f32 to vector<16xf32>
      %mul3A_410 = arith.mulf %mul3A_391, %mul3A_409 : vector<16xf32>
      %add3A_411 = arith.addf %add3A_375, %mul3A_410 : vector<16xf32>
      %slice3A_412 = vector.extract_strided_slice %get3A_34 {offsets = [9], sizes = [1], strides = [1]} : vector<16xf32> to vector<1xf32>
      %squeeze3A_413 = vector.extract %slice3A_412[0] : f32 from vector<1xf32>
      %mul3A_414 = vector.broadcast %squeeze3A_413 : f32 to vector<16xf32>
      %mul3A_415 = arith.mulf %mul3A_391, %mul3A_414 : vector<16xf32>
      %add3A_416 = arith.addf %add3A_380, %mul3A_415 : vector<16xf32>
      %slice3A_417 = vector.extract_strided_slice %get3A_38 {offsets = [9], sizes = [1], strides = [1]} : vector<16xf32> to vector<1xf32>
      %squeeze3A_418 = vector.extract %slice3A_417[0] : f32 from vector<1xf32>
      %mul3A_419 = vector.broadcast %squeeze3A_418 : f32 to vector<16xf32>
      %mul3A_420 = arith.mulf %mul3A_391, %mul3A_419 : vector<16xf32>
      %add3A_421 = arith.addf %add3A_385, %mul3A_420 : vector<16xf32>
      %add3A_422 = arith.constant 10 : i32
      %add3A_423 = vector.broadcast %add3A_422 : i32 to vector<16xi32>
      %add3A_424 = arith.addi %mul3A_61, %add3A_423 : vector<16xi32>
      %gather3A_425 = tpu.vector_load_idx %arg18[%add3A_424] : memref<16384xf32, #tpu.memory_space<vmem>>[vector<16xi32>], vector<16xf32>,
      %gather3A_426 = tpu.vector_load_idx %arg19[%add3A_424] : memref<16384xf32, #tpu.memory_space<vmem>>[vector<16xi32>], vector<16xf32>,
      %mul3A_427 = arith.mulf %gather3A_425, %gather3A_426 : vector<16xf32>
      %add3A_428 = arith.addf %add3A_392, %mul3A_427 : vector<16xf32>
      %gather3A_429 = tpu.vector_load_idx %arg20[%add3A_424] : memref<16384xf32, #tpu.memory_space<vmem>>[vector<16xi32>], vector<16xf32>,
      %gather3A_430 = tpu.vector_load_idx %arg21[%add3A_424] : memref<16384xf32, #tpu.memory_space<vmem>>[vector<16xi32>], vector<16xf32>,
      %add3A_431 = arith.constant 10 : i32
      %add3A_432 = vector.broadcast %add3A_431 : i32 to vector<16xi32>
      %add3A_433 = arith.addi %mul3A_64, %add3A_432 : vector<16xi32>
      %gather3A_434 = tpu.vector_load_idx %arg22[%add3A_433] : memref<128xf32, #tpu.memory_space<vmem>>[vector<16xi32>], vector<16xf32>,
      %mul3A_435 = arith.mulf %gather3A_429, %gather3A_430 : vector<16xf32>
      %mul3A_436 = arith.mulf %mul3A_435, %gather3A_434 : vector<16xf32>
      %add3A_437 = arith.addf %add3A_401, %mul3A_436 : vector<16xf32>
      %slice3A_438 = vector.extract_strided_slice %get3A_26 {offsets = [10], sizes = [1], strides = [1]} : vector<16xf32> to vector<1xf32>
      %squeeze3A_439 = vector.extract %slice3A_438[0] : f32 from vector<1xf32>
      %mul3A_440 = vector.broadcast %squeeze3A_439 : f32 to vector<16xf32>
      %mul3A_441 = arith.mulf %mul3A_427, %mul3A_440 : vector<16xf32>
      %add3A_442 = arith.addf %add3A_406, %mul3A_441 : vector<16xf32>
      %slice3A_443 = vector.extract_strided_slice %get3A_30 {offsets = [10], sizes = [1], strides = [1]} : vector<16xf32> to vector<1xf32>
      %squeeze3A_444 = vector.extract %slice3A_443[0] : f32 from vector<1xf32>
      %mul3A_445 = vector.broadcast %squeeze3A_444 : f32 to vector<16xf32>
      %mul3A_446 = arith.mulf %mul3A_427, %mul3A_445 : vector<16xf32>
      %add3A_447 = arith.addf %add3A_411, %mul3A_446 : vector<16xf32>
      %slice3A_448 = vector.extract_strided_slice %get3A_34 {offsets = [10], sizes = [1], strides = [1]} : vector<16xf32> to vector<1xf32>
      %squeeze3A_449 = vector.extract %slice3A_448[0] : f32 from vector<1xf32>
      %mul3A_450 = vector.broadcast %squeeze3A_449 : f32 to vector<16xf32>
      %mul3A_451 = arith.mulf %mul3A_427, %mul3A_450 : vector<16xf32>
      %add3A_452 = arith.addf %add3A_416, %mul3A_451 : vector<16xf32>
      %slice3A_453 = vector.extract_strided_slice %get3A_38 {offsets = [10], sizes = [1], strides = [1]} : vector<16xf32> to vector<1xf32>
      %squeeze3A_454 = vector.extract %slice3A_453[0] : f32 from vector<1xf32>
      %mul3A_455 = vector.broadcast %squeeze3A_454 : f32 to vector<16xf32>
      %mul3A_456 = arith.mulf %mul3A_427, %mul3A_455 : vector<16xf32>
      %add3A_457 = arith.addf %add3A_421, %mul3A_456 : vector<16xf32>
      %add3A_458 = arith.constant 11 : i32
      %add3A_459 = vector.broadcast %add3A_458 : i32 to vector<16xi32>
      %add3A_460 = arith.addi %mul3A_61, %add3A_459 : vector<16xi32>
      %gather3A_461 = tpu.vector_load_idx %arg18[%add3A_460] : memref<16384xf32, #tpu.memory_space<vmem>>[vector<16xi32>], vector<16xf32>,
      %gather3A_462 = tpu.vector_load_idx %arg19[%add3A_460] : memref<16384xf32, #tpu.memory_space<vmem>>[vector<16xi32>], vector<16xf32>,
      %mul3A_463 = arith.mulf %gather3A_461, %gather3A_462 : vector<16xf32>
      %add3A_464 = arith.addf %add3A_428, %mul3A_463 : vector<16xf32>
      %gather3A_465 = tpu.vector_load_idx %arg20[%add3A_460] : memref<16384xf32, #tpu.memory_space<vmem>>[vector<16xi32>], vector<16xf32>,
      %gather3A_466 = tpu.vector_load_idx %arg21[%add3A_460] : memref<16384xf32, #tpu.memory_space<vmem>>[vector<16xi32>], vector<16xf32>,
      %add3A_467 = arith.constant 11 : i32
      %add3A_468 = vector.broadcast %add3A_467 : i32 to vector<16xi32>
      %add3A_469 = arith.addi %mul3A_64, %add3A_468 : vector<16xi32>
      %gather3A_470 = tpu.vector_load_idx %arg22[%add3A_469] : memref<128xf32, #tpu.memory_space<vmem>>[vector<16xi32>], vector<16xf32>,
      %mul3A_471 = arith.mulf %gather3A_465, %gather3A_466 : vector<16xf32>
      %mul3A_472 = arith.mulf %mul3A_471, %gather3A_470 : vector<16xf32>
      %add3A_473 = arith.addf %add3A_437, %mul3A_472 : vector<16xf32>
      %slice3A_474 = vector.extract_strided_slice %get3A_26 {offsets = [11], sizes = [1], strides = [1]} : vector<16xf32> to vector<1xf32>
      %squeeze3A_475 = vector.extract %slice3A_474[0] : f32 from vector<1xf32>
      %mul3A_476 = vector.broadcast %squeeze3A_475 : f32 to vector<16xf32>
      %mul3A_477 = arith.mulf %mul3A_463, %mul3A_476 : vector<16xf32>
      %add3A_478 = arith.addf %add3A_442, %mul3A_477 : vector<16xf32>
      %slice3A_479 = vector.extract_strided_slice %get3A_30 {offsets = [11], sizes = [1], strides = [1]} : vector<16xf32> to vector<1xf32>
      %squeeze3A_480 = vector.extract %slice3A_479[0] : f32 from vector<1xf32>
      %mul3A_481 = vector.broadcast %squeeze3A_480 : f32 to vector<16xf32>
      %mul3A_482 = arith.mulf %mul3A_463, %mul3A_481 : vector<16xf32>
      %add3A_483 = arith.addf %add3A_447, %mul3A_482 : vector<16xf32>
      %slice3A_484 = vector.extract_strided_slice %get3A_34 {offsets = [11], sizes = [1], strides = [1]} : vector<16xf32> to vector<1xf32>
      %squeeze3A_485 = vector.extract %slice3A_484[0] : f32 from vector<1xf32>
      %mul3A_486 = vector.broadcast %squeeze3A_485 : f32 to vector<16xf32>
      %mul3A_487 = arith.mulf %mul3A_463, %mul3A_486 : vector<16xf32>
      %add3A_488 = arith.addf %add3A_452, %mul3A_487 : vector<16xf32>
      %slice3A_489 = vector.extract_strided_slice %get3A_38 {offsets = [11], sizes = [1], strides = [1]} : vector<16xf32> to vector<1xf32>
      %squeeze3A_490 = vector.extract %slice3A_489[0] : f32 from vector<1xf32>
      %mul3A_491 = vector.broadcast %squeeze3A_490 : f32 to vector<16xf32>
      %mul3A_492 = arith.mulf %mul3A_463, %mul3A_491 : vector<16xf32>
      %add3A_493 = arith.addf %add3A_457, %mul3A_492 : vector<16xf32>
      %add3A_494 = arith.constant 12 : i32
      %add3A_495 = vector.broadcast %add3A_494 : i32 to vector<16xi32>
      %add3A_496 = arith.addi %mul3A_61, %add3A_495 : vector<16xi32>
      %gather3A_497 = tpu.vector_load_idx %arg18[%add3A_496] : memref<16384xf32, #tpu.memory_space<vmem>>[vector<16xi32>], vector<16xf32>,
      %gather3A_498 = tpu.vector_load_idx %arg19[%add3A_496] : memref<16384xf32, #tpu.memory_space<vmem>>[vector<16xi32>], vector<16xf32>,
      %mul3A_499 = arith.mulf %gather3A_497, %gather3A_498 : vector<16xf32>
      %add3A_500 = arith.addf %add3A_464, %mul3A_499 : vector<16xf32>
      %gather3A_501 = tpu.vector_load_idx %arg20[%add3A_496] : memref<16384xf32, #tpu.memory_space<vmem>>[vector<16xi32>], vector<16xf32>,
      %gather3A_502 = tpu.vector_load_idx %arg21[%add3A_496] : memref<16384xf32, #tpu.memory_space<vmem>>[vector<16xi32>], vector<16xf32>,
      %add3A_503 = arith.constant 12 : i32
      %add3A_504 = vector.broadcast %add3A_503 : i32 to vector<16xi32>
      %add3A_505 = arith.addi %mul3A_64, %add3A_504 : vector<16xi32>
      %gather3A_506 = tpu.vector_load_idx %arg22[%add3A_505] : memref<128xf32, #tpu.memory_space<vmem>>[vector<16xi32>], vector<16xf32>,
      %mul3A_507 = arith.mulf %gather3A_501, %gather3A_502 : vector<16xf32>
      %mul3A_508 = arith.mulf %mul3A_507, %gather3A_506 : vector<16xf32>
      %add3A_509 = arith.addf %add3A_473, %mul3A_508 : vector<16xf32>
      %slice3A_510 = vector.extract_strided_slice %get3A_26 {offsets = [12], sizes = [1], strides = [1]} : vector<16xf32> to vector<1xf32>
      %squeeze3A_511 = vector.extract %slice3A_510[0] : f32 from vector<1xf32>
      %mul3A_512 = vector.broadcast %squeeze3A_511 : f32 to vector<16xf32>
      %mul3A_513 = arith.mulf %mul3A_499, %mul3A_512 : vector<16xf32>
      %add3A_514 = arith.addf %add3A_478, %mul3A_513 : vector<16xf32>
      %slice3A_515 = vector.extract_strided_slice %get3A_30 {offsets = [12], sizes = [1], strides = [1]} : vector<16xf32> to vector<1xf32>
      %squeeze3A_516 = vector.extract %slice3A_515[0] : f32 from vector<1xf32>
      %mul3A_517 = vector.broadcast %squeeze3A_516 : f32 to vector<16xf32>
      %mul3A_518 = arith.mulf %mul3A_499, %mul3A_517 : vector<16xf32>
      %add3A_519 = arith.addf %add3A_483, %mul3A_518 : vector<16xf32>
      %slice3A_520 = vector.extract_strided_slice %get3A_34 {offsets = [12], sizes = [1], strides = [1]} : vector<16xf32> to vector<1xf32>
      %squeeze3A_521 = vector.extract %slice3A_520[0] : f32 from vector<1xf32>
      %mul3A_522 = vector.broadcast %squeeze3A_521 : f32 to vector<16xf32>
      %mul3A_523 = arith.mulf %mul3A_499, %mul3A_522 : vector<16xf32>
      %add3A_524 = arith.addf %add3A_488, %mul3A_523 : vector<16xf32>
      %slice3A_525 = vector.extract_strided_slice %get3A_38 {offsets = [12], sizes = [1], strides = [1]} : vector<16xf32> to vector<1xf32>
      %squeeze3A_526 = vector.extract %slice3A_525[0] : f32 from vector<1xf32>
      %mul3A_527 = vector.broadcast %squeeze3A_526 : f32 to vector<16xf32>
      %mul3A_528 = arith.mulf %mul3A_499, %mul3A_527 : vector<16xf32>
      %add3A_529 = arith.addf %add3A_493, %mul3A_528 : vector<16xf32>
      %add3A_530 = arith.constant 13 : i32
      %add3A_531 = vector.broadcast %add3A_530 : i32 to vector<16xi32>
      %add3A_532 = arith.addi %mul3A_61, %add3A_531 : vector<16xi32>
      %gather3A_533 = tpu.vector_load_idx %arg18[%add3A_532] : memref<16384xf32, #tpu.memory_space<vmem>>[vector<16xi32>], vector<16xf32>,
      %gather3A_534 = tpu.vector_load_idx %arg19[%add3A_532] : memref<16384xf32, #tpu.memory_space<vmem>>[vector<16xi32>], vector<16xf32>,
      %mul3A_535 = arith.mulf %gather3A_533, %gather3A_534 : vector<16xf32>
      %add3A_536 = arith.addf %add3A_500, %mul3A_535 : vector<16xf32>
      %gather3A_537 = tpu.vector_load_idx %arg20[%add3A_532] : memref<16384xf32, #tpu.memory_space<vmem>>[vector<16xi32>], vector<16xf32>,
      %gather3A_538 = tpu.vector_load_idx %arg21[%add3A_532] : memref<16384xf32, #tpu.memory_space<vmem>>[vector<16xi32>], vector<16xf32>,
      %add3A_539 = arith.constant 13 : i32
      %add3A_540 = vector.broadcast %add3A_539 : i32 to vector<16xi32>
      %add3A_541 = arith.addi %mul3A_64, %add3A_540 : vector<16xi32>
      %gather3A_542 = tpu.vector_load_idx %arg22[%add3A_541] : memref<128xf32, #tpu.memory_space<vmem>>[vector<16xi32>], vector<16xf32>,
      %mul3A_543 = arith.mulf %gather3A_537, %gather3A_538 : vector<16xf32>
      %mul3A_544 = arith.mulf %mul3A_543, %gather3A_542 : vector<16xf32>
      %add3A_545 = arith.addf %add3A_509, %mul3A_544 : vector<16xf32>
      %slice3A_546 = vector.extract_strided_slice %get3A_26 {offsets = [13], sizes = [1], strides = [1]} : vector<16xf32> to vector<1xf32>
      %squeeze3A_547 = vector.extract %slice3A_546[0] : f32 from vector<1xf32>
      %mul3A_548 = vector.broadcast %squeeze3A_547 : f32 to vector<16xf32>
      %mul3A_549 = arith.mulf %mul3A_535, %mul3A_548 : vector<16xf32>
      %add3A_550 = arith.addf %add3A_514, %mul3A_549 : vector<16xf32>
      %slice3A_551 = vector.extract_strided_slice %get3A_30 {offsets = [13], sizes = [1], strides = [1]} : vector<16xf32> to vector<1xf32>
      %squeeze3A_552 = vector.extract %slice3A_551[0] : f32 from vector<1xf32>
      %mul3A_553 = vector.broadcast %squeeze3A_552 : f32 to vector<16xf32>
      %mul3A_554 = arith.mulf %mul3A_535, %mul3A_553 : vector<16xf32>
      %add3A_555 = arith.addf %add3A_519, %mul3A_554 : vector<16xf32>
      %slice3A_556 = vector.extract_strided_slice %get3A_34 {offsets = [13], sizes = [1], strides = [1]} : vector<16xf32> to vector<1xf32>
      %squeeze3A_557 = vector.extract %slice3A_556[0] : f32 from vector<1xf32>
      %mul3A_558 = vector.broadcast %squeeze3A_557 : f32 to vector<16xf32>
      %mul3A_559 = arith.mulf %mul3A_535, %mul3A_558 : vector<16xf32>
      %add3A_560 = arith.addf %add3A_524, %mul3A_559 : vector<16xf32>
      %slice3A_561 = vector.extract_strided_slice %get3A_38 {offsets = [13], sizes = [1], strides = [1]} : vector<16xf32> to vector<1xf32>
      %squeeze3A_562 = vector.extract %slice3A_561[0] : f32 from vector<1xf32>
      %mul3A_563 = vector.broadcast %squeeze3A_562 : f32 to vector<16xf32>
      %mul3A_564 = arith.mulf %mul3A_535, %mul3A_563 : vector<16xf32>
      %add3A_565 = arith.addf %add3A_529, %mul3A_564 : vector<16xf32>
      %add3A_566 = arith.constant 14 : i32
      %add3A_567 = vector.broadcast %add3A_566 : i32 to vector<16xi32>
      %add3A_568 = arith.addi %mul3A_61, %add3A_567 : vector<16xi32>
      %gather3A_569 = tpu.vector_load_idx %arg18[%add3A_568] : memref<16384xf32, #tpu.memory_space<vmem>>[vector<16xi32>], vector<16xf32>,
      %gather3A_570 = tpu.vector_load_idx %arg19[%add3A_568] : memref<16384xf32, #tpu.memory_space<vmem>>[vector<16xi32>], vector<16xf32>,
      %mul3A_571 = arith.mulf %gather3A_569, %gather3A_570 : vector<16xf32>
      %add3A_572 = arith.addf %add3A_536, %mul3A_571 : vector<16xf32>
      %gather3A_573 = tpu.vector_load_idx %arg20[%add3A_568] : memref<16384xf32, #tpu.memory_space<vmem>>[vector<16xi32>], vector<16xf32>,
      %gather3A_574 = tpu.vector_load_idx %arg21[%add3A_568] : memref<16384xf32, #tpu.memory_space<vmem>>[vector<16xi32>], vector<16xf32>,
      %add3A_575 = arith.constant 14 : i32
      %add3A_576 = vector.broadcast %add3A_575 : i32 to vector<16xi32>
      %add3A_577 = arith.addi %mul3A_64, %add3A_576 : vector<16xi32>
      %gather3A_578 = tpu.vector_load_idx %arg22[%add3A_577] : memref<128xf32, #tpu.memory_space<vmem>>[vector<16xi32>], vector<16xf32>,
      %mul3A_579 = arith.mulf %gather3A_573, %gather3A_574 : vector<16xf32>
      %mul3A_580 = arith.mulf %mul3A_579, %gather3A_578 : vector<16xf32>
      %add3A_581 = arith.addf %add3A_545, %mul3A_580 : vector<16xf32>
      %slice3A_582 = vector.extract_strided_slice %get3A_26 {offsets = [14], sizes = [1], strides = [1]} : vector<16xf32> to vector<1xf32>
      %squeeze3A_583 = vector.extract %slice3A_582[0] : f32 from vector<1xf32>
      %mul3A_584 = vector.broadcast %squeeze3A_583 : f32 to vector<16xf32>
      %mul3A_585 = arith.mulf %mul3A_571, %mul3A_584 : vector<16xf32>
      %add3A_586 = arith.addf %add3A_550, %mul3A_585 : vector<16xf32>
      %slice3A_587 = vector.extract_strided_slice %get3A_30 {offsets = [14], sizes = [1], strides = [1]} : vector<16xf32> to vector<1xf32>
      %squeeze3A_588 = vector.extract %slice3A_587[0] : f32 from vector<1xf32>
      %mul3A_589 = vector.broadcast %squeeze3A_588 : f32 to vector<16xf32>
      %mul3A_590 = arith.mulf %mul3A_571, %mul3A_589 : vector<16xf32>
      %add3A_591 = arith.addf %add3A_555, %mul3A_590 : vector<16xf32>
      %slice3A_592 = vector.extract_strided_slice %get3A_34 {offsets = [14], sizes = [1], strides = [1]} : vector<16xf32> to vector<1xf32>
      %squeeze3A_593 = vector.extract %slice3A_592[0] : f32 from vector<1xf32>
      %mul3A_594 = vector.broadcast %squeeze3A_593 : f32 to vector<16xf32>
      %mul3A_595 = arith.mulf %mul3A_571, %mul3A_594 : vector<16xf32>
      %add3A_596 = arith.addf %add3A_560, %mul3A_595 : vector<16xf32>
      %slice3A_597 = vector.extract_strided_slice %get3A_38 {offsets = [14], sizes = [1], strides = [1]} : vector<16xf32> to vector<1xf32>
      %squeeze3A_598 = vector.extract %slice3A_597[0] : f32 from vector<1xf32>
      %mul3A_599 = vector.broadcast %squeeze3A_598 : f32 to vector<16xf32>
      %mul3A_600 = arith.mulf %mul3A_571, %mul3A_599 : vector<16xf32>
      %add3A_601 = arith.addf %add3A_565, %mul3A_600 : vector<16xf32>
      %add3A_602 = arith.constant 15 : i32
      %add3A_603 = vector.broadcast %add3A_602 : i32 to vector<16xi32>
      %add3A_604 = arith.addi %mul3A_61, %add3A_603 : vector<16xi32>
      %gather3A_605 = tpu.vector_load_idx %arg18[%add3A_604] : memref<16384xf32, #tpu.memory_space<vmem>>[vector<16xi32>], vector<16xf32>,
      %gather3A_606 = tpu.vector_load_idx %arg19[%add3A_604] : memref<16384xf32, #tpu.memory_space<vmem>>[vector<16xi32>], vector<16xf32>,
      %mul3A_607 = arith.mulf %gather3A_605, %gather3A_606 : vector<16xf32>
      %add3A_608 = arith.addf %add3A_572, %mul3A_607 : vector<16xf32>
      %gather3A_609 = tpu.vector_load_idx %arg20[%add3A_604] : memref<16384xf32, #tpu.memory_space<vmem>>[vector<16xi32>], vector<16xf32>,
      %gather3A_610 = tpu.vector_load_idx %arg21[%add3A_604] : memref<16384xf32, #tpu.memory_space<vmem>>[vector<16xi32>], vector<16xf32>,
      %add3A_611 = arith.constant 15 : i32
      %add3A_612 = vector.broadcast %add3A_611 : i32 to vector<16xi32>
      %add3A_613 = arith.addi %mul3A_64, %add3A_612 : vector<16xi32>
      %gather3A_614 = tpu.vector_load_idx %arg22[%add3A_613] : memref<128xf32, #tpu.memory_space<vmem>>[vector<16xi32>], vector<16xf32>,
      %mul3A_615 = arith.mulf %gather3A_609, %gather3A_610 : vector<16xf32>
      %mul3A_616 = arith.mulf %mul3A_615, %gather3A_614 : vector<16xf32>
      %add3A_617 = arith.addf %add3A_581, %mul3A_616 : vector<16xf32>
      %slice3A_618 = vector.extract_strided_slice %get3A_26 {offsets = [15], sizes = [1], strides = [1]} : vector<16xf32> to vector<1xf32>
      %squeeze3A_619 = vector.extract %slice3A_618[0] : f32 from vector<1xf32>
      %mul3A_620 = vector.broadcast %squeeze3A_619 : f32 to vector<16xf32>
      %mul3A_621 = arith.mulf %mul3A_607, %mul3A_620 : vector<16xf32>
      %add3A_622 = arith.addf %add3A_586, %mul3A_621 : vector<16xf32>
      %slice3A_623 = vector.extract_strided_slice %get3A_30 {offsets = [15], sizes = [1], strides = [1]} : vector<16xf32> to vector<1xf32>
      %squeeze3A_624 = vector.extract %slice3A_623[0] : f32 from vector<1xf32>
      %mul3A_625 = vector.broadcast %squeeze3A_624 : f32 to vector<16xf32>
      %mul3A_626 = arith.mulf %mul3A_607, %mul3A_625 : vector<16xf32>
      %add3A_627 = arith.addf %add3A_591, %mul3A_626 : vector<16xf32>
      %slice3A_628 = vector.extract_strided_slice %get3A_34 {offsets = [15], sizes = [1], strides = [1]} : vector<16xf32> to vector<1xf32>
      %squeeze3A_629 = vector.extract %slice3A_628[0] : f32 from vector<1xf32>
      %mul3A_630 = vector.broadcast %squeeze3A_629 : f32 to vector<16xf32>
      %mul3A_631 = arith.mulf %mul3A_607, %mul3A_630 : vector<16xf32>
      %add3A_632 = arith.addf %add3A_596, %mul3A_631 : vector<16xf32>
      %slice3A_633 = vector.extract_strided_slice %get3A_38 {offsets = [15], sizes = [1], strides = [1]} : vector<16xf32> to vector<1xf32>
      %squeeze3A_634 = vector.extract %slice3A_633[0] : f32 from vector<1xf32>
      %mul3A_635 = vector.broadcast %squeeze3A_634 : f32 to vector<16xf32>
      %mul3A_636 = arith.mulf %mul3A_607, %mul3A_635 : vector<16xf32>
      %add3A_637 = arith.addf %add3A_601, %mul3A_636 : vector<16xf32>
      %add3A_638 = arith.constant 16 : i32
      %add3A_639 = vector.broadcast %add3A_638 : i32 to vector<16xi32>
      %add3A_640 = arith.addi %mul3A_61, %add3A_639 : vector<16xi32>
      %gather3A_641 = tpu.vector_load_idx %arg18[%add3A_640] : memref<16384xf32, #tpu.memory_space<vmem>>[vector<16xi32>], vector<16xf32>,
      %gather3A_642 = tpu.vector_load_idx %arg19[%add3A_640] : memref<16384xf32, #tpu.memory_space<vmem>>[vector<16xi32>], vector<16xf32>,
      %mul3A_643 = arith.mulf %gather3A_641, %gather3A_642 : vector<16xf32>
      %add3A_644 = arith.addf %add3A_608, %mul3A_643 : vector<16xf32>
      %gather3A_645 = tpu.vector_load_idx %arg20[%add3A_640] : memref<16384xf32, #tpu.memory_space<vmem>>[vector<16xi32>], vector<16xf32>,
      %gather3A_646 = tpu.vector_load_idx %arg21[%add3A_640] : memref<16384xf32, #tpu.memory_space<vmem>>[vector<16xi32>], vector<16xf32>,
      %add3A_647 = arith.constant 16 : i32
      %add3A_648 = vector.broadcast %add3A_647 : i32 to vector<16xi32>
      %add3A_649 = arith.addi %mul3A_64, %add3A_648 : vector<16xi32>
      %gather3A_650 = tpu.vector_load_idx %arg22[%add3A_649] : memref<128xf32, #tpu.memory_space<vmem>>[vector<16xi32>], vector<16xf32>,
      %mul3A_651 = arith.mulf %gather3A_645, %gather3A_646 : vector<16xf32>
      %mul3A_652 = arith.mulf %mul3A_651, %gather3A_650 : vector<16xf32>
      %add3A_653 = arith.addf %add3A_617, %mul3A_652 : vector<16xf32>
      %slice3A_654 = vector.extract_strided_slice %get3A_28 {offsets = [0], sizes = [1], strides = [1]} : vector<16xf32> to vector<1xf32>
      %squeeze3A_655 = vector.extract %slice3A_654[0] : f32 from vector<1xf32>
      %mul3A_656 = vector.broadcast %squeeze3A_655 : f32 to vector<16xf32>
      %mul3A_657 = arith.mulf %mul3A_643, %mul3A_656 : vector<16xf32>
      %add3A_658 = arith.addf %add3A_622, %mul3A_657 : vector<16xf32>
      %slice3A_659 = vector.extract_strided_slice %get3A_32 {offsets = [0], sizes = [1], strides = [1]} : vector<16xf32> to vector<1xf32>
      %squeeze3A_660 = vector.extract %slice3A_659[0] : f32 from vector<1xf32>
      %mul3A_661 = vector.broadcast %squeeze3A_660 : f32 to vector<16xf32>
      %mul3A_662 = arith.mulf %mul3A_643, %mul3A_661 : vector<16xf32>
      %add3A_663 = arith.addf %add3A_627, %mul3A_662 : vector<16xf32>
      %slice3A_664 = vector.extract_strided_slice %get3A_36 {offsets = [0], sizes = [1], strides = [1]} : vector<16xf32> to vector<1xf32>
      %squeeze3A_665 = vector.extract %slice3A_664[0] : f32 from vector<1xf32>
      %mul3A_666 = vector.broadcast %squeeze3A_665 : f32 to vector<16xf32>
      %mul3A_667 = arith.mulf %mul3A_643, %mul3A_666 : vector<16xf32>
      %add3A_668 = arith.addf %add3A_632, %mul3A_667 : vector<16xf32>
      %slice3A_669 = vector.extract_strided_slice %get3A_40 {offsets = [0], sizes = [1], strides = [1]} : vector<16xf32> to vector<1xf32>
      %squeeze3A_670 = vector.extract %slice3A_669[0] : f32 from vector<1xf32>
      %mul3A_671 = vector.broadcast %squeeze3A_670 : f32 to vector<16xf32>
      %mul3A_672 = arith.mulf %mul3A_643, %mul3A_671 : vector<16xf32>
      %add3A_673 = arith.addf %add3A_637, %mul3A_672 : vector<16xf32>
      %add3A_674 = arith.constant 17 : i32
      %add3A_675 = vector.broadcast %add3A_674 : i32 to vector<16xi32>
      %add3A_676 = arith.addi %mul3A_61, %add3A_675 : vector<16xi32>
      %gather3A_677 = tpu.vector_load_idx %arg18[%add3A_676] : memref<16384xf32, #tpu.memory_space<vmem>>[vector<16xi32>], vector<16xf32>,
      %gather3A_678 = tpu.vector_load_idx %arg19[%add3A_676] : memref<16384xf32, #tpu.memory_space<vmem>>[vector<16xi32>], vector<16xf32>,
      %mul3A_679 = arith.mulf %gather3A_677, %gather3A_678 : vector<16xf32>
      %add3A_680 = arith.addf %add3A_644, %mul3A_679 : vector<16xf32>
      %gather3A_681 = tpu.vector_load_idx %arg20[%add3A_676] : memref<16384xf32, #tpu.memory_space<vmem>>[vector<16xi32>], vector<16xf32>,
      %gather3A_682 = tpu.vector_load_idx %arg21[%add3A_676] : memref<16384xf32, #tpu.memory_space<vmem>>[vector<16xi32>], vector<16xf32>,
      %add3A_683 = arith.constant 17 : i32
      %add3A_684 = vector.broadcast %add3A_683 : i32 to vector<16xi32>
      %add3A_685 = arith.addi %mul3A_64, %add3A_684 : vector<16xi32>
      %gather3A_686 = tpu.vector_load_idx %arg22[%add3A_685] : memref<128xf32, #tpu.memory_space<vmem>>[vector<16xi32>], vector<16xf32>,
      %mul3A_687 = arith.mulf %gather3A_681, %gather3A_682 : vector<16xf32>
      %mul3A_688 = arith.mulf %mul3A_687, %gather3A_686 : vector<16xf32>
      %add3A_689 = arith.addf %add3A_653, %mul3A_688 : vector<16xf32>
      %slice3A_690 = vector.extract_strided_slice %get3A_28 {offsets = [1], sizes = [1], strides = [1]} : vector<16xf32> to vector<1xf32>
      %squeeze3A_691 = vector.extract %slice3A_690[0] : f32 from vector<1xf32>
      %mul3A_692 = vector.broadcast %squeeze3A_691 : f32 to vector<16xf32>
      %mul3A_693 = arith.mulf %mul3A_679, %mul3A_692 : vector<16xf32>
      %add3A_694 = arith.addf %add3A_658, %mul3A_693 : vector<16xf32>
      %slice3A_695 = vector.extract_strided_slice %get3A_32 {offsets = [1], sizes = [1], strides = [1]} : vector<16xf32> to vector<1xf32>
      %squeeze3A_696 = vector.extract %slice3A_695[0] : f32 from vector<1xf32>
      %mul3A_697 = vector.broadcast %squeeze3A_696 : f32 to vector<16xf32>
      %mul3A_698 = arith.mulf %mul3A_679, %mul3A_697 : vector<16xf32>
      %add3A_699 = arith.addf %add3A_663, %mul3A_698 : vector<16xf32>
      %slice3A_700 = vector.extract_strided_slice %get3A_36 {offsets = [1], sizes = [1], strides = [1]} : vector<16xf32> to vector<1xf32>
      %squeeze3A_701 = vector.extract %slice3A_700[0] : f32 from vector<1xf32>
      %mul3A_702 = vector.broadcast %squeeze3A_701 : f32 to vector<16xf32>
      %mul3A_703 = arith.mulf %mul3A_679, %mul3A_702 : vector<16xf32>
      %add3A_704 = arith.addf %add3A_668, %mul3A_703 : vector<16xf32>
      %slice3A_705 = vector.extract_strided_slice %get3A_40 {offsets = [1], sizes = [1], strides = [1]} : vector<16xf32> to vector<1xf32>
      %squeeze3A_706 = vector.extract %slice3A_705[0] : f32 from vector<1xf32>
      %mul3A_707 = vector.broadcast %squeeze3A_706 : f32 to vector<16xf32>
      %mul3A_708 = arith.mulf %mul3A_679, %mul3A_707 : vector<16xf32>
      %add3A_709 = arith.addf %add3A_673, %mul3A_708 : vector<16xf32>
      %add3A_710 = arith.constant 18 : i32
      %add3A_711 = vector.broadcast %add3A_710 : i32 to vector<16xi32>
      %add3A_712 = arith.addi %mul3A_61, %add3A_711 : vector<16xi32>
      %gather3A_713 = tpu.vector_load_idx %arg18[%add3A_712] : memref<16384xf32, #tpu.memory_space<vmem>>[vector<16xi32>], vector<16xf32>,
      %gather3A_714 = tpu.vector_load_idx %arg19[%add3A_712] : memref<16384xf32, #tpu.memory_space<vmem>>[vector<16xi32>], vector<16xf32>,
      %mul3A_715 = arith.mulf %gather3A_713, %gather3A_714 : vector<16xf32>
      %add3A_716 = arith.addf %add3A_680, %mul3A_715 : vector<16xf32>
      %gather3A_717 = tpu.vector_load_idx %arg20[%add3A_712] : memref<16384xf32, #tpu.memory_space<vmem>>[vector<16xi32>], vector<16xf32>,
      %gather3A_718 = tpu.vector_load_idx %arg21[%add3A_712] : memref<16384xf32, #tpu.memory_space<vmem>>[vector<16xi32>], vector<16xf32>,
      %add3A_719 = arith.constant 18 : i32
      %add3A_720 = vector.broadcast %add3A_719 : i32 to vector<16xi32>
      %add3A_721 = arith.addi %mul3A_64, %add3A_720 : vector<16xi32>
      %gather3A_722 = tpu.vector_load_idx %arg22[%add3A_721] : memref<128xf32, #tpu.memory_space<vmem>>[vector<16xi32>], vector<16xf32>,
      %mul3A_723 = arith.mulf %gather3A_717, %gather3A_718 : vector<16xf32>
      %mul3A_724 = arith.mulf %mul3A_723, %gather3A_722 : vector<16xf32>
      %add3A_725 = arith.addf %add3A_689, %mul3A_724 : vector<16xf32>
      %slice3A_726 = vector.extract_strided_slice %get3A_28 {offsets = [2], sizes = [1], strides = [1]} : vector<16xf32> to vector<1xf32>
      %squeeze3A_727 = vector.extract %slice3A_726[0] : f32 from vector<1xf32>
      %mul3A_728 = vector.broadcast %squeeze3A_727 : f32 to vector<16xf32>
      %mul3A_729 = arith.mulf %mul3A_715, %mul3A_728 : vector<16xf32>
      %add3A_730 = arith.addf %add3A_694, %mul3A_729 : vector<16xf32>
      %slice3A_731 = vector.extract_strided_slice %get3A_32 {offsets = [2], sizes = [1], strides = [1]} : vector<16xf32> to vector<1xf32>
      %squeeze3A_732 = vector.extract %slice3A_731[0] : f32 from vector<1xf32>
      %mul3A_733 = vector.broadcast %squeeze3A_732 : f32 to vector<16xf32>
      %mul3A_734 = arith.mulf %mul3A_715, %mul3A_733 : vector<16xf32>
      %add3A_735 = arith.addf %add3A_699, %mul3A_734 : vector<16xf32>
      %slice3A_736 = vector.extract_strided_slice %get3A_36 {offsets = [2], sizes = [1], strides = [1]} : vector<16xf32> to vector<1xf32>
      %squeeze3A_737 = vector.extract %slice3A_736[0] : f32 from vector<1xf32>
      %mul3A_738 = vector.broadcast %squeeze3A_737 : f32 to vector<16xf32>
      %mul3A_739 = arith.mulf %mul3A_715, %mul3A_738 : vector<16xf32>
      %add3A_740 = arith.addf %add3A_704, %mul3A_739 : vector<16xf32>
      %slice3A_741 = vector.extract_strided_slice %get3A_40 {offsets = [2], sizes = [1], strides = [1]} : vector<16xf32> to vector<1xf32>
      %squeeze3A_742 = vector.extract %slice3A_741[0] : f32 from vector<1xf32>
      %mul3A_743 = vector.broadcast %squeeze3A_742 : f32 to vector<16xf32>
      %mul3A_744 = arith.mulf %mul3A_715, %mul3A_743 : vector<16xf32>
      %add3A_745 = arith.addf %add3A_709, %mul3A_744 : vector<16xf32>
      %add3A_746 = arith.constant 19 : i32
      %add3A_747 = vector.broadcast %add3A_746 : i32 to vector<16xi32>
      %add3A_748 = arith.addi %mul3A_61, %add3A_747 : vector<16xi32>
      %gather3A_749 = tpu.vector_load_idx %arg18[%add3A_748] : memref<16384xf32, #tpu.memory_space<vmem>>[vector<16xi32>], vector<16xf32>,
      %gather3A_750 = tpu.vector_load_idx %arg19[%add3A_748] : memref<16384xf32, #tpu.memory_space<vmem>>[vector<16xi32>], vector<16xf32>,
      %mul3A_751 = arith.mulf %gather3A_749, %gather3A_750 : vector<16xf32>
      %add3A_752 = arith.addf %add3A_716, %mul3A_751 : vector<16xf32>
      %gather3A_753 = tpu.vector_load_idx %arg20[%add3A_748] : memref<16384xf32, #tpu.memory_space<vmem>>[vector<16xi32>], vector<16xf32>,
      %gather3A_754 = tpu.vector_load_idx %arg21[%add3A_748] : memref<16384xf32, #tpu.memory_space<vmem>>[vector<16xi32>], vector<16xf32>,
      %add3A_755 = arith.constant 19 : i32
      %add3A_756 = vector.broadcast %add3A_755 : i32 to vector<16xi32>
      %add3A_757 = arith.addi %mul3A_64, %add3A_756 : vector<16xi32>
      %gather3A_758 = tpu.vector_load_idx %arg22[%add3A_757] : memref<128xf32, #tpu.memory_space<vmem>>[vector<16xi32>], vector<16xf32>,
      %mul3A_759 = arith.mulf %gather3A_753, %gather3A_754 : vector<16xf32>
      %mul3A_760 = arith.mulf %mul3A_759, %gather3A_758 : vector<16xf32>
      %add3A_761 = arith.addf %add3A_725, %mul3A_760 : vector<16xf32>
      %slice3A_762 = vector.extract_strided_slice %get3A_28 {offsets = [3], sizes = [1], strides = [1]} : vector<16xf32> to vector<1xf32>
      %squeeze3A_763 = vector.extract %slice3A_762[0] : f32 from vector<1xf32>
      %mul3A_764 = vector.broadcast %squeeze3A_763 : f32 to vector<16xf32>
      %mul3A_765 = arith.mulf %mul3A_751, %mul3A_764 : vector<16xf32>
      %add3A_766 = arith.addf %add3A_730, %mul3A_765 : vector<16xf32>
      %slice3A_767 = vector.extract_strided_slice %get3A_32 {offsets = [3], sizes = [1], strides = [1]} : vector<16xf32> to vector<1xf32>
      %squeeze3A_768 = vector.extract %slice3A_767[0] : f32 from vector<1xf32>
      %mul3A_769 = vector.broadcast %squeeze3A_768 : f32 to vector<16xf32>
      %mul3A_770 = arith.mulf %mul3A_751, %mul3A_769 : vector<16xf32>
      %add3A_771 = arith.addf %add3A_735, %mul3A_770 : vector<16xf32>
      %slice3A_772 = vector.extract_strided_slice %get3A_36 {offsets = [3], sizes = [1], strides = [1]} : vector<16xf32> to vector<1xf32>
      %squeeze3A_773 = vector.extract %slice3A_772[0] : f32 from vector<1xf32>
      %mul3A_774 = vector.broadcast %squeeze3A_773 : f32 to vector<16xf32>
      %mul3A_775 = arith.mulf %mul3A_751, %mul3A_774 : vector<16xf32>
      %add3A_776 = arith.addf %add3A_740, %mul3A_775 : vector<16xf32>
      %slice3A_777 = vector.extract_strided_slice %get3A_40 {offsets = [3], sizes = [1], strides = [1]} : vector<16xf32> to vector<1xf32>
      %squeeze3A_778 = vector.extract %slice3A_777[0] : f32 from vector<1xf32>
      %mul3A_779 = vector.broadcast %squeeze3A_778 : f32 to vector<16xf32>
      %mul3A_780 = arith.mulf %mul3A_751, %mul3A_779 : vector<16xf32>
      %add3A_781 = arith.addf %add3A_745, %mul3A_780 : vector<16xf32>
      %add3A_782 = arith.constant 20 : i32
      %add3A_783 = vector.broadcast %add3A_782 : i32 to vector<16xi32>
      %add3A_784 = arith.addi %mul3A_61, %add3A_783 : vector<16xi32>
      %gather3A_785 = tpu.vector_load_idx %arg18[%add3A_784] : memref<16384xf32, #tpu.memory_space<vmem>>[vector<16xi32>], vector<16xf32>,
      %gather3A_786 = tpu.vector_load_idx %arg19[%add3A_784] : memref<16384xf32, #tpu.memory_space<vmem>>[vector<16xi32>], vector<16xf32>,
      %mul3A_787 = arith.mulf %gather3A_785, %gather3A_786 : vector<16xf32>
      %add3A_788 = arith.addf %add3A_752, %mul3A_787 : vector<16xf32>
      %gather3A_789 = tpu.vector_load_idx %arg20[%add3A_784] : memref<16384xf32, #tpu.memory_space<vmem>>[vector<16xi32>], vector<16xf32>,
      %gather3A_790 = tpu.vector_load_idx %arg21[%add3A_784] : memref<16384xf32, #tpu.memory_space<vmem>>[vector<16xi32>], vector<16xf32>,
      %add3A_791 = arith.constant 20 : i32
      %add3A_792 = vector.broadcast %add3A_791 : i32 to vector<16xi32>
      %add3A_793 = arith.addi %mul3A_64, %add3A_792 : vector<16xi32>
      %gather3A_794 = tpu.vector_load_idx %arg22[%add3A_793] : memref<128xf32, #tpu.memory_space<vmem>>[vector<16xi32>], vector<16xf32>,
      %mul3A_795 = arith.mulf %gather3A_789, %gather3A_790 : vector<16xf32>
      %mul3A_796 = arith.mulf %mul3A_795, %gather3A_794 : vector<16xf32>
      %add3A_797 = arith.addf %add3A_761, %mul3A_796 : vector<16xf32>
      %slice3A_798 = vector.extract_strided_slice %get3A_28 {offsets = [4], sizes = [1], strides = [1]} : vector<16xf32> to vector<1xf32>
      %squeeze3A_799 = vector.extract %slice3A_798[0] : f32 from vector<1xf32>
      %mul3A_800 = vector.broadcast %squeeze3A_799 : f32 to vector<16xf32>
      %mul3A_801 = arith.mulf %mul3A_787, %mul3A_800 : vector<16xf32>
      %add3A_802 = arith.addf %add3A_766, %mul3A_801 : vector<16xf32>
      %slice3A_803 = vector.extract_strided_slice %get3A_32 {offsets = [4], sizes = [1], strides = [1]} : vector<16xf32> to vector<1xf32>
      %squeeze3A_804 = vector.extract %slice3A_803[0] : f32 from vector<1xf32>
      %mul3A_805 = vector.broadcast %squeeze3A_804 : f32 to vector<16xf32>
      %mul3A_806 = arith.mulf %mul3A_787, %mul3A_805 : vector<16xf32>
      %add3A_807 = arith.addf %add3A_771, %mul3A_806 : vector<16xf32>
      %slice3A_808 = vector.extract_strided_slice %get3A_36 {offsets = [4], sizes = [1], strides = [1]} : vector<16xf32> to vector<1xf32>
      %squeeze3A_809 = vector.extract %slice3A_808[0] : f32 from vector<1xf32>
      %mul3A_810 = vector.broadcast %squeeze3A_809 : f32 to vector<16xf32>
      %mul3A_811 = arith.mulf %mul3A_787, %mul3A_810 : vector<16xf32>
      %add3A_812 = arith.addf %add3A_776, %mul3A_811 : vector<16xf32>
      %slice3A_813 = vector.extract_strided_slice %get3A_40 {offsets = [4], sizes = [1], strides = [1]} : vector<16xf32> to vector<1xf32>
      %squeeze3A_814 = vector.extract %slice3A_813[0] : f32 from vector<1xf32>
      %mul3A_815 = vector.broadcast %squeeze3A_814 : f32 to vector<16xf32>
      %mul3A_816 = arith.mulf %mul3A_787, %mul3A_815 : vector<16xf32>
      %add3A_817 = arith.addf %add3A_781, %mul3A_816 : vector<16xf32>
      %add3A_818 = arith.constant 21 : i32
      %add3A_819 = vector.broadcast %add3A_818 : i32 to vector<16xi32>
      %add3A_820 = arith.addi %mul3A_61, %add3A_819 : vector<16xi32>
      %gather3A_821 = tpu.vector_load_idx %arg18[%add3A_820] : memref<16384xf32, #tpu.memory_space<vmem>>[vector<16xi32>], vector<16xf32>,
      %gather3A_822 = tpu.vector_load_idx %arg19[%add3A_820] : memref<16384xf32, #tpu.memory_space<vmem>>[vector<16xi32>], vector<16xf32>,
      %mul3A_823 = arith.mulf %gather3A_821, %gather3A_822 : vector<16xf32>
      %add3A_824 = arith.addf %add3A_788, %mul3A_823 : vector<16xf32>
      %gather3A_825 = tpu.vector_load_idx %arg20[%add3A_820] : memref<16384xf32, #tpu.memory_space<vmem>>[vector<16xi32>], vector<16xf32>,
      %gather3A_826 = tpu.vector_load_idx %arg21[%add3A_820] : memref<16384xf32, #tpu.memory_space<vmem>>[vector<16xi32>], vector<16xf32>,
      %add3A_827 = arith.constant 21 : i32
      %add3A_828 = vector.broadcast %add3A_827 : i32 to vector<16xi32>
      %add3A_829 = arith.addi %mul3A_64, %add3A_828 : vector<16xi32>
      %gather3A_830 = tpu.vector_load_idx %arg22[%add3A_829] : memref<128xf32, #tpu.memory_space<vmem>>[vector<16xi32>], vector<16xf32>,
      %mul3A_831 = arith.mulf %gather3A_825, %gather3A_826 : vector<16xf32>
      %mul3A_832 = arith.mulf %mul3A_831, %gather3A_830 : vector<16xf32>
      %add3A_833 = arith.addf %add3A_797, %mul3A_832 : vector<16xf32>
      %slice3A_834 = vector.extract_strided_slice %get3A_28 {offsets = [5], sizes = [1], strides = [1]} : vector<16xf32> to vector<1xf32>
      %squeeze3A_835 = vector.extract %slice3A_834[0] : f32 from vector<1xf32>
      %mul3A_836 = vector.broadcast %squeeze3A_835 : f32 to vector<16xf32>
      %mul3A_837 = arith.mulf %mul3A_823, %mul3A_836 : vector<16xf32>
      %add3A_838 = arith.addf %add3A_802, %mul3A_837 : vector<16xf32>
      %slice3A_839 = vector.extract_strided_slice %get3A_32 {offsets = [5], sizes = [1], strides = [1]} : vector<16xf32> to vector<1xf32>
      %squeeze3A_840 = vector.extract %slice3A_839[0] : f32 from vector<1xf32>
      %mul3A_841 = vector.broadcast %squeeze3A_840 : f32 to vector<16xf32>
      %mul3A_842 = arith.mulf %mul3A_823, %mul3A_841 : vector<16xf32>
      %add3A_843 = arith.addf %add3A_807, %mul3A_842 : vector<16xf32>
      %slice3A_844 = vector.extract_strided_slice %get3A_36 {offsets = [5], sizes = [1], strides = [1]} : vector<16xf32> to vector<1xf32>
      %squeeze3A_845 = vector.extract %slice3A_844[0] : f32 from vector<1xf32>
      %mul3A_846 = vector.broadcast %squeeze3A_845 : f32 to vector<16xf32>
      %mul3A_847 = arith.mulf %mul3A_823, %mul3A_846 : vector<16xf32>
      %add3A_848 = arith.addf %add3A_812, %mul3A_847 : vector<16xf32>
      %slice3A_849 = vector.extract_strided_slice %get3A_40 {offsets = [5], sizes = [1], strides = [1]} : vector<16xf32> to vector<1xf32>
      %squeeze3A_850 = vector.extract %slice3A_849[0] : f32 from vector<1xf32>
      %mul3A_851 = vector.broadcast %squeeze3A_850 : f32 to vector<16xf32>
      %mul3A_852 = arith.mulf %mul3A_823, %mul3A_851 : vector<16xf32>
      %add3A_853 = arith.addf %add3A_817, %mul3A_852 : vector<16xf32>
      %add3A_854 = arith.constant 22 : i32
      %add3A_855 = vector.broadcast %add3A_854 : i32 to vector<16xi32>
      %add3A_856 = arith.addi %mul3A_61, %add3A_855 : vector<16xi32>
      %gather3A_857 = tpu.vector_load_idx %arg18[%add3A_856] : memref<16384xf32, #tpu.memory_space<vmem>>[vector<16xi32>], vector<16xf32>,
      %gather3A_858 = tpu.vector_load_idx %arg19[%add3A_856] : memref<16384xf32, #tpu.memory_space<vmem>>[vector<16xi32>], vector<16xf32>,
      %mul3A_859 = arith.mulf %gather3A_857, %gather3A_858 : vector<16xf32>
      %add3A_860 = arith.addf %add3A_824, %mul3A_859 : vector<16xf32>
      %gather3A_861 = tpu.vector_load_idx %arg20[%add3A_856] : memref<16384xf32, #tpu.memory_space<vmem>>[vector<16xi32>], vector<16xf32>,
      %gather3A_862 = tpu.vector_load_idx %arg21[%add3A_856] : memref<16384xf32, #tpu.memory_space<vmem>>[vector<16xi32>], vector<16xf32>,
      %add3A_863 = arith.constant 22 : i32
      %add3A_864 = vector.broadcast %add3A_863 : i32 to vector<16xi32>
      %add3A_865 = arith.addi %mul3A_64, %add3A_864 : vector<16xi32>
      %gather3A_866 = tpu.vector_load_idx %arg22[%add3A_865] : memref<128xf32, #tpu.memory_space<vmem>>[vector<16xi32>], vector<16xf32>,
      %mul3A_867 = arith.mulf %gather3A_861, %gather3A_862 : vector<16xf32>
      %mul3A_868 = arith.mulf %mul3A_867, %gather3A_866 : vector<16xf32>
      %add3A_869 = arith.addf %add3A_833, %mul3A_868 : vector<16xf32>
      %slice3A_870 = vector.extract_strided_slice %get3A_28 {offsets = [6], sizes = [1], strides = [1]} : vector<16xf32> to vector<1xf32>
      %squeeze3A_871 = vector.extract %slice3A_870[0] : f32 from vector<1xf32>
      %mul3A_872 = vector.broadcast %squeeze3A_871 : f32 to vector<16xf32>
      %mul3A_873 = arith.mulf %mul3A_859, %mul3A_872 : vector<16xf32>
      %add3A_874 = arith.addf %add3A_838, %mul3A_873 : vector<16xf32>
      %slice3A_875 = vector.extract_strided_slice %get3A_32 {offsets = [6], sizes = [1], strides = [1]} : vector<16xf32> to vector<1xf32>
      %squeeze3A_876 = vector.extract %slice3A_875[0] : f32 from vector<1xf32>
      %mul3A_877 = vector.broadcast %squeeze3A_876 : f32 to vector<16xf32>
      %mul3A_878 = arith.mulf %mul3A_859, %mul3A_877 : vector<16xf32>
      %add3A_879 = arith.addf %add3A_843, %mul3A_878 : vector<16xf32>
      %slice3A_880 = vector.extract_strided_slice %get3A_36 {offsets = [6], sizes = [1], strides = [1]} : vector<16xf32> to vector<1xf32>
      %squeeze3A_881 = vector.extract %slice3A_880[0] : f32 from vector<1xf32>
      %mul3A_882 = vector.broadcast %squeeze3A_881 : f32 to vector<16xf32>
      %mul3A_883 = arith.mulf %mul3A_859, %mul3A_882 : vector<16xf32>
      %add3A_884 = arith.addf %add3A_848, %mul3A_883 : vector<16xf32>
      %slice3A_885 = vector.extract_strided_slice %get3A_40 {offsets = [6], sizes = [1], strides = [1]} : vector<16xf32> to vector<1xf32>
      %squeeze3A_886 = vector.extract %slice3A_885[0] : f32 from vector<1xf32>
      %mul3A_887 = vector.broadcast %squeeze3A_886 : f32 to vector<16xf32>
      %mul3A_888 = arith.mulf %mul3A_859, %mul3A_887 : vector<16xf32>
      %add3A_889 = arith.addf %add3A_853, %mul3A_888 : vector<16xf32>
      %add3A_890 = arith.constant 23 : i32
      %add3A_891 = vector.broadcast %add3A_890 : i32 to vector<16xi32>
      %add3A_892 = arith.addi %mul3A_61, %add3A_891 : vector<16xi32>
      %gather3A_893 = tpu.vector_load_idx %arg18[%add3A_892] : memref<16384xf32, #tpu.memory_space<vmem>>[vector<16xi32>], vector<16xf32>,
      %gather3A_894 = tpu.vector_load_idx %arg19[%add3A_892] : memref<16384xf32, #tpu.memory_space<vmem>>[vector<16xi32>], vector<16xf32>,
      %mul3A_895 = arith.mulf %gather3A_893, %gather3A_894 : vector<16xf32>
      %add3A_896 = arith.addf %add3A_860, %mul3A_895 : vector<16xf32>
      %gather3A_897 = tpu.vector_load_idx %arg20[%add3A_892] : memref<16384xf32, #tpu.memory_space<vmem>>[vector<16xi32>], vector<16xf32>,
      %gather3A_898 = tpu.vector_load_idx %arg21[%add3A_892] : memref<16384xf32, #tpu.memory_space<vmem>>[vector<16xi32>], vector<16xf32>,
      %add3A_899 = arith.constant 23 : i32
      %add3A_900 = vector.broadcast %add3A_899 : i32 to vector<16xi32>
      %add3A_901 = arith.addi %mul3A_64, %add3A_900 : vector<16xi32>
      %gather3A_902 = tpu.vector_load_idx %arg22[%add3A_901] : memref<128xf32, #tpu.memory_space<vmem>>[vector<16xi32>], vector<16xf32>,
      %mul3A_903 = arith.mulf %gather3A_897, %gather3A_898 : vector<16xf32>
      %mul3A_904 = arith.mulf %mul3A_903, %gather3A_902 : vector<16xf32>
      %add3A_905 = arith.addf %add3A_869, %mul3A_904 : vector<16xf32>
      %slice3A_906 = vector.extract_strided_slice %get3A_28 {offsets = [7], sizes = [1], strides = [1]} : vector<16xf32> to vector<1xf32>
      %squeeze3A_907 = vector.extract %slice3A_906[0] : f32 from vector<1xf32>
      %mul3A_908 = vector.broadcast %squeeze3A_907 : f32 to vector<16xf32>
      %mul3A_909 = arith.mulf %mul3A_895, %mul3A_908 : vector<16xf32>
      %add3A_910 = arith.addf %add3A_874, %mul3A_909 : vector<16xf32>
      %slice3A_911 = vector.extract_strided_slice %get3A_32 {offsets = [7], sizes = [1], strides = [1]} : vector<16xf32> to vector<1xf32>
      %squeeze3A_912 = vector.extract %slice3A_911[0] : f32 from vector<1xf32>
      %mul3A_913 = vector.broadcast %squeeze3A_912 : f32 to vector<16xf32>
      %mul3A_914 = arith.mulf %mul3A_895, %mul3A_913 : vector<16xf32>
      %add3A_915 = arith.addf %add3A_879, %mul3A_914 : vector<16xf32>
      %slice3A_916 = vector.extract_strided_slice %get3A_36 {offsets = [7], sizes = [1], strides = [1]} : vector<16xf32> to vector<1xf32>
      %squeeze3A_917 = vector.extract %slice3A_916[0] : f32 from vector<1xf32>
      %mul3A_918 = vector.broadcast %squeeze3A_917 : f32 to vector<16xf32>
      %mul3A_919 = arith.mulf %mul3A_895, %mul3A_918 : vector<16xf32>
      %add3A_920 = arith.addf %add3A_884, %mul3A_919 : vector<16xf32>
      %slice3A_921 = vector.extract_strided_slice %get3A_40 {offsets = [7], sizes = [1], strides = [1]} : vector<16xf32> to vector<1xf32>
      %squeeze3A_922 = vector.extract %slice3A_921[0] : f32 from vector<1xf32>
      %mul3A_923 = vector.broadcast %squeeze3A_922 : f32 to vector<16xf32>
      %mul3A_924 = arith.mulf %mul3A_895, %mul3A_923 : vector<16xf32>
      %add3A_925 = arith.addf %add3A_889, %mul3A_924 : vector<16xf32>
      %add3A_926 = arith.constant 24 : i32
      %add3A_927 = vector.broadcast %add3A_926 : i32 to vector<16xi32>
      %add3A_928 = arith.addi %mul3A_61, %add3A_927 : vector<16xi32>
      %gather3A_929 = tpu.vector_load_idx %arg18[%add3A_928] : memref<16384xf32, #tpu.memory_space<vmem>>[vector<16xi32>], vector<16xf32>,
      %gather3A_930 = tpu.vector_load_idx %arg19[%add3A_928] : memref<16384xf32, #tpu.memory_space<vmem>>[vector<16xi32>], vector<16xf32>,
      %mul3A_931 = arith.mulf %gather3A_929, %gather3A_930 : vector<16xf32>
      %add3A_932 = arith.addf %add3A_896, %mul3A_931 : vector<16xf32>
      %gather3A_933 = tpu.vector_load_idx %arg20[%add3A_928] : memref<16384xf32, #tpu.memory_space<vmem>>[vector<16xi32>], vector<16xf32>,
      %gather3A_934 = tpu.vector_load_idx %arg21[%add3A_928] : memref<16384xf32, #tpu.memory_space<vmem>>[vector<16xi32>], vector<16xf32>,
      %add3A_935 = arith.constant 24 : i32
      %add3A_936 = vector.broadcast %add3A_935 : i32 to vector<16xi32>
      %add3A_937 = arith.addi %mul3A_64, %add3A_936 : vector<16xi32>
      %gather3A_938 = tpu.vector_load_idx %arg22[%add3A_937] : memref<128xf32, #tpu.memory_space<vmem>>[vector<16xi32>], vector<16xf32>,
      %mul3A_939 = arith.mulf %gather3A_933, %gather3A_934 : vector<16xf32>
      %mul3A_940 = arith.mulf %mul3A_939, %gather3A_938 : vector<16xf32>
      %add3A_941 = arith.addf %add3A_905, %mul3A_940 : vector<16xf32>
      %slice3A_942 = vector.extract_strided_slice %get3A_28 {offsets = [8], sizes = [1], strides = [1]} : vector<16xf32> to vector<1xf32>
      %squeeze3A_943 = vector.extract %slice3A_942[0] : f32 from vector<1xf32>
      %mul3A_944 = vector.broadcast %squeeze3A_943 : f32 to vector<16xf32>
      %mul3A_945 = arith.mulf %mul3A_931, %mul3A_944 : vector<16xf32>
      %add3A_946 = arith.addf %add3A_910, %mul3A_945 : vector<16xf32>
      %slice3A_947 = vector.extract_strided_slice %get3A_32 {offsets = [8], sizes = [1], strides = [1]} : vector<16xf32> to vector<1xf32>
      %squeeze3A_948 = vector.extract %slice3A_947[0] : f32 from vector<1xf32>
      %mul3A_949 = vector.broadcast %squeeze3A_948 : f32 to vector<16xf32>
      %mul3A_950 = arith.mulf %mul3A_931, %mul3A_949 : vector<16xf32>
      %add3A_951 = arith.addf %add3A_915, %mul3A_950 : vector<16xf32>
      %slice3A_952 = vector.extract_strided_slice %get3A_36 {offsets = [8], sizes = [1], strides = [1]} : vector<16xf32> to vector<1xf32>
      %squeeze3A_953 = vector.extract %slice3A_952[0] : f32 from vector<1xf32>
      %mul3A_954 = vector.broadcast %squeeze3A_953 : f32 to vector<16xf32>
      %mul3A_955 = arith.mulf %mul3A_931, %mul3A_954 : vector<16xf32>
      %add3A_956 = arith.addf %add3A_920, %mul3A_955 : vector<16xf32>
      %slice3A_957 = vector.extract_strided_slice %get3A_40 {offsets = [8], sizes = [1], strides = [1]} : vector<16xf32> to vector<1xf32>
      %squeeze3A_958 = vector.extract %slice3A_957[0] : f32 from vector<1xf32>
      %mul3A_959 = vector.broadcast %squeeze3A_958 : f32 to vector<16xf32>
      %mul3A_960 = arith.mulf %mul3A_931, %mul3A_959 : vector<16xf32>
      %add3A_961 = arith.addf %add3A_925, %mul3A_960 : vector<16xf32>
      %add3A_962 = arith.constant 25 : i32
      %add3A_963 = vector.broadcast %add3A_962 : i32 to vector<16xi32>
      %add3A_964 = arith.addi %mul3A_61, %add3A_963 : vector<16xi32>
      %gather3A_965 = tpu.vector_load_idx %arg18[%add3A_964] : memref<16384xf32, #tpu.memory_space<vmem>>[vector<16xi32>], vector<16xf32>,
      %gather3A_966 = tpu.vector_load_idx %arg19[%add3A_964] : memref<16384xf32, #tpu.memory_space<vmem>>[vector<16xi32>], vector<16xf32>,
      %mul3A_967 = arith.mulf %gather3A_965, %gather3A_966 : vector<16xf32>
      %add3A_968 = arith.addf %add3A_932, %mul3A_967 : vector<16xf32>
      %gather3A_969 = tpu.vector_load_idx %arg20[%add3A_964] : memref<16384xf32, #tpu.memory_space<vmem>>[vector<16xi32>], vector<16xf32>,
      %gather3A_970 = tpu.vector_load_idx %arg21[%add3A_964] : memref<16384xf32, #tpu.memory_space<vmem>>[vector<16xi32>], vector<16xf32>,
      %add3A_971 = arith.constant 25 : i32
      %add3A_972 = vector.broadcast %add3A_971 : i32 to vector<16xi32>
      %add3A_973 = arith.addi %mul3A_64, %add3A_972 : vector<16xi32>
      %gather3A_974 = tpu.vector_load_idx %arg22[%add3A_973] : memref<128xf32, #tpu.memory_space<vmem>>[vector<16xi32>], vector<16xf32>,
      %mul3A_975 = arith.mulf %gather3A_969, %gather3A_970 : vector<16xf32>
      %mul3A_976 = arith.mulf %mul3A_975, %gather3A_974 : vector<16xf32>
      %add3A_977 = arith.addf %add3A_941, %mul3A_976 : vector<16xf32>
      %slice3A_978 = vector.extract_strided_slice %get3A_28 {offsets = [9], sizes = [1], strides = [1]} : vector<16xf32> to vector<1xf32>
      %squeeze3A_979 = vector.extract %slice3A_978[0] : f32 from vector<1xf32>
      %mul3A_980 = vector.broadcast %squeeze3A_979 : f32 to vector<16xf32>
      %mul3A_981 = arith.mulf %mul3A_967, %mul3A_980 : vector<16xf32>
      %add3A_982 = arith.addf %add3A_946, %mul3A_981 : vector<16xf32>
      %slice3A_983 = vector.extract_strided_slice %get3A_32 {offsets = [9], sizes = [1], strides = [1]} : vector<16xf32> to vector<1xf32>
      %squeeze3A_984 = vector.extract %slice3A_983[0] : f32 from vector<1xf32>
      %mul3A_985 = vector.broadcast %squeeze3A_984 : f32 to vector<16xf32>
      %mul3A_986 = arith.mulf %mul3A_967, %mul3A_985 : vector<16xf32>
      %add3A_987 = arith.addf %add3A_951, %mul3A_986 : vector<16xf32>
      %slice3A_988 = vector.extract_strided_slice %get3A_36 {offsets = [9], sizes = [1], strides = [1]} : vector<16xf32> to vector<1xf32>
      %squeeze3A_989 = vector.extract %slice3A_988[0] : f32 from vector<1xf32>
      %mul3A_990 = vector.broadcast %squeeze3A_989 : f32 to vector<16xf32>
      %mul3A_991 = arith.mulf %mul3A_967, %mul3A_990 : vector<16xf32>
      %add3A_992 = arith.addf %add3A_956, %mul3A_991 : vector<16xf32>
      %slice3A_993 = vector.extract_strided_slice %get3A_40 {offsets = [9], sizes = [1], strides = [1]} : vector<16xf32> to vector<1xf32>
      %squeeze3A_994 = vector.extract %slice3A_993[0] : f32 from vector<1xf32>
      %mul3A_995 = vector.broadcast %squeeze3A_994 : f32 to vector<16xf32>
      %mul3A_996 = arith.mulf %mul3A_967, %mul3A_995 : vector<16xf32>
      %add3A_997 = arith.addf %add3A_961, %mul3A_996 : vector<16xf32>
      %add3A_998 = arith.constant 26 : i32
      %add3A_999 = vector.broadcast %add3A_998 : i32 to vector<16xi32>
      %add3A_1000 = arith.addi %mul3A_61, %add3A_999 : vector<16xi32>
      %gather3A_1001 = tpu.vector_load_idx %arg18[%add3A_1000] : memref<16384xf32, #tpu.memory_space<vmem>>[vector<16xi32>], vector<16xf32>,
      %gather3A_1002 = tpu.vector_load_idx %arg19[%add3A_1000] : memref<16384xf32, #tpu.memory_space<vmem>>[vector<16xi32>], vector<16xf32>,
      %mul3A_1003 = arith.mulf %gather3A_1001, %gather3A_1002 : vector<16xf32>
      %add3A_1004 = arith.addf %add3A_968, %mul3A_1003 : vector<16xf32>
      %gather3A_1005 = tpu.vector_load_idx %arg20[%add3A_1000] : memref<16384xf32, #tpu.memory_space<vmem>>[vector<16xi32>], vector<16xf32>,
      %gather3A_1006 = tpu.vector_load_idx %arg21[%add3A_1000] : memref<16384xf32, #tpu.memory_space<vmem>>[vector<16xi32>], vector<16xf32>,
      %add3A_1007 = arith.constant 26 : i32
      %add3A_1008 = vector.broadcast %add3A_1007 : i32 to vector<16xi32>
      %add3A_1009 = arith.addi %mul3A_64, %add3A_1008 : vector<16xi32>
      %gather3A_1010 = tpu.vector_load_idx %arg22[%add3A_1009] : memref<128xf32, #tpu.memory_space<vmem>>[vector<16xi32>], vector<16xf32>,
      %mul3A_1011 = arith.mulf %gather3A_1005, %gather3A_1006 : vector<16xf32>
      %mul3A_1012 = arith.mulf %mul3A_1011, %gather3A_1010 : vector<16xf32>
      %add3A_1013 = arith.addf %add3A_977, %mul3A_1012 : vector<16xf32>
      %slice3A_1014 = vector.extract_strided_slice %get3A_28 {offsets = [10], sizes = [1], strides = [1]} : vector<16xf32> to vector<1xf32>
      %squeeze3A_1015 = vector.extract %slice3A_1014[0] : f32 from vector<1xf32>
      %mul3A_1016 = vector.broadcast %squeeze3A_1015 : f32 to vector<16xf32>
      %mul3A_1017 = arith.mulf %mul3A_1003, %mul3A_1016 : vector<16xf32>
      %add3A_1018 = arith.addf %add3A_982, %mul3A_1017 : vector<16xf32>
      %slice3A_1019 = vector.extract_strided_slice %get3A_32 {offsets = [10], sizes = [1], strides = [1]} : vector<16xf32> to vector<1xf32>
      %squeeze3A_1020 = vector.extract %slice3A_1019[0] : f32 from vector<1xf32>
      %mul3A_1021 = vector.broadcast %squeeze3A_1020 : f32 to vector<16xf32>
      %mul3A_1022 = arith.mulf %mul3A_1003, %mul3A_1021 : vector<16xf32>
      %add3A_1023 = arith.addf %add3A_987, %mul3A_1022 : vector<16xf32>
      %slice3A_1024 = vector.extract_strided_slice %get3A_36 {offsets = [10], sizes = [1], strides = [1]} : vector<16xf32> to vector<1xf32>
      %squeeze3A_1025 = vector.extract %slice3A_1024[0] : f32 from vector<1xf32>
      %mul3A_1026 = vector.broadcast %squeeze3A_1025 : f32 to vector<16xf32>
      %mul3A_1027 = arith.mulf %mul3A_1003, %mul3A_1026 : vector<16xf32>
      %add3A_1028 = arith.addf %add3A_992, %mul3A_1027 : vector<16xf32>
      %slice3A_1029 = vector.extract_strided_slice %get3A_40 {offsets = [10], sizes = [1], strides = [1]} : vector<16xf32> to vector<1xf32>
      %squeeze3A_1030 = vector.extract %slice3A_1029[0] : f32 from vector<1xf32>
      %mul3A_1031 = vector.broadcast %squeeze3A_1030 : f32 to vector<16xf32>
      %mul3A_1032 = arith.mulf %mul3A_1003, %mul3A_1031 : vector<16xf32>
      %add3A_1033 = arith.addf %add3A_997, %mul3A_1032 : vector<16xf32>
      %add3A_1034 = arith.constant 27 : i32
      %add3A_1035 = vector.broadcast %add3A_1034 : i32 to vector<16xi32>
      %add3A_1036 = arith.addi %mul3A_61, %add3A_1035 : vector<16xi32>
      %gather3A_1037 = tpu.vector_load_idx %arg18[%add3A_1036] : memref<16384xf32, #tpu.memory_space<vmem>>[vector<16xi32>], vector<16xf32>,
      %gather3A_1038 = tpu.vector_load_idx %arg19[%add3A_1036] : memref<16384xf32, #tpu.memory_space<vmem>>[vector<16xi32>], vector<16xf32>,
      %mul3A_1039 = arith.mulf %gather3A_1037, %gather3A_1038 : vector<16xf32>
      %add3A_1040 = arith.addf %add3A_1004, %mul3A_1039 : vector<16xf32>
      %gather3A_1041 = tpu.vector_load_idx %arg20[%add3A_1036] : memref<16384xf32, #tpu.memory_space<vmem>>[vector<16xi32>], vector<16xf32>,
      %gather3A_1042 = tpu.vector_load_idx %arg21[%add3A_1036] : memref<16384xf32, #tpu.memory_space<vmem>>[vector<16xi32>], vector<16xf32>,
      %add3A_1043 = arith.constant 27 : i32
      %add3A_1044 = vector.broadcast %add3A_1043 : i32 to vector<16xi32>
      %add3A_1045 = arith.addi %mul3A_64, %add3A_1044 : vector<16xi32>
      %gather3A_1046 = tpu.vector_load_idx %arg22[%add3A_1045] : memref<128xf32, #tpu.memory_space<vmem>>[vector<16xi32>], vector<16xf32>,
      %mul3A_1047 = arith.mulf %gather3A_1041, %gather3A_1042 : vector<16xf32>
      %mul3A_1048 = arith.mulf %mul3A_1047, %gather3A_1046 : vector<16xf32>
      %add3A_1049 = arith.addf %add3A_1013, %mul3A_1048 : vector<16xf32>
      %slice3A_1050 = vector.extract_strided_slice %get3A_28 {offsets = [11], sizes = [1], strides = [1]} : vector<16xf32> to vector<1xf32>
      %squeeze3A_1051 = vector.extract %slice3A_1050[0] : f32 from vector<1xf32>
      %mul3A_1052 = vector.broadcast %squeeze3A_1051 : f32 to vector<16xf32>
      %mul3A_1053 = arith.mulf %mul3A_1039, %mul3A_1052 : vector<16xf32>
      %add3A_1054 = arith.addf %add3A_1018, %mul3A_1053 : vector<16xf32>
      %slice3A_1055 = vector.extract_strided_slice %get3A_32 {offsets = [11], sizes = [1], strides = [1]} : vector<16xf32> to vector<1xf32>
      %squeeze3A_1056 = vector.extract %slice3A_1055[0] : f32 from vector<1xf32>
      %mul3A_1057 = vector.broadcast %squeeze3A_1056 : f32 to vector<16xf32>
      %mul3A_1058 = arith.mulf %mul3A_1039, %mul3A_1057 : vector<16xf32>
      %add3A_1059 = arith.addf %add3A_1023, %mul3A_1058 : vector<16xf32>
      %slice3A_1060 = vector.extract_strided_slice %get3A_36 {offsets = [11], sizes = [1], strides = [1]} : vector<16xf32> to vector<1xf32>
      %squeeze3A_1061 = vector.extract %slice3A_1060[0] : f32 from vector<1xf32>
      %mul3A_1062 = vector.broadcast %squeeze3A_1061 : f32 to vector<16xf32>
      %mul3A_1063 = arith.mulf %mul3A_1039, %mul3A_1062 : vector<16xf32>
      %add3A_1064 = arith.addf %add3A_1028, %mul3A_1063 : vector<16xf32>
      %slice3A_1065 = vector.extract_strided_slice %get3A_40 {offsets = [11], sizes = [1], strides = [1]} : vector<16xf32> to vector<1xf32>
      %squeeze3A_1066 = vector.extract %slice3A_1065[0] : f32 from vector<1xf32>
      %mul3A_1067 = vector.broadcast %squeeze3A_1066 : f32 to vector<16xf32>
      %mul3A_1068 = arith.mulf %mul3A_1039, %mul3A_1067 : vector<16xf32>
      %add3A_1069 = arith.addf %add3A_1033, %mul3A_1068 : vector<16xf32>
      %add3A_1070 = arith.constant 28 : i32
      %add3A_1071 = vector.broadcast %add3A_1070 : i32 to vector<16xi32>
      %add3A_1072 = arith.addi %mul3A_61, %add3A_1071 : vector<16xi32>
      %gather3A_1073 = tpu.vector_load_idx %arg18[%add3A_1072] : memref<16384xf32, #tpu.memory_space<vmem>>[vector<16xi32>], vector<16xf32>,
      %gather3A_1074 = tpu.vector_load_idx %arg19[%add3A_1072] : memref<16384xf32, #tpu.memory_space<vmem>>[vector<16xi32>], vector<16xf32>,
      %mul3A_1075 = arith.mulf %gather3A_1073, %gather3A_1074 : vector<16xf32>
      %add3A_1076 = arith.addf %add3A_1040, %mul3A_1075 : vector<16xf32>
      %gather3A_1077 = tpu.vector_load_idx %arg20[%add3A_1072] : memref<16384xf32, #tpu.memory_space<vmem>>[vector<16xi32>], vector<16xf32>,
      %gather3A_1078 = tpu.vector_load_idx %arg21[%add3A_1072] : memref<16384xf32, #tpu.memory_space<vmem>>[vector<16xi32>], vector<16xf32>,
      %add3A_1079 = arith.constant 28 : i32
      %add3A_1080 = vector.broadcast %add3A_1079 : i32 to vector<16xi32>
      %add3A_1081 = arith.addi %mul3A_64, %add3A_1080 : vector<16xi32>
      %gather3A_1082 = tpu.vector_load_idx %arg22[%add3A_1081] : memref<128xf32, #tpu.memory_space<vmem>>[vector<16xi32>], vector<16xf32>,
      %mul3A_1083 = arith.mulf %gather3A_1077, %gather3A_1078 : vector<16xf32>
      %mul3A_1084 = arith.mulf %mul3A_1083, %gather3A_1082 : vector<16xf32>
      %add3A_1085 = arith.addf %add3A_1049, %mul3A_1084 : vector<16xf32>
      %slice3A_1086 = vector.extract_strided_slice %get3A_28 {offsets = [12], sizes = [1], strides = [1]} : vector<16xf32> to vector<1xf32>
      %squeeze3A_1087 = vector.extract %slice3A_1086[0] : f32 from vector<1xf32>
      %mul3A_1088 = vector.broadcast %squeeze3A_1087 : f32 to vector<16xf32>
      %mul3A_1089 = arith.mulf %mul3A_1075, %mul3A_1088 : vector<16xf32>
      %add3A_1090 = arith.addf %add3A_1054, %mul3A_1089 : vector<16xf32>
      %slice3A_1091 = vector.extract_strided_slice %get3A_32 {offsets = [12], sizes = [1], strides = [1]} : vector<16xf32> to vector<1xf32>
      %squeeze3A_1092 = vector.extract %slice3A_1091[0] : f32 from vector<1xf32>
      %mul3A_1093 = vector.broadcast %squeeze3A_1092 : f32 to vector<16xf32>
      %mul3A_1094 = arith.mulf %mul3A_1075, %mul3A_1093 : vector<16xf32>
      %add3A_1095 = arith.addf %add3A_1059, %mul3A_1094 : vector<16xf32>
      %slice3A_1096 = vector.extract_strided_slice %get3A_36 {offsets = [12], sizes = [1], strides = [1]} : vector<16xf32> to vector<1xf32>
      %squeeze3A_1097 = vector.extract %slice3A_1096[0] : f32 from vector<1xf32>
      %mul3A_1098 = vector.broadcast %squeeze3A_1097 : f32 to vector<16xf32>
      %mul3A_1099 = arith.mulf %mul3A_1075, %mul3A_1098 : vector<16xf32>
      %add3A_1100 = arith.addf %add3A_1064, %mul3A_1099 : vector<16xf32>
      %slice3A_1101 = vector.extract_strided_slice %get3A_40 {offsets = [12], sizes = [1], strides = [1]} : vector<16xf32> to vector<1xf32>
      %squeeze3A_1102 = vector.extract %slice3A_1101[0] : f32 from vector<1xf32>
      %mul3A_1103 = vector.broadcast %squeeze3A_1102 : f32 to vector<16xf32>
      %mul3A_1104 = arith.mulf %mul3A_1075, %mul3A_1103 : vector<16xf32>
      %add3A_1105 = arith.addf %add3A_1069, %mul3A_1104 : vector<16xf32>
      %add3A_1106 = arith.constant 29 : i32
      %add3A_1107 = vector.broadcast %add3A_1106 : i32 to vector<16xi32>
      %add3A_1108 = arith.addi %mul3A_61, %add3A_1107 : vector<16xi32>
      %gather3A_1109 = tpu.vector_load_idx %arg18[%add3A_1108] : memref<16384xf32, #tpu.memory_space<vmem>>[vector<16xi32>], vector<16xf32>,
      %gather3A_1110 = tpu.vector_load_idx %arg19[%add3A_1108] : memref<16384xf32, #tpu.memory_space<vmem>>[vector<16xi32>], vector<16xf32>,
      %mul3A_1111 = arith.mulf %gather3A_1109, %gather3A_1110 : vector<16xf32>
      %add3A_1112 = arith.addf %add3A_1076, %mul3A_1111 : vector<16xf32>
      %gather3A_1113 = tpu.vector_load_idx %arg20[%add3A_1108] : memref<16384xf32, #tpu.memory_space<vmem>>[vector<16xi32>], vector<16xf32>,
      %gather3A_1114 = tpu.vector_load_idx %arg21[%add3A_1108] : memref<16384xf32, #tpu.memory_space<vmem>>[vector<16xi32>], vector<16xf32>,
      %add3A_1115 = arith.constant 29 : i32
      %add3A_1116 = vector.broadcast %add3A_1115 : i32 to vector<16xi32>
      %add3A_1117 = arith.addi %mul3A_64, %add3A_1116 : vector<16xi32>
      %gather3A_1118 = tpu.vector_load_idx %arg22[%add3A_1117] : memref<128xf32, #tpu.memory_space<vmem>>[vector<16xi32>], vector<16xf32>,
      %mul3A_1119 = arith.mulf %gather3A_1113, %gather3A_1114 : vector<16xf32>
      %mul3A_1120 = arith.mulf %mul3A_1119, %gather3A_1118 : vector<16xf32>
      %add3A_1121 = arith.addf %add3A_1085, %mul3A_1120 : vector<16xf32>
      %slice3A_1122 = vector.extract_strided_slice %get3A_28 {offsets = [13], sizes = [1], strides = [1]} : vector<16xf32> to vector<1xf32>
      %squeeze3A_1123 = vector.extract %slice3A_1122[0] : f32 from vector<1xf32>
      %mul3A_1124 = vector.broadcast %squeeze3A_1123 : f32 to vector<16xf32>
      %mul3A_1125 = arith.mulf %mul3A_1111, %mul3A_1124 : vector<16xf32>
      %add3A_1126 = arith.addf %add3A_1090, %mul3A_1125 : vector<16xf32>
      %slice3A_1127 = vector.extract_strided_slice %get3A_32 {offsets = [13], sizes = [1], strides = [1]} : vector<16xf32> to vector<1xf32>
      %squeeze3A_1128 = vector.extract %slice3A_1127[0] : f32 from vector<1xf32>
      %mul3A_1129 = vector.broadcast %squeeze3A_1128 : f32 to vector<16xf32>
      %mul3A_1130 = arith.mulf %mul3A_1111, %mul3A_1129 : vector<16xf32>
      %add3A_1131 = arith.addf %add3A_1095, %mul3A_1130 : vector<16xf32>
      %slice3A_1132 = vector.extract_strided_slice %get3A_36 {offsets = [13], sizes = [1], strides = [1]} : vector<16xf32> to vector<1xf32>
      %squeeze3A_1133 = vector.extract %slice3A_1132[0] : f32 from vector<1xf32>
      %mul3A_1134 = vector.broadcast %squeeze3A_1133 : f32 to vector<16xf32>
      %mul3A_1135 = arith.mulf %mul3A_1111, %mul3A_1134 : vector<16xf32>
      %add3A_1136 = arith.addf %add3A_1100, %mul3A_1135 : vector<16xf32>
      %slice3A_1137 = vector.extract_strided_slice %get3A_40 {offsets = [13], sizes = [1], strides = [1]} : vector<16xf32> to vector<1xf32>
      %squeeze3A_1138 = vector.extract %slice3A_1137[0] : f32 from vector<1xf32>
      %mul3A_1139 = vector.broadcast %squeeze3A_1138 : f32 to vector<16xf32>
      %mul3A_1140 = arith.mulf %mul3A_1111, %mul3A_1139 : vector<16xf32>
      %add3A_1141 = arith.addf %add3A_1105, %mul3A_1140 : vector<16xf32>
      %add3A_1142 = arith.constant 30 : i32
      %add3A_1143 = vector.broadcast %add3A_1142 : i32 to vector<16xi32>
      %add3A_1144 = arith.addi %mul3A_61, %add3A_1143 : vector<16xi32>
      %gather3A_1145 = tpu.vector_load_idx %arg18[%add3A_1144] : memref<16384xf32, #tpu.memory_space<vmem>>[vector<16xi32>], vector<16xf32>,
      %gather3A_1146 = tpu.vector_load_idx %arg19[%add3A_1144] : memref<16384xf32, #tpu.memory_space<vmem>>[vector<16xi32>], vector<16xf32>,
      %mul3A_1147 = arith.mulf %gather3A_1145, %gather3A_1146 : vector<16xf32>
      %add3A_1148 = arith.addf %add3A_1112, %mul3A_1147 : vector<16xf32>
      %gather3A_1149 = tpu.vector_load_idx %arg20[%add3A_1144] : memref<16384xf32, #tpu.memory_space<vmem>>[vector<16xi32>], vector<16xf32>,
      %gather3A_1150 = tpu.vector_load_idx %arg21[%add3A_1144] : memref<16384xf32, #tpu.memory_space<vmem>>[vector<16xi32>], vector<16xf32>,
      %add3A_1151 = arith.constant 30 : i32
      %add3A_1152 = vector.broadcast %add3A_1151 : i32 to vector<16xi32>
      %add3A_1153 = arith.addi %mul3A_64, %add3A_1152 : vector<16xi32>
      %gather3A_1154 = tpu.vector_load_idx %arg22[%add3A_1153] : memref<128xf32, #tpu.memory_space<vmem>>[vector<16xi32>], vector<16xf32>,
      %mul3A_1155 = arith.mulf %gather3A_1149, %gather3A_1150 : vector<16xf32>
      %mul3A_1156 = arith.mulf %mul3A_1155, %gather3A_1154 : vector<16xf32>
      %add3A_1157 = arith.addf %add3A_1121, %mul3A_1156 : vector<16xf32>
      %slice3A_1158 = vector.extract_strided_slice %get3A_28 {offsets = [14], sizes = [1], strides = [1]} : vector<16xf32> to vector<1xf32>
      %squeeze3A_1159 = vector.extract %slice3A_1158[0] : f32 from vector<1xf32>
      %mul3A_1160 = vector.broadcast %squeeze3A_1159 : f32 to vector<16xf32>
      %mul3A_1161 = arith.mulf %mul3A_1147, %mul3A_1160 : vector<16xf32>
      %add3A_1162 = arith.addf %add3A_1126, %mul3A_1161 : vector<16xf32>
      %slice3A_1163 = vector.extract_strided_slice %get3A_32 {offsets = [14], sizes = [1], strides = [1]} : vector<16xf32> to vector<1xf32>
      %squeeze3A_1164 = vector.extract %slice3A_1163[0] : f32 from vector<1xf32>
      %mul3A_1165 = vector.broadcast %squeeze3A_1164 : f32 to vector<16xf32>
      %mul3A_1166 = arith.mulf %mul3A_1147, %mul3A_1165 : vector<16xf32>
      %add3A_1167 = arith.addf %add3A_1131, %mul3A_1166 : vector<16xf32>
      %slice3A_1168 = vector.extract_strided_slice %get3A_36 {offsets = [14], sizes = [1], strides = [1]} : vector<16xf32> to vector<1xf32>
      %squeeze3A_1169 = vector.extract %slice3A_1168[0] : f32 from vector<1xf32>
      %mul3A_1170 = vector.broadcast %squeeze3A_1169 : f32 to vector<16xf32>
      %mul3A_1171 = arith.mulf %mul3A_1147, %mul3A_1170 : vector<16xf32>
      %add3A_1172 = arith.addf %add3A_1136, %mul3A_1171 : vector<16xf32>
      %slice3A_1173 = vector.extract_strided_slice %get3A_40 {offsets = [14], sizes = [1], strides = [1]} : vector<16xf32> to vector<1xf32>
      %squeeze3A_1174 = vector.extract %slice3A_1173[0] : f32 from vector<1xf32>
      %mul3A_1175 = vector.broadcast %squeeze3A_1174 : f32 to vector<16xf32>
      %mul3A_1176 = arith.mulf %mul3A_1147, %mul3A_1175 : vector<16xf32>
      %add3A_1177 = arith.addf %add3A_1141, %mul3A_1176 : vector<16xf32>
      %add3A_1178 = arith.constant 31 : i32
      %add3A_1179 = vector.broadcast %add3A_1178 : i32 to vector<16xi32>
      %add3A_1180 = arith.addi %mul3A_61, %add3A_1179 : vector<16xi32>
      %gather3A_1181 = tpu.vector_load_idx %arg18[%add3A_1180] : memref<16384xf32, #tpu.memory_space<vmem>>[vector<16xi32>], vector<16xf32>,
      %gather3A_1182 = tpu.vector_load_idx %arg19[%add3A_1180] : memref<16384xf32, #tpu.memory_space<vmem>>[vector<16xi32>], vector<16xf32>,
      %mul3A_1183 = arith.mulf %gather3A_1181, %gather3A_1182 : vector<16xf32>
      %add3A_1184 = arith.addf %add3A_1148, %mul3A_1183 : vector<16xf32>
      %gather3A_1185 = tpu.vector_load_idx %arg20[%add3A_1180] : memref<16384xf32, #tpu.memory_space<vmem>>[vector<16xi32>], vector<16xf32>,
      %gather3A_1186 = tpu.vector_load_idx %arg21[%add3A_1180] : memref<16384xf32, #tpu.memory_space<vmem>>[vector<16xi32>], vector<16xf32>,
      %add3A_1187 = arith.constant 31 : i32
      %add3A_1188 = vector.broadcast %add3A_1187 : i32 to vector<16xi32>
      %add3A_1189 = arith.addi %mul3A_64, %add3A_1188 : vector<16xi32>
      %gather3A_1190 = tpu.vector_load_idx %arg22[%add3A_1189] : memref<128xf32, #tpu.memory_space<vmem>>[vector<16xi32>], vector<16xf32>,
      %mul3A_1191 = arith.mulf %gather3A_1185, %gather3A_1186 : vector<16xf32>
      %mul3A_1192 = arith.mulf %mul3A_1191, %gather3A_1190 : vector<16xf32>
      %add3A_1193 = arith.addf %add3A_1157, %mul3A_1192 : vector<16xf32>
      %slice3A_1194 = vector.extract_strided_slice %get3A_28 {offsets = [15], sizes = [1], strides = [1]} : vector<16xf32> to vector<1xf32>
      %squeeze3A_1195 = vector.extract %slice3A_1194[0] : f32 from vector<1xf32>
      %mul3A_1196 = vector.broadcast %squeeze3A_1195 : f32 to vector<16xf32>
      %mul3A_1197 = arith.mulf %mul3A_1183, %mul3A_1196 : vector<16xf32>
      %add3A_1198 = arith.addf %add3A_1162, %mul3A_1197 : vector<16xf32>
      %slice3A_1199 = vector.extract_strided_slice %get3A_32 {offsets = [15], sizes = [1], strides = [1]} : vector<16xf32> to vector<1xf32>
      %squeeze3A_1200 = vector.extract %slice3A_1199[0] : f32 from vector<1xf32>
      %mul3A_1201 = vector.broadcast %squeeze3A_1200 : f32 to vector<16xf32>
      %mul3A_1202 = arith.mulf %mul3A_1183, %mul3A_1201 : vector<16xf32>
      %add3A_1203 = arith.addf %add3A_1167, %mul3A_1202 : vector<16xf32>
      %slice3A_1204 = vector.extract_strided_slice %get3A_36 {offsets = [15], sizes = [1], strides = [1]} : vector<16xf32> to vector<1xf32>
      %squeeze3A_1205 = vector.extract %slice3A_1204[0] : f32 from vector<1xf32>
      %mul3A_1206 = vector.broadcast %squeeze3A_1205 : f32 to vector<16xf32>
      %mul3A_1207 = arith.mulf %mul3A_1183, %mul3A_1206 : vector<16xf32>
      %add3A_1208 = arith.addf %add3A_1172, %mul3A_1207 : vector<16xf32>
      %slice3A_1209 = vector.extract_strided_slice %get3A_40 {offsets = [15], sizes = [1], strides = [1]} : vector<16xf32> to vector<1xf32>
      %squeeze3A_1210 = vector.extract %slice3A_1209[0] : f32 from vector<1xf32>
      %mul3A_1211 = vector.broadcast %squeeze3A_1210 : f32 to vector<16xf32>
      %mul3A_1212 = arith.mulf %mul3A_1183, %mul3A_1211 : vector<16xf32>
      %add3A_1213 = arith.addf %add3A_1177, %mul3A_1212 : vector<16xf32>
      %swap3A = arith.index_cast %mul3A_53 : i32 to index
      %swap3A_1214 = tpu.vector_load %arg25[%swap3A] {strides = array<i32>} : memref<512xf32, #tpu.memory_space<vmem>>, vector<16xf32>,
      tpu.vector_store %arg25[%swap3A], %add3A_1184 {strides = array<i32>} : memref<512xf32, #tpu.memory_space<vmem>>, vector<16xf32>,
      %add3A_1215 = arith.addf %add3A_1184, %add3A_1193 : vector<16xf32>
      %swap3A_1216 = arith.index_cast %mul3A_53 : i32 to index
      %swap3A_1217 = tpu.vector_load %arg26[%swap3A_1216] {strides = array<i32>} : memref<512xf32, #tpu.memory_space<vmem>>, vector<16xf32>,
      tpu.vector_store %arg26[%swap3A_1216], %add3A_1215 {strides = array<i32>} : memref<512xf32, #tpu.memory_space<vmem>>, vector<16xf32>,
      %slice3A_1218 = vector.extract_strided_slice %get3A_42 {offsets = [0], sizes = [1], strides = [1]} : vector<16xf32> to vector<1xf32>
      %squeeze3A_1219 = vector.extract %slice3A_1218[0] : f32 from vector<1xf32>
      %add3A_1220 = vector.broadcast %squeeze3A_1219 : f32 to vector<16xf32>
      %add3A_1221 = arith.addf %add3A_1198, %add3A_1220 : vector<16xf32>
      %slice3A_1222 = vector.extract_strided_slice %get3A_42 {offsets = [1], sizes = [1], strides = [1]} : vector<16xf32> to vector<1xf32>
      %squeeze3A_1223 = vector.extract %slice3A_1222[0] : f32 from vector<1xf32>
      %add3A_1224 = vector.broadcast %squeeze3A_1223 : f32 to vector<16xf32>
      %add3A_1225 = arith.addf %add3A_1203, %add3A_1224 : vector<16xf32>
      %slice3A_1226 = vector.extract_strided_slice %get3A_42 {offsets = [2], sizes = [1], strides = [1]} : vector<16xf32> to vector<1xf32>
      %squeeze3A_1227 = vector.extract %slice3A_1226[0] : f32 from vector<1xf32>
      %add3A_1228 = vector.broadcast %squeeze3A_1227 : f32 to vector<16xf32>
      %add3A_1229 = arith.addf %add3A_1208, %add3A_1228 : vector<16xf32>
      %slice3A_1230 = vector.extract_strided_slice %get3A_42 {offsets = [3], sizes = [1], strides = [1]} : vector<16xf32> to vector<1xf32>
      %squeeze3A_1231 = vector.extract %slice3A_1230[0] : f32 from vector<1xf32>
      %add3A_1232 = vector.broadcast %squeeze3A_1231 : f32 to vector<16xf32>
      %add3A_1233 = arith.addf %add3A_1213, %add3A_1232 : vector<16xf32>
      %max3A = arith.maximumf %add3A_1221, %add3A_1225 : vector<16xf32>
      %max3A_1234 = arith.maximumf %add3A_1229, %add3A_1233 : vector<16xf32>
      %max3A_1235 = arith.maximumf %max3A, %max3A_1234 : vector<16xf32>
      %sub3A = arith.subf %add3A_1221, %max3A_1235 : vector<16xf32>
      %exp3A = math.exp %sub3A : vector<16xf32>
      %sub3A_1236 = arith.subf %add3A_1225, %max3A_1235 : vector<16xf32>
      %exp3A_1237 = math.exp %sub3A_1236 : vector<16xf32>
      %sub3A_1238 = arith.subf %add3A_1229, %max3A_1235 : vector<16xf32>
      %exp3A_1239 = math.exp %sub3A_1238 : vector<16xf32>
      %sub3A_1240 = arith.subf %add3A_1233, %max3A_1235 : vector<16xf32>
      %exp3A_1241 = math.exp %sub3A_1240 : vector<16xf32>
      %add3A_1242 = arith.addf %exp3A, %exp3A_1237 : vector<16xf32>
      %add3A_1243 = arith.addf %add3A_1242, %exp3A_1239 : vector<16xf32>
      %add3A_1244 = arith.addf %add3A_1243, %exp3A_1241 : vector<16xf32>
      %mul3A_1245 = arith.constant -0.0955793783 : f32
      %mul3A_1246 = vector.broadcast %mul3A_1245 : f32 to vector<16xf32>
      %mul3A_1247 = arith.mulf %mul3A_1246, %add3A_1244 : vector<16xf32>
      %add3A_1248 = arith.constant 0.9123227 : f32
      %add3A_1249 = vector.broadcast %add3A_1248 : f32 to vector<16xf32>
      %add3A_1250 = arith.addf %add3A_1249, %mul3A_1247 : vector<16xf32>
      %mul3A_1251 = arith.mulf %add3A_1244, %add3A_1250 : vector<16xf32>
      %add3A_1252 = arith.constant -0.763361573 : f32
      %add3A_1253 = vector.broadcast %add3A_1252 : f32 to vector<16xf32>
      %add3A_1254 = arith.addf %add3A_1253, %mul3A_1251 : vector<16xf32>
      %neg3A = arith.constant 0.000000e+00 : f32
      %neg3A_1255 = vector.broadcast %neg3A : f32 to vector<16xf32>
      %neg3A_1256 = arith.subf %neg3A_1255, %add3A_1254 : vector<16xf32>
      %exp3A_1257 = math.exp %neg3A_1256 : vector<16xf32>
      %mul3A_1258 = arith.mulf %add3A_1244, %exp3A_1257 : vector<16xf32>
      %add3A_1259 = arith.addf %add3A_1254, %mul3A_1258 : vector<16xf32>
      %sub3A_1260 = arith.constant 1.000000e+00 : f32
      %sub3A_1261 = vector.broadcast %sub3A_1260 : f32 to vector<16xf32>
      %sub3A_1262 = arith.subf %add3A_1259, %sub3A_1261 : vector<16xf32>
      %neg3A_1263 = arith.constant 0.000000e+00 : f32
      %neg3A_1264 = vector.broadcast %neg3A_1263 : f32 to vector<16xf32>
      %neg3A_1265 = arith.subf %neg3A_1264, %sub3A_1262 : vector<16xf32>
      %exp3A_1266 = math.exp %neg3A_1265 : vector<16xf32>
      %mul3A_1267 = arith.mulf %add3A_1244, %exp3A_1266 : vector<16xf32>
      %add3A_1268 = arith.addf %sub3A_1262, %mul3A_1267 : vector<16xf32>
      %sub3A_1269 = arith.constant 1.000000e+00 : f32
      %sub3A_1270 = vector.broadcast %sub3A_1269 : f32 to vector<16xf32>
      %sub3A_1271 = arith.subf %add3A_1268, %sub3A_1270 : vector<16xf32>
      %add3A_1272 = arith.addf %max3A_1235, %sub3A_1271 : vector<16xf32>
      %mul3A_1273 = arith.constant 4 : i32
      %mul3A_1274 = vector.broadcast %mul3A_1273 : i32 to vector<16xi32>
      %mul3A_1275 = arith.muli %add3A_55, %mul3A_1274 : vector<16xi32>
      %sub3A_1276 = arith.subf %add3A_1221, %add3A_1272 : vector<16xf32>
      tpu.vector_store_idx %arg27[%mul3A_1275], %sub3A_1276 : memref<2048xf32, #tpu.memory_space<vmem>>[vector<16xi32>], vector<16xf32>,
      %add3A_1277 = arith.constant 1 : i32
      %add3A_1278 = vector.broadcast %add3A_1277 : i32 to vector<16xi32>
      %add3A_1279 = arith.addi %mul3A_1275, %add3A_1278 : vector<16xi32>
      %sub3A_1280 = arith.subf %add3A_1225, %add3A_1272 : vector<16xf32>
      tpu.vector_store_idx %arg27[%add3A_1279], %sub3A_1280 : memref<2048xf32, #tpu.memory_space<vmem>>[vector<16xi32>], vector<16xf32>,
      %add3A_1281 = arith.constant 2 : i32
      %add3A_1282 = vector.broadcast %add3A_1281 : i32 to vector<16xi32>
      %add3A_1283 = arith.addi %mul3A_1275, %add3A_1282 : vector<16xi32>
      %sub3A_1284 = arith.subf %add3A_1229, %add3A_1272 : vector<16xf32>
      tpu.vector_store_idx %arg27[%add3A_1283], %sub3A_1284 : memref<2048xf32, #tpu.memory_space<vmem>>[vector<16xi32>], vector<16xf32>,
      %add3A_1285 = arith.constant 3 : i32
      %add3A_1286 = vector.broadcast %add3A_1285 : i32 to vector<16xi32>
      %add3A_1287 = arith.addi %mul3A_1275, %add3A_1286 : vector<16xi32>
      %sub3A_1288 = arith.subf %add3A_1233, %add3A_1272 : vector<16xf32>
      tpu.vector_store_idx %arg27[%add3A_1287], %sub3A_1288 : memref<2048xf32, #tpu.memory_space<vmem>>[vector<16xi32>], vector<16xf32>,
    }
    %scan3A_48 = arith.constant 32 : i32
    "tpu.region"() ({
      %run_scoped3A = tpu.sem_alloc : memref<!tpu.dma_semaphore, #tpu.memory_space<semaphore_mem>>
      %dma_start3A = tpu.memref_slice %arg12[%mul3A_2] : memref<16384xf32, #tpu.memory_space<hbm>> -> memref<512xf32, #tpu.memory_space<hbm>>
      %dma_start3A_51 = tpu.memref_slice %arg12[%mul3A_2] : memref<16384xf32, #tpu.memory_space<hbm>> -> memref<512xf32, #tpu.memory_space<hbm>>
      tpu.enqueue_dma source(%arg25 : memref<512xf32, #tpu.memory_space<vmem>>) target(%dma_start3A_51 : memref<512xf32, #tpu.memory_space<hbm>>) target_semaphore(%run_scoped3A : memref<!tpu.dma_semaphore, #tpu.memory_space<semaphore_mem>>)
      %dma_wait3A = tpu.memref_slice %arg12[%mul3A_2] : memref<16384xf32, #tpu.memory_space<hbm>> -> memref<512xf32, #tpu.memory_space<hbm>>
      %dma_wait3A_52 = tpu.memref_slice %arg12[%mul3A_2] : memref<16384xf32, #tpu.memory_space<hbm>> -> memref<512xf32, #tpu.memory_space<hbm>>
      tpu.wait_dma2 semaphore(%run_scoped3A : memref<!tpu.dma_semaphore, #tpu.memory_space<semaphore_mem>>) src(%arg25 : memref<512xf32, #tpu.memory_space<vmem>>) dst(%dma_wait3A_52 : memref<512xf32, #tpu.memory_space<hbm>>)
      tpu.yield
    }) : () -> ()
    "tpu.region"() ({
      %run_scoped3A = tpu.sem_alloc : memref<!tpu.dma_semaphore, #tpu.memory_space<semaphore_mem>>
      %dma_start3A = tpu.memref_slice %arg13[%mul3A_2] : memref<16384xf32, #tpu.memory_space<hbm>> -> memref<512xf32, #tpu.memory_space<hbm>>
      %dma_start3A_51 = tpu.memref_slice %arg13[%mul3A_2] : memref<16384xf32, #tpu.memory_space<hbm>> -> memref<512xf32, #tpu.memory_space<hbm>>
      tpu.enqueue_dma source(%arg26 : memref<512xf32, #tpu.memory_space<vmem>>) target(%dma_start3A_51 : memref<512xf32, #tpu.memory_space<hbm>>) target_semaphore(%run_scoped3A : memref<!tpu.dma_semaphore, #tpu.memory_space<semaphore_mem>>)
      %dma_wait3A = tpu.memref_slice %arg13[%mul3A_2] : memref<16384xf32, #tpu.memory_space<hbm>> -> memref<512xf32, #tpu.memory_space<hbm>>
      %dma_wait3A_52 = tpu.memref_slice %arg13[%mul3A_2] : memref<16384xf32, #tpu.memory_space<hbm>> -> memref<512xf32, #tpu.memory_space<hbm>>
      tpu.wait_dma2 semaphore(%run_scoped3A : memref<!tpu.dma_semaphore, #tpu.memory_space<semaphore_mem>>) src(%arg26 : memref<512xf32, #tpu.memory_space<vmem>>) dst(%dma_wait3A_52 : memref<512xf32, #tpu.memory_space<hbm>>)
      tpu.yield
    }) : () -> ()
    %mul3A_49 = arith.constant 4 : i32
    %mul3A_50 = arith.muli %mul3A_2, %mul3A_49 : i32
    "tpu.region"() ({
      %run_scoped3A = tpu.sem_alloc : memref<!tpu.dma_semaphore, #tpu.memory_space<semaphore_mem>>
      %dma_start3A = tpu.memref_slice %arg14[%mul3A_50] : memref<65536xf32, #tpu.memory_space<hbm>> -> memref<2048xf32, #tpu.memory_space<hbm>>
      %dma_start3A_51 = tpu.memref_slice %arg14[%mul3A_50] : memref<65536xf32, #tpu.memory_space<hbm>> -> memref<2048xf32, #tpu.memory_space<hbm>>
      tpu.enqueue_dma source(%arg27 : memref<2048xf32, #tpu.memory_space<vmem>>) target(%dma_start3A_51 : memref<2048xf32, #tpu.memory_space<hbm>>) target_semaphore(%run_scoped3A : memref<!tpu.dma_semaphore, #tpu.memory_space<semaphore_mem>>)
      %dma_wait3A = tpu.memref_slice %arg14[%mul3A_50] : memref<65536xf32, #tpu.memory_space<hbm>> -> memref<2048xf32, #tpu.memory_space<hbm>>
      %dma_wait3A_52 = tpu.memref_slice %arg14[%mul3A_50] : memref<65536xf32, #tpu.memory_space<hbm>> -> memref<2048xf32, #tpu.memory_space<hbm>>
      tpu.wait_dma2 semaphore(%run_scoped3A : memref<!tpu.dma_semaphore, #tpu.memory_space<semaphore_mem>>) src(%arg27 : memref<2048xf32, #tpu.memory_space<vmem>>) dst(%dma_wait3A_52 : memref<2048xf32, #tpu.memory_space<hbm>>)
      tpu.yield
    }) : () -> ()
    return
  }
}

module attributes {stable_mosaic.version = 14 : i64} {
  func.func @_tc_relayout_body(%arg0: i32, %arg1: memref<32x8192xf32, #tpu.memory_space<vmem>>, %arg2: memref<32x8192xf32, #tpu.memory_space<vmem>>, %arg3: memref<32x8192xf32, #tpu.memory_space<vmem>>, %arg4: memref<32x8192xf32, #tpu.memory_space<vmem>>, %arg5: memref<2048x128xf32, #tpu.memory_space<vmem>>, %arg6: memref<2048x128xf32, #tpu.memory_space<vmem>>, %arg7: memref<2048x128xf32, #tpu.memory_space<vmem>>, %arg8: memref<2048x128xf32, #tpu.memory_space<vmem>>) attributes {dimension_semantics = [#tpu.dimension_semantics<arbitrary>], iteration_bounds = array<i64: 123>, scalar_prefetch = 0 : i64, scratch_operands = 0 : i64, tpu.core_type = #tpu.core_type<tc>, window_params = [{transform_indices = @transform_0, window_bounds = array<i64: 32, 8192>}, {transform_indices = @transform_1, window_bounds = array<i64: 32, 8192>}, {transform_indices = @transform_2, window_bounds = array<i64: 32, 8192>}, {transform_indices = @transform_3, window_bounds = array<i64: 32, 8192>}, {transform_indices = @transform_4, window_bounds = array<i64: 2048, 128>}, {transform_indices = @transform_5, window_bounds = array<i64: 2048, 128>}, {transform_indices = @transform_6, window_bounds = array<i64: 2048, 128>}, {transform_indices = @transform_7, window_bounds = array<i64: 2048, 128>}]} {
    %get3A = arith.constant 0 : index
    %get3A_0 = arith.constant 0 : index
    %get3A_1 = vector.load %arg1[%get3A, %get3A_0] : memref<32x8192xf32, #tpu.memory_space<vmem>>, vector<32x8192xf32>
    %transpose3A = tpu.transpose %get3A_1, [1, 0] : vector<32x8192xf32> -> vector<8192x32xf32>
    %slice3A = vector.extract_strided_slice %transpose3A {offsets = [0, 0], sizes = [2048, 32], strides = [1, 1]} : vector<8192x32xf32> to vector<2048x32xf32>
    %slice3A_2 = vector.extract_strided_slice %transpose3A {offsets = [2048, 0], sizes = [2048, 32], strides = [1, 1]} : vector<8192x32xf32> to vector<2048x32xf32>
    %slice3A_3 = vector.extract_strided_slice %transpose3A {offsets = [4096, 0], sizes = [2048, 32], strides = [1, 1]} : vector<8192x32xf32> to vector<2048x32xf32>
    %slice3A_4 = vector.extract_strided_slice %transpose3A {offsets = [6144, 0], sizes = [2048, 32], strides = [1, 1]} : vector<8192x32xf32> to vector<2048x32xf32>
    %concatenate3A = tpu.concatenate %slice3A, %slice3A_2, %slice3A_3, %slice3A_4 in 1 : vector<2048x32xf32>, vector<2048x32xf32>, vector<2048x32xf32>, vector<2048x32xf32> -> vector<2048x128xf32>
    %swap3A = arith.constant 0 : index
    %swap3A_5 = arith.constant 0 : index
    %swap3A_6 = vector.load %arg5[%swap3A, %swap3A_5] : memref<2048x128xf32, #tpu.memory_space<vmem>>, vector<2048x128xf32>
    tpu.vector_store %arg5[%swap3A, %swap3A_5], %concatenate3A {strides = array<i32>} : memref<2048x128xf32, #tpu.memory_space<vmem>>, vector<2048x128xf32>,
    %get3A_7 = arith.constant 0 : index
    %get3A_8 = arith.constant 0 : index
    %get3A_9 = vector.load %arg2[%get3A_7, %get3A_8] : memref<32x8192xf32, #tpu.memory_space<vmem>>, vector<32x8192xf32>
    %transpose3A_10 = tpu.transpose %get3A_9, [1, 0] : vector<32x8192xf32> -> vector<8192x32xf32>
    %slice3A_11 = vector.extract_strided_slice %transpose3A_10 {offsets = [0, 0], sizes = [2048, 32], strides = [1, 1]} : vector<8192x32xf32> to vector<2048x32xf32>
    %slice3A_12 = vector.extract_strided_slice %transpose3A_10 {offsets = [2048, 0], sizes = [2048, 32], strides = [1, 1]} : vector<8192x32xf32> to vector<2048x32xf32>
    %slice3A_13 = vector.extract_strided_slice %transpose3A_10 {offsets = [4096, 0], sizes = [2048, 32], strides = [1, 1]} : vector<8192x32xf32> to vector<2048x32xf32>
    %slice3A_14 = vector.extract_strided_slice %transpose3A_10 {offsets = [6144, 0], sizes = [2048, 32], strides = [1, 1]} : vector<8192x32xf32> to vector<2048x32xf32>
    %concatenate3A_15 = tpu.concatenate %slice3A_11, %slice3A_12, %slice3A_13, %slice3A_14 in 1 : vector<2048x32xf32>, vector<2048x32xf32>, vector<2048x32xf32>, vector<2048x32xf32> -> vector<2048x128xf32>
    %swap3A_16 = arith.constant 0 : index
    %swap3A_17 = arith.constant 0 : index
    %swap3A_18 = vector.load %arg6[%swap3A_16, %swap3A_17] : memref<2048x128xf32, #tpu.memory_space<vmem>>, vector<2048x128xf32>
    tpu.vector_store %arg6[%swap3A_16, %swap3A_17], %concatenate3A_15 {strides = array<i32>} : memref<2048x128xf32, #tpu.memory_space<vmem>>, vector<2048x128xf32>,
    %get3A_19 = arith.constant 0 : index
    %get3A_20 = arith.constant 0 : index
    %get3A_21 = vector.load %arg3[%get3A_19, %get3A_20] : memref<32x8192xf32, #tpu.memory_space<vmem>>, vector<32x8192xf32>
    %transpose3A_22 = tpu.transpose %get3A_21, [1, 0] : vector<32x8192xf32> -> vector<8192x32xf32>
    %slice3A_23 = vector.extract_strided_slice %transpose3A_22 {offsets = [0, 0], sizes = [2048, 32], strides = [1, 1]} : vector<8192x32xf32> to vector<2048x32xf32>
    %slice3A_24 = vector.extract_strided_slice %transpose3A_22 {offsets = [2048, 0], sizes = [2048, 32], strides = [1, 1]} : vector<8192x32xf32> to vector<2048x32xf32>
    %slice3A_25 = vector.extract_strided_slice %transpose3A_22 {offsets = [4096, 0], sizes = [2048, 32], strides = [1, 1]} : vector<8192x32xf32> to vector<2048x32xf32>
    %slice3A_26 = vector.extract_strided_slice %transpose3A_22 {offsets = [6144, 0], sizes = [2048, 32], strides = [1, 1]} : vector<8192x32xf32> to vector<2048x32xf32>
    %concatenate3A_27 = tpu.concatenate %slice3A_23, %slice3A_24, %slice3A_25, %slice3A_26 in 1 : vector<2048x32xf32>, vector<2048x32xf32>, vector<2048x32xf32>, vector<2048x32xf32> -> vector<2048x128xf32>
    %swap3A_28 = arith.constant 0 : index
    %swap3A_29 = arith.constant 0 : index
    %swap3A_30 = vector.load %arg7[%swap3A_28, %swap3A_29] : memref<2048x128xf32, #tpu.memory_space<vmem>>, vector<2048x128xf32>
    tpu.vector_store %arg7[%swap3A_28, %swap3A_29], %concatenate3A_27 {strides = array<i32>} : memref<2048x128xf32, #tpu.memory_space<vmem>>, vector<2048x128xf32>,
    %get3A_31 = arith.constant 0 : index
    %get3A_32 = arith.constant 0 : index
    %get3A_33 = vector.load %arg4[%get3A_31, %get3A_32] : memref<32x8192xf32, #tpu.memory_space<vmem>>, vector<32x8192xf32>
    %transpose3A_34 = tpu.transpose %get3A_33, [1, 0] : vector<32x8192xf32> -> vector<8192x32xf32>
    %slice3A_35 = vector.extract_strided_slice %transpose3A_34 {offsets = [0, 0], sizes = [2048, 32], strides = [1, 1]} : vector<8192x32xf32> to vector<2048x32xf32>
    %slice3A_36 = vector.extract_strided_slice %transpose3A_34 {offsets = [2048, 0], sizes = [2048, 32], strides = [1, 1]} : vector<8192x32xf32> to vector<2048x32xf32>
    %slice3A_37 = vector.extract_strided_slice %transpose3A_34 {offsets = [4096, 0], sizes = [2048, 32], strides = [1, 1]} : vector<8192x32xf32> to vector<2048x32xf32>
    %slice3A_38 = vector.extract_strided_slice %transpose3A_34 {offsets = [6144, 0], sizes = [2048, 32], strides = [1, 1]} : vector<8192x32xf32> to vector<2048x32xf32>
    %concatenate3A_39 = tpu.concatenate %slice3A_35, %slice3A_36, %slice3A_37, %slice3A_38 in 1 : vector<2048x32xf32>, vector<2048x32xf32>, vector<2048x32xf32>, vector<2048x32xf32> -> vector<2048x128xf32>
    %swap3A_40 = arith.constant 0 : index
    %swap3A_41 = arith.constant 0 : index
    %swap3A_42 = vector.load %arg8[%swap3A_40, %swap3A_41] : memref<2048x128xf32, #tpu.memory_space<vmem>>, vector<2048x128xf32>
    tpu.vector_store %arg8[%swap3A_40, %swap3A_41], %concatenate3A_39 {strides = array<i32>} : memref<2048x128xf32, #tpu.memory_space<vmem>>, vector<2048x128xf32>,
    return
  }
  func.func @transform_0(%arg0: i32) -> (i32, i32) {
    %c0_i32 = arith.constant 0 : i32
    %c0_i32_0 = arith.constant 0 : i32
    return %c0_i32, %arg0 : i32, i32
  }
  func.func @transform_1(%arg0: i32) -> (i32, i32) {
    %c0_i32 = arith.constant 0 : i32
    %c0_i32_0 = arith.constant 0 : i32
    return %c0_i32, %arg0 : i32, i32
  }
  func.func @transform_2(%arg0: i32) -> (i32, i32) {
    %c0_i32 = arith.constant 0 : i32
    %c0_i32_0 = arith.constant 0 : i32
    return %c0_i32, %arg0 : i32, i32
  }
  func.func @transform_3(%arg0: i32) -> (i32, i32) {
    %c0_i32 = arith.constant 0 : i32
    %c0_i32_0 = arith.constant 0 : i32
    return %c0_i32, %arg0 : i32, i32
  }
  func.func @transform_4(%arg0: i32) -> (i32, i32) {
    %c0_i32 = arith.constant 0 : i32
    %c0_i32_0 = arith.constant 0 : i32
    return %arg0, %c0_i32 : i32, i32
  }
  func.func @transform_5(%arg0: i32) -> (i32, i32) {
    %c0_i32 = arith.constant 0 : i32
    %c0_i32_0 = arith.constant 0 : i32
    return %arg0, %c0_i32 : i32, i32
  }
  func.func @transform_6(%arg0: i32) -> (i32, i32) {
    %c0_i32 = arith.constant 0 : i32
    %c0_i32_0 = arith.constant 0 : i32
    return %arg0, %c0_i32 : i32, i32
  }
  func.func @transform_7(%arg0: i32) -> (i32, i32) {
    %c0_i32 = arith.constant 0 : i32
    %c0_i32_0 = arith.constant 0 : i32
    return %arg0, %c0_i32 : i32, i32
  }
}

</mosaic_0001>

<sc_bundles>
// kernel: kernel.4.cloned.1.call-start
scs
__scs_entry_jumppad:
0x0: {  	(pc) =	sbr.rel $0x88, $3  }
0x1: {  	(tag) =	ssettag $0x0;
	lr =	simm.s32 $0x1  }
0x2: {  	[smem:$0x3F97] =	sst lr;
	_ =	strace $0xD0000000  }
0x3: {  	_ = 	snop  }
0x4: {  	_ = 	snop  }
0x5: {  	_ = 	snop  }
0x6: {  	_ = 	snop  }
0x7: {  	_ = 	snop  }
__scs_overlays_trampoline_lowered:
0x8: {  	[smem:$0x3FA6] =	sst s0  }
0x9: {  	[smem:$0x3FA7] =	sst s1  }
0xa: {  	[smem:$0x3FA8] =	sst s2  }
0xb: {  	[smem:$0x3FA9] =	sst s3  }
0xc: {  	[smem:$0x3FAA] =	sst s4  }
0xd: {  	[smem:$0x3FAB] =	sst s5  }
0xe: {  	[smem:$0x3FAC] =	sst s6  }
0xf: {  	[smem:$0x3FAD] =	sst s7  }
0x10: {  	[smem:$0x3FAE] =	sst s8  }
0x11: {  	[smem:$0x3FAF] =	sst s9;
	s0 =	simm.s32 @!p0 $0x0  }
0x12: {  	s1 =	sld [smem:$0x3F95];
	s0 =	simm.s32 @p0 $0x1  }
0x13: {  	[smem:$0x3FB0] =	sst s0;
	s0 =	simm.s32 @!p1 $0x0  }
0x14: {  	s2 =	sld [smem:$0x3F94];
	s0 =	simm.s32 @p1 $0x1  }
0x15: {  	[smem:$0x3FB1] =	sst s0;
	s0 =	simm.s32 @!p2 $0x0  }
0x16: {  	s3 =	sld [smem:$0x3FDB];
	s0 =	simm.s32 @p2 $0x1  }
0x17: {  	s4 =	simm.s32 $0x1BF5;
	[smem:$0x3FB3] =	sst s0  }
0x18: {  	s0 =	sld [smem:$0x3F96];
	_ =	swait.ge [sflag:s4], $0x0  }
0x19: {  	s7 =	sld [smem:$0x3F97]  }
0x1a: {  	s8 =	sadd.s32 $0xFFFFE003, lr  }
0x1b: {  	s9 =	sadd.s32 $0xFFFFFEF7, lr;
	s5 =	simm.s32 $0xFFFFFFFF;
	p2 =	slt.u32 s8, $0xFFFFF086  }
0x1c: {  	p1 =	slt.u32 s9, $0xF7A;
	s5 =	simm.s32 @!p2 $0x0  }
0x1d: {  	s5 =	simm.s32 @p1 $0x1;
	p0 =	seq.s32 s7, s2  }
0x1e: {  	s7 =	smul.u32 @!p0 $0xF7A, s2;
	p2 =	seq.s32 @!p0 s5, $0x0  }
0x1f: {  	s9 =	smul.u32 $0xF7A, s1;
	s8 =	simm.s32 @!p0 $0x1BF5;
	p2 =	por !p2, p0  }
0x20: {  	[sflag:s8] =	ssyncset.s32 @!p0 $0xFFFFF086;
	s6 =	sadd.s32 @!p0 s3, s7;
	s7 =	simm.s32 @!p0 $0x108  }
0x21: {  	s3 =	sadd.s32 s3, s9;
	s6 =	sadd.s32 @!p0 $0x88, s6;
	s7 =	simm.s32 @p2 $0x1082  }
0x22: {  	[simem:s7], [sflag:s8] =	dma.local @!p0 [hbm:s6], $0xF7A  }
0x23: {  	s9 =	sor.u32 $0xD0000000, s2;
	s6 =	simm.s32 $0x108;
	_ =	swait.ge @!p0 [sflag:s8], $0x0  }
0x24: {  	s3 =	sadd.s32 $0x88, s3;
	s6 =	simm.s32 @!p1 $0x1082;
	[sflag:s4] =	ssyncset.s32 $0xFFFFF086  }
0x25: {  	[simem:s6], [sflag:s4] =	dma.local [hbm:s3], $0xF7A  }
0x26: {  	[smem:$0x3F97] =	sst s1;
	(tag) =	ssettag s2;
	_ =	strace s9  }
0x27: {  	s1 =	sld [smem:$0x3FA7]  }
0x28: {  	s2 =	sld [smem:$0x3FA8]  }
0x29: {  	s4 =	sld [smem:$0x3FAA]  }
0x2a: {  	p0 =	seq.s32 s5, $0x0;
	s5 =	sld [smem:$0x3FAB]  }
0x2b: {  	s6 =	sld [smem:$0x3FAC]  }
0x2c: {  	s7 =	sld [smem:$0x3FAD]  }
0x2d: {  	s3 =	simm.s32 $0x108;
	s8 =	sld [smem:$0x3FAE]  }
0x2e: {  	s3 =	simm.s32 @!p0 $0x1082;
	s9 =	sld [smem:$0x3FAF]  }
0x2f: {  	lr =	sadd.s32 s0, s3;
	s0 =	sld [smem:$0x3FA6]  }
0x30: {  	s3 =	sld [smem:$0x3FA9]  }
0x31: {  	[smem:$0x3FB2] =	sst s10  }
0x32: {  	s10 =	sld [smem:$0x3FB0];
	_ =	sdelay $0x3  }
0x33: {  	p0 =	seq.s32 s10, $0x1;
	s10 =	sld [smem:$0x3FB2];
	_ =	sdelay $0x3  }
0x34: {  	[smem:$0x3FB2] =	sst s10  }
0x35: {  	s10 =	sld [smem:$0x3FB1];
	_ =	sdelay $0x3  }
0x36: {  	p1 =	seq.s32 s10, $0x1;
	s10 =	sld [smem:$0x3FB2];
	_ =	sdelay $0x3  }
0x37: {  	[smem:$0x3FB2] =	sst s10  }
0x38: {  	s10 =	sld [smem:$0x3FB3]  }
0x39: {  	_ = 	snop;
	(pc) =	sbr.ind lr, $3  }
0x3a: {  	_ = 	snop  }
0x3b: {  	_ = 	snop  }
0x3c: {  	p2 =	seq.s32 s10, $0x1;
	s10 =	sld [smem:$0x3FB2]  }
0x3d: {  	_ =	shalt  }
0x3e: {  	_ =	shalt  }
0x3f: {  	_ =	shalt  }
0x40: {  	_ =	shalt  }
0x41: {  	_ =	shalt  }
0x42: {  	_ =	shalt  }
0x43: {  	_ =	shalt  }
0x44: {  	_ =	shalt  }
0x45: {  	_ =	shalt  }
0x46: {  	_ =	shalt  }
0x47: {  	_ =	shalt  }
0x48: {  	_ =	shalt  }
0x49: {  	_ =	shalt  }
0x4a: {  	_ =	shalt  }
0x4b: {  	_ =	shalt  }
0x4c: {  	_ =	shalt  }
0x4d: {  	_ =	shalt  }
0x4e: {  	_ =	shalt  }
0x4f: {  	_ =	shalt  }
0x50: {  	_ =	shalt  }
0x51: {  	_ =	shalt  }
0x52: {  	_ =	shalt  }
0x53: {  	_ =	shalt  }
0x54: {  	_ =	shalt  }
0x55: {  	_ =	shalt  }
0x56: {  	_ =	shalt  }
0x57: {  	_ =	shalt  }
0x58: {  	_ =	shalt  }
0x59: {  	_ =	shalt  }
0x5a: {  	_ =	shalt  }
0x5b: {  	_ =	shalt  }
0x5c: {  	_ =	shalt  }
0x5d: {  	_ =	shalt  }
0x5e: {  	_ =	shalt  }
0x5f: {  	_ =	shalt  }
0x60: {  	_ =	shalt  }
0x61: {  	_ =	shalt  }
0x62: {  	_ =	shalt  }
0x63: {  	_ =	shalt  }
0x64: {  	_ =	shalt  }
0x65: {  	_ =	shalt  }
0x66: {  	_ =	shalt  }
0x67: {  	_ =	shalt  }
0x68: {  	_ =	shalt  }
0x69: {  	_ =	shalt  }
0x6a: {  	_ =	shalt  }
0x6b: {  	_ =	shalt  }
0x6c: {  	_ =	shalt  }
0x6d: {  	_ =	shalt  }
0x6e: {  	_ =	shalt  }
0x6f: {  	_ =	shalt  }
0x70: {  	_ =	shalt  }
0x71: {  	_ =	shalt  }
0x72: {  	_ =	shalt  }
0x73: {  	_ =	shalt  }
0x74: {  	_ =	shalt  }
0x75: {  	_ =	shalt  }
0x76: {  	_ =	shalt  }
0x77: {  	_ =	shalt  }
0x78: {  	_ =	shalt  }
0x79: {  	_ =	shalt  }
0x7a: {  	_ =	shalt  }
0x7b: {  	_ =	shalt  }
0x7c: {  	_ =	shalt  }
0x7d: {  	_ =	shalt  }
0x7e: {  	_ =	shalt  }
0x7f: {  	_ =	shalt  }
0x80: {  	_ =	shalt  }
0x81: {  	_ =	shalt  }
0x82: {  	_ =	shalt  }
0x83: {  	_ =	shalt  }
0x84: {  	_ =	shalt  }
0x85: {  	_ =	shalt  }
0x86: {  	_ =	shalt  }
0x87: {  	_ =	shalt  }
.Lfunc_end0:
.L_simem_size_0:
called_computation_lowered:
.L_overlay_start_0:
0x88: {  	s2 =	sld [smem:$0x3FD9]  }
0x89: {  	s3 =	sld [smem:$0x3FFE];
	_ =	sdelay $0x1  }
0x8a: {  	s1 =	srdreg.scid  }
0x8b: {  	s0 =	sand.u32 $0x1, s1  }
0x8c: {  	s14 =	sshll.u32 s0, $0xA;
	s2 =	sadd.s32 s3, s2  }
0x8d: {  	s2 =	sadd.s32 s2, s14  }
0x8e: {  	[smem:$0x3FBE] =	sst s2  }
0x8f: {  	_ = 	snop  }
0x90: {  	s2 =	sld [smem:$0x3FD0]  }
0x91: {  	s15 =	sld [smem:$0x3FC9]  }
0x92: {  	s4 =	sld [smem:$0x3FC8]  }
0x93: {  	s6 =	simm.s32 $0xA;
	s7 =	simm.s32 $0x10;
	s5 =	sld [smem:$0x3FC7]  }
0x94: {  	[smem:s7], [sflag:s6] =	dma.local [hbm:s2], $0x1  }
0x95: {  	_ =	swait.eq [sflag:s6], $0x1  }
0x96: {  	s16 =	sld [smem:$0x10];
	[sflag:s6] =	ssyncset.done $0x0  }
0x97: {  	s17 =	sld [smem:$0x11];
	[sflag:s6] =	ssyncadd.s32 $0xFFFFFFFF  }
0x98: {  	s18 =	sld [smem:$0x12];
	(tm) =	ssettm $0x1  }
0x99: {  	s8 =	sld [smem:$0x3FFB];
	_ =	sdelay $0x3  }
0x9a: {  	_ =	strace s8  }
0x9b: {  	s8 =	sld [smem:$0x3FFC];
	_ =	sdelay $0x3  }
0x9c: {  	_ =	strace s8  }
0x9d: {  	s8 =	sld [smem:$0x3FFD];
	_ =	sdelay $0x3  }
0x9e: {  	_ =	strace s8  }
0x9f: {  	_ =	strace $0x8FFFFFFF  }
0xa0: {  	s19 =	sld [smem:$0x3FDB];
	_ =	sdelay $0x1  }
0xa1: {  	s9 =	simm.s32 $_scs_section_size  }
0xa2: {  	s10 =	simm.s32 $_size__tile_overlayer_lowered;
	s11 =	simm.s32 $_tile_overlayer_lowered  }
0xa3: {  	s22 =	simm.s32 $0x1BFF;
	s21 =	sshll.u32 s11, $0x1;
	s8 =	sadd.s32 s9, s19  }
0xa4: {  	s12 =	simm.s32 $0x0;
	s20 =	sshll.u32 s10, $0x1;
	s10 =	sadd.s32 s21, s8  }
0xa5: {  	[timem:s12], [sflag:s22] =	dma.local [hbm:s10], s20  }
0xa6: {  	_ =	swait.ge [sflag:s22], s20  }
0xa7: {  	s9 =	ssub.s32 $0x0, s20;
	[sflag:s22] =	ssyncset.done $0x0  }
0xa8: {  	[sflag:s22] =	ssyncadd.s32 s9;
	_ =	sdelay $0x1  }
0xa9: {  	s23 =	simm.s32 $0x1B8B  }
0xaa: {  	_ =	swait.ge [sflag:s23], $0x1  }
0xab: {  	[sflag:s23] =	ssyncset.done $0x0  }
0xac: {  	s25 =	simm.s32 $0x1B8E;
	s24 =	sld [smem:$0x3FFE];
	[sflag:s23] =	ssyncadd.s32 $0xFFFFFFFF  }
0xad: {  	s26 =	simm.s32 $execute0_lowered;
	[smem:$0x3FD2] =	sst s25  }
0xae: {  	s10 =	sshll.u32 s26, $0x1;
	_ =	strace $0x80000046;
	[dreg:$0x1] =	wrdreg $0xFFFFFFFF  }
0xaf: {  	s28 =	simm.s32 $_size_execute0_lowered;
	s8 =	sadd.s32 s8, s10;
	[dreg:$0x0] =	wrdreg $0x0  }
0xb0: {  	s10 =	sshll.u32 s28, $0x1;
	[dreg:$0x2] =	wrdreg s8  }
0xb1: {  	[dreg:$0x3] =	wrdreg s10  }
0xb2: {  	[dreg:$0x4] =	wrdreg $0xC0  }
0xb3: {  	_ =	task [dreg:s12], $0x5FFFF  }
0xb4: {  	[dreg:$0x1] =	wrdreg $0xFFFFFFFF  }
0xb5: {  	[dreg:$0x0] =	wrdreg $0x60  }
0xb6: {  	[dreg:$0x2] =	wrdreg s15  }
0xb7: {  	[dreg:$0x3] =	wrdreg s4  }
0xb8: {  	[dreg:$0x4] =	wrdreg s5  }
0xb9: {  	[dreg:$0x5] =	wrdreg s24  }
0xba: {  	[dreg:$0x6] =	wrdreg s16  }
0xbb: {  	[dreg:$0x7] =	wrdreg s17  }
0xbc: {  	[dreg:$0x8] =	wrdreg s18  }
0xbd: {  	[dreg:$0x9] =	wrdreg $0x9  }
0xbe: {  	_ =	task.clear_ibuf [dreg:s12], $0xAFFFF;
	_ =	strace $0x90000046  }
0xbf: {  	s29 =	simm.s32 $0x9;
	_ =	strace $0x80000048  }
0xc0: {  	_ =	swait.ge [sflag:s29], $0x1  }
0xc1: {  	[sflag:s29] =	ssyncadd.s32 $0xFFFFFFFF  }
0xc2: {  	_ =	strace $0x90000048  }
0xc3: {  	_ =	sfence  }
0xc4: {  	s30 =	sld [smem:$0x0];
	_ =	sdelay $0x2  }
0xc5: {  	s31 =	sshll.u32 s1, $0xD;
	s1 =	sshrl.u32 s1, $0x2  }
0xc6: {  	s3 =	sand.u32 $0x4000, s31;
	s1 =	sadd.s32 s1, s30  }
0xc7: {  	s0 =	sor.u32 s3, s0;
	s1 =	sshll.u32 s1, $0x11  }
0xc8: {  	s0 =	sor.u32 s1, s0  }
0xc9: {  	s0 =	sadd.s32 $0x8F2B, s0  }
0xca: {  	[sflag:s0] =	ssyncadd.remote.s32 $0x1  }
0xcb: {  	_ =	sfence.sel $0xFFFF  }
0xcc: {  	[dreg:$0x0] =	wrdreg $0xFFFFFFFF;
	(pc) =	sbr.abs _section_cstart, $3  }
0xcd: {  	[dreg:$0x1] =	wrdreg $0xFFFFFFFF  }
0xce: {  	_ =	task.clear_ibuf [dreg:s12], $0x2FFFF;
	_ =	strace $0x9FFFFFFF  }
0xcf: {  	(tm) =	ssettm $0x7FFFFFFF  }
tec
execute0_lowered:
.L_overlay_start_1:
0x0: {  	(tag) =	ssettag $0x1  }
0x1: {  	s0 =	rddreg [dreg:$0x0]  }
0x2: {  	s2 =	rddreg [dreg:$0x1]  }
0x3: {  	s7 =	rddreg [dreg:$0x2]  }
0x4: {  	s8 =	rddreg [dreg:$0x3]  }
0x5: {  	s9 =	rddreg [dreg:$0x4]  }
0x6: {  	s10 =	rddreg [dreg:$0x5]  }
0x7: {  	s11 =	rddreg [dreg:$0x6];
	s1 =	simm.s32 $0x0;
	s12 =	srdreg.scid  }
0x8: {  	s13 =	stileid.u32;
	[smem:$0x7FF] =	sst s1  }
0x9: {  	s3 =	sadd.s32 $0x1000, s8;
	s4 =	sadd.s32 $0x3D9000, s8;
	s5 =	sadd.s32 $0x7B1000, s8  }
0xa: {  	s6 =	sadd.s32 $0xB89000, s8;
	s12 =	sand.u32 $0x1, s12;
	s13 =	sshll.u32 s13, $0x1  }
0xb: {  	s14 =	sadd.s32 $0xA00, s8;
	s15 =	sadd.s32 $0xC00, s8;
	_ =	strace $0x80000047  }
0xc: {  	[dreg:$0x8] =	wrdreg s14;
	s31 =	ssub.s32 $0x2, s12;
	s12 =	sor.u32 s12, s13  }
0xd: {  	s8 =	sadd.s32 $0xE00, s8;
	[dreg:$0x9] =	wrdreg s15;
	s15 =	sshll.u32 s12, $0x6  }
0xe: {  	[dreg:$0xa] =	wrdreg s8;
	s19 =	sadd.s32 s0, s15  }
0xf: {  	s20 =	sadd.s32 s2, s15;
	[dreg:$0xb] =	wrdreg s19  }
0x10: {  	s25 =	sadd.s32 s7, s15;
	[dreg:$0xc] =	wrdreg s20  }
0x11: {  	s16 =	sshrl.u32 s31, $0x1;
	s28 =	sadd.s32 s9, s15;
	[dreg:$0x13] =	wrdreg s25  }
0x12: {  	s18 =	sor.u32 $0x10, s15;
	s29 =	sadd.s32 s10, s15;
	[dreg:$0x14] =	wrdreg s28  }
0x13: {  	s17 =	ssub.s32 s31, s16;
	s21 =	sadd.s32 s0, s18;
	[dreg:$0x15] =	wrdreg s29  }
0x14: {  	s22 =	sor.u32 $0x20, s15;
	s13 =	sadd.s32 s2, s18;
	[dreg:$0xd] =	wrdreg s21  }
0x15: {  	s23 =	sor.u32 $0x30, s15;
	s16 =	sadd.s32 s0, s22;
	[dreg:$0xe] =	wrdreg s13  }
0x16: {  	s0 =	sadd.s32 s0, s23;
	[dreg:$0xf] =	wrdreg s16  }
0x17: {  	s30 =	simm.s32 $0xC600;
	s24 =	sadd.s32 s2, s23;
	[dreg:$0x11] =	wrdreg s0  }
0x18: {  	s26 =	sshll.u32 s12, $0x8;
	s31 =	smax.u32 s17, $0x1;
	[dreg:$0x12] =	wrdreg s24  }
0x19: {  	s10 =	simm.s32 $0x10600;
	s13 =	sadd.s32 s2, s22;
	[dreg:$0x17] =	wrdreg s31  }
0x1a: {  	s7 =	simm.s32 $0x0;
	s0 =	sadd.s32 s11, s26;
	[dreg:$0x10] =	wrdreg s13  }
0x1b: {  	v5 =	vlaneseq.u32;
	s25 =	simm.s32 $0x1;
	s2 =	simm.s32 $0x2;
	[dreg:$0x16] =	wrdreg s0  }
.LBB2_1:
0x1c: {  	[dreg:$0x18] =	wrdreg s7  }
0x1d: {  	s0 =	rddreg [dreg:$0xb]  }
0x1e: {  	[tilespmem:s1], [sflag:$0x2] =	stream.linear.gather [hbm4b:s0+s1], $0x80, $0x38;
	[tilespmem:$0x11310] =	vst v63  }
0x1f: {  	_ =	swait.ge [sflag:s2], $0x80  }
0x20: {  	[sflag:s2] =	ssyncset.done $0x0  }
0x21: {  	s24 =	simm.s32 $0x200;
	s17 =	rddreg [dreg:$0xc];
	[sflag:s2] =	ssyncadd.s32 $0xFFFFFF80  }
0x22: {  	[tilespmem:s24], [sflag:$0x2] =	stream.linear.gather [hbm4b:s17+s1], $0x80, $0x38;
	[tilespmem:$0x11310] =	vst v63  }
0x23: {  	_ =	swait.ge [sflag:s2], $0x80  }
0x24: {  	[sflag:s2] =	ssyncset.done $0x0  }
0x25: {  	s19 =	simm.s32 $0x80;
	s18 =	rddreg [dreg:$0xd];
	[sflag:s2] =	ssyncadd.s32 $0xFFFFFF80  }
0x26: {  	[tilespmem:s19], [sflag:$0x2] =	stream.linear.gather [hbm4b:s18+s1], $0x80, $0x38;
	[tilespmem:$0x11310] =	vst v63  }
0x27: {  	_ =	swait.ge [sflag:s2], $0x80  }
0x28: {  	[sflag:s2] =	ssyncset.done $0x0  }
0x29: {  	s21 =	simm.s32 $0x280;
	s20 =	rddreg [dreg:$0xe];
	[sflag:s2] =	ssyncadd.s32 $0xFFFFFF80  }
0x2a: {  	[tilespmem:s21], [sflag:$0x2] =	stream.linear.gather [hbm4b:s20+s1], $0x80, $0x38;
	[tilespmem:$0x11310] =	vst v63  }
0x2b: {  	_ =	swait.ge [sflag:s2], $0x80  }
0x2c: {  	[sflag:s2] =	ssyncset.done $0x0  }
0x2d: {  	s23 =	simm.s32 $0x100;
	s22 =	rddreg [dreg:$0xf];
	[sflag:s2] =	ssyncadd.s32 $0xFFFFFF80  }
0x2e: {  	[tilespmem:s23], [sflag:$0x2] =	stream.linear.gather [hbm4b:s22+s1], $0x80, $0x38;
	[tilespmem:$0x11310] =	vst v63  }
0x2f: {  	_ =	swait.ge [sflag:s2], $0x80  }
0x30: {  	[sflag:s2] =	ssyncset.done $0x0  }
0x31: {  	s28 =	simm.s32 $0x300;
	s26 =	rddreg [dreg:$0x10];
	[sflag:s2] =	ssyncadd.s32 $0xFFFFFF80  }
0x32: {  	[tilespmem:s28], [sflag:$0x2] =	stream.linear.gather [hbm4b:s26+s1], $0x80, $0x38;
	[tilespmem:$0x11310] =	vst v63  }
0x33: {  	_ =	swait.ge [sflag:s2], $0x80  }
0x34: {  	[sflag:s2] =	ssyncset.done $0x0  }
0x35: {  	s31 =	simm.s32 $0x180;
	s29 =	rddreg [dreg:$0x11];
	[sflag:s2] =	ssyncadd.s32 $0xFFFFFF80  }
0x36: {  	[tilespmem:s31], [sflag:$0x2] =	stream.linear.gather [hbm4b:s29+s1], $0x80, $0x38;
	[tilespmem:$0x11310] =	vst v63  }
0x37: {  	_ =	swait.ge [sflag:s2], $0x80  }
0x38: {  	[sflag:s2] =	ssyncset.done $0x0  }
0x39: {  	s9 =	simm.s32 $0x380;
	s8 =	rddreg [dreg:$0x12];
	[sflag:s2] =	ssyncadd.s32 $0xFFFFFF80  }
0x3a: {  	[tilespmem:s9], [sflag:$0x2] =	stream.linear.gather [hbm4b:s8+s1], $0x80, $0x38;
	[tilespmem:$0x11310] =	vst v63  }
0x3b: {  	_ =	swait.ge [sflag:s2], $0x80  }
0x3c: {  	[sflag:s2] =	ssyncset.done $0x0  }
0x3d: {  	s12 =	simm.s32 $0x400;
	s11 =	rddreg [dreg:$0x13];
	[sflag:s2] =	ssyncadd.s32 $0xFFFFFF80  }
0x3e: {  	[tilespmem:s12], [sflag:$0x2] =	stream.linear.gather [hbm4b:s11+s1], $0x200, $0x38;
	[tilespmem:$0x11310] =	vst v63  }
0x3f: {  	_ =	swait.ge [sflag:s2], $0x200  }
0x40: {  	[sflag:s2] =	ssyncset.done $0x0  }
0x41: {  	s13 =	rddreg [dreg:$0x8];
	[sflag:s2] =	ssyncadd.s32 $0xFFFFFE00  }
0x42: {  	[tilespmem:s10], [sflag:$0x2] =	stream.linear.gather [hbm4b:s13+s1], $0x80, $0x38;
	[tilespmem:$0x11310] =	vst v63  }
0x43: {  	_ =	swait.ge [sflag:s2], $0x80  }
0x44: {  	[sflag:s2] =	ssyncset.done $0x0  }
0x45: {  	s15 =	simm.s32 $0x10680;
	s14 =	rddreg [dreg:$0x9];
	[sflag:s2] =	ssyncadd.s32 $0xFFFFFF80  }
0x46: {  	[tilespmem:s15], [sflag:$0x2] =	stream.linear.gather [hbm4b:s14+s1], $0x80, $0x38;
	[tilespmem:$0x11310] =	vst v63  }
0x47: {  	_ =	swait.ge [sflag:s2], $0x80  }
0x48: {  	[sflag:s2] =	ssyncset.done $0x0  }
0x49: {  	s17 =	simm.s32 $0x10700;
	s16 =	rddreg [dreg:$0xa];
	[sflag:s2] =	ssyncadd.s32 $0xFFFFFF80  }
0x4a: {  	[tilespmem:s17], [sflag:$0x2] =	stream.linear.gather [hbm4b:s16+s1], $0x10, $0x38;
	[tilespmem:$0x11310] =	vst v63  }
0x4b: {  	_ =	swait.ge [sflag:s2], $0x10  }
0x4c: {  	[sflag:s2] =	ssyncset.done $0x0  }
0x4d: {  	[sflag:s2] =	ssyncadd.s32 $0xFFFFFFF0  }
0x4e: {  	v0 =	vld [tilespmem:s1+$0x0];
	_ =	sdelay $0x1  }
0x4f: {  	v1 =	vld [tilespmem:s24+$0x0];
	_ =	sdelay $0x2  }
0x50: {  	v2 =	vshll.u32 v0, $0x5;
	v3 =	vshll.u32 v0, $0x7  }
0x51: {  	v0 =	vshrl.u32 v0, $0x6;
	v2 =	vand.u32 $0xFFFC0000, v2;
	v3 =	vand.u32 $0x3FF80, v3  }
0x52: {  	v62 =	vshll.u32 v1, $0x5;
	v0 =	vand.u32 $0x60, v0;
	v2 =	vor.u32 v3, v2  }
0x53: {  	v3 =	vshrl.u32 v1, $0x6;
	v1 =	vshll.u32 v1, $0x7;
	v0 =	vor.u32 v0, v2  }
0x54: {  	v2 =	vand.u32 $0xFFFC0000, v62;
	v1 =	vand.u32 $0x3FF80, v1;
	v0 =	vshrl.u32 v0, $0x3  }
0x55: {  	v63 =	vand.u32 $0x60, v3;
	v1 =	vor.u32 v1, v2;
	(v2sf) =	vpush v0, $0x0  }
0x56: {  	v1 =	vor.u32 v63, v1;
	(v2sf) =	vpush v0, $0x1  }
0x57: {  	v1 =	vshrl.u32 v1, $0x3  }
0x58: {  	(v2sf) =	vpush v1, $0x0;
	_ =	sdelay $0x6  }
0x59: {  	(v2sf) =	vpush v1, $0x1;
	_ =	sdelay $0x3  }
0x5a: {  	(v2sf) =	vpush v1, $0x2  }
0x5b: {  	s18 =	spop (v2sf)  }
0x5c: {  	s19 =	simm.s32 $0x600;
	(v2sf) =	vpush v0, $0x2;
	s20 =	sadd.s32 s3, s18;
	s8 =	spop (v2sf)  }
0x5d: {  	[tilespmem:s19], [sflag:$0x1] =	stream.linear.gather [hbm4b:s20+s1], $0x20, $0x38;
	[tilespmem:$0x11310] =	vst v63  }
0x5e: {  	s21 =	spop (v2sf)  }
0x5f: {  	s22 =	simm.s32 $0x4600;
	s9 =	sadd.s32 s4, s21  }
0x60: {  	[tilespmem:s22], [sflag:$0x1] =	stream.linear.gather [hbm4b:s9+s1], $0x20, $0x38;
	[tilespmem:$0x11310] =	vst v63  }
0x61: {  	s23 =	simm.s32 $0x8600;
	s0 =	sadd.s32 s5, s18  }
0x62: {  	(v2sf) =	vpush v1, $0x3;
	[tilespmem:s23], [sflag:$0x1] =	stream.linear.gather [hbm4b:s0+s1], $0x20, $0x38;
	[tilespmem:$0x11310] =	vst v63  }
0x63: {  	s26 =	simm.s32 $0xC600;
	s2 =	sadd.s32 s6, s21  }
0x64: {  	(v2sf) =	vpush v0, $0x3;
	[tilespmem:s26], [sflag:$0x1] =	stream.linear.gather [hbm4b:s2+s1], $0x20, $0x38;
	[tilespmem:$0x11310] =	vst v63  }
0x65: {  	s29 =	simm.s32 $0x620;
	s31 =	sadd.s32 s3, s8;
	s28 =	spop (v2sf)  }
0x66: {  	[tilespmem:s29], [sflag:$0x1] =	stream.linear.gather [hbm4b:s31+s1], $0x20, $0x38;
	[tilespmem:$0x11310] =	vst v63  }
0x67: {  	s9 =	simm.s32 $0x4620;
	s10 =	sadd.s32 s4, s28  }
0x68: {  	[tilespmem:s9], [sflag:$0x1] =	stream.linear.gather [hbm4b:s10+s1], $0x20, $0x38;
	[tilespmem:$0x11310] =	vst v63  }
0x69: {  	s12 =	simm.s32 $0x8620;
	s8 =	sadd.s32 s5, s8;
	s11 =	spop (v2sf)  }
0x6a: {  	(v2sf) =	vpush v1, $0x4;
	[tilespmem:s12], [sflag:$0x1] =	stream.linear.gather [hbm4b:s8+s1], $0x20, $0x38;
	[tilespmem:$0x11310] =	vst v63  }
0x6b: {  	s14 =	simm.s32 $0xC620;
	s0 =	sadd.s32 s6, s28;
	s13 =	spop (v2sf)  }
0x6c: {  	(v2sf) =	vpush v0, $0x4;
	[tilespmem:s14], [sflag:$0x1] =	stream.linear.gather [hbm4b:s0+s1], $0x20, $0x38;
	[tilespmem:$0x11310] =	vst v63  }
0x6d: {  	s15 =	simm.s32 $0x640;
	s16 =	sadd.s32 s3, s13  }
0x6e: {  	[tilespmem:s15], [sflag:$0x1] =	stream.linear.gather [hbm4b:s16+s1], $0x20, $0x38;
	[tilespmem:$0x11310] =	vst v63  }
0x6f: {  	s17 =	simm.s32 $0x4640;
	s18 =	sadd.s32 s4, s11  }
0x70: {  	[tilespmem:s17], [sflag:$0x1] =	stream.linear.gather [hbm4b:s18+s1], $0x20, $0x38;
	[tilespmem:$0x11310] =	vst v63  }
0x71: {  	s20 =	simm.s32 $0x8640;
	s19 =	spop (v2sf);
	s7 =	sadd.s32 s5, s13  }
0x72: {  	(v2sf) =	vpush v1, $0x5;
	[tilespmem:s20], [sflag:$0x1] =	stream.linear.gather [hbm4b:s7+s1], $0x20, $0x38;
	[tilespmem:$0x11310] =	vst v63  }
0x73: {  	s22 =	simm.s32 $0xC640;
	s2 =	sadd.s32 s6, s11;
	s21 =	spop (v2sf)  }
0x74: {  	(v2sf) =	vpush v0, $0x5;
	[tilespmem:s22], [sflag:$0x1] =	stream.linear.gather [hbm4b:s2+s1], $0x20, $0x38;
	[tilespmem:$0x11310] =	vst v63  }
0x75: {  	s23 =	simm.s32 $0x660;
	s26 =	sadd.s32 s3, s21  }
0x76: {  	[tilespmem:s23], [sflag:$0x1] =	stream.linear.gather [hbm4b:s26+s1], $0x20, $0x38;
	[tilespmem:$0x11310] =	vst v63  }
0x77: {  	s28 =	simm.s32 $0x4660;
	s29 =	sadd.s32 s4, s19  }
0x78: {  	[tilespmem:s28], [sflag:$0x1] =	stream.linear.gather [hbm4b:s29+s1], $0x20, $0x38;
	[tilespmem:$0x11310] =	vst v63  }
0x79: {  	s9 =	simm.s32 $0x8660;
	s31 =	spop (v2sf);
	s7 =	sadd.s32 s5, s21  }
0x7a: {  	(v2sf) =	vpush v1, $0x6;
	[tilespmem:s9], [sflag:$0x1] =	stream.linear.gather [hbm4b:s7+s1], $0x20, $0x38;
	[tilespmem:$0x11310] =	vst v63  }
0x7b: {  	s11 =	simm.s32 $0xC660;
	s0 =	sadd.s32 s6, s19;
	s10 =	spop (v2sf)  }
0x7c: {  	(v2sf) =	vpush v0, $0x6;
	[tilespmem:s11], [sflag:$0x1] =	stream.linear.gather [hbm4b:s0+s1], $0x20, $0x38;
	[tilespmem:$0x11310] =	vst v63  }
0x7d: {  	s12 =	simm.s32 $0x680;
	s13 =	sadd.s32 s3, s10  }
0x7e: {  	[tilespmem:s12], [sflag:$0x1] =	stream.linear.gather [hbm4b:s13+s1], $0x20, $0x38;
	[tilespmem:$0x11310] =	vst v63  }
0x7f: {  	s14 =	simm.s32 $0x4680;
	s15 =	sadd.s32 s4, s31  }
0x80: {  	[tilespmem:s14], [sflag:$0x1] =	stream.linear.gather [hbm4b:s15+s1], $0x20, $0x38;
	[tilespmem:$0x11310] =	vst v63  }
0x81: {  	s17 =	simm.s32 $0x8680;
	s16 =	spop (v2sf);
	s7 =	sadd.s32 s5, s10  }
0x82: {  	(v2sf) =	vpush v1, $0x7;
	[tilespmem:s17], [sflag:$0x1] =	stream.linear.gather [hbm4b:s7+s1], $0x20, $0x38;
	[tilespmem:$0x11310] =	vst v63  }
0x83: {  	s19 =	simm.s32 $0xC680;
	s2 =	sadd.s32 s6, s31;
	s18 =	spop (v2sf)  }
0x84: {  	(v2sf) =	vpush v0, $0x7;
	[tilespmem:s19], [sflag:$0x1] =	stream.linear.gather [hbm4b:s2+s1], $0x20, $0x38;
	[tilespmem:$0x11310] =	vst v63  }
0x85: {  	s20 =	simm.s32 $0x6A0;
	s21 =	sadd.s32 s3, s18  }
0x86: {  	[tilespmem:s20], [sflag:$0x1] =	stream.linear.gather [hbm4b:s21+s1], $0x20, $0x38;
	[tilespmem:$0x11310] =	vst v63  }
0x87: {  	s22 =	simm.s32 $0x46A0;
	s23 =	sadd.s32 s4, s16  }
0x88: {  	[tilespmem:s22], [sflag:$0x1] =	stream.linear.gather [hbm4b:s23+s1], $0x20, $0x38;
	[tilespmem:$0x11310] =	vst v63  }
0x89: {  	s28 =	simm.s32 $0x86A0;
	s26 =	spop (v2sf);
	s7 =	sadd.s32 s5, s18  }
0x8a: {  	(v2sf) =	vpush v1, $0x8;
	[tilespmem:s28], [sflag:$0x1] =	stream.linear.gather [hbm4b:s7+s1], $0x20, $0x38;
	[tilespmem:$0x11310] =	vst v63  }
0x8b: {  	s31 =	simm.s32 $0xC6A0;
	s0 =	sadd.s32 s6, s16;
	s29 =	spop (v2sf)  }
0x8c: {  	(v2sf) =	vpush v0, $0x8;
	[tilespmem:s31], [sflag:$0x1] =	stream.linear.gather [hbm4b:s0+s1], $0x20, $0x38;
	[tilespmem:$0x11310] =	vst v63  }
0x8d: {  	s8 =	simm.s32 $0x6C0;
	s9 =	sadd.s32 s3, s29  }
0x8e: {  	[tilespmem:s8], [sflag:$0x1] =	stream.linear.gather [hbm4b:s9+s1], $0x20, $0x38;
	[tilespmem:$0x11310] =	vst v63  }
0x8f: {  	s10 =	simm.s32 $0x46C0;
	s11 =	sadd.s32 s4, s26  }
0x90: {  	[tilespmem:s10], [sflag:$0x1] =	stream.linear.gather [hbm4b:s11+s1], $0x20, $0x38;
	[tilespmem:$0x11310] =	vst v63  }
0x91: {  	s13 =	simm.s32 $0x86C0;
	s12 =	spop (v2sf);
	s7 =	sadd.s32 s5, s29  }
0x92: {  	(v2sf) =	vpush v1, $0x9;
	[tilespmem:s13], [sflag:$0x1] =	stream.linear.gather [hbm4b:s7+s1], $0x20, $0x38;
	[tilespmem:$0x11310] =	vst v63  }
0x93: {  	s15 =	simm.s32 $0xC6C0;
	s2 =	sadd.s32 s6, s26;
	s14 =	spop (v2sf)  }
0x94: {  	(v2sf) =	vpush v0, $0x9;
	[tilespmem:s15], [sflag:$0x1] =	stream.linear.gather [hbm4b:s2+s1], $0x20, $0x38;
	[tilespmem:$0x11310] =	vst v63  }
0x95: {  	s16 =	simm.s32 $0x6E0;
	s17 =	sadd.s32 s3, s14  }
0x96: {  	[tilespmem:s16], [sflag:$0x1] =	stream.linear.gather [hbm4b:s17+s1], $0x20, $0x38;
	[tilespmem:$0x11310] =	vst v63  }
0x97: {  	s18 =	simm.s32 $0x46E0;
	s19 =	sadd.s32 s4, s12  }
0x98: {  	[tilespmem:s18], [sflag:$0x1] =	stream.linear.gather [hbm4b:s19+s1], $0x20, $0x38;
	[tilespmem:$0x11310] =	vst v63  }
0x99: {  	s21 =	simm.s32 $0x86E0;
	s20 =	spop (v2sf);
	s7 =	sadd.s32 s5, s14  }
0x9a: {  	(v2sf) =	vpush v1, $0xA;
	[tilespmem:s21], [sflag:$0x1] =	stream.linear.gather [hbm4b:s7+s1], $0x20, $0x38;
	[tilespmem:$0x11310] =	vst v63  }
0x9b: {  	s23 =	simm.s32 $0xC6E0;
	s0 =	sadd.s32 s6, s12;
	s22 =	spop (v2sf)  }
0x9c: {  	(v2sf) =	vpush v0, $0xA;
	[tilespmem:s23], [sflag:$0x1] =	stream.linear.gather [hbm4b:s0+s1], $0x20, $0x38;
	[tilespmem:$0x11310] =	vst v63  }
0x9d: {  	s26 =	simm.s32 $0x700;
	s28 =	sadd.s32 s3, s22  }
0x9e: {  	[tilespmem:s26], [sflag:$0x1] =	stream.linear.gather [hbm4b:s28+s1], $0x20, $0x38;
	[tilespmem:$0x11310] =	vst v63  }
0x9f: {  	s29 =	simm.s32 $0x4700;
	s31 =	sadd.s32 s4, s20  }
0xa0: {  	[tilespmem:s29], [sflag:$0x1] =	stream.linear.gather [hbm4b:s31+s1], $0x20, $0x38;
	[tilespmem:$0x11310] =	vst v63  }
0xa1: {  	s10 =	simm.s32 $0x8700;
	s9 =	spop (v2sf);
	s7 =	sadd.s32 s5, s22  }
0xa2: {  	(v2sf) =	vpush v1, $0xB;
	[tilespmem:s10], [sflag:$0x1] =	stream.linear.gather [hbm4b:s7+s1], $0x20, $0x38;
	[tilespmem:$0x11310] =	vst v63  }
0xa3: {  	s12 =	simm.s32 $0xC700;
	s2 =	sadd.s32 s6, s20;
	s11 =	spop (v2sf)  }
0xa4: {  	(v2sf) =	vpush v0, $0xB;
	[tilespmem:s12], [sflag:$0x1] =	stream.linear.gather [hbm4b:s2+s1], $0x20, $0x38;
	[tilespmem:$0x11310] =	vst v63  }
0xa5: {  	s13 =	simm.s32 $0x720;
	s14 =	sadd.s32 s3, s11  }
0xa6: {  	[tilespmem:s13], [sflag:$0x1] =	stream.linear.gather [hbm4b:s14+s1], $0x20, $0x38;
	[tilespmem:$0x11310] =	vst v63  }
0xa7: {  	s15 =	simm.s32 $0x4720;
	s16 =	sadd.s32 s4, s9  }
0xa8: {  	[tilespmem:s15], [sflag:$0x1] =	stream.linear.gather [hbm4b:s16+s1], $0x20, $0x38;
	[tilespmem:$0x11310] =	vst v63  }
0xa9: {  	s18 =	simm.s32 $0x8720;
	s17 =	spop (v2sf);
	s7 =	sadd.s32 s5, s11  }
0xaa: {  	(v2sf) =	vpush v1, $0xC;
	[tilespmem:s18], [sflag:$0x1] =	stream.linear.gather [hbm4b:s7+s1], $0x20, $0x38;
	[tilespmem:$0x11310] =	vst v63  }
0xab: {  	s20 =	simm.s32 $0xC720;
	s0 =	sadd.s32 s6, s9;
	s19 =	spop (v2sf)  }
0xac: {  	(v2sf) =	vpush v0, $0xC;
	[tilespmem:s20], [sflag:$0x1] =	stream.linear.gather [hbm4b:s0+s1], $0x20, $0x38;
	[tilespmem:$0x11310] =	vst v63  }
0xad: {  	s21 =	simm.s32 $0x740;
	s22 =	sadd.s32 s3, s19  }
0xae: {  	[tilespmem:s21], [sflag:$0x1] =	stream.linear.gather [hbm4b:s22+s1], $0x20, $0x38;
	[tilespmem:$0x11310] =	vst v63  }
0xaf: {  	s23 =	simm.s32 $0x4740;
	s26 =	sadd.s32 s4, s17  }
0xb0: {  	[tilespmem:s23], [sflag:$0x1] =	stream.linear.gather [hbm4b:s26+s1], $0x20, $0x38;
	[tilespmem:$0x11310] =	vst v63  }
0xb1: {  	s29 =	simm.s32 $0x8740;
	s28 =	spop (v2sf);
	s7 =	sadd.s32 s5, s19  }
0xb2: {  	(v2sf) =	vpush v1, $0xD;
	[tilespmem:s29], [sflag:$0x1] =	stream.linear.gather [hbm4b:s7+s1], $0x20, $0x38;
	[tilespmem:$0x11310] =	vst v63  }
0xb3: {  	s9 =	simm.s32 $0xC740;
	s2 =	sadd.s32 s6, s17;
	s31 =	spop (v2sf)  }
0xb4: {  	(v2sf) =	vpush v0, $0xD;
	[tilespmem:s9], [sflag:$0x1] =	stream.linear.gather [hbm4b:s2+s1], $0x20, $0x38;
	[tilespmem:$0x11310] =	vst v63  }
0xb5: {  	s10 =	simm.s32 $0x760;
	s11 =	sadd.s32 s3, s31  }
0xb6: {  	[tilespmem:s10], [sflag:$0x1] =	stream.linear.gather [hbm4b:s11+s1], $0x20, $0x38;
	[tilespmem:$0x11310] =	vst v63  }
0xb7: {  	s12 =	simm.s32 $0x4760;
	s13 =	sadd.s32 s4, s28  }
0xb8: {  	[tilespmem:s12], [sflag:$0x1] =	stream.linear.gather [hbm4b:s13+s1], $0x20, $0x38;
	[tilespmem:$0x11310] =	vst v63  }
0xb9: {  	s15 =	simm.s32 $0x8760;
	s14 =	spop (v2sf);
	s7 =	sadd.s32 s5, s31  }
0xba: {  	(v2sf) =	vpush v1, $0xE;
	[tilespmem:s15], [sflag:$0x1] =	stream.linear.gather [hbm4b:s7+s1], $0x20, $0x38;
	[tilespmem:$0x11310] =	vst v63  }
0xbb: {  	s17 =	simm.s32 $0xC760;
	s0 =	sadd.s32 s6, s28;
	s16 =	spop (v2sf)  }
0xbc: {  	(v2sf) =	vpush v0, $0xE;
	[tilespmem:s17], [sflag:$0x1] =	stream.linear.gather [hbm4b:s0+s1], $0x20, $0x38;
	[tilespmem:$0x11310] =	vst v63  }
0xbd: {  	s18 =	simm.s32 $0x780;
	s19 =	sadd.s32 s3, s16  }
0xbe: {  	[tilespmem:s18], [sflag:$0x1] =	stream.linear.gather [hbm4b:s19+s1], $0x20, $0x38;
	[tilespmem:$0x11310] =	vst v63  }
0xbf: {  	s20 =	simm.s32 $0x4780;
	s21 =	sadd.s32 s4, s14  }
0xc0: {  	[tilespmem:s20], [sflag:$0x1] =	stream.linear.gather [hbm4b:s21+s1], $0x20, $0x38;
	[tilespmem:$0x11310] =	vst v63  }
0xc1: {  	s23 =	simm.s32 $0x8780;
	s22 =	spop (v2sf);
	s7 =	sadd.s32 s5, s16  }
0xc2: {  	(v2sf) =	vpush v1, $0xF;
	[tilespmem:s23], [sflag:$0x1] =	stream.linear.gather [hbm4b:s7+s1], $0x20, $0x38;
	[tilespmem:$0x11310] =	vst v63  }
0xc3: {  	s28 =	simm.s32 $0xC780;
	s2 =	sadd.s32 s6, s14;
	s26 =	spop (v2sf)  }
0xc4: {  	(v2sf) =	vpush v0, $0xF;
	[tilespmem:s28], [sflag:$0x1] =	stream.linear.gather [hbm4b:s2+s1], $0x20, $0x38;
	[tilespmem:$0x11310] =	vst v63  }
0xc5: {  	s29 =	simm.s32 $0x7A0;
	s31 =	sadd.s32 s3, s26  }
0xc6: {  	[tilespmem:s29], [sflag:$0x1] =	stream.linear.gather [hbm4b:s31+s1], $0x20, $0x38;
	[tilespmem:$0x11310] =	vst v63  }
0xc7: {  	s8 =	simm.s32 $0x47A0;
	s9 =	sadd.s32 s4, s22  }
0xc8: {  	[tilespmem:s8], [sflag:$0x1] =	stream.linear.gather [hbm4b:s9+s1], $0x20, $0x38;
	[tilespmem:$0x11310] =	vst v63  }
0xc9: {  	s11 =	simm.s32 $0x87A0;
	s10 =	spop (v2sf);
	s7 =	sadd.s32 s5, s26  }
0xca: {  	[tilespmem:s11], [sflag:$0x1] =	stream.linear.gather [hbm4b:s7+s1], $0x20, $0x38;
	[tilespmem:$0x11310] =	vst v63  }
0xcb: {  	s13 =	simm.s32 $0xC7A0;
	s0 =	sadd.s32 s6, s22;
	s12 =	spop (v2sf)  }
0xcc: {  	[tilespmem:s13], [sflag:$0x1] =	stream.linear.gather [hbm4b:s0+s1], $0x20, $0x38;
	[tilespmem:$0x11310] =	vst v63  }
0xcd: {  	s14 =	simm.s32 $0x7C0;
	s15 =	sadd.s32 s3, s12  }
0xce: {  	[tilespmem:s14], [sflag:$0x1] =	stream.linear.gather [hbm4b:s15+s1], $0x20, $0x38;
	[tilespmem:$0x11310] =	vst v63  }
0xcf: {  	s16 =	simm.s32 $0x47C0;
	s17 =	sadd.s32 s4, s10  }
0xd0: {  	[tilespmem:s16], [sflag:$0x1] =	stream.linear.gather [hbm4b:s17+s1], $0x20, $0x38;
	[tilespmem:$0x11310] =	vst v63  }
0xd1: {  	s19 =	simm.s32 $0x87C0;
	s18 =	spop (v2sf);
	s7 =	sadd.s32 s5, s12  }
0xd2: {  	[tilespmem:s19], [sflag:$0x1] =	stream.linear.gather [hbm4b:s7+s1], $0x20, $0x38;
	[tilespmem:$0x11310] =	vst v63  }
0xd3: {  	s21 =	simm.s32 $0xC7C0;
	s2 =	sadd.s32 s6, s10;
	s20 =	spop (v2sf)  }
0xd4: {  	[tilespmem:s21], [sflag:$0x1] =	stream.linear.gather [hbm4b:s2+s1], $0x20, $0x38;
	[tilespmem:$0x11310] =	vst v63  }
0xd5: {  	s22 =	simm.s32 $0x7E0;
	s23 =	sadd.s32 s3, s20  }
0xd6: {  	[tilespmem:s22], [sflag:$0x1] =	stream.linear.gather [hbm4b:s23+s1], $0x20, $0x38;
	[tilespmem:$0x11310] =	vst v63  }
0xd7: {  	s26 =	simm.s32 $0x47E0;
	s28 =	sadd.s32 s4, s18  }
0xd8: {  	[tilespmem:s26], [sflag:$0x1] =	stream.linear.gather [hbm4b:s28+s1], $0x20, $0x38;
	[tilespmem:$0x11310] =	vst v63  }
0xd9: {  	s29 =	simm.s32 $0x87E0;
	s7 =	sadd.s32 s5, s20  }
0xda: {  	[tilespmem:s29], [sflag:$0x1] =	stream.linear.gather [hbm4b:s7+s1], $0x20, $0x38;
	[tilespmem:$0x11310] =	vst v63  }
0xdb: {  	s31 =	simm.s32 $0xC7E0;
	s0 =	sadd.s32 s6, s18  }
0xdc: {  	[tilespmem:s31], [sflag:$0x1] =	stream.linear.gather [hbm4b:s0+s1], $0x20, $0x38;
	[tilespmem:$0x11310] =	vst v63  }
0xdd: {  	_ =	swait.ge [sflag:s25], $0x20  }
0xde: {  	[sflag:s25] =	ssyncset.done $0x0  }
0xdf: {  	[sflag:s25] =	ssyncadd.s32 $0xFFFFFFE0  }
0xe0: {  	_ =	swait.ge [sflag:s25], $0x20  }
0xe1: {  	[sflag:s25] =	ssyncset.done $0x0  }
0xe2: {  	[sflag:s25] =	ssyncadd.s32 $0xFFFFFFE0  }
0xe3: {  	_ =	swait.ge [sflag:s25], $0x20  }
0xe4: {  	[sflag:s25] =	ssyncset.done $0x0  }
0xe5: {  	[sflag:s25] =	ssyncadd.s32 $0xFFFFFFE0  }
0xe6: {  	_ =	swait.ge [sflag:s25], $0x20  }
0xe7: {  	[sflag:s25] =	ssyncset.done $0x0  }
0xe8: {  	[sflag:s25] =	ssyncadd.s32 $0xFFFFFFE0  }
0xe9: {  	_ =	swait.ge [sflag:s25], $0x20  }
0xea: {  	[sflag:s25] =	ssyncset.done $0x0  }
0xeb: {  	[sflag:s25] =	ssyncadd.s32 $0xFFFFFFE0  }
0xec: {  	_ =	swait.ge [sflag:s25], $0x20  }
0xed: {  	[sflag:s25] =	ssyncset.done $0x0  }
0xee: {  	[sflag:s25] =	ssyncadd.s32 $0xFFFFFFE0  }
0xef: {  	_ =	swait.ge [sflag:s25], $0x20  }
0xf0: {  	[sflag:s25] =	ssyncset.done $0x0  }
0xf1: {  	[sflag:s25] =	ssyncadd.s32 $0xFFFFFFE0  }
0xf2: {  	_ =	swait.ge [sflag:s25], $0x20  }
0xf3: {  	[sflag:s25] =	ssyncset.done $0x0  }
0xf4: {  	[sflag:s25] =	ssyncadd.s32 $0xFFFFFFE0  }
0xf5: {  	_ =	swait.ge [sflag:s25], $0x20  }
0xf6: {  	[sflag:s25] =	ssyncset.done $0x0  }
0xf7: {  	[sflag:s25] =	ssyncadd.s32 $0xFFFFFFE0  }
0xf8: {  	_ =	swait.ge [sflag:s25], $0x20  }
0xf9: {  	[sflag:s25] =	ssyncset.done $0x0  }
0xfa: {  	[sflag:s25] =	ssyncadd.s32 $0xFFFFFFE0  }
0xfb: {  	_ =	swait.ge [sflag:s25], $0x20  }
0xfc: {  	[sflag:s25] =	ssyncset.done $0x0  }
0xfd: {  	[sflag:s25] =	ssyncadd.s32 $0xFFFFFFE0  }
0xfe: {  	_ =	swait.ge [sflag:s25], $0x20  }
0xff: {  	[sflag:s25] =	ssyncset.done $0x0  }
0x100: {  	[sflag:s25] =	ssyncadd.s32 $0xFFFFFFE0  }
0x101: {  	_ =	swait.ge [sflag:s25], $0x20  }
0x102: {  	[sflag:s25] =	ssyncset.done $0x0  }
0x103: {  	[sflag:s25] =	ssyncadd.s32 $0xFFFFFFE0  }
0x104: {  	_ =	swait.ge [sflag:s25], $0x20  }
0x105: {  	[sflag:s25] =	ssyncset.done $0x0  }
0x106: {  	[sflag:s25] =	ssyncadd.s32 $0xFFFFFFE0  }
0x107: {  	_ =	swait.ge [sflag:s25], $0x20  }
0x108: {  	[sflag:s25] =	ssyncset.done $0x0  }
0x109: {  	[sflag:s25] =	ssyncadd.s32 $0xFFFFFFE0  }
0x10a: {  	_ =	swait.ge [sflag:s25], $0x20  }
0x10b: {  	[sflag:s25] =	ssyncset.done $0x0  }
0x10c: {  	[sflag:s25] =	ssyncadd.s32 $0xFFFFFFE0  }
0x10d: {  	_ =	swait.ge [sflag:s25], $0x20  }
0x10e: {  	[sflag:s25] =	ssyncset.done $0x0  }
0x10f: {  	[sflag:s25] =	ssyncadd.s32 $0xFFFFFFE0  }
0x110: {  	_ =	swait.ge [sflag:s25], $0x20  }
0x111: {  	[sflag:s25] =	ssyncset.done $0x0  }
0x112: {  	[sflag:s25] =	ssyncadd.s32 $0xFFFFFFE0  }
0x113: {  	_ =	swait.ge [sflag:s25], $0x20  }
0x114: {  	[sflag:s25] =	ssyncset.done $0x0  }
0x115: {  	[sflag:s25] =	ssyncadd.s32 $0xFFFFFFE0  }
0x116: {  	_ =	swait.ge [sflag:s25], $0x20  }
0x117: {  	[sflag:s25] =	ssyncset.done $0x0  }
0x118: {  	[sflag:s25] =	ssyncadd.s32 $0xFFFFFFE0  }
0x119: {  	_ =	swait.ge [sflag:s25], $0x20  }
0x11a: {  	[sflag:s25] =	ssyncset.done $0x0  }
0x11b: {  	[sflag:s25] =	ssyncadd.s32 $0xFFFFFFE0  }
0x11c: {  	_ =	swait.ge [sflag:s25], $0x20  }
0x11d: {  	[sflag:s25] =	ssyncset.done $0x0  }
0x11e: {  	[sflag:s25] =	ssyncadd.s32 $0xFFFFFFE0  }
0x11f: {  	_ =	swait.ge [sflag:s25], $0x20  }
0x120: {  	[sflag:s25] =	ssyncset.done $0x0  }
0x121: {  	[sflag:s25] =	ssyncadd.s32 $0xFFFFFFE0  }
0x122: {  	_ =	swait.ge [sflag:s25], $0x20  }
0x123: {  	[sflag:s25] =	ssyncset.done $0x0  }
0x124: {  	[sflag:s25] =	ssyncadd.s32 $0xFFFFFFE0  }
0x125: {  	_ =	swait.ge [sflag:s25], $0x20  }
0x126: {  	[sflag:s25] =	ssyncset.done $0x0  }
0x127: {  	[sflag:s25] =	ssyncadd.s32 $0xFFFFFFE0  }
0x128: {  	_ =	swait.ge [sflag:s25], $0x20  }
0x129: {  	[sflag:s25] =	ssyncset.done $0x0  }
0x12a: {  	[sflag:s25] =	ssyncadd.s32 $0xFFFFFFE0  }
0x12b: {  	_ =	swait.ge [sflag:s25], $0x20  }
0x12c: {  	[sflag:s25] =	ssyncset.done $0x0  }
0x12d: {  	[sflag:s25] =	ssyncadd.s32 $0xFFFFFFE0  }
0x12e: {  	_ =	swait.ge [sflag:s25], $0x20  }
0x12f: {  	[sflag:s25] =	ssyncset.done $0x0  }
0x130: {  	[sflag:s25] =	ssyncadd.s32 $0xFFFFFFE0  }
0x131: {  	_ =	swait.ge [sflag:s25], $0x20  }
0x132: {  	[sflag:s25] =	ssyncset.done $0x0  }
0x133: {  	[sflag:s25] =	ssyncadd.s32 $0xFFFFFFE0  }
0x134: {  	_ =	swait.ge [sflag:s25], $0x20  }
0x135: {  	[sflag:s25] =	ssyncset.done $0x0  }
0x136: {  	[sflag:s25] =	ssyncadd.s32 $0xFFFFFFE0  }
0x137: {  	_ =	swait.ge [sflag:s25], $0x20  }
0x138: {  	[sflag:s25] =	ssyncset.done $0x0  }
0x139: {  	[sflag:s25] =	ssyncadd.s32 $0xFFFFFFE0  }
0x13a: {  	_ =	swait.ge [sflag:s25], $0x20  }
0x13b: {  	[sflag:s25] =	ssyncset.done $0x0  }
0x13c: {  	[sflag:s25] =	ssyncadd.s32 $0xFFFFFFE0  }
0x13d: {  	_ =	swait.ge [sflag:s25], $0x20  }
0x13e: {  	[sflag:s25] =	ssyncset.done $0x0  }
0x13f: {  	[sflag:s25] =	ssyncadd.s32 $0xFFFFFFE0  }
0x140: {  	_ =	swait.ge [sflag:s25], $0x20  }
0x141: {  	[sflag:s25] =	ssyncset.done $0x0  }
0x142: {  	[sflag:s25] =	ssyncadd.s32 $0xFFFFFFE0  }
0x143: {  	_ =	swait.ge [sflag:s25], $0x20  }
0x144: {  	[sflag:s25] =	ssyncset.done $0x0  }
0x145: {  	[sflag:s25] =	ssyncadd.s32 $0xFFFFFFE0  }
0x146: {  	_ =	swait.ge [sflag:s25], $0x20  }
0x147: {  	[sflag:s25] =	ssyncset.done $0x0  }
0x148: {  	[sflag:s25] =	ssyncadd.s32 $0xFFFFFFE0  }
0x149: {  	_ =	swait.ge [sflag:s25], $0x20  }
0x14a: {  	[sflag:s25] =	ssyncset.done $0x0  }
0x14b: {  	[sflag:s25] =	ssyncadd.s32 $0xFFFFFFE0  }
0x14c: {  	_ =	swait.ge [sflag:s25], $0x20  }
0x14d: {  	[sflag:s25] =	ssyncset.done $0x0  }
0x14e: {  	[sflag:s25] =	ssyncadd.s32 $0xFFFFFFE0  }
0x14f: {  	_ =	swait.ge [sflag:s25], $0x20  }
0x150: {  	[sflag:s25] =	ssyncset.done $0x0  }
0x151: {  	[sflag:s25] =	ssyncadd.s32 $0xFFFFFFE0  }
0x152: {  	_ =	swait.ge [sflag:s25], $0x20  }
0x153: {  	[sflag:s25] =	ssyncset.done $0x0  }
0x154: {  	[sflag:s25] =	ssyncadd.s32 $0xFFFFFFE0  }
0x155: {  	_ =	swait.ge [sflag:s25], $0x20  }
0x156: {  	[sflag:s25] =	ssyncset.done $0x0  }
0x157: {  	[sflag:s25] =	ssyncadd.s32 $0xFFFFFFE0  }
0x158: {  	_ =	swait.ge [sflag:s25], $0x20  }
0x159: {  	[sflag:s25] =	ssyncset.done $0x0  }
0x15a: {  	[sflag:s25] =	ssyncadd.s32 $0xFFFFFFE0  }
0x15b: {  	_ =	swait.ge [sflag:s25], $0x20  }
0x15c: {  	[sflag:s25] =	ssyncset.done $0x0  }
0x15d: {  	[sflag:s25] =	ssyncadd.s32 $0xFFFFFFE0  }
0x15e: {  	_ =	swait.ge [sflag:s25], $0x20  }
0x15f: {  	[sflag:s25] =	ssyncset.done $0x0  }
0x160: {  	[sflag:s25] =	ssyncadd.s32 $0xFFFFFFE0  }
0x161: {  	_ =	swait.ge [sflag:s25], $0x20  }
0x162: {  	[sflag:s25] =	ssyncset.done $0x0  }
0x163: {  	[sflag:s25] =	ssyncadd.s32 $0xFFFFFFE0  }
0x164: {  	_ =	swait.ge [sflag:s25], $0x20  }
0x165: {  	[sflag:s25] =	ssyncset.done $0x0  }
0x166: {  	[sflag:s25] =	ssyncadd.s32 $0xFFFFFFE0  }
0x167: {  	_ =	swait.ge [sflag:s25], $0x20  }
0x168: {  	[sflag:s25] =	ssyncset.done $0x0  }
0x169: {  	[sflag:s25] =	ssyncadd.s32 $0xFFFFFFE0  }
0x16a: {  	_ =	swait.ge [sflag:s25], $0x20  }
0x16b: {  	[sflag:s25] =	ssyncset.done $0x0  }
0x16c: {  	[sflag:s25] =	ssyncadd.s32 $0xFFFFFFE0  }
0x16d: {  	_ =	swait.ge [sflag:s25], $0x20  }
0x16e: {  	[sflag:s25] =	ssyncset.done $0x0  }
0x16f: {  	[sflag:s25] =	ssyncadd.s32 $0xFFFFFFE0  }
0x170: {  	_ =	swait.ge [sflag:s25], $0x20  }
0x171: {  	[sflag:s25] =	ssyncset.done $0x0  }
0x172: {  	[sflag:s25] =	ssyncadd.s32 $0xFFFFFFE0  }
0x173: {  	_ =	swait.ge [sflag:s25], $0x20  }
0x174: {  	[sflag:s25] =	ssyncset.done $0x0  }
0x175: {  	[sflag:s25] =	ssyncadd.s32 $0xFFFFFFE0  }
0x176: {  	_ =	swait.ge [sflag:s25], $0x20  }
0x177: {  	[sflag:s25] =	ssyncset.done $0x0  }
0x178: {  	[sflag:s25] =	ssyncadd.s32 $0xFFFFFFE0  }
0x179: {  	_ =	swait.ge [sflag:s25], $0x20  }
0x17a: {  	[sflag:s25] =	ssyncset.done $0x0  }
0x17b: {  	[sflag:s25] =	ssyncadd.s32 $0xFFFFFFE0  }
0x17c: {  	_ =	swait.ge [sflag:s25], $0x20  }
0x17d: {  	[sflag:s25] =	ssyncset.done $0x0  }
0x17e: {  	[sflag:s25] =	ssyncadd.s32 $0xFFFFFFE0  }
0x17f: {  	_ =	swait.ge [sflag:s25], $0x20  }
0x180: {  	[sflag:s25] =	ssyncset.done $0x0  }
0x181: {  	[sflag:s25] =	ssyncadd.s32 $0xFFFFFFE0  }
0x182: {  	_ =	swait.ge [sflag:s25], $0x20  }
0x183: {  	[sflag:s25] =	ssyncset.done $0x0  }
0x184: {  	[sflag:s25] =	ssyncadd.s32 $0xFFFFFFE0  }
0x185: {  	_ =	swait.ge [sflag:s25], $0x20  }
0x186: {  	[sflag:s25] =	ssyncset.done $0x0  }
0x187: {  	[sflag:s25] =	ssyncadd.s32 $0xFFFFFFE0  }
0x188: {  	_ =	swait.ge [sflag:s25], $0x20  }
0x189: {  	[sflag:s25] =	ssyncset.done $0x0  }
0x18a: {  	[sflag:s25] =	ssyncadd.s32 $0xFFFFFFE0  }
0x18b: {  	_ =	swait.ge [sflag:s25], $0x20  }
0x18c: {  	[sflag:s25] =	ssyncset.done $0x0  }
0x18d: {  	[sflag:s25] =	ssyncadd.s32 $0xFFFFFFE0  }
0x18e: {  	_ =	swait.ge [sflag:s25], $0x20  }
0x18f: {  	[sflag:s25] =	ssyncset.done $0x0  }
0x190: {  	[sflag:s25] =	ssyncadd.s32 $0xFFFFFFE0  }
0x191: {  	_ =	swait.ge [sflag:s25], $0x20  }
0x192: {  	[sflag:s25] =	ssyncset.done $0x0  }
0x193: {  	[sflag:s25] =	ssyncadd.s32 $0xFFFFFFE0  }
0x194: {  	_ =	swait.ge [sflag:s25], $0x20  }
0x195: {  	[sflag:s25] =	ssyncset.done $0x0  }
0x196: {  	[sflag:s25] =	ssyncadd.s32 $0xFFFFFFE0  }
0x197: {  	_ =	swait.ge [sflag:s25], $0x20  }
0x198: {  	[sflag:s25] =	ssyncset.done $0x0  }
0x199: {  	[sflag:s25] =	ssyncadd.s32 $0xFFFFFFE0  }
0x19a: {  	s8 =	simm.s32 $0x0;
	s7 =	simm.s32 $0x800;
	_ =	swait.ge [sflag:s25], $0x20  }
.LBB2_2:
0x19b: {  	[sflag:s25] =	ssyncset.done $0x0  }
0x19c: {  	s8 =	sadd.s32 $0x10, s8;
	s24 =	sadd.s32 $0x10, s24;
	s0 =	smov.u32 s7  }
0x19d: {  	p0 =	sne.s32 s7, $0xF800;
	s7 =	sadd.s32 $0x800, s7;
	[sflag:s25] =	ssyncadd.s32 $0xFFFFFFE0  }
0x19e: {  	v0 =	vld [tilespmem:s8+$0x0];
	_ =	sdelay $0x1  }
0x19f: {  	v1 =	vld [tilespmem:s24+$0x0];
	_ =	sdelay $0x2  }
0x1a0: {  	v2 =	vshll.u32 v0, $0x5;
	v3 =	vshll.u32 v0, $0x7;
	v0 =	vshrl.u32 v0, $0x6  }
0x1a1: {  	v2 =	vand.u32 $0xFFFC0000, v2;
	v3 =	vand.u32 $0x3FF80, v3  }
0x1a2: {  	v0 =	vand.u32 $0x60, v0;
	v2 =	vor.u32 v3, v2;
	v3 =	vshrl.u32 v1, $0x6  }
0x1a3: {  	v0 =	vor.u32 v0, v2;
	v2 =	vshll.u32 v1, $0x5;
	v1 =	vshll.u32 v1, $0x7  }
0x1a4: {  	v2 =	vand.u32 $0xFFFC0000, v2;
	v1 =	vand.u32 $0x3FF80, v1;
	v0 =	vshrl.u32 v0, $0x3  }
0x1a5: {  	v1 =	vor.u32 v1, v2;
	v2 =	vand.u32 $0x60, v3;
	(v2sf) =	vpush v0, $0x0  }
0x1a6: {  	v1 =	vor.u32 v2, v1;
	(v2sf) =	vpush v0, $0x1  }
0x1a7: {  	v1 =	vshrl.u32 v1, $0x3  }
0x1a8: {  	(v2sf) =	vpush v1, $0x0  }
0x1a9: {  	(v2sf) =	vpush v1, $0x1;
	_ =	sdelay $0x1  }
0x1aa: {  	(v2sf) =	vpush v1, $0x2;
	_ =	sdelay $0x1  }
0x1ab: {  	(v2sf) =	vpush v0, $0x2;
	_ =	sdelay $0x1  }
0x1ac: {  	(v2sf) =	vpush v1, $0x3;
	_ =	sdelay $0x1  }
0x1ad: {  	(v2sf) =	vpush v0, $0x3;
	_ =	sdelay $0x1  }
0x1ae: {  	(v2sf) =	vpush v1, $0x4  }
0x1af: {  	s9 =	sshra.s32 s0, $0x2;
	s0 =	spop (v2sf)  }
0x1b0: {  	s2 =	sadd.s32 $0x600, s9;
	s10 =	sadd.s32 s3, s0;
	s11 =	spop (v2sf);
	(v2sf) =	vpush v0, $0x4  }
0x1b1: {  	[tilespmem:s2], [sflag:$0x1] =	stream.linear.gather [hbm4b:s10+s1], $0x20, $0x38;
	[tilespmem:$0x11310] =	vst v63  }
0x1b2: {  	s2 =	spop (v2sf);
	(v2sf) =	vpush v1, $0x5  }
0x1b3: {  	s10 =	sadd.s32 $0x4600, s9;
	s12 =	sadd.s32 s4, s2;
	s13 =	spop (v2sf)  }
0x1b4: {  	[tilespmem:s10], [sflag:$0x1] =	stream.linear.gather [hbm4b:s12+s1], $0x20, $0x38;
	(v2sf) =	vpush v0, $0x5;
	[tilespmem:$0x11310] =	vst v63  }
0x1b5: {  	s0 =	sadd.s32 s5, s0;
	s10 =	sadd.s32 $0x8600, s9;
	s12 =	spop (v2sf)  }
0x1b6: {  	[tilespmem:s10], [sflag:$0x1] =	stream.linear.gather [hbm4b:s0+s1], $0x20, $0x38;
	(v2sf) =	vpush v1, $0x6;
	[tilespmem:$0x11310] =	vst v63  }
0x1b7: {  	s2 =	sadd.s32 s6, s2;
	s0 =	sadd.s32 $0xC600, s9;
	s10 =	spop (v2sf)  }
0x1b8: {  	[tilespmem:s0], [sflag:$0x1] =	stream.linear.gather [hbm4b:s2+s1], $0x20, $0x38;
	(v2sf) =	vpush v0, $0x6;
	[tilespmem:$0x11310] =	vst v63  }
0x1b9: {  	s14 =	sadd.s32 s3, s11;
	s2 =	sadd.s32 $0x620, s9;
	s0 =	spop (v2sf)  }
0x1ba: {  	[tilespmem:s2], [sflag:$0x1] =	stream.linear.gather [hbm4b:s14+s1], $0x20, $0x38;
	(v2sf) =	vpush v1, $0x7;
	[tilespmem:$0x11310] =	vst v63  }
0x1bb: {  	s2 =	sadd.s32 $0x4620, s9;
	s14 =	sadd.s32 s4, s13;
	s15 =	spop (v2sf)  }
0x1bc: {  	[tilespmem:s2], [sflag:$0x1] =	stream.linear.gather [hbm4b:s14+s1], $0x20, $0x38;
	(v2sf) =	vpush v0, $0x7;
	[tilespmem:$0x11310] =	vst v63  }
0x1bd: {  	s11 =	sadd.s32 s5, s11;
	s14 =	sadd.s32 $0x8620, s9;
	s2 =	spop (v2sf)  }
0x1be: {  	[tilespmem:s14], [sflag:$0x1] =	stream.linear.gather [hbm4b:s11+s1], $0x20, $0x38;
	(v2sf) =	vpush v1, $0x8;
	[tilespmem:$0x11310] =	vst v63  }
0x1bf: {  	s13 =	sadd.s32 s6, s13;
	s11 =	sadd.s32 $0xC620, s9;
	s14 =	spop (v2sf)  }
0x1c0: {  	[tilespmem:s11], [sflag:$0x1] =	stream.linear.gather [hbm4b:s13+s1], $0x20, $0x38;
	(v2sf) =	vpush v0, $0x8;
	[tilespmem:$0x11310] =	vst v63  }
0x1c1: {  	s16 =	sadd.s32 s3, s10;
	s13 =	sadd.s32 $0x640, s9;
	s11 =	spop (v2sf)  }
0x1c2: {  	[tilespmem:s13], [sflag:$0x1] =	stream.linear.gather [hbm4b:s16+s1], $0x20, $0x38;
	(v2sf) =	vpush v1, $0x9;
	[tilespmem:$0x11310] =	vst v63  }
0x1c3: {  	s17 =	sadd.s32 s4, s12;
	s16 =	sadd.s32 $0x4640, s9;
	s13 =	spop (v2sf)  }
0x1c4: {  	[tilespmem:s16], [sflag:$0x1] =	stream.linear.gather [hbm4b:s17+s1], $0x20, $0x38;
	(v2sf) =	vpush v0, $0x9;
	[tilespmem:$0x11310] =	vst v63  }
0x1c5: {  	s16 =	sadd.s32 $0x8640, s9;
	s17 =	sadd.s32 s5, s10;
	s10 =	spop (v2sf)  }
0x1c6: {  	[tilespmem:s16], [sflag:$0x1] =	stream.linear.gather [hbm4b:s17+s1], $0x20, $0x38;
	(v2sf) =	vpush v1, $0xA;
	[tilespmem:$0x11310] =	vst v63  }
0x1c7: {  	s16 =	sadd.s32 $0xC640, s9;
	s17 =	sadd.s32 s6, s12;
	s12 =	spop (v2sf)  }
0x1c8: {  	[tilespmem:s16], [sflag:$0x1] =	stream.linear.gather [hbm4b:s17+s1], $0x20, $0x38;
	(v2sf) =	vpush v0, $0xA;
	[tilespmem:$0x11310] =	vst v63  }
0x1c9: {  	s16 =	sadd.s32 $0x660, s9;
	s17 =	sadd.s32 s3, s15;
	s23 =	spop (v2sf)  }
0x1ca: {  	[tilespmem:s16], [sflag:$0x1] =	stream.linear.gather [hbm4b:s17+s1], $0x20, $0x38;
	(v2sf) =	vpush v1, $0xB;
	[tilespmem:$0x11310] =	vst v63  }
0x1cb: {  	s16 =	sadd.s32 $0x4660, s9;
	s17 =	sadd.s32 s4, s0;
	s26 =	spop (v2sf)  }
0x1cc: {  	[tilespmem:s16], [sflag:$0x1] =	stream.linear.gather [hbm4b:s17+s1], $0x20, $0x38;
	(v2sf) =	vpush v0, $0xB;
	[tilespmem:$0x11310] =	vst v63  }
0x1cd: {  	s15 =	sadd.s32 s5, s15;
	s16 =	sadd.s32 $0x8660, s9;
	s22 =	spop (v2sf)  }
0x1ce: {  	[tilespmem:s16], [sflag:$0x1] =	stream.linear.gather [hbm4b:s15+s1], $0x20, $0x38;
	(v2sf) =	vpush v1, $0xC;
	[tilespmem:$0x11310] =	vst v63  }
0x1cf: {  	s15 =	sadd.s32 $0xC660, s9;
	s16 =	sadd.s32 s6, s0;
	s0 =	spop (v2sf)  }
0x1d0: {  	[tilespmem:s15], [sflag:$0x1] =	stream.linear.gather [hbm4b:s16+s1], $0x20, $0x38;
	(v2sf) =	vpush v0, $0xC;
	[tilespmem:$0x11310] =	vst v63  }
0x1d1: {  	s15 =	sadd.s32 $0x680, s9;
	s16 =	sadd.s32 s3, s14;
	s20 =	spop (v2sf)  }
0x1d2: {  	[tilespmem:s15], [sflag:$0x1] =	stream.linear.gather [hbm4b:s16+s1], $0x20, $0x38;
	(v2sf) =	vpush v1, $0xD;
	[tilespmem:$0x11310] =	vst v63  }
0x1d3: {  	s15 =	sadd.s32 $0x4680, s9;
	s16 =	sadd.s32 s4, s2;
	s31 =	spop (v2sf)  }
0x1d4: {  	[tilespmem:s15], [sflag:$0x1] =	stream.linear.gather [hbm4b:s16+s1], $0x20, $0x38;
	(v2sf) =	vpush v0, $0xD;
	[tilespmem:$0x11310] =	vst v63  }
0x1d5: {  	s14 =	sadd.s32 s5, s14;
	s15 =	sadd.s32 $0x8680, s9;
	s19 =	spop (v2sf)  }
0x1d6: {  	[tilespmem:s15], [sflag:$0x1] =	stream.linear.gather [hbm4b:s14+s1], $0x20, $0x38;
	(v2sf) =	vpush v1, $0xE;
	[tilespmem:$0x11310] =	vst v63  }
0x1d7: {  	s14 =	sadd.s32 $0xC680, s9;
	s15 =	sadd.s32 s6, s2;
	s2 =	spop (v2sf)  }
0x1d8: {  	[tilespmem:s14], [sflag:$0x1] =	stream.linear.gather [hbm4b:s15+s1], $0x20, $0x38;
	(v2sf) =	vpush v0, $0xE;
	[tilespmem:$0x11310] =	vst v63  }
0x1d9: {  	s14 =	sadd.s32 $0x6A0, s9;
	s15 =	sadd.s32 s3, s13;
	s17 =	spop (v2sf)  }
0x1da: {  	[tilespmem:s14], [sflag:$0x1] =	stream.linear.gather [hbm4b:s15+s1], $0x20, $0x38;
	(v2sf) =	vpush v1, $0xF;
	[tilespmem:$0x11310] =	vst v63  }
0x1db: {  	s14 =	sadd.s32 $0x46A0, s9;
	s15 =	sadd.s32 s4, s11;
	s21 =	spop (v2sf)  }
0x1dc: {  	[tilespmem:s14], [sflag:$0x1] =	stream.linear.gather [hbm4b:s15+s1], $0x20, $0x38;
	(v2sf) =	vpush v0, $0xF;
	[tilespmem:$0x11310] =	vst v63  }
0x1dd: {  	s13 =	sadd.s32 s5, s13;
	s14 =	sadd.s32 $0x86A0, s9;
	s15 =	spop (v2sf)  }
0x1de: {  	[tilespmem:s14], [sflag:$0x1] =	stream.linear.gather [hbm4b:s13+s1], $0x20, $0x38;
	[tilespmem:$0x11310] =	vst v63  }
0x1df: {  	s11 =	sadd.s32 s6, s11;
	s13 =	sadd.s32 $0xC6A0, s9;
	s18 =	spop (v2sf)  }
0x1e0: {  	[tilespmem:s13], [sflag:$0x1] =	stream.linear.gather [hbm4b:s11+s1], $0x20, $0x38;
	[tilespmem:$0x11310] =	vst v63  }
0x1e1: {  	s14 =	sadd.s32 s3, s12;
	s11 =	sadd.s32 $0x6C0, s9;
	s13 =	spop (v2sf)  }
0x1e2: {  	[tilespmem:s11], [sflag:$0x1] =	stream.linear.gather [hbm4b:s14+s1], $0x20, $0x38;
	[tilespmem:$0x11310] =	vst v63  }
0x1e3: {  	s11 =	sadd.s32 $0x46C0, s9;
	s14 =	sadd.s32 s4, s10;
	s16 =	spop (v2sf)  }
0x1e4: {  	[tilespmem:s11], [sflag:$0x1] =	stream.linear.gather [hbm4b:s14+s1], $0x20, $0x38;
	[tilespmem:$0x11310] =	vst v63  }
0x1e5: {  	s12 =	sadd.s32 s5, s12;
	s14 =	sadd.s32 $0x86C0, s9;
	s11 =	spop (v2sf)  }
0x1e6: {  	[tilespmem:s14], [sflag:$0x1] =	stream.linear.gather [hbm4b:s12+s1], $0x20, $0x38;
	[tilespmem:$0x11310] =	vst v63  }
0x1e7: {  	s10 =	sadd.s32 s6, s10;
	s12 =	sadd.s32 $0xC6C0, s9;
	s14 =	spop (v2sf)  }
0x1e8: {  	[tilespmem:s12], [sflag:$0x1] =	stream.linear.gather [hbm4b:s10+s1], $0x20, $0x38;
	[tilespmem:$0x11310] =	vst v63  }
0x1e9: {  	s28 =	sadd.s32 s3, s26;
	s12 =	sadd.s32 $0x6E0, s9;
	s10 =	spop (v2sf)  }
0x1ea: {  	[tilespmem:s12], [sflag:$0x1] =	stream.linear.gather [hbm4b:s28+s1], $0x20, $0x38;
	[tilespmem:$0x11310] =	vst v63  }
0x1eb: {  	s29 =	sadd.s32 s4, s23;
	s28 =	sadd.s32 $0x46E0, s9;
	s12 =	spop (v2sf)  }
0x1ec: {  	[tilespmem:s28], [sflag:$0x1] =	stream.linear.gather [hbm4b:s29+s1], $0x20, $0x38;
	[tilespmem:$0x11310] =	vst v63  }
0x1ed: {  	s26 =	sadd.s32 s5, s26;
	s28 =	sadd.s32 $0x86E0, s9  }
0x1ee: {  	[tilespmem:s28], [sflag:$0x1] =	stream.linear.gather [hbm4b:s26+s1], $0x20, $0x38;
	[tilespmem:$0x11310] =	vst v63  }
0x1ef: {  	s23 =	sadd.s32 s6, s23;
	s26 =	sadd.s32 $0xC6E0, s9  }
0x1f0: {  	[tilespmem:s26], [sflag:$0x1] =	stream.linear.gather [hbm4b:s23+s1], $0x20, $0x38;
	[tilespmem:$0x11310] =	vst v63  }
0x1f1: {  	s23 =	sadd.s32 $0x700, s9;
	s26 =	sadd.s32 s3, s0  }
0x1f2: {  	[tilespmem:s23], [sflag:$0x1] =	stream.linear.gather [hbm4b:s26+s1], $0x20, $0x38;
	[tilespmem:$0x11310] =	vst v63  }
0x1f3: {  	s23 =	sadd.s32 $0x4700, s9;
	s26 =	sadd.s32 s4, s22  }
0x1f4: {  	[tilespmem:s23], [sflag:$0x1] =	stream.linear.gather [hbm4b:s26+s1], $0x20, $0x38;
	[tilespmem:$0x11310] =	vst v63  }
0x1f5: {  	s0 =	sadd.s32 s5, s0;
	s23 =	sadd.s32 $0x8700, s9  }
0x1f6: {  	[tilespmem:s23], [sflag:$0x1] =	stream.linear.gather [hbm4b:s0+s1], $0x20, $0x38;
	[tilespmem:$0x11310] =	vst v63  }
0x1f7: {  	s22 =	sadd.s32 s6, s22;
	s0 =	sadd.s32 $0xC700, s9  }
0x1f8: {  	[tilespmem:s0], [sflag:$0x1] =	stream.linear.gather [hbm4b:s22+s1], $0x20, $0x38;
	[tilespmem:$0x11310] =	vst v63  }
0x1f9: {  	s0 =	sadd.s32 $0x720, s9;
	s22 =	sadd.s32 s3, s31  }
0x1fa: {  	[tilespmem:s0], [sflag:$0x1] =	stream.linear.gather [hbm4b:s22+s1], $0x20, $0x38;
	[tilespmem:$0x11310] =	vst v63  }
0x1fb: {  	s0 =	sadd.s32 $0x4720, s9;
	s22 =	sadd.s32 s4, s20  }
0x1fc: {  	[tilespmem:s0], [sflag:$0x1] =	stream.linear.gather [hbm4b:s22+s1], $0x20, $0x38;
	[tilespmem:$0x11310] =	vst v63  }
0x1fd: {  	s0 =	sadd.s32 $0x8720, s9;
	s22 =	sadd.s32 s5, s31  }
0x1fe: {  	[tilespmem:s0], [sflag:$0x1] =	stream.linear.gather [hbm4b:s22+s1], $0x20, $0x38;
	[tilespmem:$0x11310] =	vst v63  }
0x1ff: {  	s20 =	sadd.s32 s6, s20;
	s0 =	sadd.s32 $0xC720, s9  }
0x200: {  	[tilespmem:s0], [sflag:$0x1] =	stream.linear.gather [hbm4b:s20+s1], $0x20, $0x38;
	[tilespmem:$0x11310] =	vst v63  }
0x201: {  	s0 =	sadd.s32 $0x740, s9;
	s20 =	sadd.s32 s3, s2  }
0x202: {  	[tilespmem:s0], [sflag:$0x1] =	stream.linear.gather [hbm4b:s20+s1], $0x20, $0x38;
	[tilespmem:$0x11310] =	vst v63  }
0x203: {  	s0 =	sadd.s32 $0x4740, s9;
	s20 =	sadd.s32 s4, s19  }
0x204: {  	[tilespmem:s0], [sflag:$0x1] =	stream.linear.gather [hbm4b:s20+s1], $0x20, $0x38;
	[tilespmem:$0x11310] =	vst v63  }
0x205: {  	s2 =	sadd.s32 s5, s2;
	s0 =	sadd.s32 $0x8740, s9  }
0x206: {  	[tilespmem:s0], [sflag:$0x1] =	stream.linear.gather [hbm4b:s2+s1], $0x20, $0x38;
	[tilespmem:$0x11310] =	vst v63  }
0x207: {  	s0 =	sadd.s32 $0xC740, s9;
	s2 =	sadd.s32 s6, s19  }
0x208: {  	[tilespmem:s0], [sflag:$0x1] =	stream.linear.gather [hbm4b:s2+s1], $0x20, $0x38;
	[tilespmem:$0x11310] =	vst v63  }
0x209: {  	s0 =	sadd.s32 $0x760, s9;
	s2 =	sadd.s32 s3, s21  }
0x20a: {  	[tilespmem:s0], [sflag:$0x1] =	stream.linear.gather [hbm4b:s2+s1], $0x20, $0x38;
	[tilespmem:$0x11310] =	vst v63  }
0x20b: {  	s0 =	sadd.s32 $0x4760, s9;
	s2 =	sadd.s32 s4, s17  }
0x20c: {  	[tilespmem:s0], [sflag:$0x1] =	stream.linear.gather [hbm4b:s2+s1], $0x20, $0x38;
	[tilespmem:$0x11310] =	vst v63  }
0x20d: {  	s0 =	sadd.s32 $0x8760, s9;
	s2 =	sadd.s32 s5, s21  }
0x20e: {  	[tilespmem:s0], [sflag:$0x1] =	stream.linear.gather [hbm4b:s2+s1], $0x20, $0x38;
	[tilespmem:$0x11310] =	vst v63  }
0x20f: {  	s0 =	sadd.s32 $0xC760, s9;
	s2 =	sadd.s32 s6, s17  }
0x210: {  	[tilespmem:s0], [sflag:$0x1] =	stream.linear.gather [hbm4b:s2+s1], $0x20, $0x38;
	[tilespmem:$0x11310] =	vst v63  }
0x211: {  	s0 =	sadd.s32 $0x780, s9;
	s2 =	sadd.s32 s3, s18  }
0x212: {  	[tilespmem:s0], [sflag:$0x1] =	stream.linear.gather [hbm4b:s2+s1], $0x20, $0x38;
	[tilespmem:$0x11310] =	vst v63  }
0x213: {  	s0 =	sadd.s32 $0x4780, s9;
	s2 =	sadd.s32 s4, s15  }
0x214: {  	[tilespmem:s0], [sflag:$0x1] =	stream.linear.gather [hbm4b:s2+s1], $0x20, $0x38;
	[tilespmem:$0x11310] =	vst v63  }
0x215: {  	s0 =	sadd.s32 $0x8780, s9;
	s2 =	sadd.s32 s5, s18  }
0x216: {  	[tilespmem:s0], [sflag:$0x1] =	stream.linear.gather [hbm4b:s2+s1], $0x20, $0x38;
	[tilespmem:$0x11310] =	vst v63  }
0x217: {  	s0 =	sadd.s32 $0xC780, s9;
	s2 =	sadd.s32 s6, s15  }
0x218: {  	[tilespmem:s0], [sflag:$0x1] =	stream.linear.gather [hbm4b:s2+s1], $0x20, $0x38;
	[tilespmem:$0x11310] =	vst v63  }
0x219: {  	s0 =	sadd.s32 $0x7A0, s9;
	s2 =	sadd.s32 s3, s16  }
0x21a: {  	[tilespmem:s0], [sflag:$0x1] =	stream.linear.gather [hbm4b:s2+s1], $0x20, $0x38;
	[tilespmem:$0x11310] =	vst v63  }
0x21b: {  	s0 =	sadd.s32 $0x47A0, s9;
	s2 =	sadd.s32 s4, s13  }
0x21c: {  	[tilespmem:s0], [sflag:$0x1] =	stream.linear.gather [hbm4b:s2+s1], $0x20, $0x38;
	[tilespmem:$0x11310] =	vst v63  }
0x21d: {  	s0 =	sadd.s32 $0x87A0, s9;
	s2 =	sadd.s32 s5, s16  }
0x21e: {  	[tilespmem:s0], [sflag:$0x1] =	stream.linear.gather [hbm4b:s2+s1], $0x20, $0x38;
	[tilespmem:$0x11310] =	vst v63  }
0x21f: {  	s0 =	sadd.s32 $0xC7A0, s9;
	s2 =	sadd.s32 s6, s13  }
0x220: {  	[tilespmem:s0], [sflag:$0x1] =	stream.linear.gather [hbm4b:s2+s1], $0x20, $0x38;
	[tilespmem:$0x11310] =	vst v63  }
0x221: {  	s0 =	sadd.s32 $0x7C0, s9;
	s2 =	sadd.s32 s3, s14  }
0x222: {  	[tilespmem:s0], [sflag:$0x1] =	stream.linear.gather [hbm4b:s2+s1], $0x20, $0x38;
	[tilespmem:$0x11310] =	vst v63  }
0x223: {  	s0 =	sadd.s32 $0x47C0, s9;
	s2 =	sadd.s32 s4, s11  }
0x224: {  	[tilespmem:s0], [sflag:$0x1] =	stream.linear.gather [hbm4b:s2+s1], $0x20, $0x38;
	[tilespmem:$0x11310] =	vst v63  }
0x225: {  	s0 =	sadd.s32 $0x87C0, s9;
	s2 =	sadd.s32 s5, s14  }
0x226: {  	[tilespmem:s0], [sflag:$0x1] =	stream.linear.gather [hbm4b:s2+s1], $0x20, $0x38;
	[tilespmem:$0x11310] =	vst v63  }
0x227: {  	s0 =	sadd.s32 $0xC7C0, s9;
	s2 =	sadd.s32 s6, s11  }
0x228: {  	[tilespmem:s0], [sflag:$0x1] =	stream.linear.gather [hbm4b:s2+s1], $0x20, $0x38;
	[tilespmem:$0x11310] =	vst v63  }
0x229: {  	s0 =	sadd.s32 $0x7E0, s9;
	s2 =	sadd.s32 s3, s12  }
0x22a: {  	[tilespmem:s0], [sflag:$0x1] =	stream.linear.gather [hbm4b:s2+s1], $0x20, $0x38;
	[tilespmem:$0x11310] =	vst v63  }
0x22b: {  	s0 =	sadd.s32 $0x47E0, s9;
	s2 =	sadd.s32 s4, s10  }
0x22c: {  	[tilespmem:s0], [sflag:$0x1] =	stream.linear.gather [hbm4b:s2+s1], $0x20, $0x38;
	[tilespmem:$0x11310] =	vst v63  }
0x22d: {  	s0 =	sadd.s32 $0x87E0, s9;
	s2 =	sadd.s32 s5, s12  }
0x22e: {  	[tilespmem:s0], [sflag:$0x1] =	stream.linear.gather [hbm4b:s2+s1], $0x20, $0x38;
	[tilespmem:$0x11310] =	vst v63  }
0x22f: {  	s0 =	sadd.s32 $0xC7E0, s9;
	s2 =	sadd.s32 s6, s10  }
0x230: {  	[tilespmem:s0], [sflag:$0x1] =	stream.linear.gather [hbm4b:s2+s1], $0x20, $0x38;
	[tilespmem:$0x11310] =	vst v63  }
0x231: {  	_ =	swait.ge [sflag:s25], $0x20  }
0x232: {  	[sflag:s25] =	ssyncset.done $0x0  }
0x233: {  	[sflag:s25] =	ssyncadd.s32 $0xFFFFFFE0  }
0x234: {  	_ =	swait.ge [sflag:s25], $0x20  }
0x235: {  	[sflag:s25] =	ssyncset.done $0x0  }
0x236: {  	[sflag:s25] =	ssyncadd.s32 $0xFFFFFFE0  }
0x237: {  	_ =	swait.ge [sflag:s25], $0x20  }
0x238: {  	[sflag:s25] =	ssyncset.done $0x0  }
0x239: {  	[sflag:s25] =	ssyncadd.s32 $0xFFFFFFE0  }
0x23a: {  	_ =	swait.ge [sflag:s25], $0x20  }
0x23b: {  	[sflag:s25] =	ssyncset.done $0x0  }
0x23c: {  	[sflag:s25] =	ssyncadd.s32 $0xFFFFFFE0  }
0x23d: {  	_ =	swait.ge [sflag:s25], $0x20  }
0x23e: {  	[sflag:s25] =	ssyncset.done $0x0  }
0x23f: {  	[sflag:s25] =	ssyncadd.s32 $0xFFFFFFE0  }
0x240: {  	_ =	swait.ge [sflag:s25], $0x20  }
0x241: {  	[sflag:s25] =	ssyncset.done $0x0  }
0x242: {  	[sflag:s25] =	ssyncadd.s32 $0xFFFFFFE0  }
0x243: {  	_ =	swait.ge [sflag:s25], $0x20  }
0x244: {  	[sflag:s25] =	ssyncset.done $0x0  }
0x245: {  	[sflag:s25] =	ssyncadd.s32 $0xFFFFFFE0  }
0x246: {  	_ =	swait.ge [sflag:s25], $0x20  }
0x247: {  	[sflag:s25] =	ssyncset.done $0x0  }
0x248: {  	[sflag:s25] =	ssyncadd.s32 $0xFFFFFFE0  }
0x249: {  	_ =	swait.ge [sflag:s25], $0x20  }
0x24a: {  	[sflag:s25] =	ssyncset.done $0x0  }
0x24b: {  	[sflag:s25] =	ssyncadd.s32 $0xFFFFFFE0  }
0x24c: {  	_ =	swait.ge [sflag:s25], $0x20  }
0x24d: {  	[sflag:s25] =	ssyncset.done $0x0  }
0x24e: {  	[sflag:s25] =	ssyncadd.s32 $0xFFFFFFE0  }
0x24f: {  	_ =	swait.ge [sflag:s25], $0x20  }
0x250: {  	[sflag:s25] =	ssyncset.done $0x0  }
0x251: {  	[sflag:s25] =	ssyncadd.s32 $0xFFFFFFE0  }
0x252: {  	_ =	swait.ge [sflag:s25], $0x20  }
0x253: {  	[sflag:s25] =	ssyncset.done $0x0  }
0x254: {  	[sflag:s25] =	ssyncadd.s32 $0xFFFFFFE0  }
0x255: {  	_ =	swait.ge [sflag:s25], $0x20  }
0x256: {  	[sflag:s25] =	ssyncset.done $0x0  }
0x257: {  	[sflag:s25] =	ssyncadd.s32 $0xFFFFFFE0  }
0x258: {  	_ =	swait.ge [sflag:s25], $0x20  }
0x259: {  	[sflag:s25] =	ssyncset.done $0x0  }
0x25a: {  	[sflag:s25] =	ssyncadd.s32 $0xFFFFFFE0  }
0x25b: {  	_ =	swait.ge [sflag:s25], $0x20  }
0x25c: {  	[sflag:s25] =	ssyncset.done $0x0  }
0x25d: {  	[sflag:s25] =	ssyncadd.s32 $0xFFFFFFE0  }
0x25e: {  	_ =	swait.ge [sflag:s25], $0x20  }
0x25f: {  	[sflag:s25] =	ssyncset.done $0x0  }
0x260: {  	[sflag:s25] =	ssyncadd.s32 $0xFFFFFFE0  }
0x261: {  	_ =	swait.ge [sflag:s25], $0x20  }
0x262: {  	[sflag:s25] =	ssyncset.done $0x0  }
0x263: {  	[sflag:s25] =	ssyncadd.s32 $0xFFFFFFE0  }
0x264: {  	_ =	swait.ge [sflag:s25], $0x20  }
0x265: {  	[sflag:s25] =	ssyncset.done $0x0  }
0x266: {  	[sflag:s25] =	ssyncadd.s32 $0xFFFFFFE0  }
0x267: {  	_ =	swait.ge [sflag:s25], $0x20  }
0x268: {  	[sflag:s25] =	ssyncset.done $0x0  }
0x269: {  	[sflag:s25] =	ssyncadd.s32 $0xFFFFFFE0  }
0x26a: {  	_ =	swait.ge [sflag:s25], $0x20  }
0x26b: {  	[sflag:s25] =	ssyncset.done $0x0  }
0x26c: {  	[sflag:s25] =	ssyncadd.s32 $0xFFFFFFE0  }
0x26d: {  	_ =	swait.ge [sflag:s25], $0x20  }
0x26e: {  	[sflag:s25] =	ssyncset.done $0x0  }
0x26f: {  	[sflag:s25] =	ssyncadd.s32 $0xFFFFFFE0  }
0x270: {  	_ =	swait.ge [sflag:s25], $0x20  }
0x271: {  	[sflag:s25] =	ssyncset.done $0x0  }
0x272: {  	[sflag:s25] =	ssyncadd.s32 $0xFFFFFFE0  }
0x273: {  	_ =	swait.ge [sflag:s25], $0x20  }
0x274: {  	[sflag:s25] =	ssyncset.done $0x0  }
0x275: {  	[sflag:s25] =	ssyncadd.s32 $0xFFFFFFE0  }
0x276: {  	_ =	swait.ge [sflag:s25], $0x20  }
0x277: {  	[sflag:s25] =	ssyncset.done $0x0  }
0x278: {  	[sflag:s25] =	ssyncadd.s32 $0xFFFFFFE0  }
0x279: {  	_ =	swait.ge [sflag:s25], $0x20  }
0x27a: {  	[sflag:s25] =	ssyncset.done $0x0  }
0x27b: {  	[sflag:s25] =	ssyncadd.s32 $0xFFFFFFE0  }
0x27c: {  	_ =	swait.ge [sflag:s25], $0x20  }
0x27d: {  	[sflag:s25] =	ssyncset.done $0x0  }
0x27e: {  	[sflag:s25] =	ssyncadd.s32 $0xFFFFFFE0  }
0x27f: {  	_ =	swait.ge [sflag:s25], $0x20  }
0x280: {  	[sflag:s25] =	ssyncset.done $0x0  }
0x281: {  	[sflag:s25] =	ssyncadd.s32 $0xFFFFFFE0  }
0x282: {  	_ =	swait.ge [sflag:s25], $0x20  }
0x283: {  	[sflag:s25] =	ssyncset.done $0x0  }
0x284: {  	[sflag:s25] =	ssyncadd.s32 $0xFFFFFFE0  }
0x285: {  	_ =	swait.ge [sflag:s25], $0x20  }
0x286: {  	[sflag:s25] =	ssyncset.done $0x0  }
0x287: {  	[sflag:s25] =	ssyncadd.s32 $0xFFFFFFE0  }
0x288: {  	_ =	swait.ge [sflag:s25], $0x20  }
0x289: {  	[sflag:s25] =	ssyncset.done $0x0  }
0x28a: {  	[sflag:s25] =	ssyncadd.s32 $0xFFFFFFE0  }
0x28b: {  	_ =	swait.ge [sflag:s25], $0x20  }
0x28c: {  	[sflag:s25] =	ssyncset.done $0x0  }
0x28d: {  	[sflag:s25] =	ssyncadd.s32 $0xFFFFFFE0  }
0x28e: {  	_ =	swait.ge [sflag:s25], $0x20  }
0x28f: {  	[sflag:s25] =	ssyncset.done $0x0  }
0x290: {  	[sflag:s25] =	ssyncadd.s32 $0xFFFFFFE0  }
0x291: {  	_ =	swait.ge [sflag:s25], $0x20  }
0x292: {  	[sflag:s25] =	ssyncset.done $0x0  }
0x293: {  	[sflag:s25] =	ssyncadd.s32 $0xFFFFFFE0  }
0x294: {  	_ =	swait.ge [sflag:s25], $0x20  }
0x295: {  	[sflag:s25] =	ssyncset.done $0x0  }
0x296: {  	[sflag:s25] =	ssyncadd.s32 $0xFFFFFFE0  }
0x297: {  	_ =	swait.ge [sflag:s25], $0x20  }
0x298: {  	[sflag:s25] =	ssyncset.done $0x0  }
0x299: {  	[sflag:s25] =	ssyncadd.s32 $0xFFFFFFE0  }
0x29a: {  	_ =	swait.ge [sflag:s25], $0x20  }
0x29b: {  	[sflag:s25] =	ssyncset.done $0x0  }
0x29c: {  	[sflag:s25] =	ssyncadd.s32 $0xFFFFFFE0  }
0x29d: {  	_ =	swait.ge [sflag:s25], $0x20  }
0x29e: {  	[sflag:s25] =	ssyncset.done $0x0  }
0x29f: {  	[sflag:s25] =	ssyncadd.s32 $0xFFFFFFE0  }
0x2a0: {  	_ =	swait.ge [sflag:s25], $0x20  }
0x2a1: {  	[sflag:s25] =	ssyncset.done $0x0  }
0x2a2: {  	[sflag:s25] =	ssyncadd.s32 $0xFFFFFFE0  }
0x2a3: {  	_ =	swait.ge [sflag:s25], $0x20  }
0x2a4: {  	[sflag:s25] =	ssyncset.done $0x0  }
0x2a5: {  	[sflag:s25] =	ssyncadd.s32 $0xFFFFFFE0  }
0x2a6: {  	_ =	swait.ge [sflag:s25], $0x20  }
0x2a7: {  	[sflag:s25] =	ssyncset.done $0x0  }
0x2a8: {  	[sflag:s25] =	ssyncadd.s32 $0xFFFFFFE0  }
0x2a9: {  	_ =	swait.ge [sflag:s25], $0x20  }
0x2aa: {  	[sflag:s25] =	ssyncset.done $0x0  }
0x2ab: {  	[sflag:s25] =	ssyncadd.s32 $0xFFFFFFE0  }
0x2ac: {  	_ =	swait.ge [sflag:s25], $0x20  }
0x2ad: {  	[sflag:s25] =	ssyncset.done $0x0  }
0x2ae: {  	[sflag:s25] =	ssyncadd.s32 $0xFFFFFFE0  }
0x2af: {  	_ =	swait.ge [sflag:s25], $0x20  }
0x2b0: {  	[sflag:s25] =	ssyncset.done $0x0  }
0x2b1: {  	[sflag:s25] =	ssyncadd.s32 $0xFFFFFFE0  }
0x2b2: {  	_ =	swait.ge [sflag:s25], $0x20  }
0x2b3: {  	[sflag:s25] =	ssyncset.done $0x0  }
0x2b4: {  	[sflag:s25] =	ssyncadd.s32 $0xFFFFFFE0  }
0x2b5: {  	_ =	swait.ge [sflag:s25], $0x20  }
0x2b6: {  	[sflag:s25] =	ssyncset.done $0x0  }
0x2b7: {  	[sflag:s25] =	ssyncadd.s32 $0xFFFFFFE0  }
0x2b8: {  	_ =	swait.ge [sflag:s25], $0x20  }
0x2b9: {  	[sflag:s25] =	ssyncset.done $0x0  }
0x2ba: {  	[sflag:s25] =	ssyncadd.s32 $0xFFFFFFE0  }
0x2bb: {  	_ =	swait.ge [sflag:s25], $0x20  }
0x2bc: {  	[sflag:s25] =	ssyncset.done $0x0  }
0x2bd: {  	[sflag:s25] =	ssyncadd.s32 $0xFFFFFFE0  }
0x2be: {  	_ =	swait.ge [sflag:s25], $0x20  }
0x2bf: {  	[sflag:s25] =	ssyncset.done $0x0  }
0x2c0: {  	[sflag:s25] =	ssyncadd.s32 $0xFFFFFFE0  }
0x2c1: {  	_ =	swait.ge [sflag:s25], $0x20  }
0x2c2: {  	[sflag:s25] =	ssyncset.done $0x0  }
0x2c3: {  	[sflag:s25] =	ssyncadd.s32 $0xFFFFFFE0  }
0x2c4: {  	_ =	swait.ge [sflag:s25], $0x20  }
0x2c5: {  	[sflag:s25] =	ssyncset.done $0x0  }
0x2c6: {  	[sflag:s25] =	ssyncadd.s32 $0xFFFFFFE0  }
0x2c7: {  	_ =	swait.ge [sflag:s25], $0x20  }
0x2c8: {  	[sflag:s25] =	ssyncset.done $0x0  }
0x2c9: {  	[sflag:s25] =	ssyncadd.s32 $0xFFFFFFE0  }
0x2ca: {  	_ =	swait.ge [sflag:s25], $0x20  }
0x2cb: {  	[sflag:s25] =	ssyncset.done $0x0  }
0x2cc: {  	[sflag:s25] =	ssyncadd.s32 $0xFFFFFFE0  }
0x2cd: {  	_ =	swait.ge [sflag:s25], $0x20  }
0x2ce: {  	[sflag:s25] =	ssyncset.done $0x0  }
0x2cf: {  	[sflag:s25] =	ssyncadd.s32 $0xFFFFFFE0  }
0x2d0: {  	_ =	swait.ge [sflag:s25], $0x20  }
0x2d1: {  	[sflag:s25] =	ssyncset.done $0x0  }
0x2d2: {  	[sflag:s25] =	ssyncadd.s32 $0xFFFFFFE0  }
0x2d3: {  	_ =	swait.ge [sflag:s25], $0x20  }
0x2d4: {  	[sflag:s25] =	ssyncset.done $0x0  }
0x2d5: {  	[sflag:s25] =	ssyncadd.s32 $0xFFFFFFE0  }
0x2d6: {  	_ =	swait.ge [sflag:s25], $0x20  }
0x2d7: {  	[sflag:s25] =	ssyncset.done $0x0  }
0x2d8: {  	[sflag:s25] =	ssyncadd.s32 $0xFFFFFFE0  }
0x2d9: {  	_ =	swait.ge [sflag:s25], $0x20  }
0x2da: {  	[sflag:s25] =	ssyncset.done $0x0  }
0x2db: {  	[sflag:s25] =	ssyncadd.s32 $0xFFFFFFE0  }
0x2dc: {  	_ =	swait.ge [sflag:s25], $0x20  }
0x2dd: {  	[sflag:s25] =	ssyncset.done $0x0  }
0x2de: {  	[sflag:s25] =	ssyncadd.s32 $0xFFFFFFE0  }
0x2df: {  	_ =	swait.ge [sflag:s25], $0x20  }
0x2e0: {  	[sflag:s25] =	ssyncset.done $0x0  }
0x2e1: {  	[sflag:s25] =	ssyncadd.s32 $0xFFFFFFE0  }
0x2e2: {  	_ =	swait.ge [sflag:s25], $0x20  }
0x2e3: {  	[sflag:s25] =	ssyncset.done $0x0  }
0x2e4: {  	[sflag:s25] =	ssyncadd.s32 $0xFFFFFFE0  }
0x2e5: {  	_ =	swait.ge [sflag:s25], $0x20  }
0x2e6: {  	[sflag:s25] =	ssyncset.done $0x0  }
0x2e7: {  	[sflag:s25] =	ssyncadd.s32 $0xFFFFFFE0  }
0x2e8: {  	_ =	swait.ge [sflag:s25], $0x20  }
0x2e9: {  	[sflag:s25] =	ssyncset.done $0x0  }
.Ltmp0:
0x2ea: {  	[sflag:s25] =	ssyncadd.s32 $0xFFFFFFE0;
	(pc) =	sbr.rel @p0 .LBB2_2-.Ltmp0, $4  }
0x2eb: {  	_ =	swait.ge [sflag:s25], $0x20  }
0x2ec: {  	[sflag:s25] =	ssyncset.done $0x0  }
0x2ed: {  	[sflag:s25] =	ssyncadd.s32 $0xFFFFFFE0  }
0x2ee: {  	_ =	swait.ge [sflag:s25], $0x20  }
0x2ef: {  	[sflag:s25] =	ssyncset.done $0x0  }
0x2f0: {  	[sflag:s25] =	ssyncadd.s32 $0xFFFFFFE0  }
0x2f1: {  	v0 =	vld [tilespmem:$0x10680];
	_ =	sdelay $0x1  }
0x2f2: {  	v1 =	vld [tilespmem:$0x106A0];
	_ =	sdelay $0x1  }
0x2f3: {  	v2 =	vld [tilespmem:$0x106C0]  }
0x2f4: {  	v4 =	vbroadcast v0, $0x0  }
0x2f5: {  	v3 =	vld [tilespmem:$0x106E0]  }
0x2f6: {  	[tilespmem:$0x1F7C0] =	vst v4;
	v4 =	vbroadcast v1, $0x0;
	_ =	sdelay $0x1  }
0x2f7: {  	[tilespmem:$0x1F7D0] =	vst v4;
	v4 =	vbroadcast v2, $0x0;
	_ =	sdelay $0x1  }
0x2f8: {  	[tilespmem:$0x1F7E0] =	vst v4;
	v4 =	vbroadcast v3, $0x0;
	_ =	sdelay $0x1  }
0x2f9: {  	[tilespmem:$0x1F7F0] =	vst v4;
	v4 =	vbroadcast v0, $0x1;
	_ =	sdelay $0x1  }
0x2fa: {  	[tilespmem:$0x1F800] =	vst v4;
	v4 =	vbroadcast v1, $0x1;
	_ =	sdelay $0x1  }
0x2fb: {  	[tilespmem:$0x1F810] =	vst v4;
	v4 =	vbroadcast v2, $0x1;
	_ =	sdelay $0x1  }
0x2fc: {  	[tilespmem:$0x1F820] =	vst v4;
	v4 =	vbroadcast v3, $0x1;
	_ =	sdelay $0x1  }
0x2fd: {  	[tilespmem:$0x1F830] =	vst v4;
	v4 =	vbroadcast v0, $0x2;
	_ =	sdelay $0x1  }
0x2fe: {  	[tilespmem:$0x1F840] =	vst v4;
	v4 =	vbroadcast v1, $0x2  }
0x2ff: {  	v6 =	vbroadcast v2, $0xD  }
0x300: {  	[tilespmem:$0x1F850] =	vst v4;
	v4 =	vbroadcast v2, $0x2  }
0x301: {  	v47 =	vbroadcast v1, $0xF;
	[tilespmem:$0x1FB20] =	vst v6  }
0x302: {  	[tilespmem:$0x1F860] =	vst v4;
	v4 =	vbroadcast v3, $0x2  }
0x303: {  	v48 =	vbroadcast v2, $0xF;
	[tilespmem:$0x1FB80] =	vst v47  }
0x304: {  	v57 =	vld [tilespmem:$0x106B0];
	[tilespmem:$0x1F870] =	vst v4;
	v4 =	vbroadcast v0, $0x3  }
0x305: {  	v49 =	vbroadcast v3, $0xE;
	[tilespmem:$0x1FB90] =	vst v48  }
0x306: {  	[tilespmem:$0x1F880] =	vst v4;
	v4 =	vbroadcast v1, $0x3  }
0x307: {  	v50 =	vbroadcast v3, $0xF;
	[tilespmem:$0x1FBA0] =	vst v49  }
0x308: {  	[tilespmem:$0x1F890] =	vst v4;
	v4 =	vbroadcast v2, $0x3  }
0x309: {  	v12 =	vbroadcast v57, $0x0;
	[tilespmem:$0x1FBB0] =	vst v50  }
0x30a: {  	[tilespmem:$0x1F8A0] =	vst v4;
	v4 =	vbroadcast v3, $0x3  }
0x30b: {  	v13 =	vbroadcast v57, $0x1;
	[tilespmem:$0x1FCC0] =	vst v12  }
0x30c: {  	[tilespmem:$0x1F8B0] =	vst v4;
	v4 =	vbroadcast v0, $0x4  }
0x30d: {  	v14 =	vbroadcast v57, $0x2;
	[tilespmem:$0x1FCD0] =	vst v13  }
0x30e: {  	[tilespmem:$0x1F8C0] =	vst v4;
	v4 =	vbroadcast v1, $0x4  }
0x30f: {  	v15 =	vbroadcast v57, $0x3;
	[tilespmem:$0x1FCE0] =	vst v14  }
0x310: {  	[tilespmem:$0x1F8D0] =	vst v4;
	v4 =	vbroadcast v2, $0x4  }
0x311: {  	v16 =	vbroadcast v57, $0x4;
	[tilespmem:$0x1FCF0] =	vst v15  }
0x312: {  	[tilespmem:$0x1F8E0] =	vst v4;
	v4 =	vbroadcast v3, $0x4  }
0x313: {  	v17 =	vbroadcast v57, $0x5;
	[tilespmem:$0x1FD00] =	vst v16  }
0x314: {  	[tilespmem:$0x1F8F0] =	vst v4;
	v4 =	vbroadcast v0, $0x5  }
0x315: {  	v19 =	vbroadcast v57, $0x6;
	[tilespmem:$0x1FD10] =	vst v17  }
0x316: {  	[tilespmem:$0x1F900] =	vst v4;
	v4 =	vbroadcast v1, $0x5  }
0x317: {  	v20 =	vbroadcast v57, $0x7;
	[tilespmem:$0x1FD20] =	vst v19  }
0x318: {  	[tilespmem:$0x1F910] =	vst v4;
	v4 =	vbroadcast v2, $0x5  }
0x319: {  	v21 =	vbroadcast v57, $0x8;
	[tilespmem:$0x1FD30] =	vst v20  }
0x31a: {  	[tilespmem:$0x1F920] =	vst v4;
	v4 =	vbroadcast v3, $0x5  }
0x31b: {  	v22 =	vbroadcast v57, $0x9;
	[tilespmem:$0x1FD40] =	vst v21  }
0x31c: {  	[tilespmem:$0x1F930] =	vst v4;
	v4 =	vbroadcast v0, $0x6  }
0x31d: {  	v23 =	vbroadcast v57, $0xA;
	[tilespmem:$0x1FD50] =	vst v22  }
0x31e: {  	[tilespmem:$0x1F940] =	vst v4;
	v4 =	vbroadcast v1, $0x6  }
0x31f: {  	v24 =	vbroadcast v57, $0xB;
	[tilespmem:$0x1FD60] =	vst v23  }
0x320: {  	[tilespmem:$0x1F950] =	vst v4;
	v4 =	vbroadcast v2, $0x6  }
0x321: {  	v25 =	vbroadcast v57, $0xC;
	[tilespmem:$0x1FD70] =	vst v24  }
0x322: {  	v18 =	vld [tilespmem:$0x106D0];
	[tilespmem:$0x1F960] =	vst v4;
	v4 =	vbroadcast v3, $0x6  }
0x323: {  	v26 =	vbroadcast v57, $0xD;
	[tilespmem:$0x1FD80] =	vst v25  }
0x324: {  	[tilespmem:$0x1F970] =	vst v4;
	v4 =	vbroadcast v0, $0x7  }
0x325: {  	v27 =	vbroadcast v57, $0xE;
	[tilespmem:$0x1FD90] =	vst v26  }
0x326: {  	[tilespmem:$0x1F980] =	vst v4;
	v4 =	vbroadcast v1, $0x7  }
0x327: {  	v28 =	vbroadcast v18, $0x0;
	[tilespmem:$0x1FDA0] =	vst v27  }
0x328: {  	[tilespmem:$0x1F990] =	vst v4;
	v4 =	vbroadcast v2, $0x7  }
0x329: {  	v29 =	vbroadcast v18, $0x1;
	[tilespmem:$0x1FDC0] =	vst v28  }
0x32a: {  	[tilespmem:$0x1F9A0] =	vst v4;
	v4 =	vbroadcast v3, $0x7  }
0x32b: {  	v30 =	vbroadcast v18, $0x2;
	[tilespmem:$0x1FDD0] =	vst v29  }
0x32c: {  	[tilespmem:$0x1F9B0] =	vst v4;
	v4 =	vbroadcast v0, $0x8  }
0x32d: {  	v31 =	vbroadcast v18, $0x3;
	[tilespmem:$0x1FDE0] =	vst v30  }
0x32e: {  	[tilespmem:$0x1F9C0] =	vst v4;
	v4 =	vbroadcast v1, $0x8  }
0x32f: {  	v32 =	vbroadcast v18, $0x4;
	[tilespmem:$0x1FDF0] =	vst v31  }
0x330: {  	[tilespmem:$0x1F9D0] =	vst v4;
	v4 =	vbroadcast v2, $0x8  }
0x331: {  	v33 =	vbroadcast v18, $0x5;
	[tilespmem:$0x1FE00] =	vst v32  }
0x332: {  	[tilespmem:$0x1F9E0] =	vst v4;
	v4 =	vbroadcast v3, $0x8  }
0x333: {  	v35 =	vbroadcast v18, $0x6;
	[tilespmem:$0x1FE10] =	vst v33  }
0x334: {  	[tilespmem:$0x1F9F0] =	vst v4;
	v4 =	vbroadcast v0, $0x9  }
0x335: {  	v36 =	vbroadcast v18, $0x7;
	[tilespmem:$0x1FE20] =	vst v35  }
0x336: {  	[tilespmem:$0x1FA00] =	vst v4;
	v4 =	vbroadcast v1, $0x9  }
0x337: {  	v37 =	vbroadcast v18, $0x8;
	[tilespmem:$0x1FE30] =	vst v36  }
0x338: {  	[tilespmem:$0x1FA10] =	vst v4;
	v4 =	vbroadcast v2, $0x9  }
0x339: {  	v38 =	vbroadcast v18, $0x9;
	[tilespmem:$0x1FE40] =	vst v37  }
0x33a: {  	[tilespmem:$0x1FA20] =	vst v4;
	v4 =	vbroadcast v3, $0x9  }
0x33b: {  	v39 =	vbroadcast v18, $0xA;
	[tilespmem:$0x1FE50] =	vst v38  }
0x33c: {  	[tilespmem:$0x1FA30] =	vst v4;
	v4 =	vbroadcast v0, $0xA  }
0x33d: {  	v40 =	vbroadcast v18, $0xB;
	[tilespmem:$0x1FE60] =	vst v39  }
0x33e: {  	[tilespmem:$0x1FA40] =	vst v4;
	v4 =	vbroadcast v1, $0xA  }
0x33f: {  	v41 =	vbroadcast v18, $0xC;
	[tilespmem:$0x1FE70] =	vst v40  }
0x340: {  	v34 =	vld [tilespmem:$0x106F0];
	[tilespmem:$0x1FA50] =	vst v4;
	v4 =	vbroadcast v2, $0xA  }
0x341: {  	v42 =	vbroadcast v18, $0xD;
	[tilespmem:$0x1FE80] =	vst v41  }
0x342: {  	[tilespmem:$0x1FA60] =	vst v4;
	v4 =	vbroadcast v3, $0xA  }
0x343: {  	v43 =	vbroadcast v18, $0xE;
	[tilespmem:$0x1FE90] =	vst v42  }
0x344: {  	[tilespmem:$0x1FA70] =	vst v4;
	v4 =	vbroadcast v0, $0xB  }
0x345: {  	v44 =	vbroadcast v34, $0x0;
	[tilespmem:$0x1FEA0] =	vst v43  }
0x346: {  	[tilespmem:$0x1FA80] =	vst v4;
	v4 =	vbroadcast v1, $0xB  }
0x347: {  	v45 =	vbroadcast v34, $0x1;
	[tilespmem:$0x1FEC0] =	vst v44  }
0x348: {  	[tilespmem:$0x1FA90] =	vst v4;
	v4 =	vbroadcast v2, $0xB  }
0x349: {  	v46 =	vbroadcast v34, $0x2;
	[tilespmem:$0x1FED0] =	vst v45  }
0x34a: {  	[tilespmem:$0x1FAA0] =	vst v4;
	v4 =	vbroadcast v3, $0xB  }
0x34b: {  	v6 =	vbroadcast v3, $0xD;
	[tilespmem:$0x1FEE0] =	vst v46  }
0x34c: {  	[tilespmem:$0x1FAB0] =	vst v4;
	v4 =	vbroadcast v0, $0xC  }
0x34d: {  	v47 =	vbroadcast v34, $0x3;
	[tilespmem:$0x1FB30] =	vst v6  }
0x34e: {  	[tilespmem:$0x1FAC0] =	vst v4;
	v4 =	vbroadcast v1, $0xC  }
0x34f: {  	v48 =	vbroadcast v34, $0x4;
	[tilespmem:$0x1FEF0] =	vst v47  }
0x350: {  	[tilespmem:$0x1FAD0] =	vst v4;
	v4 =	vbroadcast v2, $0xC  }
0x351: {  	v49 =	vbroadcast v34, $0x5;
	[tilespmem:$0x1FF00] =	vst v48  }
0x352: {  	[tilespmem:$0x1FAE0] =	vst v4;
	v4 =	vbroadcast v3, $0xC  }
0x353: {  	v6 =	vbroadcast v0, $0xE;
	[tilespmem:$0x1FF10] =	vst v49  }
0x354: {  	[tilespmem:$0x1FAF0] =	vst v4;
	v4 =	vbroadcast v0, $0xD  }
0x355: {  	[tilespmem:$0x1FB40] =	vst v6;
	v6 =	vbroadcast v1, $0xE  }
0x356: {  	[tilespmem:$0x1FB00] =	vst v4;
	v4 =	vbroadcast v1, $0xD  }
0x357: {  	[tilespmem:$0x1FB50] =	vst v6;
	v0 =	vbroadcast v0, $0xF  }
0x358: {  	v6 =	vbroadcast v2, $0xE;
	[tilespmem:$0x1FB10] =	vst v4;
	v4 =	vld [tilespmem:$0x10690]  }
0x359: {  	[tilespmem:$0x1FB70] =	vst v0;
	v0 =	vbroadcast v57, $0xF  }
0x35a: {  	[tilespmem:$0x1FB60] =	vst v6;
	v1 =	vbroadcast v18, $0xF  }
0x35b: {  	v57 =	vbroadcast v34, $0xC;
	[tilespmem:$0x1FDB0] =	vst v0  }
0x35c: {  	[tilespmem:$0x1FEB0] =	vst v1;
	v0 =	vbroadcast v34, $0xF  }
0x35d: {  	[tilespmem:$0x1FF80] =	vst v57;
	v51 =	vbroadcast v4, $0x0  }
0x35e: {  	[tilespmem:$0x1FFB0] =	vst v0;
	v52 =	vbroadcast v4, $0x1  }
0x35f: {  	v53 =	vbroadcast v4, $0x2;
	[tilespmem:$0x1FBC0] =	vst v51  }
0x360: {  	v54 =	vbroadcast v4, $0x3;
	[tilespmem:$0x1FBD0] =	vst v52  }
0x361: {  	v55 =	vbroadcast v4, $0x4;
	[tilespmem:$0x1FBE0] =	vst v53  }
0x362: {  	v56 =	vbroadcast v4, $0x5;
	[tilespmem:$0x1FBF0] =	vst v54  }
0x363: {  	v58 =	vbroadcast v4, $0x6;
	[tilespmem:$0x1FC00] =	vst v55  }
0x364: {  	v59 =	vbroadcast v4, $0x7;
	[tilespmem:$0x1FC10] =	vst v56  }
0x365: {  	v60 =	vbroadcast v4, $0x8;
	[tilespmem:$0x1FC20] =	vst v58  }
0x366: {  	v61 =	vbroadcast v4, $0x9;
	[tilespmem:$0x1FC30] =	vst v59  }
0x367: {  	v62 =	vbroadcast v4, $0xA;
	[tilespmem:$0x1FC40] =	vst v60  }
0x368: {  	v63 =	vbroadcast v4, $0xB;
	[tilespmem:$0x1FC50] =	vst v61  }
0x369: {  	v8 =	vbroadcast v4, $0xC;
	[tilespmem:$0x1FC60] =	vst v62  }
0x36a: {  	v9 =	vbroadcast v4, $0xD;
	[tilespmem:$0x1FC70] =	vst v63  }
0x36b: {  	v10 =	vbroadcast v4, $0xE;
	[tilespmem:$0x1FC80] =	vst v8  }
0x36c: {  	v11 =	vbroadcast v4, $0xF;
	[tilespmem:$0x1FC90] =	vst v9  }
0x36d: {  	[tilespmem:$0x1FCA0] =	vst v10;
	v51 =	vbroadcast v34, $0x6  }
0x36e: {  	[tilespmem:$0x1FCB0] =	vst v11;
	v52 =	vbroadcast v34, $0x7  }
0x36f: {  	v53 =	vbroadcast v34, $0x8;
	[tilespmem:$0x1FF20] =	vst v51  }
0x370: {  	v50 =	vld [tilespmem:$0x10700];
	v54 =	vbroadcast v34, $0x9;
	[tilespmem:$0x1FF30] =	vst v52  }
0x371: {  	v55 =	vbroadcast v34, $0xA;
	[tilespmem:$0x1FF40] =	vst v53  }
0x372: {  	v56 =	vbroadcast v34, $0xB;
	[tilespmem:$0x1FF50] =	vst v54  }
0x373: {  	v58 =	vbroadcast v34, $0xD;
	[tilespmem:$0x1FF60] =	vst v55  }
0x374: {  	v59 =	vbroadcast v34, $0xE;
	[tilespmem:$0x1FF70] =	vst v56  }
0x375: {  	v60 =	vbroadcast v50, $0x0;
	[tilespmem:$0x1FF90] =	vst v58  }
0x376: {  	v61 =	vbroadcast v50, $0x1;
	[tilespmem:$0x1FFA0] =	vst v59  }
0x377: {  	v62 =	vbroadcast v50, $0x2;
	[tilespmem:$0x1FFC0] =	vst v60  }
0x378: {  	s7 =	simm.s32 $0x0;
	s8 =	simm.s32 $0x400;
	s24 =	simm.s32 $0x10710;
	v63 =	vbroadcast v50, $0x3;
	[tilespmem:$0x1FFD0] =	vst v61  }
0x379: {  	s9 =	simm.s32 $0x10910;
	s10 =	simm.s32 $0x10600;
	s0 =	simm.s32 $0x600;
	[tilespmem:$0x1FFE0] =	vst v62  }
0x37a: {  	s2 =	simm.s32 $0x4600;
	s11 =	simm.s32 $0x8600;
	s12 =	simm.s32 $0x10B10;
	[tilespmem:$0x1FFF0] =	vst v63  }
.LBB2_4:
0x37b: {  	v0 =	vor.u32 s7, v5  }
0x37c: {  	v25 =	vshll.u32 v0, $0x5;
	_ =	sdelay $0x1  }
0x37d: {  	v30 =	vor.u32 $0x1, v25;
	_ =	sdelay $0x2  }
0x37e: {  	[tilespmem:$0x1F780] =	vst v0;
	v0 =	vld.idx.msk [tilespmem:v25+s0+$0x0], $0xffff  }
0x37f: {  	v1 =	vld.idx.msk [tilespmem:v25+s2+$0x0], $0xffff  }
0x380: {  	v2 =	vld.idx.msk [tilespmem:v30+s0+$0x0], $0xffff  }
0x381: {  	v3 =	vld.idx.msk [tilespmem:v30+s2+$0x0], $0xffff;
	_ =	sdelay $0x2  }
0x382: {  	v0 =	vmul.f32 v1, v0;
	_ =	sdelay $0x1  }
0x383: {  	v2 =	vmul.f32 v3, v2;
	v6 =	vadd.f32 $0.0e+00, v0  }
0x384: {  	v4 =	vld [tilespmem:$0x1F7C0]  }
0x385: {  	v7 =	vld [tilespmem:$0x1F7D0];
	v6 =	vadd.f32 v2, v6  }
0x386: {  	v39 =	vor.u32 $0x2, v25  }
0x387: {  	[tilespmem:$0x1F5C0] =	vst v6;
	v6 =	vld [tilespmem:$0x1F810];
	_ =	sdelay $0x1  }
0x388: {  	v8 =	vld [tilespmem:$0x1F7E0]  }
0x389: {  	v62 =	vld [tilespmem:$0x1F800];
	v4 =	vmul.f32 v0, v4;
	v7 =	vmul.f32 v0, v7  }
0x38a: {  	v61 =	vld.idx.msk [tilespmem:v39+s0+$0x0], $0xffff  }
0x38b: {  	v5 =	vld.idx.msk [tilespmem:v39+s2+$0x0], $0xffff;
	v3 =	vadd.f32 $0.0e+00, v4;
	v4 =	vadd.f32 $0.0e+00, v7;
	v6 =	vmul.f32 v2, v6;
	_ =	sdelay $0x1  }
0x38c: {  	v4 =	vadd.f32 v6, v4;
	v6 =	vld [tilespmem:$0x1F840]  }
0x38d: {  	v8 =	vmul.f32 v0, v8;
	_ =	sdelay $0x1  }
0x38e: {  	v11 =	vmul.f32 v5, v61;
	v7 =	vadd.f32 $0.0e+00, v8;
	v8 =	vmul.f32 v2, v62;
	_ =	sdelay $0x1  }
0x38f: {  	v50 =	vor.u32 $0x3, v25;
	v5 =	vld [tilespmem:$0x1F820];
	v3 =	vadd.f32 v8, v3;
	v6 =	vmul.f32 v11, v6;
	_ =	sdelay $0x1  }
0x390: {  	v3 =	vadd.f32 v6, v3;
	v6 =	vld [tilespmem:$0x1F850];
	_ =	sdelay $0x2  }
0x391: {  	v10 =	vld.idx.msk [tilespmem:v50+s0+$0x0], $0xffff;
	v5 =	vmul.f32 v2, v5  }
0x392: {  	v63 =	vld.idx.msk [tilespmem:v50+s2+$0x0], $0xffff  }
0x393: {  	v5 =	vadd.f32 v5, v7;
	v7 =	vld [tilespmem:$0x1F860];
	v6 =	vmul.f32 v11, v6  }
0x394: {  	v23 =	vld [tilespmem:$0x1F8A0]  }
0x395: {  	v21 =	vadd.f32 v6, v4;
	v6 =	vld [tilespmem:$0x1F880]  }
0x396: {  	v9 =	vld [tilespmem:$0x1F7F0];
	_ =	sdelay $0x1  }
0x397: {  	v16 =	vld [tilespmem:$0x1F830];
	v20 =	vmul.f32 v63, v10;
	v7 =	vmul.f32 v11, v7;
	_ =	sdelay $0x1  }
0x398: {  	v19 =	vld [tilespmem:$0x1F870];
	v24 =	vmul.f32 v20, v23;
	v4 =	vadd.f32 v7, v5;
	v6 =	vmul.f32 v20, v6  }
0x399: {  	v54 =	vor.u32 $0x4, v25;
	v0 =	vmul.f32 v0, v9  }
0x39a: {  	v28 =	vadd.f32 v6, v3;
	v3 =	vadd.f32 v24, v4;
	v4 =	vld [tilespmem:$0x1F8B0]  }
0x39b: {  	v0 =	vadd.f32 $0.0e+00, v0;
	v2 =	vmul.f32 v2, v16;
	_ =	sdelay $0x1  }
0x39c: {  	v12 =	vmul.f32 v11, v19;
	v0 =	vadd.f32 v2, v0  }
0x39d: {  	v17 =	vld.idx.msk [tilespmem:v54+s0+$0x0], $0xffff  }
0x39e: {  	v48 =	vor.u32 $0x5, v25;
	v18 =	vld.idx.msk [tilespmem:v54+s2+$0x0], $0xffff;
	v0 =	vadd.f32 v12, v0;
	v4 =	vmul.f32 v20, v4;
	_ =	sdelay $0x1  }
0x39f: {  	v0 =	vadd.f32 v4, v0;
	v4 =	vld [tilespmem:$0x1F8F0];
	_ =	sdelay $0x2  }
0x3a0: {  	v22 =	vld.idx.msk [tilespmem:v48+s2+$0x0], $0xffff;
	v26 =	vmul.f32 v18, v17  }
0x3a1: {  	v5 =	vld.idx.msk [tilespmem:v48+s0+$0x0], $0xffff  }
0x3a2: {  	v6 =	vld [tilespmem:$0x1F8C0];
	v4 =	vmul.f32 v26, v4;
	_ =	sdelay $0x1  }
0x3a3: {  	v0 =	vadd.f32 v4, v0;
	v4 =	vld [tilespmem:$0x1F900];
	_ =	sdelay $0x1  }
0x3a4: {  	v32 =	vld [tilespmem:$0x1F8D0]  }
0x3a5: {  	v34 =	vld [tilespmem:$0x1F8E0];
	v36 =	vmul.f32 v22, v5;
	v6 =	vmul.f32 v26, v6  }
0x3a6: {  	v15 =	vld [tilespmem:s8+$0x0]  }
0x3a7: {  	v31 =	vor.u32 $0x6, v25;
	v7 =	vld [tilespmem:$0x1F890];
	v2 =	vadd.f32 v6, v28;
	v4 =	vmul.f32 v36, v4  }
0x3a8: {  	v41 =	vld [tilespmem:$0x1F950];
	v29 =	vor.u32 $0x7, v25  }
0x3a9: {  	v2 =	vadd.f32 v4, v2;
	v4 =	vld [tilespmem:$0x1F930]  }
0x3aa: {  	v43 =	vld [tilespmem:$0x1F960]  }
0x3ab: {  	v46 =	vld [tilespmem:$0x1F980]  }
0x3ac: {  	v14 =	vld.idx.msk [tilespmem:v31+s2+$0x0], $0xffff;
	v7 =	vmul.f32 v20, v7  }
0x3ad: {  	v37 =	vld.idx.msk [tilespmem:v29+s2+$0x0], $0xffff  }
0x3ae: {  	v35 =	vor.u32 $0x8, v25;
	v1 =	vadd.f32 v7, v21;
	v7 =	vld.idx.msk [tilespmem:v31+s0+$0x0], $0xffff;
	v4 =	vmul.f32 v36, v4  }
0x3af: {  	v18 =	vor.u32 $0x9, v25;
	v5 =	vld.idx.msk [tilespmem:v29+s0+$0x0], $0xffff  }
0x3b0: {  	v0 =	vadd.f32 v4, v0;
	v4 =	vld [tilespmem:$0x1F940]  }
0x3b1: {  	v51 =	vld [tilespmem:$0x1F990]  }
0x3b2: {  	v55 =	vld [tilespmem:$0x1F9A0]  }
0x3b3: {  	v40 =	vld.idx.msk [tilespmem:v35+s2+$0x0], $0xffff;
	v38 =	vmul.f32 v14, v7  }
0x3b4: {  	v53 =	vld.idx.msk [tilespmem:v18+s2+$0x0], $0xffff  }
0x3b5: {  	v45 =	vmul.f32 v37, v5;
	v5 =	vld.idx.msk [tilespmem:v18+s0+$0x0], $0xffff;
	v4 =	vmul.f32 v38, v4  }
0x3b6: {  	v7 =	vld.idx.msk [tilespmem:v35+s0+$0x0], $0xffff  }
0x3b7: {  	v2 =	vadd.f32 v4, v2;
	v4 =	vld [tilespmem:$0x1F970]  }
0x3b8: {  	v58 =	vld [tilespmem:$0x1F9C0]  }
0x3b9: {  	v27 =	vld [tilespmem:$0x1FA10]  }
0x3ba: {  	v61 =	vld [tilespmem:$0x1F9E0];
	v33 =	vmul.f32 v26, v32  }
0x3bb: {  	v12 =	vor.u32 $0xA, v25;
	v49 =	vmul.f32 v45, v46;
	v63 =	vmul.f32 v53, v5;
	v5 =	vld [tilespmem:$0x1FA00]  }
0x3bc: {  	v32 =	vld [tilespmem:$0x1FA20];
	v57 =	vmul.f32 v40, v7;
	v4 =	vmul.f32 v38, v4  }
0x3bd: {  	v62 =	vld [tilespmem:$0x1F9F0]  }
0x3be: {  	v59 =	vmul.f32 v57, v58;
	v2 =	vadd.f32 v49, v2;
	v0 =	vadd.f32 v4, v0;
	v4 =	vld [tilespmem:$0x1F9B0]  }
0x3bf: {  	v8 =	vld [tilespmem:$0x1FC20]  }
0x3c0: {  	v13 =	vmul.f32 v26, v34;
	v60 =	vld.idx.msk [tilespmem:v12+s0+$0x0], $0xffff;
	v5 =	vmul.f32 v63, v5;
	v2 =	vadd.f32 v59, v2  }
0x3c1: {  	v21 =	vld.idx.msk [tilespmem:v25+s30+$0x0], $0xffff  }
0x3c2: {  	v47 =	vmov v45;
	v2 =	vadd.f32 v5, v2;
	v5 =	vld [tilespmem:$0x1FA30]  }
0x3c3: {  	v6 =	vld [tilespmem:$0x1F910];
	v4 =	vmul.f32 v47, v4  }
0x3c4: {  	v3 =	vadd.f32 v13, v3;
	v13 =	vmov v18;
	v18 =	vld [tilespmem:$0x1FB20]  }
0x3c5: {  	[tilespmem:$0x1F610] =	vst v20;
	v20 =	vld.idx.msk [tilespmem:v12+s2+$0x0], $0xffff;
	v22 =	vmul.f32 v57, v62;
	v0 =	vadd.f32 v4, v0  }
0x3c6: {  	[tilespmem:$0x1F6A0] =	vst v45;
	v52 =	vmul.f32 v45, v51;
	v56 =	vmul.f32 v45, v55;
	v14 =	vor.u32 $0xB, v25;
	v45 =	vld [tilespmem:$0x1FA90]  }
0x3c7: {  	v53 =	vld [tilespmem:$0x1FAC0];
	v5 =	vmul.f32 v63, v5;
	v0 =	vadd.f32 v22, v0  }
0x3c8: {  	v16 =	vmul.f32 v36, v6;
	v6 =	vld [tilespmem:$0x1F920]  }
0x3c9: {  	v0 =	vadd.f32 v5, v0;
	v5 =	vld [tilespmem:$0x1FA40]  }
0x3ca: {  	v7 =	vld.idx.msk [tilespmem:v25+s11+$0x0], $0xffff  }
0x3cb: {  	v24 =	vld.idx.msk [tilespmem:v14+s2+$0x0], $0xffff  }
0x3cc: {  	v1 =	vadd.f32 v33, v1;
	v33 =	vor.u32 $0xD, v25;
	v34 =	vmul.f32 v20, v60;
	v60 =	vld [tilespmem:$0x1FB00]  }
0x3cd: {  	v28 =	vmul.f32 v63, v27;
	v27 =	vld [tilespmem:$0x1FCF0];
	v17 =	vmul.f32 v36, v6;
	v6 =	vshll.u32 v15, $0x5  }
0x3ce: {  	v42 =	vmul.f32 v38, v41;
	v15 =	vor.u32 $0xC, v25;
	v4 =	vld [tilespmem:$0x1F9D0];
	v5 =	vmul.f32 v34, v5  }
0x3cf: {  	v44 =	vmul.f32 v38, v43;
	v1 =	vadd.f32 v16, v1;
	v3 =	vadd.f32 v17, v3;
	v17 =	vld [tilespmem:$0x1FB10]  }
0x3d0: {  	v2 =	vadd.f32 v5, v2;
	v5 =	vld [tilespmem:$0x1FA70]  }
0x3d1: {  	v1 =	vadd.f32 v42, v1;
	v3 =	vadd.f32 v44, v3;
	v44 =	vld.idx.msk [tilespmem:v33+s2+$0x0], $0xffff  }
0x3d2: {  	[tilespmem:$0x1F650] =	vst v26;
	v26 =	vld.idx.msk [tilespmem:v6+s10+$0x0], $0xffff  }
0x3d3: {  	[tilespmem:$0x1F5B0] =	vst v35;
	v1 =	vadd.f32 v52, v1;
	v35 =	vld.idx.msk [tilespmem:v15+s0+$0x0], $0xffff;
	v4 =	vmul.f32 v57, v4  }
0x3d4: {  	v41 =	vmov v34;
	v37 =	vld.idx.msk [tilespmem:v15+s2+$0x0], $0xffff  }
0x3d5: {  	v1 =	vadd.f32 v4, v1;
	v4 =	vld.idx.msk [tilespmem:v14+s0+$0x0], $0xffff;
	v5 =	vmul.f32 v41, v5  }
0x3d6: {  	v3 =	vadd.f32 v56, v3;
	v56 =	vld [tilespmem:$0x1FAD0]  }
0x3d7: {  	v7 =	vmul.f32 v21, v7;
	v0 =	vadd.f32 v5, v0;
	v5 =	vld [tilespmem:$0x1FAB0]  }
0x3d8: {  	[tilespmem:$0x1F670] =	vst v36;
	v36 =	vld [tilespmem:$0x1FA50]  }
0x3d9: {  	v16 =	vmul.f32 v26, v7;
	v7 =	vld [tilespmem:$0x1FA80]  }
0x3da: {  	[tilespmem:$0x1F690] =	vst v38;
	v19 =	vmul.f32 v57, v61;
	v38 =	vld [tilespmem:$0x1FA60];
	v42 =	vmul.f32 v24, v4  }
0x3db: {  	v51 =	vor.u32 $0xF, v25;
	v52 =	vmul.f32 v37, v35;
	v35 =	vld [tilespmem:$0x1FB50]  }
0x3dc: {  	v3 =	vadd.f32 v19, v3;
	v19 =	vor.u32 $0x11, v25;
	v47 =	vld [tilespmem:$0x1FAA0];
	v5 =	vmul.f32 v42, v5  }
0x3dd: {  	v43 =	vor.u32 $0xE, v25;
	v23 =	vmul.f32 v63, v32;
	v55 =	vmul.f32 v52, v53;
	v53 =	vld [tilespmem:$0x1FB80]  }
0x3de: {  	v0 =	vadd.f32 v5, v0;
	v5 =	vld [tilespmem:$0x1FAE0]  }
0x3df: {  	v3 =	vadd.f32 v23, v3;
	v21 =	vmul.f32 v52, v56;
	v56 =	vld [tilespmem:$0x1FBB0];
	v40 =	vmul.f32 v34, v38  }
0x3e0: {  	v59 =	vld.idx.msk [tilespmem:v51+s0+$0x0], $0xffff  }
0x3e1: {  	v38 =	vld.idx.msk [tilespmem:v19+s0+$0x0], $0xffff;
	v3 =	vadd.f32 v40, v3;
	v7 =	vmul.f32 v42, v7;
	v49 =	vmul.f32 v42, v47  }
0x3e2: {  	[tilespmem:$0x1F6C0] =	vst v57;
	v58 =	vor.u32 $0x10, v25;
	v57 =	vld.idx.msk [tilespmem:v43+s2+$0x0], $0xffff  }
0x3e3: {  	v2 =	vadd.f32 v7, v2;
	v3 =	vadd.f32 v49, v3;
	v7 =	vld.idx.msk [tilespmem:v43+s0+$0x0], $0xffff;
	v5 =	vmul.f32 v52, v5  }
0x3e4: {  	[tilespmem:$0x1F6E0] =	vst v63;
	v20 =	vmul.f32 v34, v36;
	v63 =	vld.idx.msk [tilespmem:v51+s2+$0x0], $0xffff;
	v1 =	vadd.f32 v28, v1  }
0x3e5: {  	v37 =	vor.u32 $0x12, v25;
	v3 =	vadd.f32 v5, v3;
	v5 =	vld [tilespmem:$0x1FAF0]  }
0x3e6: {  	v1 =	vadd.f32 v20, v1;
	v4 =	vld.idx.msk [tilespmem:v33+s0+$0x0], $0xffff;
	v46 =	vmul.f32 v42, v45  }
0x3e7: {  	v28 =	vld.idx.msk [tilespmem:v58+s2+$0x0], $0xffff  }
0x3e8: {  	v20 =	vor.u32 $0x15, v25;
	v1 =	vadd.f32 v46, v1;
	v46 =	vmul.f32 v57, v7;
	v7 =	vld [tilespmem:$0x1FB30]  }
0x3e9: {  	[tilespmem:$0x1F640] =	vst v33;
	v33 =	vld [tilespmem:$0x1FB40]  }
0x3ea: {  	v47 =	vld.idx.msk [tilespmem:v37+s2+$0x0], $0xffff;
	v5 =	vmul.f32 v52, v5  }
0x3eb: {  	v49 =	vld [tilespmem:$0x1FB70];
	v62 =	vmul.f32 v44, v4  }
0x3ec: {  	v0 =	vadd.f32 v5, v0;
	v5 =	vld.idx.msk [tilespmem:v58+s0+$0x0], $0xffff  }
0x3ed: {  	v23 =	vld.idx.msk [tilespmem:v20+s0+$0x0], $0xffff;
	v7 =	vmul.f32 v62, v7  }
0x3ee: {  	v2 =	vadd.f32 v55, v2;
	v61 =	vmul.f32 v62, v60;
	v26 =	vmul.f32 v62, v18;
	v18 =	vld [tilespmem:$0x1FBD0]  }
0x3ef: {  	v4 =	vor.u32 $0x1, v6;
	v0 =	vadd.f32 v7, v0;
	v7 =	vld [tilespmem:$0x1FB60]  }
0x3f0: {  	v1 =	vadd.f32 v21, v1;
	v24 =	vmul.f32 v62, v17;
	v2 =	vadd.f32 v61, v2;
	v61 =	vld [tilespmem:$0x1FEC0]  }
0x3f1: {  	[tilespmem:$0x1F660] =	vst v43;
	v60 =	vor.u32 $0x14, v25;
	v43 =	vmul.f32 v28, v5;
	v5 =	vld [tilespmem:$0x1FB90]  }
0x3f2: {  	[tilespmem:$0x1F5D0] =	vst v11;
	v1 =	vadd.f32 v24, v1;
	v24 =	vld.idx.msk [tilespmem:v20+s2+$0x0], $0xffff  }
0x3f3: {  	[tilespmem:$0x1F750] =	vst v20;
	v20 =	vld [tilespmem:$0x1FD20]  }
0x3f4: {  	v45 =	vmul.f32 v63, v59;
	v11 =	vld.idx.msk [tilespmem:v4+s10+$0x0], $0xffff;
	v3 =	vadd.f32 v26, v3;
	v7 =	vmul.f32 v46, v7  }
0x3f5: {  	[tilespmem:$0x1F700] =	vst v34;
	v55 =	vor.u32 $0x13, v25;
	v4 =	vld [tilespmem:$0x1FDF0];
	v34 =	vmul.f32 v46, v33  }
0x3f6: {  	v33 =	vmul.f32 v45, v53;
	v53 =	vld.idx.msk [tilespmem:v60+s0+$0x0], $0xffff;
	v3 =	vadd.f32 v7, v3;
	v5 =	vmul.f32 v45, v5  }
0x3f7: {  	v21 =	vld.idx.msk [tilespmem:v60+s2+$0x0], $0xffff  }
0x3f8: {  	v36 =	vmul.f32 v46, v35;
	v3 =	vadd.f32 v5, v3;
	v5 =	vld [tilespmem:$0x1FCC0]  }
0x3f9: {  	v2 =	vadd.f32 v34, v2;
	v34 =	vld [tilespmem:$0x1FE00]  }
0x3fa: {  	v17 =	vld.idx.msk [tilespmem:v55+s0+$0x0], $0xffff;
	v1 =	vadd.f32 v36, v1  }
0x3fb: {  	[tilespmem:$0x1F720] =	vst v42;
	v42 =	vld [tilespmem:$0x1FE10]  }
0x3fc: {  	v1 =	vadd.f32 v33, v1;
	v33 =	vld [tilespmem:$0x1FD30];
	v36 =	vmul.f32 v21, v53  }
0x3fd: {  	v57 =	vmul.f32 v45, v56;
	v21 =	vld [tilespmem:$0x1FE20];
	v5 =	vmul.f32 v43, v5  }
0x3fe: {  	v56 =	vmul.f32 v36, v34;
	v34 =	vmul.f32 v24, v23;
	v23 =	vld [tilespmem:$0x1FF20]  }
0x3ff: {  	v26 =	vor.u32 $0x17, v25;
	v1 =	vadd.f32 v5, v1;
	v5 =	vld [tilespmem:$0x1FDC0]  }
0x400: {  	[tilespmem:$0x1F730] =	vst v52;
	v52 =	vld.idx.msk [tilespmem:v19+s2+$0x0], $0xffff  }
0x401: {  	[tilespmem:$0x1F6D0] =	vst v19;
	v19 =	vld [tilespmem:$0x1FCD0]  }
0x402: {  	v22 =	vor.u32 $0x16, v25;
	v7 =	vld [tilespmem:$0x1FBA0]  }
0x403: {  	[tilespmem:$0x1F6B0] =	vst v58;
	v58 =	vld [tilespmem:$0x1FBC0]  }
0x404: {  	v35 =	vld.idx.msk [tilespmem:v26+s0+$0x0], $0xffff;
	v5 =	vmul.f32 v43, v5  }
0x405: {  	v41 =	vor.u32 $0x2, v6;
	v40 =	vmul.f32 v52, v38;
	v52 =	vld.idx.msk [tilespmem:v55+s2+$0x0], $0xffff  }
0x406: {  	v3 =	vadd.f32 v5, v3;
	v5 =	vld [tilespmem:$0x1FDD0]  }
0x407: {  	v28 =	vld.idx.msk [tilespmem:v22+s0+$0x0], $0xffff;
	v7 =	vmul.f32 v46, v7  }
0x408: {  	[tilespmem:$0x1F680] =	vst v51;
	v51 =	vmul.f32 v45, v49;
	v49 =	vmul.f32 v40, v18;
	v18 =	vld.idx.msk [tilespmem:v39+s30+$0x0], $0xffff  }
0x409: {  	v0 =	vadd.f32 v7, v0;
	v7 =	vld.idx.msk [tilespmem:v37+s0+$0x0], $0xffff  }
0x40a: {  	v2 =	vadd.f32 v51, v2;
	v51 =	vmul.f32 v40, v19;
	v19 =	vld.idx.msk [tilespmem:v41+s10+$0x0], $0xffff;
	v59 =	vmul.f32 v43, v58  }
0x40b: {  	v58 =	vld.idx.msk [tilespmem:v30+s30+$0x0], $0xffff;
	v5 =	vmul.f32 v40, v5  }
0x40c: {  	v2 =	vadd.f32 v59, v2;
	v59 =	vld.idx.msk [tilespmem:v26+s2+$0x0], $0xffff  }
0x40d: {  	v3 =	vadd.f32 v5, v3;
	v5 =	vld [tilespmem:$0x1FBE0]  }
0x40e: {  	v38 =	vmul.f32 v47, v7;
	v7 =	vld [tilespmem:$0x1FED0]  }
0x40f: {  	[tilespmem:$0x1F770] =	vst v26;
	v26 =	vld [tilespmem:$0x1FC30]  }
0x410: {  	[tilespmem:$0x1F6F0] =	vst v37;
	v37 =	vmul.f32 v52, v17;
	v17 =	vld.idx.msk [tilespmem:v39+s11+$0x0], $0xffff  }
0x411: {  	v63 =	vmul.f32 v43, v61;
	v39 =	vld [tilespmem:$0x1FD10];
	v0 =	vadd.f32 v57, v0  }
0x412: {  	v2 =	vadd.f32 v49, v2;
	v57 =	vld.idx.msk [tilespmem:v30+s11+$0x0], $0xffff;
	v5 =	vmul.f32 v38, v5  }
0x413: {  	v30 =	vld.idx.msk [tilespmem:v22+s2+$0x0], $0xffff;
	v0 =	vadd.f32 v63, v0;
	v7 =	vmul.f32 v40, v7  }
0x414: {  	v1 =	vadd.f32 v51, v1;
	v51 =	vor.u32 $0x18, v25;
	v2 =	vadd.f32 v5, v2;
	v5 =	vld [tilespmem:$0x1FDE0]  }
0x415: {  	v0 =	vadd.f32 v7, v0;
	v7 =	vld [tilespmem:$0x1FCE0]  }
0x416: {  	[tilespmem:$0x1F760] =	vst v22;
	v22 =	vld.idx.msk [tilespmem:v50+s11+$0x0], $0xffff  }
0x417: {  	v47 =	vld [tilespmem:$0x1FF10]  }
0x418: {  	v41 =	vmul.f32 v30, v28;
	v30 =	vld [tilespmem:$0x1FE50]  }
0x419: {  	v63 =	vor.u32 $0x3, v6;
	v61 =	vld.idx.msk [tilespmem:v51+s0+$0x0], $0xffff;
	v5 =	vmul.f32 v38, v5  }
0x41a: {  	v10 =	vld.idx.msk [tilespmem:v51+s2+$0x0], $0xffff;
	v7 =	vmul.f32 v38, v7  }
0x41b: {  	v4 =	vmul.f32 v37, v4;
	v3 =	vadd.f32 v5, v3;
	v5 =	vld [tilespmem:$0x1FBF0]  }
0x41c: {  	v1 =	vadd.f32 v7, v1;
	v7 =	vld [tilespmem:$0x1FEE0]  }
0x41d: {  	v3 =	vadd.f32 v4, v3;
	v4 =	vld [tilespmem:$0x1FC00]  }
0x41e: {  	v44 =	vmul.f32 v34, v42;
	v42 =	vld.idx.msk [tilespmem:v63+s10+$0x0], $0xffff  }
0x41f: {  	v63 =	vld [tilespmem:$0x1FF30]  }
0x420: {  	v49 =	vmul.f32 v34, v47;
	v47 =	vld.idx.msk [tilespmem:v50+s30+$0x0], $0xffff;
	v5 =	vmul.f32 v37, v5  }
0x421: {  	v50 =	vmul.f32 v10, v61;
	v10 =	vld [tilespmem:$0x1FC40];
	v7 =	vmul.f32 v38, v7  }
0x422: {  	[tilespmem:$0x1F710] =	vst v55;
	v55 =	vmul.f32 v37, v27;
	v2 =	vadd.f32 v5, v2;
	v5 =	vld [tilespmem:$0x1FEF0];
	v4 =	vmul.f32 v36, v4  }
0x423: {  	v0 =	vadd.f32 v7, v0;
	v7 =	vld [tilespmem:$0x1FD00]  }
0x424: {  	v1 =	vadd.f32 v55, v1;
	v55 =	vor.u32 $0x19, v25;
	v2 =	vadd.f32 v4, v2;
	v4 =	vld [tilespmem:$0x1FF00]  }
0x425: {  	v53 =	vor.u32 $0x1A, v25;
	v56 =	vadd.f32 v56, v3;
	v3 =	vld [tilespmem:$0x1FC10]  }
0x426: {  	v32 =	vmul.f32 v58, v57;
	v24 =	vmul.f32 v41, v23;
	v23 =	vld [tilespmem:$0x1FD40]  }
0x427: {  	v9 =	vmul.f32 v41, v8;
	v8 =	vld [tilespmem:$0x1FCA0];
	v5 =	vmul.f32 v37, v5  }
0x428: {  	v61 =	vmul.f32 v50, v10;
	v10 =	vld [tilespmem:$0x1FC60];
	v7 =	vmul.f32 v36, v7  }
0x429: {  	[tilespmem:$0x1F740] =	vst v60;
	v57 =	vor.u32 $0x1C, v25;
	v28 =	vld.idx.msk [tilespmem:v55+s0+$0x0], $0xffff;
	v0 =	vadd.f32 v5, v0;
	v4 =	vmul.f32 v36, v4  }
0x42a: {  	v1 =	vadd.f32 v7, v1;
	v56 =	vadd.f32 v44, v56;
	v44 =	vld.idx.msk [tilespmem:v53+s0+$0x0], $0xffff;
	v60 =	vmul.f32 v34, v3  }
0x42b: {  	v5 =	vadd.f32 v4, v0;
	v4 =	vmul.f32 v34, v39;
	v39 =	vmul.f32 v59, v35;
	v35 =	vld [tilespmem:$0x1FE30]  }
0x42c: {  	v0 =	vmul.f32 v41, v20;
	v20 =	vld.idx.msk [tilespmem:v53+s2+$0x0], $0xffff  }
0x42d: {  	v2 =	vadd.f32 v60, v2;
	v3 =	vadd.f32 v4, v1;
	v1 =	vmul.f32 v41, v21;
	v21 =	vld.idx.msk [tilespmem:v54+s11+$0x0], $0xffff  }
0x42e: {  	v5 =	vadd.f32 v49, v5;
	v27 =	vmul.f32 v39, v26;
	v26 =	vld [tilespmem:$0x1FF40]  }
0x42f: {  	v58 =	vor.u32 $0x1D, v25;
	v52 =	vadd.f32 v9, v2;
	v9 =	vmul.f32 v39, v63;
	v63 =	vld.idx.msk [tilespmem:v57+s0+$0x0], $0xffff  }
0x430: {  	v7 =	vadd.f32 v24, v5;
	v5 =	vld.idx.msk [tilespmem:v55+s2+$0x0], $0xffff  }
0x431: {  	v4 =	vadd.f32 v0, v3;
	v0 =	vmul.f32 v39, v33;
	v24 =	vld [tilespmem:$0x1FE40]  }
0x432: {  	v3 =	vadd.f32 v1, v56;
	v56 =	vor.u32 $0x1B, v25;
	v33 =	vmul.f32 v20, v44;
	v44 =	vld [tilespmem:$0x1FF50]  }
0x433: {  	v2 =	vmul.f32 v39, v35;
	v4 =	vadd.f32 v0, v4;
	v0 =	vmul.f32 v50, v23;
	v23 =	vld.idx.msk [tilespmem:v48+s11+$0x0], $0xffff  }
0x434: {  	v49 =	vor.u32 $0x4, v6;
	v7 =	vadd.f32 v9, v7;
	v9 =	vld.idx.msk [tilespmem:v58+s0+$0x0], $0xffff  }
0x435: {  	v2 =	vadd.f32 v2, v3;
	v3 =	vld.idx.msk [tilespmem:v54+s30+$0x0], $0xffff  }
0x436: {  	v52 =	vadd.f32 v27, v52;
	[tilespmem:$0x1F5F0] =	vst v21;
	v21 =	vld.idx.msk [tilespmem:v57+s2+$0x0], $0xffff  }
0x437: {  	v20 =	vmul.f32 v33, v10;
	v10 =	vld [tilespmem:$0x1FD70]  }
0x438: {  	v61 =	vadd.f32 v61, v52;
	v52 =	vmul.f32 v5, v28;
	v5 =	vld.idx.msk [tilespmem:v56+s0+$0x0], $0xffff  }
0x439: {  	v28 =	vld.idx.msk [tilespmem:v49+s10+$0x0], $0xffff  }
0x43a: {  	v0 =	vadd.f32 v0, v4;
	v4 =	vld.idx.msk [tilespmem:v56+s2+$0x0], $0xffff  }
0x43b: {  	v1 =	vmul.f32 v50, v24;
	[tilespmem:$0x1F600] =	vst v3;
	v3 =	vld [tilespmem:$0x1FC50]  }
0x43c: {  	v24 =	vld [tilespmem:$0x1FD60]  }
0x43d: {  	v1 =	vadd.f32 v1, v2;
	v2 =	vmul.f32 v50, v26;
	v26 =	vld [tilespmem:$0x1FF60]  }
0x43e: {  	[tilespmem:$0x1F620] =	vst v28;
	v28 =	vld [tilespmem:$0x1FC70]  }
0x43f: {  	v35 =	vmul.f32 v52, v30;
	[tilespmem:$0x1F630] =	vst v23;
	v23 =	vld [tilespmem:$0x1FF70]  }
0x440: {  	v60 =	vmul.f32 v52, v3;
	v3 =	vld [tilespmem:$0x1FD50]  }
0x441: {  	v1 =	vadd.f32 v35, v1;
	v35 =	vld.idx.msk [tilespmem:v48+s30+$0x0], $0xffff;
	v59 =	vmul.f32 v4, v5  }
0x442: {  	v5 =	vld.idx.msk [tilespmem:v58+s2+$0x0], $0xffff;
	v61 =	vadd.f32 v60, v61  }
0x443: {  	v60 =	vor.u32 $0x5, v6;
	v30 =	vmul.f32 v59, v28;
	v28 =	vld [tilespmem:$0x1FD80]  }
0x444: {  	v54 =	vor.u32 $0x1E, v25;
	v61 =	vadd.f32 v20, v61;
	v20 =	vld [tilespmem:$0x1FE70]  }
0x445: {  	v49 =	vmul.f32 v52, v44;
	v7 =	vadd.f32 v2, v7;
	v27 =	vmul.f32 v52, v3;
	v3 =	vld [tilespmem:$0x1FE60]  }
0x446: {  	[tilespmem:$0x1F5E0] =	vst v42;
	v48 =	vadd.f32 v30, v61;
	v30 =	vld [tilespmem:$0x1FE80]  }
0x447: {  	v7 =	vadd.f32 v49, v7;
	v61 =	vld.idx.msk [tilespmem:v31+s30+$0x0], $0xffff;
	v42 =	vadd.f32 v27, v0;
	v27 =	vmul.f32 v33, v26  }
0x448: {  	v0 =	vmul.f32 v33, v24;
	v44 =	vld.idx.msk [tilespmem:v60+s10+$0x0], $0xffff  }
0x449: {  	v26 =	vmul.f32 v21, v63;
	v63 =	vld.idx.msk [tilespmem:v54+s0+$0x0], $0xffff;
	v7 =	vadd.f32 v27, v7  }
0x44a: {  	v27 =	vld.idx.msk [tilespmem:v54+s2+$0x0], $0xffff;
	v4 =	vmul.f32 v33, v3;
	v3 =	vadd.f32 v0, v42;
	v0 =	vmul.f32 v59, v10  }
0x44b: {  	v24 =	vld [tilespmem:$0x1FC80];
	v42 =	vor.u32 $0x1F, v25  }
0x44c: {  	v2 =	vadd.f32 v0, v3;
	v3 =	vmul.f32 v59, v23;
	v23 =	vmul.f32 v5, v9;
	v9 =	vld [tilespmem:$0x1FF80]  }
0x44d: {  	v49 =	vmul.f32 v26, v30;
	v30 =	vld.idx.msk [tilespmem:v31+s11+$0x0], $0xffff;
	v5 =	vmul.f32 v26, v28  }
0x44e: {  	v7 =	vadd.f32 v3, v7;
	v3 =	vld [tilespmem:$0x1FD90]  }
0x44f: {  	v2 =	vadd.f32 v5, v2;
	v5 =	vor.u32 $0x7, v6;
	v31 =	vmul.f32 v27, v63;
	v27 =	vld [tilespmem:$0x1FF90]  }
0x450: {  	v21 =	vmul.f32 v59, v20;
	v1 =	vadd.f32 v4, v1;
	v25 =	vmul.f32 v26, v24;
	v24 =	vld [tilespmem:$0x1FC90]  }
0x451: {  	v60 =	vor.u32 $0x6, v6;
	v10 =	vld.idx.msk [tilespmem:v42+s0+$0x0], $0xffff;
	v20 =	vmul.f32 v26, v9  }
0x452: {  	v4 =	vadd.f32 v21, v1;
	v21 =	vld.idx.msk [tilespmem:v42+s2+$0x0], $0xffff  }
0x453: {  	v1 =	vadd.f32 v20, v7;
	v7 =	vmul.f32 v23, v3;
	v3 =	vld [tilespmem:$0x1FE90]  }
0x454: {  	v4 =	vadd.f32 v49, v4;
	v49 =	vmul.f32 v23, v27;
	v27 =	vld.idx.msk [tilespmem:v5+s10+$0x0], $0xffff  }
0x455: {  	v5 =	vld [tilespmem:$0x1F5B0]  }
0x456: {  	v28 =	vld.idx.msk [tilespmem:v60+s10+$0x0], $0xffff  }
0x457: {  	v60 =	vld.idx.msk [tilespmem:v29+s11+$0x0], $0xffff;
	v48 =	vadd.f32 v25, v48;
	v0 =	vmul.f32 v23, v24  }
0x458: {  	v24 =	vld [tilespmem:$0x1FEA0]  }
0x459: {  	v9 =	vmul.f32 v31, v8;
	v0 =	vadd.f32 v0, v48;
	v21 =	vmul.f32 v21, v10;
	v10 =	vld [tilespmem:$0x1FDA0]  }
0x45a: {  	v8 =	vld [tilespmem:$0x1FFA0];
	v25 =	vmul.f32 v23, v3  }
0x45b: {  	v3 =	vadd.f32 v7, v2;
	v2 =	vadd.f32 v9, v0;
	v9 =	vld [tilespmem:$0x1FDB0]  }
0x45c: {  	v7 =	vor.u32 $0x8, v6;
	v4 =	vadd.f32 v25, v4;
	v25 =	vld.idx.msk [tilespmem:v29+s30+$0x0], $0xffff  }
0x45d: {  	v29 =	vld.idx.msk [tilespmem:v5+s11+$0x0], $0xffff  }
0x45e: {  	v20 =	vmul.f32 v31, v10;
	v48 =	vld.idx.msk [tilespmem:v5+s30+$0x0], $0xffff  }
0x45f: {  	v5 =	vld [tilespmem:$0x1FCB0]  }
0x460: {  	v3 =	vadd.f32 v20, v3;
	v20 =	vld [tilespmem:$0x1FEB0]  }
0x461: {  	v1 =	vadd.f32 v49, v1;
	v49 =	vmul.f32 v31, v24;
	v24 =	vld.idx.msk [tilespmem:v7+s10+$0x0], $0xffff  }
0x462: {  	v7 =	vmul.f32 v21, v9;
	v9 =	vld [tilespmem:$0x1FFB0];
	_ =	sdelay $0x1  }
0x463: {  	v32 =	vmul.f32 v11, v32;
	v10 =	vor.u32 $0x9, v6  }
0x464: {  	v11 =	vld [tilespmem:$0x1FFF0];
	v0 =	vmul.f32 v31, v8;
	v4 =	vadd.f32 v49, v4;
	v49 =	vmul.f32 v21, v20  }
0x465: {  	v63 =	vmul.f32 v21, v5;
	v20 =	vld [tilespmem:$0x1FFD0]  }
0x466: {  	v5 =	vadd.f32 v0, v1;
	v0 =	vmul.f32 v21, v9;
	v1 =	vadd.f32 v49, v4;
	v4 =	vld [tilespmem:$0x1FFC0]  }
0x467: {  	v3 =	vadd.f32 v7, v3;
	v7 =	vmul.f32 v18, v17;
	v9 =	vld [tilespmem:$0x1FFE0]  }
0x468: {  	v18 =	vld.idx.msk [tilespmem:v10+s10+$0x0], $0xffff;
	v10 =	vor.u32 $0xB, v6;
	v0 =	vadd.f32 v0, v5;
	v5 =	vadd.f32 $0.0e+00, v16  }
0x469: {  	v2 =	vadd.f32 v63, v2  }
0x46a: {  	v16 =	vld.idx.msk [tilespmem:v12+s30+$0x0], $0xffff;
	v17 =	vadd.f32 v32, v5  }
0x46b: {  	v5 =	vmul.f32 v19, v7;
	v49 =	vadd.f32 v2, v4;
	v4 =	vadd.f32 v3, v20;
	v20 =	vld.idx.msk [tilespmem:v12+s11+$0x0], $0xffff  }
0x46c: {  	v3 =	vadd.f32 v1, v9;
	v9 =	vld [tilespmem:$0x1F5E0]  }
0x46d: {  	v12 =	vadd.f32 v0, v11;
	v2 =	vadd.f32 v5, v17;
	v17 =	vld.idx.msk [tilespmem:v10+s10+$0x0], $0xffff  }
0x46e: {  	v10 =	vld [tilespmem:$0x1F5F0]  }
0x46f: {  	v32 =	vmul.f32 v47, v22;
	v0 =	vmax.f32 v3, v12;
	v47 =	vmov v12;
	[tilespmem:$0x1F7B0] =	vst v12;
	v12 =	vld [tilespmem:$0x1F5C0]  }
0x470: {  	v7 =	vmax.f32 v49, v4;
	v1 =	vmov v3;
	[tilespmem:$0x1F7A0] =	vst v3;
	v3 =	vld [tilespmem:$0x1F5D0]  }
0x471: {  	v11 =	vmax.f32 v7, v0;
	v7 =	vld [tilespmem:$0x1F600]  }
0x472: {  	v8 =	vor.u32 $0xA, v6  }
0x473: {  	v30 =	vmul.f32 v61, v30;
	v61 =	vld [tilespmem:$0x1F670]  }
0x474: {  	v22 =	vld.idx.msk [tilespmem:v14+s11+$0x0], $0xffff  }
0x475: {  	v5 =	vsub.f32 v49, v11;
	v3 =	vadd.f32 v3, v12;
	v12 =	vld.idx.msk [tilespmem:v14+s30+$0x0], $0xffff  }
0x476: {  	v0 =	vsub.f32 v4, v11;
	v14 =	vmul.f32 v9, v32;
	v9 =	vld [tilespmem:$0x1F610];
	v32 =	vmul.f32 v7, v10;
	v10 =	vmovc v15  }
0x477: {  	v19 =	vld.idx.msk [tilespmem:v8+s10+$0x0], $0xffff;
	v8 =	vor.u32 $0xC, v6;
	v5 =	vmul.f32 $1.442695020e+00, v5  }
0x478: {  	[tilespmem:$0x1F790] =	vst v4;
	v0 =	vmul.f32 $1.442695020e+00, v0;
	v4 =	vadd.f32 v14, v2;
	v14 =	vld [tilespmem:$0x1F620];
	v2 =	vsub.f32 v1, v11  }
0x479: {  	(erf) = vpow2.f32 v5;
	v5 =	vld [tilespmem:$0x1F640]  }
0x47a: {  	(erf) = vpow2.f32 v0;
	v0 =	vmul.f32 $1.442695020e+00, v2;
	v2 =	vld [tilespmem:$0x1F650]  }
0x47b: {  	v3 =	vadd.f32 v9, v3;
	v9 =	vld.idx.msk [tilespmem:v10+s30+$0x0], $0xffff  }
0x47c: {  	v10 =	vld [tilespmem:$0x1F630]  }
0x47d: {  	v32 =	vmul.f32 v14, v32;
	v14 =	vld.idx.msk [tilespmem:v8+s10+$0x0], $0xffff;
	v8 =	vor.u32 $0xE, v6  }
0x47e: {  	v25 =	vmul.f32 v25, v60;
	v60 =	vld [tilespmem:$0x1F690]  }
0x47f: {  	v63 =	vld.idx.msk [tilespmem:v13+s11+$0x0], $0xffff  }
0x480: {  	v13 =	vld.idx.msk [tilespmem:v13+s30+$0x0], $0xffff  }
0x481: {  	v16 =	vmul.f32 v16, v20;
	v35 =	vmul.f32 v35, v10;
	v10 =	vld.idx.msk [tilespmem:v5+s11+$0x0], $0xffff  }
0x482: {  	v7 =	vor.u32 $0xD, v6;
	v3 =	vadd.f32 v2, v3;
	v2 =	vadd.f32 v32, v4;
	v4 =	vld.idx.msk [tilespmem:v8+s10+$0x0], $0xffff  }
0x483: {  	v8 =	vld [tilespmem:$0x1F680]  }
0x484: {  	v16 =	vmul.f32 v19, v16;
	v19 =	vor.u32 $0x13, v6;
	v5 =	vld.idx.msk [tilespmem:v5+s30+$0x0], $0xffff  }
0x485: {  	v15 =	vld.idx.msk [tilespmem:v15+s11+$0x0], $0xffff;
	v1 =	vsub.f32 v47, v11;
	v32 =	vmul.f32 v44, v35;
	v35 =	vor.u32 $0xF, v6  }
0x486: {  	v3 =	vadd.f32 v61, v3;
	v44 =	vld [tilespmem:$0x1F660]  }
0x487: {  	v7 =	vld.idx.msk [tilespmem:v7+s10+$0x0], $0xffff;
	(erf) = vpow2.f32 v0;
	v0 =	vmul.f32 $1.442695020e+00, v1  }
0x488: {  	v61 =	vmul.f32 v28, v30;
	v3 =	vadd.f32 v60, v3;
	v60 =	vld [tilespmem:$0x1F6B0];
	v2 =	vadd.f32 v32, v2  }
0x489: {  	v5 =	vmul.f32 v5, v10;
	v10 =	vld.idx.msk [tilespmem:v19+s10+$0x0], $0xffff  }
0x48a: {  	(erf) = vpow2.f32 v0;
	v0 =	vadd.f32 v61, v2;
	v61 =	vmul.f32 v27, v25;
	v27 =	vld.idx.msk [tilespmem:v35+s10+$0x0], $0xffff  }
0x48b: {  	v28 =	vld.idx.msk [tilespmem:v8+s11+$0x0], $0xffff  }
0x48c: {  	v32 =	vld.idx.msk [tilespmem:v8+s30+$0x0], $0xffff  }
0x48d: {  	v8 =	vmul.f32 v48, v29;
	v48 =	vld [tilespmem:$0x1F6A0]  }
0x48e: {  	v30 =	vor.u32 $0x10, v6;
	v1 =	vld.idx.msk [tilespmem:v44+s11+$0x0], $0xffff  }
0x48f: {  	v44 =	vld.idx.msk [tilespmem:v44+s30+$0x0], $0xffff  }
0x490: {  	v29 =	vpop (erf);
	v35 =	vld.idx.msk [tilespmem:v60+s11+$0x0], $0xffff  }
0x491: {  	v13 =	vmul.f32 v13, v63;
	v0 =	vadd.f32 v61, v0;
	v63 =	vpop (erf);
	v61 =	vmul.f32 v24, v8;
	v24 =	vld.idx.msk [tilespmem:v60+s30+$0x0], $0xffff  }
0x492: {  	v8 =	vld [tilespmem:$0x1F6C0];
	v25 =	vadd.f32 v63, v29  }
0x493: {  	v29 =	vld.idx.msk [tilespmem:v30+s10+$0x0], $0xffff;
	v60 =	vpop (erf);
	v63 =	vor.u32 $0x12, v6  }
0x494: {  	v2 =	vmul.f32 v18, v13;
	v0 =	vadd.f32 v61, v0;
	v61 =	vld [tilespmem:$0x1F6D0];
	v13 =	vadd.f32 v25, v60  }
0x495: {  	v47 =	vpop (erf);
	v60 =	vld [tilespmem:$0x1F700];
	v3 =	vadd.f32 v48, v3;
	v48 =	vor.u32 $0x11, v6  }
0x496: {  	v2 =	vadd.f32 v2, v0;
	v0 =	vadd.f32 v13, v47;
	v47 =	vld [tilespmem:$0x1F730]  }
0x497: {  	v3 =	vadd.f32 v8, v3;
	v8 =	vld [tilespmem:$0x1F6E0]  }
0x498: {  	v12 =	vmul.f32 v12, v22;
	v2 =	vadd.f32 v16, v2;
	v16 =	vld.idx.msk [tilespmem:v63+s10+$0x0], $0xffff  }
0x499: {  	v63 =	vld [tilespmem:$0x1F710]  }
0x49a: {  	v12 =	vmul.f32 v17, v12;
	v17 =	vor.u32 $0x14, v6;
	v25 =	vld.idx.msk [tilespmem:v48+s10+$0x0], $0xffff  }
0x49b: {  	v9 =	vmul.f32 v9, v15;
	v48 =	vld [tilespmem:$0x1F6F0]  }
0x49c: {  	v18 =	vld.idx.msk [tilespmem:v61+s11+$0x0], $0xffff  }
0x49d: {  	v9 =	vmul.f32 v14, v9;
	v2 =	vadd.f32 v12, v2;
	v20 =	vld.idx.msk [tilespmem:v61+s30+$0x0], $0xffff  }
0x49e: {  	v1 =	vmul.f32 v44, v1;
	v44 =	vmul.f32 v32, v28;
	v3 =	vadd.f32 v8, v3;
	v8 =	vld [tilespmem:$0x1F720]  }
0x49f: {  	v61 =	vmul.f32 $-9.557937830e-02, v0;
	v2 =	vadd.f32 v9, v2;
	v9 =	vld.idx.msk [tilespmem:v17+s10+$0x0], $0xffff  }
0x4a0: {  	v5 =	vmul.f32 v7, v5;
	v17 =	vmul.f32 v27, v44;
	v44 =	vld.idx.msk [tilespmem:v51+s11+$0x0], $0xffff  }
0x4a1: {  	v3 =	vadd.f32 v60, v3;
	v30 =	vadd.f32 $9.123227000e-01, v61;
	v61 =	vld [tilespmem:$0x1F740]  }
0x4a2: {  	v2 =	vadd.f32 v5, v2;
	v5 =	vor.u32 $0x16, v6;
	v15 =	vld.idx.msk [tilespmem:v63+s11+$0x0], $0xffff  }
0x4a3: {  	v3 =	vadd.f32 v8, v3;
	v8 =	vld [tilespmem:$0x1F750]  }
0x4a4: {  	v60 =	vmul.f32 v30, v0;
	v13 =	vld.idx.msk [tilespmem:v48+s11+$0x0], $0xffff  }
0x4a5: {  	v22 =	vld.idx.msk [tilespmem:v48+s30+$0x0], $0xffff  }
0x4a6: {  	v1 =	vmul.f32 v4, v1;
	v48 =	vld.idx.msk [tilespmem:v63+s30+$0x0], $0xffff;
	v12 =	vadd.f32 $-7.633615730e-01, v60;
	v60 =	vmul.f32 v24, v35  }
0x4a7: {  	v5 =	vld.idx.msk [tilespmem:v5+s10+$0x0], $0xffff  }
0x4a8: {  	v1 =	vadd.f32 v1, v2;
	v2 =	vmul.f32 v29, v60;
	v60 =	vld.idx.msk [tilespmem:v55+s30+$0x0], $0xffff  }
0x4a9: {  	v3 =	vadd.f32 v47, v3;
	v14 =	vld.idx.msk [tilespmem:v61+s11+$0x0], $0xffff  }
0x4aa: {  	v32 =	vor.u32 $0x18, v6;
	v7 =	vld.idx.msk [tilespmem:v61+s30+$0x0], $0xffff  }
0x4ab: {  	v63 =	vor.u32 $0x15, v6;
	v47 =	vsub.f32 $0.0e+00, v12;
	v3 =	vadd.f32 v62, v3;
	v61 =	vld [tilespmem:$0x1F760]  }
0x4ac: {  	v4 =	vld.idx.msk [tilespmem:v8+s11+$0x0], $0xffff  }
0x4ad: {  	v30 =	vmul.f32 $1.442695020e+00, v47;
	v3 =	vadd.f32 v46, v3;
	v28 =	vld.idx.msk [tilespmem:v8+s30+$0x0], $0xffff  }
0x4ae: {  	v8 =	vld [tilespmem:$0x1F770]  }
0x4af: {  	v47 =	vld.idx.msk [tilespmem:v32+s10+$0x0], $0xffff;
	(erf) = vpow2.f32 v30;
	v3 =	vadd.f32 v45, v3  }
0x4b0: {  	v1 =	vadd.f32 v17, v1;
	v19 =	vld.idx.msk [tilespmem:v63+s10+$0x0], $0xffff;
	v63 =	vmul.f32 v20, v18  }
0x4b1: {  	v32 =	vld.idx.msk [tilespmem:v53+s30+$0x0], $0xffff;
	v3 =	vadd.f32 v43, v3  }
0x4b2: {  	v1 =	vadd.f32 v2, v1;
	v13 =	vmul.f32 v22, v13;
	v46 =	vld.idx.msk [tilespmem:v51+s30+$0x0], $0xffff;
	v35 =	vmul.f32 v25, v63  }
0x4b3: {  	v62 =	vor.u32 $0x17, v6;
	v15 =	vmul.f32 v48, v15;
	v48 =	vld.idx.msk [tilespmem:v55+s11+$0x0], $0xffff;
	v3 =	vadd.f32 v40, v3  }
0x4b4: {  	v1 =	vadd.f32 v35, v1;
	v43 =	vmul.f32 v16, v13;
	v24 =	vld.idx.msk [tilespmem:v61+s11+$0x0], $0xffff  }
0x4b5: {  	v51 =	vor.u32 $0x1A, v6;
	v29 =	vld.idx.msk [tilespmem:v61+s30+$0x0], $0xffff;
	v3 =	vadd.f32 v38, v3  }
0x4b6: {  	v10 =	vmul.f32 v10, v15;
	v7 =	vmul.f32 v7, v14;
	v1 =	vadd.f32 v43, v1;
	v18 =	vld.idx.msk [tilespmem:v8+s11+$0x0], $0xffff  }
0x4b7: {  	v45 =	vor.u32 $0x19, v6;
	v17 =	vld.idx.msk [tilespmem:v8+s30+$0x0], $0xffff;
	v3 =	vadd.f32 v37, v3  }
0x4b8: {  	v40 =	vld.idx.msk [tilespmem:v62+s10+$0x0], $0xffff;
	v7 =	vmul.f32 v9, v7;
	v4 =	vmul.f32 v28, v4;
	v1 =	vadd.f32 v10, v1;
	v62 =	vpop (erf)  }
0x4b9: {  	v55 =	vld.idx.msk [tilespmem:v54+s30+$0x0], $0xffff;
	v10 =	vmul.f32 v62, v0;
	v3 =	vadd.f32 v36, v3  }
0x4ba: {  	v63 =	vld.idx.msk [tilespmem:v53+s11+$0x0], $0xffff;
	v4 =	vmul.f32 v19, v4;
	v1 =	vadd.f32 v7, v1;
	v7 =	vmul.f32 v29, v24  }
0x4bb: {  	v30 =	vor.u32 $0x1B, v6;
	v35 =	vld.idx.msk [tilespmem:v51+s10+$0x0], $0xffff;
	v10 =	vadd.f32 v10, v12;
	v3 =	vadd.f32 v34, v3  }
0x4bc: {  	v61 =	vld.idx.msk [tilespmem:v45+s10+$0x0], $0xffff;
	v1 =	vadd.f32 v4, v1;
	v4 =	vmul.f32 v5, v7;
	v36 =	vmul.f32 v17, v18  }
0x4bd: {  	v14 =	vmul.f32 v60, v48;
	v48 =	vld.idx.msk [tilespmem:v58+s30+$0x0], $0xffff;
	v10 =	vadd.f32 $-1.000000000e+00, v10;
	v3 =	vadd.f32 v41, v3  }
0x4be: {  	v37 =	vld.idx.msk [tilespmem:v56+s30+$0x0], $0xffff;
	v1 =	vadd.f32 v4, v1;
	v4 =	vmul.f32 v46, v44;
	v15 =	vmul.f32 v40, v36  }
0x4bf: {  	v5 =	vld.idx.msk [tilespmem:v56+s11+$0x0], $0xffff;
	v7 =	vor.u32 $0x1C, v6;
	v43 =	vsub.f32 $0.0e+00, v10  }
0x4c0: {  	v38 =	vld.idx.msk [tilespmem:v30+s10+$0x0], $0xffff;
	v3 =	vadd.f32 v39, v3;
	v2 =	vmul.f32 v47, v4;
	v1 =	vadd.f32 v15, v1  }
0x4c1: {  	v41 =	vor.u32 $0x1D, v6;
	v40 =	vld.idx.msk [tilespmem:v57+s11+$0x0], $0xffff;
	v47 =	vmul.f32 v61, v14;
	v44 =	vmul.f32 $1.442695020e+00, v43  }
0x4c2: {  	v4 =	vld.idx.msk [tilespmem:v57+s30+$0x0], $0xffff;
	v3 =	vadd.f32 v50, v3;
	v50 =	vmul.f32 v32, v63;
	v1 =	vadd.f32 v2, v1  }
0x4c3: {  	v45 =	vld.idx.msk [tilespmem:v58+s11+$0x0], $0xffff;
	v46 =	vor.u32 $0x1E, v6;
	(erf) = vpow2.f32 v44  }
0x4c4: {  	v53 =	vld.idx.msk [tilespmem:v54+s11+$0x0], $0xffff;
	v5 =	vmul.f32 v37, v5;
	v12 =	vmul.f32 v35, v50;
	v1 =	vadd.f32 v47, v1  }
0x4c5: {  	v6 =	vor.u32 $0x1F, v6;
	v7 =	vld.idx.msk [tilespmem:v7+s10+$0x0], $0xffff  }
0x4c6: {  	v58 =	vld.idx.msk [tilespmem:v42+s30+$0x0], $0xffff;
	v5 =	vmul.f32 v38, v5;
	v3 =	vadd.f32 v52, v3;
	v1 =	vadd.f32 v12, v1  }
0x4c7: {  	v51 =	vld.idx.msk [tilespmem:v41+s10+$0x0], $0xffff;
	v4 =	vmul.f32 v4, v40  }
0x4c8: {  	v56 =	vld.idx.msk [tilespmem:v46+s10+$0x0], $0xffff;
	v3 =	vadd.f32 v33, v3;
	v1 =	vadd.f32 v5, v1;
	v5 =	vmul.f32 v48, v45  }
0x4c9: {  	v57 =	vld.idx.msk [tilespmem:v42+s11+$0x0], $0xffff  }
0x4ca: {  	v4 =	vmul.f32 v7, v4;
	v3 =	vadd.f32 v59, v3  }
0x4cb: {  	v6 =	vld.idx.msk [tilespmem:v6+s10+$0x0], $0xffff;
	v2 =	vmul.f32 v55, v53  }
0x4cc: {  	v3 =	vadd.f32 v26, v3;
	v1 =	vadd.f32 v4, v1;
	v4 =	vmul.f32 v51, v5;
	v5 =	vpop (erf)  }
0x4cd: {  	v60 =	vld [tilespmem:$0x1F780];
	v2 =	vmul.f32 v56, v2;
	v0 =	vmul.f32 v5, v0  }
0x4ce: {  	v3 =	vadd.f32 v23, v3;
	v1 =	vadd.f32 v4, v1;
	v4 =	vmul.f32 v58, v57  }
0x4cf: {  	v0 =	vadd.f32 v0, v10  }
0x4d0: {  	v3 =	vadd.f32 v31, v3;
	v1 =	vadd.f32 v2, v1;
	v59 =	vmul.f32 v6, v4  }
0x4d1: {  	v61 =	vld [tilespmem:$0x1F790];
	v0 =	vadd.f32 $-1.000000000e+00, v0  }
0x4d2: {  	v62 =	vld [tilespmem:$0x1F7A0];
	v2 =	vshll.u32 v60, $0x2;
	v3 =	vadd.f32 v21, v3;
	v1 =	vadd.f32 v59, v1  }
0x4d3: {  	v63 =	vld [tilespmem:$0x1F7B0];
	v4 =	vor.u32 $0x1, v2;
	v0 =	vadd.f32 v0, v11  }
0x4d4: {  	v5 =	vor.u32 $0x2, v2;
	v1 =	vadd.f32 v1, v3  }
0x4d5: {  	p0 =	sne.s32 s7, $0x1F0;
	v6 =	vor.u32 $0x3, v2;
	[tilespmem:s24+$0x0] =	vst v3;
	v3 =	vsub.f32 v49, v0  }
.Ltmp1:
0x4d6: {  	[tilespmem:s9+$0x0] =	vst v1;
	v1 =	vsub.f32 v61, v0;
	(pc) =	sbr.rel @p0 .LBB2_4-.Ltmp1, $4  }
0x4d7: {  	[tilespmem:v2+s12+$0x0] =	vst.idx.msk $0xffff, v3;
	v2 =	vsub.f32 v62, v0  }
0x4d8: {  	v0 =	vsub.f32 v63, v0;
	[tilespmem:v4+s12+$0x0] =	vst.idx.msk $0xffff, v1  }
0x4d9: {  	s8 =	sadd.s32 $0x10, s8;
	[tilespmem:v5+s12+$0x0] =	vst.idx.msk $0xffff, v2  }
0x4da: {  	s7 =	sadd.s32 $0x10, s7;
	s24 =	sadd.s32 $0x10, s24;
	s9 =	sadd.s32 $0x10, s9;
	v5 =	vlaneseq.u32;
	[tilespmem:v6+s12+$0x0] =	vst.idx.msk $0xffff, v0  }
0x4db: {  	s0 =	rddreg [dreg:$0x14];
	s2 =	simm.s32 $0x10710  }
0x4dc: {  	[hbm4b:s0+s1] =	stream.linear.scatter [tilespmem:s2], [sflag:$0x2], $0x200, $0x38;
	[tilespmem:$0x11310] =	vst v63  }
0x4dd: {  	s2 =	simm.s32 $0x2  }
0x4de: {  	_ =	swait.ge [sflag:s2], $0x200  }
0x4df: {  	[sflag:s2] =	ssyncset.done $0x0  }
0x4e0: {  	s7 =	simm.s32 $0x10910;
	s26 =	rddreg [dreg:$0x15];
	[sflag:s2] =	ssyncadd.s32 $0xFFFFFE00  }
0x4e1: {  	[hbm4b:s26+s1] =	stream.linear.scatter [tilespmem:s7], [sflag:$0x2], $0x200, $0x38;
	[tilespmem:$0x11310] =	vst v63  }
0x4e2: {  	_ =	swait.ge [sflag:s2], $0x200  }
0x4e3: {  	[sflag:s2] =	ssyncset.done $0x0  }
0x4e4: {  	s28 =	rddreg [dreg:$0x16];
	[sflag:s2] =	ssyncadd.s32 $0xFFFFFE00  }
0x4e5: {  	[hbm4b:s28+s1] =	stream.linear.scatter [tilespmem:s12], [sflag:$0x2], $0x800, $0x38;
	[tilespmem:$0x11310] =	vst v63  }
0x4e6: {  	_ =	swait.ge [sflag:s2], $0x800  }
0x4e7: {  	s29 =	rddreg [dreg:$0x18]  }
0x4e8: {  	s31 =	rddreg [dreg:$0x17];
	s7 =	sadd.s32 $0x1, s29  }
0x4e9: {  	p0 =	sne.s32 s7, s31  }
.Ltmp2:
0x4ea: {  	_ = 	snop;
	(pc) =	sbr.rel @p0 .LBB2_1-.Ltmp2, $3  }
0x4eb: {  	_ =	sdelay $0x1  }
0x4ec: {  	[sflag:s2] =	ssyncset.done $0x0  }
0x4ed: {  	[sflag:s2] =	ssyncadd.s32 $0xFFFFF800  }
0x4ee: {  	_ =	sfence.sel $0x180000  }
0x4ef: {  	[bflag:$0x0] =	sbarrier.arrive $0xFFFF  }
0x4f0: {  	_ =	strace $0x90000047  }
0x4f1: {  	s0 =	stileid.u32;
	[bflag:$0x2] =	sbarrier.arrive $0xFFFF  }
0x4f2: {  	p0 =	sne.s32 s0, $0x0;
	s0 =	rddreg [dreg:$0x7]  }
0x4f3: {  	s0 =	sadd.s32 @!p0 $0x100000, s0  }
0x4f4: {  	[sflag:s0] =	ssyncadd.tile.s32 @!p0 $0x1;
	_ =	shalt  }
.Lfunc_end2:
_tile_overlayer_lowered:
.L_overlay_start_2:
0x4f5: {  	(tag) =	ssettag $0x2  }
0x4f6: {  	s0 =	rddreg [dreg:$0x0];
	s2 =	stileid.u32  }
0x4f7: {  	s1 =	rddreg [dreg:$0x1];
	p0 =	sne.s32 s2, $0x0  }
0x4f8: {  	s3 =	rddreg [dreg:$0x2];
	[bflag:$0x3] =	sbarrier.arrive $0xFFFF;
	s2 =	simm.s32 @!p0 $0x1C02  }
0x4f9: {  	[timem:s3], [sflag:s2] =	dma.local @!p0 [hbm:s0], s1  }
0x4fa: {  	s0 =	simm.s32 @!p0 $0x2  }
0x4fb: {  	_ =	swait.ge @!p0 [sflag:s0], s1  }
0x4fc: {  	s1 =	ssub.s32 @!p0 $0x0, s1;
	[sflag:s0] =	ssyncset.done @!p0 $0x0  }
0x4fd: {  	[sflag:s0] =	ssyncadd.s32 @!p0 s1  }
0x4fe: {  	[bflag:$0x3] =	sbarrier.arrive $0xFFFF  }
0x4ff: {  	_ =	shalt  }

</sc_bundles>
